<compile_context>
chip_gen: v7x
topology: tpu7x:2x2x1
jax: 0.10.2.dev20260603
libtpu: 0.0.44.dev20260713+nightly
codegen_flags: <defaults>
</compile_context>

<pallas_src>
import functools

import jax
import jax.numpy as jnp
from jax import lax
from jax.experimental import pallas as pl
from jax.experimental.pallas import tpu as pltpu
from jax.experimental.pallas import tpu_sc as plsc

_B, _N, _D, _K = 4, 2048, 64, 20
_BN_SCALE = (1.0 + 1e-3) ** -0.5

_ROWS = 256
_NBLK = (_B * _N) // _ROWS
_KPAD = 32

_NW = 32
_PTS_W = (_B * _N) // _NW
_CH_P = 8
_CH_R = _CH_P * _K
_NCH = _PTS_W // _CH_P
_GR = 80
_IDXF = 176


def _topk_body(x_ref, w1_ref, b1_ref, w2_ref, b2_ref, w3_ref, b3_ref,
               wd_ref, bd_ref, idx_ref, xpad_ref):
    xb = x_ref[...]
    h = jnp.dot(xb, w1_ref[...], preferred_element_type=jnp.float32) + b1_ref[...]
    h = jnp.maximum(h, 0.0) * _BN_SCALE
    h = jnp.dot(h, w2_ref[...], preferred_element_type=jnp.float32) + b2_ref[...]
    h = jnp.maximum(h, 0.0) * _BN_SCALE
    h = jnp.dot(h, w3_ref[...], preferred_element_type=jnp.float32) + b3_ref[...]
    h = jnp.maximum(h, 0.0) * _BN_SCALE
    adj = jnp.dot(h, wd_ref[...], preferred_element_type=jnp.float32) + bd_ref[...]

    xpad_ref[...] = jnp.concatenate([xb, jnp.zeros((_ROWS, _D), jnp.float32)], axis=1)

    col = lax.broadcasted_iota(jnp.int32, (_ROWS, _N), 1).astype(jnp.float32)
    kcol = lax.broadcasted_iota(jnp.int32, (_ROWS, _KPAD), 1).astype(jnp.float32)
    base = pl.program_id(0) * _ROWS
    batch_off = (base // _N) * _N
    out = jnp.zeros((_ROWS, _KPAD), jnp.float32)
    for k in range(_K):
        m = jnp.min(adj, axis=1, keepdims=True)
        idx = jnp.min(jnp.where(adj == m, col, float(_N)), axis=1, keepdims=True)
        adj = jnp.where(col == idx, jnp.inf, adj)
        out = jnp.where(kcol == float(k), idx, out)
    idx_ref[...] = out.astype(jnp.int32) + batch_off


def _tc_topk(x_flat, w1, b1, w2, b2, w3, b3, wd, bd):
    full = lambda s: pl.BlockSpec(s, lambda i: (0, 0))
    return pl.pallas_call(
        _topk_body,
        grid=(_NBLK,),
        in_specs=[
            pl.BlockSpec((_ROWS, _D), lambda i: (i, 0)),
            full((_D, 32)), full((1, 32)),
            full((32, 64)), full((1, 64)),
            full((64, 512)), full((1, 512)),
            full((512, _N)), full((1, _N)),
        ],
        out_specs=[
            pl.BlockSpec((_ROWS, _KPAD), lambda i: (i, 0)),
            pl.BlockSpec((_ROWS, 2 * _D), lambda i: (i, 0)),
        ],
        out_shape=[
            jax.ShapeDtypeStruct((_B * _N, _KPAD), jnp.int32),
            jax.ShapeDtypeStruct((_B * _N, 2 * _D), jnp.float32),
        ],
    )(x_flat, w1, b1, w2, b2, w3, b3, wd, bd)


def _sc_edge_body(x_hbm, idx_hbm, out_hbm, idxp_v, idxf0, idxf1, neigh0,
                  neigh1, cent0, cent1, out0, out1, gsem0, gsem1, wsem0, wsem1):
    wid = lax.axis_index("s") * 2 + lax.axis_index("c")
    idxfs = (idxf0, idxf1)
    neighs = (neigh0, neigh1)
    cents = (cent0, cent1)
    outs = (out0, out1)
    gsems = (gsem0, gsem1)
    wsems = (wsem0, wsem1)

    pltpu.sync_copy(idx_hbm.at[pl.ds(wid * _PTS_W, _PTS_W)], idxp_v)

    def fire(c, b):
        for p in range(_CH_P):
            row = c * _CH_P + p
            idxfs[b][pl.ds(20 * p, 16)] = idxp_v[row, pl.ds(0, 16)]
            idxfs[b][pl.ds(20 * p + 16, 16)] = idxp_v[row, pl.ds(16, 16)]
        for s in range(_CH_R // _GR):
            pltpu.async_copy(x_hbm.at[idxfs[b].at[pl.ds(s * _GR, _GR)]],
                             neighs[b].at[pl.ds(s * _GR, _GR)], gsems[b])
        p0 = wid * _PTS_W + c * _CH_P
        pltpu.async_copy(x_hbm.at[pl.ds(p0, _CH_P)], cents[b], gsems[b])

    def wait_gather(b):
        pltpu.make_async_copy(x_hbm.at[pl.ds(0, _CH_R)],
                              neighs[b], gsems[b]).wait()
        pltpu.make_async_copy(x_hbm.at[pl.ds(0, _CH_P)],
                              cents[b], gsems[b]).wait()

    def wait_write(b):
        pltpu.make_async_copy(outs[b], out_hbm.at[0, pl.ds(0, _CH_P)],
                              wsems[b]).wait()

    fire(0, 0)

    def pair_body(i, carry):
        for b in range(2):
            c = 2 * i + b

            @pl.when(c + 1 < _NCH)
            def _prefetch():
                fire(c + 1, 1 - b)

            wait_gather(b)

            @pl.when(c >= 2)
            def _drain_write():
                wait_write(b)

            def pt_body(p, c2):
                for j in range(_D // 16):
                    cvec = cents[b][p, pl.ds(j * 16, 16)]
                    for k in range(_K):
                        r = p * _K + k
                        nvec = neighs[b][r, pl.ds(j * 16, 16)]
                        outs[b][p, k, pl.ds(j * 16, 16)] = cvec
                        outs[b][p, k, pl.ds(_D + j * 16, 16)] = nvec - cvec
                return c2

            lax.fori_loop(0, _CH_P, pt_body, 0)
            b_ = wid // (_N // _PTS_W)
            n0 = (wid % (_N // _PTS_W)) * _PTS_W + c * _CH_P
            pltpu.async_copy(outs[b], out_hbm.at[b_, pl.ds(n0, _CH_P)], wsems[b])
        return carry

    lax.fori_loop(0, _NCH // 2, pair_body, 0)
    wait_write(0)
    wait_write(1)


@functools.lru_cache(maxsize=1)
def _make_sc_edge():
    return functools.partial(
        pl.kernel,
        mesh=plsc.VectorSubcoreMesh(core_axis_name="c", subcore_axis_name="s"),
        out_type=jax.ShapeDtypeStruct((_B, _N, _K, 2 * _D), jnp.float32),
        scratch_types=[
            pltpu.VMEM((_PTS_W, _KPAD), jnp.int32),
            pltpu.VMEM((_IDXF,), jnp.int32),
            pltpu.VMEM((_IDXF,), jnp.int32),
            pltpu.VMEM((_CH_R, 2 * _D), jnp.float32),
            pltpu.VMEM((_CH_R, 2 * _D), jnp.float32),
            pltpu.VMEM((_CH_P, 2 * _D), jnp.float32),
            pltpu.VMEM((_CH_P, 2 * _D), jnp.float32),
            pltpu.VMEM((_CH_P, _K, 2 * _D), jnp.float32),
            pltpu.VMEM((_CH_P, _K, 2 * _D), jnp.float32),
            pltpu.SemaphoreType.DMA,
            pltpu.SemaphoreType.DMA,
            pltpu.SemaphoreType.DMA,
            pltpu.SemaphoreType.DMA,
        ],
    )(_sc_edge_body)


def kernel(x, W1, b1, W2, b2, W3, b3, Wd, bd):
    x_flat = x.reshape(_B * _N, _D)
    idx, x_pad = _tc_topk(x_flat, W1, b1.reshape(1, -1), W2, b2.reshape(1, -1),
                          W3, b3.reshape(1, -1), Wd, bd.reshape(1, -1))
    return _make_sc_edge()(x_pad, idx)

# --- scband reference (transcript-rebuilt; emitter-appended) ---
"""Pipeline reference for scband-get-first-edge-feature-9723805958423 (READ-ONLY COPY).

The authoritative reference and input builder live on the scoring server;
editing this copy changes nothing except your own understanding.
"""

import jax, jax.numpy as jnp
import numpy as np

B, N, D, K = 4, 2048, 64, 20
_BN_EPS = 1e-3  # keras BatchNormalization default epsilon


def setup_inputs(seed: int = 0) -> dict:
    key = jax.random.key(seed)
    ks = jax.random.split(key, 9)
    x = jax.random.normal(ks[0], (B, N, D), dtype=jnp.float32)
    # Conv1D(kernel_size=1) == pointwise dense; materialize weights per init sizes
    W1 = jax.random.normal(ks[1], (D, 32), dtype=jnp.float32) * (1.0 / np.sqrt(D))
    b1 = jnp.zeros((32,), dtype=jnp.float32)
    W2 = jax.random.normal(ks[2], (32, 64), dtype=jnp.float32) * (1.0 / np.sqrt(32))
    b2 = jnp.zeros((64,), dtype=jnp.float32)
    W3 = jax.random.normal(ks[3], (64, 512), dtype=jnp.float32) * (1.0 / np.sqrt(64))
    b3 = jnp.zeros((512,), dtype=jnp.float32)
    Wd = jax.random.normal(ks[4], (512, N), dtype=jnp.float32) * (1.0 / np.sqrt(512))
    bd = jnp.zeros((N,), dtype=jnp.float32)
    return {"x": x, "W1": W1, "b1": b1, "W2": W2, "b2": b2,
            "W3": W3, "b3": b3, "Wd": Wd, "bd": bd}


def _bn_inference(t):
    # BatchNormalization(momentum=0.0) freshly created and called in inference mode:
    # moving_mean=0, moving_var=1, gamma=1, beta=0 -> t / sqrt(1 + eps)
    return t / jnp.sqrt(1.0 + _BN_EPS)


def reference(x, W1, b1, W2, b2, W3, b3, Wd, bd):
    # adj_matrix_mlp: Conv1D(32,1,relu)->BN->Conv1D(64,1,relu)->BN->Conv1D(512,1,relu)->BN->Dense(N)
    h = jax.nn.relu(jnp.einsum('bnd,df->bnf', x, W1) + b1)
    h = _bn_inference(h)
    h = jax.nn.relu(jnp.einsum('bnd,df->bnf', h, W2) + b2)
    h = _bn_inference(h)
    h = jax.nn.relu(jnp.einsum('bnd,df->bnf', h, W3) + b3)
    h = _bn_inference(h)
    adj = jnp.einsum('bnf,fm->bnm', h, Wd) + bd  # [B, N, N]
    # KNN: top_k of -adj
    _, knn_idx = jax.lax.top_k(-adj, K)  # [B, N, K]
    # get_edge_op
    idx_ = (jnp.arange(B, dtype=knn_idx.dtype) * N).reshape(B, 1, 1)
    f_pc_flat = x.reshape(-1, D)
    f_pc_neighbors = jnp.take(f_pc_flat, knn_idx + idx_, axis=0)  # [B, N, K, D]
    f_pc_central = jnp.broadcast_to(x[:, :, None, :], (B, N, K, D))
    l1_distance = f_pc_neighbors - f_pc_central
    edge_feature = jnp.concatenate([f_pc_central, l1_distance], axis=-1)  # [B, N, K, 2D]
    return edge_feature

if __name__ == "__main__":
    import jax
    _d = setup_inputs()
    print(jax.jit(kernel)(*tuple(_d.values())))

</pallas_src>

<mosaic_0001>
#map = affine_map<(d0, d1) -> (0, 0)>
#map1 = affine_map<(d0, d1) -> (0, 0, 0, 0)>
module attributes {stable_mosaic.version = 14 : i64} {
  func.func @_sc_edge_body(%arg0: i32, %arg1: i32, %arg2: memref<8192x128xf32, #tpu.memory_space<hbm>>, %arg3: memref<8192x32xi32, #tpu.memory_space<hbm>>, %arg4: memref<4x2048x20x128xf32, #tpu.memory_space<hbm>>, %arg5: memref<256x32xi32, #tpu.memory_space<vmem>>, %arg6: memref<176xi32, #tpu.memory_space<vmem>>, %arg7: memref<176xi32, #tpu.memory_space<vmem>>, %arg8: memref<160x128xf32, #tpu.memory_space<vmem>>, %arg9: memref<160x128xf32, #tpu.memory_space<vmem>>, %arg10: memref<8x128xf32, #tpu.memory_space<vmem>>, %arg11: memref<8x128xf32, #tpu.memory_space<vmem>>, %arg12: memref<8x20x128xf32, #tpu.memory_space<vmem>>, %arg13: memref<8x20x128xf32, #tpu.memory_space<vmem>>, %arg14: memref<!tpu.dma_semaphore, #tpu.memory_space<semaphore_mem>>, %arg15: memref<!tpu.dma_semaphore, #tpu.memory_space<semaphore_mem>>, %arg16: memref<!tpu.dma_semaphore, #tpu.memory_space<semaphore_mem>>, %arg17: memref<!tpu.dma_semaphore, #tpu.memory_space<semaphore_mem>>) attributes {dimension_semantics = [#tpu.dimension_semantics<core_parallel>, #tpu.dimension_semantics<subcore_parallel>], iteration_bounds = array<i64: 2, 16>, scalar_prefetch = 0 : i64, scratch_operands = 13 : i64, tpu.core_type = #tpu.core_type<sc_vector_subcore>, window_params = [{transform_indices = #map}, {transform_indices = #map}, {transform_indices = #map1}]} {
    %mul3A = arith.constant 2 : i32
    %mul3A_0 = arith.muli %arg1, %mul3A : i32
    %add3A = arith.addi %mul3A_0, %arg0 : i32
    %mul3A_1 = arith.constant 256 : i32
    %mul3A_2 = arith.muli %add3A, %mul3A_1 : i32
    "tpu.region"() ({
      %run_scoped3A = tpu.sem_alloc : memref<!tpu.dma_semaphore, #tpu.memory_space<semaphore_mem>>
      %dma_start3A_194 = arith.constant 0 : i32
      %dma_start3A_195 = tpu.memref_slice %arg3[%mul3A_2, %dma_start3A_194] : memref<8192x32xi32, #tpu.memory_space<hbm>> -> memref<256x32xi32, #tpu.memory_space<hbm>>
      %dma_start3A_196 = arith.constant 0 : i32
      %dma_start3A_197 = tpu.memref_slice %arg3[%mul3A_2, %dma_start3A_196] : memref<8192x32xi32, #tpu.memory_space<hbm>> -> memref<256x32xi32, #tpu.memory_space<hbm>>
      tpu.enqueue_dma source(%dma_start3A_197 : memref<256x32xi32, #tpu.memory_space<hbm>>) target(%arg5 : memref<256x32xi32, #tpu.memory_space<vmem>>) target_semaphore(%run_scoped3A : memref<!tpu.dma_semaphore, #tpu.memory_space<semaphore_mem>>)
      %dma_wait3A_198 = arith.constant 0 : i32
      %dma_wait3A_199 = tpu.memref_slice %arg3[%mul3A_2, %dma_wait3A_198] : memref<8192x32xi32, #tpu.memory_space<hbm>> -> memref<256x32xi32, #tpu.memory_space<hbm>>
      %dma_wait3A_200 = arith.constant 0 : i32
      %dma_wait3A_201 = tpu.memref_slice %arg3[%mul3A_2, %dma_wait3A_200] : memref<8192x32xi32, #tpu.memory_space<hbm>> -> memref<256x32xi32, #tpu.memory_space<hbm>>
      tpu.wait_dma2 semaphore(%run_scoped3A : memref<!tpu.dma_semaphore, #tpu.memory_space<semaphore_mem>>) src(%dma_wait3A_201 : memref<256x32xi32, #tpu.memory_space<hbm>>) dst(%arg5 : memref<256x32xi32, #tpu.memory_space<vmem>>)
      tpu.yield
    }) : () -> ()
    %get3A = arith.constant 0 : i32
    %get3A_3 = arith.index_cast %get3A : i32 to index
    %get3A_4 = arith.constant 0 : index
    %get3A_5 = tpu.vector_load %arg5[%get3A_3, %get3A_4] {strides = array<i32>} : memref<256x32xi32, #tpu.memory_space<vmem>>, vector<1x16xi32>,
    %get3A_6 = vector.shape_cast %get3A_5 : vector<1x16xi32> to vector<16xi32>
    %swap3A = arith.constant 0 : index
    %swap3A_7 = tpu.vector_load %arg6[%swap3A] {strides = array<i32>} : memref<176xi32, #tpu.memory_space<vmem>>, vector<16xi32>,
    %swap3A_8 = vector.shape_cast %swap3A_7 : vector<16xi32> to vector<16xi32>
    %swap3A_9 = vector.shape_cast %get3A_6 : vector<16xi32> to vector<16xi32>
    tpu.vector_store %arg6[%swap3A], %swap3A_9 {strides = array<i32>} : memref<176xi32, #tpu.memory_space<vmem>>, vector<16xi32>,
    %get3A_10 = arith.constant 0 : i32
    %get3A_11 = arith.index_cast %get3A_10 : i32 to index
    %get3A_12 = arith.constant 16 : index
    %get3A_13 = tpu.vector_load %arg5[%get3A_11, %get3A_12] {strides = array<i32>} : memref<256x32xi32, #tpu.memory_space<vmem>>, vector<1x16xi32>,
    %get3A_14 = vector.shape_cast %get3A_13 : vector<1x16xi32> to vector<16xi32>
    %swap3A_15 = arith.constant 16 : index
    %swap3A_16 = tpu.vector_load %arg6[%swap3A_15] {strides = array<i32>} : memref<176xi32, #tpu.memory_space<vmem>>, vector<16xi32>,
    %swap3A_17 = vector.shape_cast %swap3A_16 : vector<16xi32> to vector<16xi32>
    %swap3A_18 = vector.shape_cast %get3A_14 : vector<16xi32> to vector<16xi32>
    tpu.vector_store %arg6[%swap3A_15], %swap3A_18 {strides = array<i32>} : memref<176xi32, #tpu.memory_space<vmem>>, vector<16xi32>,
    %get3A_19 = arith.constant 1 : i32
    %get3A_20 = arith.index_cast %get3A_19 : i32 to index
    %get3A_21 = arith.constant 0 : index
    %get3A_22 = tpu.vector_load %arg5[%get3A_20, %get3A_21] {strides = array<i32>} : memref<256x32xi32, #tpu.memory_space<vmem>>, vector<1x16xi32>,
    %get3A_23 = vector.shape_cast %get3A_22 : vector<1x16xi32> to vector<16xi32>
    %swap3A_24 = arith.constant 20 : index
    %swap3A_25 = tpu.vector_load %arg6[%swap3A_24] {strides = array<i32>} : memref<176xi32, #tpu.memory_space<vmem>>, vector<16xi32>,
    %swap3A_26 = vector.shape_cast %swap3A_25 : vector<16xi32> to vector<16xi32>
    %swap3A_27 = vector.shape_cast %get3A_23 : vector<16xi32> to vector<16xi32>
    tpu.vector_store %arg6[%swap3A_24], %swap3A_27 {strides = array<i32>} : memref<176xi32, #tpu.memory_space<vmem>>, vector<16xi32>,
    %get3A_28 = arith.constant 1 : i32
    %get3A_29 = arith.index_cast %get3A_28 : i32 to index
    %get3A_30 = arith.constant 16 : index
    %get3A_31 = tpu.vector_load %arg5[%get3A_29, %get3A_30] {strides = array<i32>} : memref<256x32xi32, #tpu.memory_space<vmem>>, vector<1x16xi32>,
    %get3A_32 = vector.shape_cast %get3A_31 : vector<1x16xi32> to vector<16xi32>
    %swap3A_33 = arith.constant 36 : index
    %swap3A_34 = tpu.vector_load %arg6[%swap3A_33] {strides = array<i32>} : memref<176xi32, #tpu.memory_space<vmem>>, vector<16xi32>,
    %swap3A_35 = vector.shape_cast %swap3A_34 : vector<16xi32> to vector<16xi32>
    %swap3A_36 = vector.shape_cast %get3A_32 : vector<16xi32> to vector<16xi32>
    tpu.vector_store %arg6[%swap3A_33], %swap3A_36 {strides = array<i32>} : memref<176xi32, #tpu.memory_space<vmem>>, vector<16xi32>,
    %get3A_37 = arith.constant 2 : i32
    %get3A_38 = arith.index_cast %get3A_37 : i32 to index
    %get3A_39 = arith.constant 0 : index
    %get3A_40 = tpu.vector_load %arg5[%get3A_38, %get3A_39] {strides = array<i32>} : memref<256x32xi32, #tpu.memory_space<vmem>>, vector<1x16xi32>,
    %get3A_41 = vector.shape_cast %get3A_40 : vector<1x16xi32> to vector<16xi32>
    %swap3A_42 = arith.constant 40 : index
    %swap3A_43 = tpu.vector_load %arg6[%swap3A_42] {strides = array<i32>} : memref<176xi32, #tpu.memory_space<vmem>>, vector<16xi32>,
    %swap3A_44 = vector.shape_cast %swap3A_43 : vector<16xi32> to vector<16xi32>
    %swap3A_45 = vector.shape_cast %get3A_41 : vector<16xi32> to vector<16xi32>
    tpu.vector_store %arg6[%swap3A_42], %swap3A_45 {strides = array<i32>} : memref<176xi32, #tpu.memory_space<vmem>>, vector<16xi32>,
    %get3A_46 = arith.constant 2 : i32
    %get3A_47 = arith.index_cast %get3A_46 : i32 to index
    %get3A_48 = arith.constant 16 : index
    %get3A_49 = tpu.vector_load %arg5[%get3A_47, %get3A_48] {strides = array<i32>} : memref<256x32xi32, #tpu.memory_space<vmem>>, vector<1x16xi32>,
    %get3A_50 = vector.shape_cast %get3A_49 : vector<1x16xi32> to vector<16xi32>
    %swap3A_51 = arith.constant 56 : index
    %swap3A_52 = tpu.vector_load %arg6[%swap3A_51] {strides = array<i32>} : memref<176xi32, #tpu.memory_space<vmem>>, vector<16xi32>,
    %swap3A_53 = vector.shape_cast %swap3A_52 : vector<16xi32> to vector<16xi32>
    %swap3A_54 = vector.shape_cast %get3A_50 : vector<16xi32> to vector<16xi32>
    tpu.vector_store %arg6[%swap3A_51], %swap3A_54 {strides = array<i32>} : memref<176xi32, #tpu.memory_space<vmem>>, vector<16xi32>,
    %get3A_55 = arith.constant 3 : i32
    %get3A_56 = arith.index_cast %get3A_55 : i32 to index
    %get3A_57 = arith.constant 0 : index
    %get3A_58 = tpu.vector_load %arg5[%get3A_56, %get3A_57] {strides = array<i32>} : memref<256x32xi32, #tpu.memory_space<vmem>>, vector<1x16xi32>,
    %get3A_59 = vector.shape_cast %get3A_58 : vector<1x16xi32> to vector<16xi32>
    %swap3A_60 = arith.constant 60 : index
    %swap3A_61 = tpu.vector_load %arg6[%swap3A_60] {strides = array<i32>} : memref<176xi32, #tpu.memory_space<vmem>>, vector<16xi32>,
    %swap3A_62 = vector.shape_cast %swap3A_61 : vector<16xi32> to vector<16xi32>
    %swap3A_63 = vector.shape_cast %get3A_59 : vector<16xi32> to vector<16xi32>
    tpu.vector_store %arg6[%swap3A_60], %swap3A_63 {strides = array<i32>} : memref<176xi32, #tpu.memory_space<vmem>>, vector<16xi32>,
    %get3A_64 = arith.constant 3 : i32
    %get3A_65 = arith.index_cast %get3A_64 : i32 to index
    %get3A_66 = arith.constant 16 : index
    %get3A_67 = tpu.vector_load %arg5[%get3A_65, %get3A_66] {strides = array<i32>} : memref<256x32xi32, #tpu.memory_space<vmem>>, vector<1x16xi32>,
    %get3A_68 = vector.shape_cast %get3A_67 : vector<1x16xi32> to vector<16xi32>
    %swap3A_69 = arith.constant 76 : index
    %swap3A_70 = tpu.vector_load %arg6[%swap3A_69] {strides = array<i32>} : memref<176xi32, #tpu.memory_space<vmem>>, vector<16xi32>,
    %swap3A_71 = vector.shape_cast %swap3A_70 : vector<16xi32> to vector<16xi32>
    %swap3A_72 = vector.shape_cast %get3A_68 : vector<16xi32> to vector<16xi32>
    tpu.vector_store %arg6[%swap3A_69], %swap3A_72 {strides = array<i32>} : memref<176xi32, #tpu.memory_space<vmem>>, vector<16xi32>,
    %get3A_73 = arith.constant 4 : i32
    %get3A_74 = arith.index_cast %get3A_73 : i32 to index
    %get3A_75 = arith.constant 0 : index
    %get3A_76 = tpu.vector_load %arg5[%get3A_74, %get3A_75] {strides = array<i32>} : memref<256x32xi32, #tpu.memory_space<vmem>>, vector<1x16xi32>,
    %get3A_77 = vector.shape_cast %get3A_76 : vector<1x16xi32> to vector<16xi32>
    %swap3A_78 = arith.constant 80 : index
    %swap3A_79 = tpu.vector_load %arg6[%swap3A_78] {strides = array<i32>} : memref<176xi32, #tpu.memory_space<vmem>>, vector<16xi32>,
    %swap3A_80 = vector.shape_cast %swap3A_79 : vector<16xi32> to vector<16xi32>
    %swap3A_81 = vector.shape_cast %get3A_77 : vector<16xi32> to vector<16xi32>
    tpu.vector_store %arg6[%swap3A_78], %swap3A_81 {strides = array<i32>} : memref<176xi32, #tpu.memory_space<vmem>>, vector<16xi32>,
    %get3A_82 = arith.constant 4 : i32
    %get3A_83 = arith.index_cast %get3A_82 : i32 to index
    %get3A_84 = arith.constant 16 : index
    %get3A_85 = tpu.vector_load %arg5[%get3A_83, %get3A_84] {strides = array<i32>} : memref<256x32xi32, #tpu.memory_space<vmem>>, vector<1x16xi32>,
    %get3A_86 = vector.shape_cast %get3A_85 : vector<1x16xi32> to vector<16xi32>
    %swap3A_87 = arith.constant 96 : index
    %swap3A_88 = tpu.vector_load %arg6[%swap3A_87] {strides = array<i32>} : memref<176xi32, #tpu.memory_space<vmem>>, vector<16xi32>,
    %swap3A_89 = vector.shape_cast %swap3A_88 : vector<16xi32> to vector<16xi32>
    %swap3A_90 = vector.shape_cast %get3A_86 : vector<16xi32> to vector<16xi32>
    tpu.vector_store %arg6[%swap3A_87], %swap3A_90 {strides = array<i32>} : memref<176xi32, #tpu.memory_space<vmem>>, vector<16xi32>,
    %get3A_91 = arith.constant 5 : i32
    %get3A_92 = arith.index_cast %get3A_91 : i32 to index
    %get3A_93 = arith.constant 0 : index
    %get3A_94 = tpu.vector_load %arg5[%get3A_92, %get3A_93] {strides = array<i32>} : memref<256x32xi32, #tpu.memory_space<vmem>>, vector<1x16xi32>,
    %get3A_95 = vector.shape_cast %get3A_94 : vector<1x16xi32> to vector<16xi32>
    %swap3A_96 = arith.constant 100 : index
    %swap3A_97 = tpu.vector_load %arg6[%swap3A_96] {strides = array<i32>} : memref<176xi32, #tpu.memory_space<vmem>>, vector<16xi32>,
    %swap3A_98 = vector.shape_cast %swap3A_97 : vector<16xi32> to vector<16xi32>
    %swap3A_99 = vector.shape_cast %get3A_95 : vector<16xi32> to vector<16xi32>
    tpu.vector_store %arg6[%swap3A_96], %swap3A_99 {strides = array<i32>} : memref<176xi32, #tpu.memory_space<vmem>>, vector<16xi32>,
    %get3A_100 = arith.constant 5 : i32
    %get3A_101 = arith.index_cast %get3A_100 : i32 to index
    %get3A_102 = arith.constant 16 : index
    %get3A_103 = tpu.vector_load %arg5[%get3A_101, %get3A_102] {strides = array<i32>} : memref<256x32xi32, #tpu.memory_space<vmem>>, vector<1x16xi32>,
    %get3A_104 = vector.shape_cast %get3A_103 : vector<1x16xi32> to vector<16xi32>
    %swap3A_105 = arith.constant 116 : index
    %swap3A_106 = tpu.vector_load %arg6[%swap3A_105] {strides = array<i32>} : memref<176xi32, #tpu.memory_space<vmem>>, vector<16xi32>,
    %swap3A_107 = vector.shape_cast %swap3A_106 : vector<16xi32> to vector<16xi32>
    %swap3A_108 = vector.shape_cast %get3A_104 : vector<16xi32> to vector<16xi32>
    tpu.vector_store %arg6[%swap3A_105], %swap3A_108 {strides = array<i32>} : memref<176xi32, #tpu.memory_space<vmem>>, vector<16xi32>,
    %get3A_109 = arith.constant 6 : i32
    %get3A_110 = arith.index_cast %get3A_109 : i32 to index
    %get3A_111 = arith.constant 0 : index
    %get3A_112 = tpu.vector_load %arg5[%get3A_110, %get3A_111] {strides = array<i32>} : memref<256x32xi32, #tpu.memory_space<vmem>>, vector<1x16xi32>,
    %get3A_113 = vector.shape_cast %get3A_112 : vector<1x16xi32> to vector<16xi32>
    %swap3A_114 = arith.constant 120 : index
    %swap3A_115 = tpu.vector_load %arg6[%swap3A_114] {strides = array<i32>} : memref<176xi32, #tpu.memory_space<vmem>>, vector<16xi32>,
    %swap3A_116 = vector.shape_cast %swap3A_115 : vector<16xi32> to vector<16xi32>
    %swap3A_117 = vector.shape_cast %get3A_113 : vector<16xi32> to vector<16xi32>
    tpu.vector_store %arg6[%swap3A_114], %swap3A_117 {strides = array<i32>} : memref<176xi32, #tpu.memory_space<vmem>>, vector<16xi32>,
    %get3A_118 = arith.constant 6 : i32
    %get3A_119 = arith.index_cast %get3A_118 : i32 to index
    %get3A_120 = arith.constant 16 : index
    %get3A_121 = tpu.vector_load %arg5[%get3A_119, %get3A_120] {strides = array<i32>} : memref<256x32xi32, #tpu.memory_space<vmem>>, vector<1x16xi32>,
    %get3A_122 = vector.shape_cast %get3A_121 : vector<1x16xi32> to vector<16xi32>
    %swap3A_123 = arith.constant 136 : index
    %swap3A_124 = tpu.vector_load %arg6[%swap3A_123] {strides = array<i32>} : memref<176xi32, #tpu.memory_space<vmem>>, vector<16xi32>,
    %swap3A_125 = vector.shape_cast %swap3A_124 : vector<16xi32> to vector<16xi32>
    %swap3A_126 = vector.shape_cast %get3A_122 : vector<16xi32> to vector<16xi32>
    tpu.vector_store %arg6[%swap3A_123], %swap3A_126 {strides = array<i32>} : memref<176xi32, #tpu.memory_space<vmem>>, vector<16xi32>,
    %get3A_127 = arith.constant 7 : i32
    %get3A_128 = arith.index_cast %get3A_127 : i32 to index
    %get3A_129 = arith.constant 0 : index
    %get3A_130 = tpu.vector_load %arg5[%get3A_128, %get3A_129] {strides = array<i32>} : memref<256x32xi32, #tpu.memory_space<vmem>>, vector<1x16xi32>,
    %get3A_131 = vector.shape_cast %get3A_130 : vector<1x16xi32> to vector<16xi32>
    %swap3A_132 = arith.constant 140 : index
    %swap3A_133 = tpu.vector_load %arg6[%swap3A_132] {strides = array<i32>} : memref<176xi32, #tpu.memory_space<vmem>>, vector<16xi32>,
    %swap3A_134 = vector.shape_cast %swap3A_133 : vector<16xi32> to vector<16xi32>
    %swap3A_135 = vector.shape_cast %get3A_131 : vector<16xi32> to vector<16xi32>
    tpu.vector_store %arg6[%swap3A_132], %swap3A_135 {strides = array<i32>} : memref<176xi32, #tpu.memory_space<vmem>>, vector<16xi32>,
    %get3A_136 = arith.constant 7 : i32
    %get3A_137 = arith.index_cast %get3A_136 : i32 to index
    %get3A_138 = arith.constant 16 : index
    %get3A_139 = tpu.vector_load %arg5[%get3A_137, %get3A_138] {strides = array<i32>} : memref<256x32xi32, #tpu.memory_space<vmem>>, vector<1x16xi32>,
    %get3A_140 = vector.shape_cast %get3A_139 : vector<1x16xi32> to vector<16xi32>
    %swap3A_141 = arith.constant 156 : index
    %swap3A_142 = tpu.vector_load %arg6[%swap3A_141] {strides = array<i32>} : memref<176xi32, #tpu.memory_space<vmem>>, vector<16xi32>,
    %swap3A_143 = vector.shape_cast %swap3A_142 : vector<16xi32> to vector<16xi32>
    %swap3A_144 = vector.shape_cast %get3A_140 : vector<16xi32> to vector<16xi32>
    tpu.vector_store %arg6[%swap3A_141], %swap3A_144 {strides = array<i32>} : memref<176xi32, #tpu.memory_space<vmem>>, vector<16xi32>,
    %dma_start3A = arith.constant 0 : i32
    %dma_start3A_145 = arith.constant 0 : i32
    %dma_start3A_146 = tpu.memref_slice %arg8[%dma_start3A, %dma_start3A_145] : memref<160x128xf32, #tpu.memory_space<vmem>> -> memref<80x128xf32, #tpu.memory_space<vmem>>
    %dma_start3A_147 = arith.constant 0 : i32
    %dma_start3A_148 = tpu.memref_slice %arg6[%dma_start3A_147] : memref<176xi32, #tpu.memory_space<vmem>> -> memref<80xi32, #tpu.memory_space<vmem>>
    %dma_start3A_149 = arith.constant 0 : i32
    %dma_start3A_150 = arith.constant 0 : i32
    %dma_start3A_151 = tpu.memref_slice %arg2[%dma_start3A_149, %dma_start3A_150] : memref<8192x128xf32, #tpu.memory_space<hbm>> -> memref<8192x128xf32, #tpu.memory_space<hbm>>
    tpu.enqueue_indirect_dma source(%dma_start3A_151 : memref<8192x128xf32, #tpu.memory_space<hbm>>) target(%dma_start3A_146 : memref<80x128xf32, #tpu.memory_space<vmem>>) offsets(%dma_start3A_148 : memref<80xi32, #tpu.memory_space<vmem>>) semaphore(%arg14 : memref<!tpu.dma_semaphore, #tpu.memory_space<semaphore_mem>>)
    %dma_start3A_152 = arith.constant 80 : i32
    %dma_start3A_153 = arith.constant 0 : i32
    %dma_start3A_154 = tpu.memref_slice %arg8[%dma_start3A_152, %dma_start3A_153] : memref<160x128xf32, #tpu.memory_space<vmem>> -> memref<80x128xf32, #tpu.memory_space<vmem>>
    %dma_start3A_155 = arith.constant 80 : i32
    %dma_start3A_156 = tpu.memref_slice %arg6[%dma_start3A_155] : memref<176xi32, #tpu.memory_space<vmem>> -> memref<80xi32, #tpu.memory_space<vmem>>
    %dma_start3A_157 = arith.constant 0 : i32
    %dma_start3A_158 = arith.constant 0 : i32
    %dma_start3A_159 = tpu.memref_slice %arg2[%dma_start3A_157, %dma_start3A_158] : memref<8192x128xf32, #tpu.memory_space<hbm>> -> memref<8192x128xf32, #tpu.memory_space<hbm>>
    tpu.enqueue_indirect_dma source(%dma_start3A_159 : memref<8192x128xf32, #tpu.memory_space<hbm>>) target(%dma_start3A_154 : memref<80x128xf32, #tpu.memory_space<vmem>>) offsets(%dma_start3A_156 : memref<80xi32, #tpu.memory_space<vmem>>) semaphore(%arg14 : memref<!tpu.dma_semaphore, #tpu.memory_space<semaphore_mem>>)
    %mul3A_160 = arith.constant 256 : i32
    %mul3A_161 = arith.muli %add3A, %mul3A_160 : i32
    %add3A_162 = arith.constant 0 : i32
    %add3A_163 = arith.addi %mul3A_161, %add3A_162 : i32
    %dma_start3A_164 = arith.constant 0 : i32
    %dma_start3A_165 = tpu.memref_slice %arg2[%add3A_163, %dma_start3A_164] : memref<8192x128xf32, #tpu.memory_space<hbm>> -> memref<8x128xf32, #tpu.memory_space<hbm>>
    %dma_start3A_166 = arith.constant 0 : i32
    %dma_start3A_167 = tpu.memref_slice %arg2[%add3A_163, %dma_start3A_166] : memref<8192x128xf32, #tpu.memory_space<hbm>> -> memref<8x128xf32, #tpu.memory_space<hbm>>
    tpu.enqueue_dma source(%dma_start3A_167 : memref<8x128xf32, #tpu.memory_space<hbm>>) target(%arg10 : memref<8x128xf32, #tpu.memory_space<vmem>>) target_semaphore(%arg14 : memref<!tpu.dma_semaphore, #tpu.memory_space<semaphore_mem>>)
    %scan3A = arith.constant 0 : i32
    %scan3A_168 = arith.constant 0 : i32
    %scan3A_169 = arith.constant 16 : i32
    %scan3A_170 = arith.addi %scan3A_168, %scan3A_169 : i32
    %scan3A_171 = arith.constant 1 : i32
    scf.for %scan3A_194 = %scan3A_168 to %scan3A_170 step %scan3A_171  : i32 {
      %mul3A_195 = arith.constant 2 : i32
      %mul3A_196 = arith.muli %mul3A_195, %scan3A_194 : i32
      %add3A_197 = arith.constant 0 : i32
      %add3A_198 = arith.addi %mul3A_196, %add3A_197 : i32
      %add3A_199 = arith.constant 1 : i32
      %add3A_200 = arith.addi %add3A_198, %add3A_199 : i32
      %lt3A = arith.constant 32 : i32
      %lt3A_201 = arith.cmpi slt, %add3A_200, %lt3A : i32
      %convert_element_type3A = arith.extui %lt3A_201 : i1 to i32
      %cond3A = arith.constant 0 : i32
      %cond3A_202 = arith.cmpi ne, %convert_element_type3A, %cond3A : i32
      scf.if %cond3A_202 {
        %add3A_356 = arith.constant 1 : i32
        %add3A_357 = arith.addi %add3A_198, %add3A_356 : i32
        %mul3A_358 = arith.constant 8 : i32
        %mul3A_359 = arith.muli %add3A_357, %mul3A_358 : i32
        %add3A_360 = arith.constant 0 : i32
        %add3A_361 = arith.addi %mul3A_359, %add3A_360 : i32
        %get3A_362 = arith.index_cast %add3A_361 : i32 to index
        %get3A_363 = arith.constant 0 : index
        %get3A_364 = tpu.vector_load %arg5[%get3A_362, %get3A_363] {strides = array<i32>} : memref<256x32xi32, #tpu.memory_space<vmem>>, vector<1x16xi32>,
        %get3A_365 = vector.shape_cast %get3A_364 : vector<1x16xi32> to vector<16xi32>
        %swap3A_366 = arith.constant 0 : index
        %swap3A_367 = tpu.vector_load %arg7[%swap3A_366] {strides = array<i32>} : memref<176xi32, #tpu.memory_space<vmem>>, vector<16xi32>,
        %swap3A_368 = vector.shape_cast %swap3A_367 : vector<16xi32> to vector<16xi32>
        %swap3A_369 = vector.shape_cast %get3A_365 : vector<16xi32> to vector<16xi32>
        tpu.vector_store %arg7[%swap3A_366], %swap3A_369 {strides = array<i32>} : memref<176xi32, #tpu.memory_space<vmem>>, vector<16xi32>,
        %get3A_370 = arith.index_cast %add3A_361 : i32 to index
        %get3A_371 = arith.constant 16 : index
        %get3A_372 = tpu.vector_load %arg5[%get3A_370, %get3A_371] {strides = array<i32>} : memref<256x32xi32, #tpu.memory_space<vmem>>, vector<1x16xi32>,
        %get3A_373 = vector.shape_cast %get3A_372 : vector<1x16xi32> to vector<16xi32>
        %swap3A_374 = arith.constant 16 : index
        %swap3A_375 = tpu.vector_load %arg7[%swap3A_374] {strides = array<i32>} : memref<176xi32, #tpu.memory_space<vmem>>, vector<16xi32>,
        %swap3A_376 = vector.shape_cast %swap3A_375 : vector<16xi32> to vector<16xi32>
        %swap3A_377 = vector.shape_cast %get3A_373 : vector<16xi32> to vector<16xi32>
        tpu.vector_store %arg7[%swap3A_374], %swap3A_377 {strides = array<i32>} : memref<176xi32, #tpu.memory_space<vmem>>, vector<16xi32>,
        %mul3A_378 = arith.constant 8 : i32
        %mul3A_379 = arith.muli %add3A_357, %mul3A_378 : i32
        %add3A_380 = arith.constant 1 : i32
        %add3A_381 = arith.addi %mul3A_379, %add3A_380 : i32
        %get3A_382 = arith.index_cast %add3A_381 : i32 to index
        %get3A_383 = arith.constant 0 : index
        %get3A_384 = tpu.vector_load %arg5[%get3A_382, %get3A_383] {strides = array<i32>} : memref<256x32xi32, #tpu.memory_space<vmem>>, vector<1x16xi32>,
        %get3A_385 = vector.shape_cast %get3A_384 : vector<1x16xi32> to vector<16xi32>
        %swap3A_386 = arith.constant 20 : index
        %swap3A_387 = tpu.vector_load %arg7[%swap3A_386] {strides = array<i32>} : memref<176xi32, #tpu.memory_space<vmem>>, vector<16xi32>,
        %swap3A_388 = vector.shape_cast %swap3A_387 : vector<16xi32> to vector<16xi32>
        %swap3A_389 = vector.shape_cast %get3A_385 : vector<16xi32> to vector<16xi32>
        tpu.vector_store %arg7[%swap3A_386], %swap3A_389 {strides = array<i32>} : memref<176xi32, #tpu.memory_space<vmem>>, vector<16xi32>,
        %get3A_390 = arith.index_cast %add3A_381 : i32 to index
        %get3A_391 = arith.constant 16 : index
        %get3A_392 = tpu.vector_load %arg5[%get3A_390, %get3A_391] {strides = array<i32>} : memref<256x32xi32, #tpu.memory_space<vmem>>, vector<1x16xi32>,
        %get3A_393 = vector.shape_cast %get3A_392 : vector<1x16xi32> to vector<16xi32>
        %swap3A_394 = arith.constant 36 : index
        %swap3A_395 = tpu.vector_load %arg7[%swap3A_394] {strides = array<i32>} : memref<176xi32, #tpu.memory_space<vmem>>, vector<16xi32>,
        %swap3A_396 = vector.shape_cast %swap3A_395 : vector<16xi32> to vector<16xi32>
        %swap3A_397 = vector.shape_cast %get3A_393 : vector<16xi32> to vector<16xi32>
        tpu.vector_store %arg7[%swap3A_394], %swap3A_397 {strides = array<i32>} : memref<176xi32, #tpu.memory_space<vmem>>, vector<16xi32>,
        %mul3A_398 = arith.constant 8 : i32
        %mul3A_399 = arith.muli %add3A_357, %mul3A_398 : i32
        %add3A_400 = arith.constant 2 : i32
        %add3A_401 = arith.addi %mul3A_399, %add3A_400 : i32
        %get3A_402 = arith.index_cast %add3A_401 : i32 to index
        %get3A_403 = arith.constant 0 : index
        %get3A_404 = tpu.vector_load %arg5[%get3A_402, %get3A_403] {strides = array<i32>} : memref<256x32xi32, #tpu.memory_space<vmem>>, vector<1x16xi32>,
        %get3A_405 = vector.shape_cast %get3A_404 : vector<1x16xi32> to vector<16xi32>
        %swap3A_406 = arith.constant 40 : index
        %swap3A_407 = tpu.vector_load %arg7[%swap3A_406] {strides = array<i32>} : memref<176xi32, #tpu.memory_space<vmem>>, vector<16xi32>,
        %swap3A_408 = vector.shape_cast %swap3A_407 : vector<16xi32> to vector<16xi32>
        %swap3A_409 = vector.shape_cast %get3A_405 : vector<16xi32> to vector<16xi32>
        tpu.vector_store %arg7[%swap3A_406], %swap3A_409 {strides = array<i32>} : memref<176xi32, #tpu.memory_space<vmem>>, vector<16xi32>,
        %get3A_410 = arith.index_cast %add3A_401 : i32 to index
        %get3A_411 = arith.constant 16 : index
        %get3A_412 = tpu.vector_load %arg5[%get3A_410, %get3A_411] {strides = array<i32>} : memref<256x32xi32, #tpu.memory_space<vmem>>, vector<1x16xi32>,
        %get3A_413 = vector.shape_cast %get3A_412 : vector<1x16xi32> to vector<16xi32>
        %swap3A_414 = arith.constant 56 : index
        %swap3A_415 = tpu.vector_load %arg7[%swap3A_414] {strides = array<i32>} : memref<176xi32, #tpu.memory_space<vmem>>, vector<16xi32>,
        %swap3A_416 = vector.shape_cast %swap3A_415 : vector<16xi32> to vector<16xi32>
        %swap3A_417 = vector.shape_cast %get3A_413 : vector<16xi32> to vector<16xi32>
        tpu.vector_store %arg7[%swap3A_414], %swap3A_417 {strides = array<i32>} : memref<176xi32, #tpu.memory_space<vmem>>, vector<16xi32>,
        %mul3A_418 = arith.constant 8 : i32
        %mul3A_419 = arith.muli %add3A_357, %mul3A_418 : i32
        %add3A_420 = arith.constant 3 : i32
        %add3A_421 = arith.addi %mul3A_419, %add3A_420 : i32
        %get3A_422 = arith.index_cast %add3A_421 : i32 to index
        %get3A_423 = arith.constant 0 : index
        %get3A_424 = tpu.vector_load %arg5[%get3A_422, %get3A_423] {strides = array<i32>} : memref<256x32xi32, #tpu.memory_space<vmem>>, vector<1x16xi32>,
        %get3A_425 = vector.shape_cast %get3A_424 : vector<1x16xi32> to vector<16xi32>
        %swap3A_426 = arith.constant 60 : index
        %swap3A_427 = tpu.vector_load %arg7[%swap3A_426] {strides = array<i32>} : memref<176xi32, #tpu.memory_space<vmem>>, vector<16xi32>,
        %swap3A_428 = vector.shape_cast %swap3A_427 : vector<16xi32> to vector<16xi32>
        %swap3A_429 = vector.shape_cast %get3A_425 : vector<16xi32> to vector<16xi32>
        tpu.vector_store %arg7[%swap3A_426], %swap3A_429 {strides = array<i32>} : memref<176xi32, #tpu.memory_space<vmem>>, vector<16xi32>,
        %get3A_430 = arith.index_cast %add3A_421 : i32 to index
        %get3A_431 = arith.constant 16 : index
        %get3A_432 = tpu.vector_load %arg5[%get3A_430, %get3A_431] {strides = array<i32>} : memref<256x32xi32, #tpu.memory_space<vmem>>, vector<1x16xi32>,
        %get3A_433 = vector.shape_cast %get3A_432 : vector<1x16xi32> to vector<16xi32>
        %swap3A_434 = arith.constant 76 : index
        %swap3A_435 = tpu.vector_load %arg7[%swap3A_434] {strides = array<i32>} : memref<176xi32, #tpu.memory_space<vmem>>, vector<16xi32>,
        %swap3A_436 = vector.shape_cast %swap3A_435 : vector<16xi32> to vector<16xi32>
        %swap3A_437 = vector.shape_cast %get3A_433 : vector<16xi32> to vector<16xi32>
        tpu.vector_store %arg7[%swap3A_434], %swap3A_437 {strides = array<i32>} : memref<176xi32, #tpu.memory_space<vmem>>, vector<16xi32>,
        %mul3A_438 = arith.constant 8 : i32
        %mul3A_439 = arith.muli %add3A_357, %mul3A_438 : i32
        %add3A_440 = arith.constant 4 : i32
        %add3A_441 = arith.addi %mul3A_439, %add3A_440 : i32
        %get3A_442 = arith.index_cast %add3A_441 : i32 to index
        %get3A_443 = arith.constant 0 : index
        %get3A_444 = tpu.vector_load %arg5[%get3A_442, %get3A_443] {strides = array<i32>} : memref<256x32xi32, #tpu.memory_space<vmem>>, vector<1x16xi32>,
        %get3A_445 = vector.shape_cast %get3A_444 : vector<1x16xi32> to vector<16xi32>
        %swap3A_446 = arith.constant 80 : index
        %swap3A_447 = tpu.vector_load %arg7[%swap3A_446] {strides = array<i32>} : memref<176xi32, #tpu.memory_space<vmem>>, vector<16xi32>,
        %swap3A_448 = vector.shape_cast %swap3A_447 : vector<16xi32> to vector<16xi32>
        %swap3A_449 = vector.shape_cast %get3A_445 : vector<16xi32> to vector<16xi32>
        tpu.vector_store %arg7[%swap3A_446], %swap3A_449 {strides = array<i32>} : memref<176xi32, #tpu.memory_space<vmem>>, vector<16xi32>,
        %get3A_450 = arith.index_cast %add3A_441 : i32 to index
        %get3A_451 = arith.constant 16 : index
        %get3A_452 = tpu.vector_load %arg5[%get3A_450, %get3A_451] {strides = array<i32>} : memref<256x32xi32, #tpu.memory_space<vmem>>, vector<1x16xi32>,
        %get3A_453 = vector.shape_cast %get3A_452 : vector<1x16xi32> to vector<16xi32>
        %swap3A_454 = arith.constant 96 : index
        %swap3A_455 = tpu.vector_load %arg7[%swap3A_454] {strides = array<i32>} : memref<176xi32, #tpu.memory_space<vmem>>, vector<16xi32>,
        %swap3A_456 = vector.shape_cast %swap3A_455 : vector<16xi32> to vector<16xi32>
        %swap3A_457 = vector.shape_cast %get3A_453 : vector<16xi32> to vector<16xi32>
        tpu.vector_store %arg7[%swap3A_454], %swap3A_457 {strides = array<i32>} : memref<176xi32, #tpu.memory_space<vmem>>, vector<16xi32>,
        %mul3A_458 = arith.constant 8 : i32
        %mul3A_459 = arith.muli %add3A_357, %mul3A_458 : i32
        %add3A_460 = arith.constant 5 : i32
        %add3A_461 = arith.addi %mul3A_459, %add3A_460 : i32
        %get3A_462 = arith.index_cast %add3A_461 : i32 to index
        %get3A_463 = arith.constant 0 : index
        %get3A_464 = tpu.vector_load %arg5[%get3A_462, %get3A_463] {strides = array<i32>} : memref<256x32xi32, #tpu.memory_space<vmem>>, vector<1x16xi32>,
        %get3A_465 = vector.shape_cast %get3A_464 : vector<1x16xi32> to vector<16xi32>
        %swap3A_466 = arith.constant 100 : index
        %swap3A_467 = tpu.vector_load %arg7[%swap3A_466] {strides = array<i32>} : memref<176xi32, #tpu.memory_space<vmem>>, vector<16xi32>,
        %swap3A_468 = vector.shape_cast %swap3A_467 : vector<16xi32> to vector<16xi32>
        %swap3A_469 = vector.shape_cast %get3A_465 : vector<16xi32> to vector<16xi32>
        tpu.vector_store %arg7[%swap3A_466], %swap3A_469 {strides = array<i32>} : memref<176xi32, #tpu.memory_space<vmem>>, vector<16xi32>,
        %get3A_470 = arith.index_cast %add3A_461 : i32 to index
        %get3A_471 = arith.constant 16 : index
        %get3A_472 = tpu.vector_load %arg5[%get3A_470, %get3A_471] {strides = array<i32>} : memref<256x32xi32, #tpu.memory_space<vmem>>, vector<1x16xi32>,
        %get3A_473 = vector.shape_cast %get3A_472 : vector<1x16xi32> to vector<16xi32>
        %swap3A_474 = arith.constant 116 : index
        %swap3A_475 = tpu.vector_load %arg7[%swap3A_474] {strides = array<i32>} : memref<176xi32, #tpu.memory_space<vmem>>, vector<16xi32>,
        %swap3A_476 = vector.shape_cast %swap3A_475 : vector<16xi32> to vector<16xi32>
        %swap3A_477 = vector.shape_cast %get3A_473 : vector<16xi32> to vector<16xi32>
        tpu.vector_store %arg7[%swap3A_474], %swap3A_477 {strides = array<i32>} : memref<176xi32, #tpu.memory_space<vmem>>, vector<16xi32>,
        %mul3A_478 = arith.constant 8 : i32
        %mul3A_479 = arith.muli %add3A_357, %mul3A_478 : i32
        %add3A_480 = arith.constant 6 : i32
        %add3A_481 = arith.addi %mul3A_479, %add3A_480 : i32
        %get3A_482 = arith.index_cast %add3A_481 : i32 to index
        %get3A_483 = arith.constant 0 : index
        %get3A_484 = tpu.vector_load %arg5[%get3A_482, %get3A_483] {strides = array<i32>} : memref<256x32xi32, #tpu.memory_space<vmem>>, vector<1x16xi32>,
        %get3A_485 = vector.shape_cast %get3A_484 : vector<1x16xi32> to vector<16xi32>
        %swap3A_486 = arith.constant 120 : index
        %swap3A_487 = tpu.vector_load %arg7[%swap3A_486] {strides = array<i32>} : memref<176xi32, #tpu.memory_space<vmem>>, vector<16xi32>,
        %swap3A_488 = vector.shape_cast %swap3A_487 : vector<16xi32> to vector<16xi32>
        %swap3A_489 = vector.shape_cast %get3A_485 : vector<16xi32> to vector<16xi32>
        tpu.vector_store %arg7[%swap3A_486], %swap3A_489 {strides = array<i32>} : memref<176xi32, #tpu.memory_space<vmem>>, vector<16xi32>,
        %get3A_490 = arith.index_cast %add3A_481 : i32 to index
        %get3A_491 = arith.constant 16 : index
        %get3A_492 = tpu.vector_load %arg5[%get3A_490, %get3A_491] {strides = array<i32>} : memref<256x32xi32, #tpu.memory_space<vmem>>, vector<1x16xi32>,
        %get3A_493 = vector.shape_cast %get3A_492 : vector<1x16xi32> to vector<16xi32>
        %swap3A_494 = arith.constant 136 : index
        %swap3A_495 = tpu.vector_load %arg7[%swap3A_494] {strides = array<i32>} : memref<176xi32, #tpu.memory_space<vmem>>, vector<16xi32>,
        %swap3A_496 = vector.shape_cast %swap3A_495 : vector<16xi32> to vector<16xi32>
        %swap3A_497 = vector.shape_cast %get3A_493 : vector<16xi32> to vector<16xi32>
        tpu.vector_store %arg7[%swap3A_494], %swap3A_497 {strides = array<i32>} : memref<176xi32, #tpu.memory_space<vmem>>, vector<16xi32>,
        %mul3A_498 = arith.constant 8 : i32
        %mul3A_499 = arith.muli %add3A_357, %mul3A_498 : i32
        %add3A_500 = arith.constant 7 : i32
        %add3A_501 = arith.addi %mul3A_499, %add3A_500 : i32
        %get3A_502 = arith.index_cast %add3A_501 : i32 to index
        %get3A_503 = arith.constant 0 : index
        %get3A_504 = tpu.vector_load %arg5[%get3A_502, %get3A_503] {strides = array<i32>} : memref<256x32xi32, #tpu.memory_space<vmem>>, vector<1x16xi32>,
        %get3A_505 = vector.shape_cast %get3A_504 : vector<1x16xi32> to vector<16xi32>
        %swap3A_506 = arith.constant 140 : index
        %swap3A_507 = tpu.vector_load %arg7[%swap3A_506] {strides = array<i32>} : memref<176xi32, #tpu.memory_space<vmem>>, vector<16xi32>,
        %swap3A_508 = vector.shape_cast %swap3A_507 : vector<16xi32> to vector<16xi32>
        %swap3A_509 = vector.shape_cast %get3A_505 : vector<16xi32> to vector<16xi32>
        tpu.vector_store %arg7[%swap3A_506], %swap3A_509 {strides = array<i32>} : memref<176xi32, #tpu.memory_space<vmem>>, vector<16xi32>,
        %get3A_510 = arith.index_cast %add3A_501 : i32 to index
        %get3A_511 = arith.constant 16 : index
        %get3A_512 = tpu.vector_load %arg5[%get3A_510, %get3A_511] {strides = array<i32>} : memref<256x32xi32, #tpu.memory_space<vmem>>, vector<1x16xi32>,
        %get3A_513 = vector.shape_cast %get3A_512 : vector<1x16xi32> to vector<16xi32>
        %swap3A_514 = arith.constant 156 : index
        %swap3A_515 = tpu.vector_load %arg7[%swap3A_514] {strides = array<i32>} : memref<176xi32, #tpu.memory_space<vmem>>, vector<16xi32>,
        %swap3A_516 = vector.shape_cast %swap3A_515 : vector<16xi32> to vector<16xi32>
        %swap3A_517 = vector.shape_cast %get3A_513 : vector<16xi32> to vector<16xi32>
        tpu.vector_store %arg7[%swap3A_514], %swap3A_517 {strides = array<i32>} : memref<176xi32, #tpu.memory_space<vmem>>, vector<16xi32>,
        %dma_start3A_518 = arith.constant 0 : i32
        %dma_start3A_519 = arith.constant 0 : i32
        %dma_start3A_520 = tpu.memref_slice %arg9[%dma_start3A_518, %dma_start3A_519] : memref<160x128xf32, #tpu.memory_space<vmem>> -> memref<80x128xf32, #tpu.memory_space<vmem>>
        %dma_start3A_521 = arith.constant 0 : i32
        %dma_start3A_522 = tpu.memref_slice %arg7[%dma_start3A_521] : memref<176xi32, #tpu.memory_space<vmem>> -> memref<80xi32, #tpu.memory_space<vmem>>
        %dma_start3A_523 = arith.constant 0 : i32
        %dma_start3A_524 = arith.constant 0 : i32
        %dma_start3A_525 = tpu.memref_slice %arg2[%dma_start3A_523, %dma_start3A_524] : memref<8192x128xf32, #tpu.memory_space<hbm>> -> memref<8192x128xf32, #tpu.memory_space<hbm>>
        tpu.enqueue_indirect_dma source(%dma_start3A_525 : memref<8192x128xf32, #tpu.memory_space<hbm>>) target(%dma_start3A_520 : memref<80x128xf32, #tpu.memory_space<vmem>>) offsets(%dma_start3A_522 : memref<80xi32, #tpu.memory_space<vmem>>) semaphore(%arg15 : memref<!tpu.dma_semaphore, #tpu.memory_space<semaphore_mem>>)
        %dma_start3A_526 = arith.constant 80 : i32
        %dma_start3A_527 = arith.constant 0 : i32
        %dma_start3A_528 = tpu.memref_slice %arg9[%dma_start3A_526, %dma_start3A_527] : memref<160x128xf32, #tpu.memory_space<vmem>> -> memref<80x128xf32, #tpu.memory_space<vmem>>
        %dma_start3A_529 = arith.constant 80 : i32
        %dma_start3A_530 = tpu.memref_slice %arg7[%dma_start3A_529] : memref<176xi32, #tpu.memory_space<vmem>> -> memref<80xi32, #tpu.memory_space<vmem>>
        %dma_start3A_531 = arith.constant 0 : i32
        %dma_start3A_532 = arith.constant 0 : i32
        %dma_start3A_533 = tpu.memref_slice %arg2[%dma_start3A_531, %dma_start3A_532] : memref<8192x128xf32, #tpu.memory_space<hbm>> -> memref<8192x128xf32, #tpu.memory_space<hbm>>
        tpu.enqueue_indirect_dma source(%dma_start3A_533 : memref<8192x128xf32, #tpu.memory_space<hbm>>) target(%dma_start3A_528 : memref<80x128xf32, #tpu.memory_space<vmem>>) offsets(%dma_start3A_530 : memref<80xi32, #tpu.memory_space<vmem>>) semaphore(%arg15 : memref<!tpu.dma_semaphore, #tpu.memory_space<semaphore_mem>>)
        %mul3A_534 = arith.constant 256 : i32
        %mul3A_535 = arith.muli %add3A, %mul3A_534 : i32
        %mul3A_536 = arith.constant 8 : i32
        %mul3A_537 = arith.muli %add3A_357, %mul3A_536 : i32
        %add3A_538 = arith.addi %mul3A_535, %mul3A_537 : i32
        %dma_start3A_539 = arith.constant 0 : i32
        %dma_start3A_540 = tpu.memref_slice %arg2[%add3A_538, %dma_start3A_539] : memref<8192x128xf32, #tpu.memory_space<hbm>> -> memref<8x128xf32, #tpu.memory_space<hbm>>
        %dma_start3A_541 = arith.constant 0 : i32
        %dma_start3A_542 = tpu.memref_slice %arg2[%add3A_538, %dma_start3A_541] : memref<8192x128xf32, #tpu.memory_space<hbm>> -> memref<8x128xf32, #tpu.memory_space<hbm>>
        tpu.enqueue_dma source(%dma_start3A_542 : memref<8x128xf32, #tpu.memory_space<hbm>>) target(%arg11 : memref<8x128xf32, #tpu.memory_space<vmem>>) target_semaphore(%arg15 : memref<!tpu.dma_semaphore, #tpu.memory_space<semaphore_mem>>)
      } else {
      }
      %dma_wait3A_203 = arith.constant 0 : i32
      %dma_wait3A_204 = arith.constant 0 : i32
      %dma_wait3A_205 = tpu.memref_slice %arg2[%dma_wait3A_203, %dma_wait3A_204] : memref<8192x128xf32, #tpu.memory_space<hbm>> -> memref<160x128xf32, #tpu.memory_space<hbm>>
      %dma_wait3A_206 = arith.constant 0 : i32
      %dma_wait3A_207 = arith.constant 0 : i32
      %dma_wait3A_208 = tpu.memref_slice %arg2[%dma_wait3A_206, %dma_wait3A_207] : memref<8192x128xf32, #tpu.memory_space<hbm>> -> memref<160x128xf32, #tpu.memory_space<hbm>>
      tpu.wait_dma2 semaphore(%arg14 : memref<!tpu.dma_semaphore, #tpu.memory_space<semaphore_mem>>) src(%dma_wait3A_208 : memref<160x128xf32, #tpu.memory_space<hbm>>) dst(%arg8 : memref<160x128xf32, #tpu.memory_space<vmem>>)
      %dma_wait3A_209 = arith.constant 0 : i32
      %dma_wait3A_210 = arith.constant 0 : i32
      %dma_wait3A_211 = tpu.memref_slice %arg2[%dma_wait3A_209, %dma_wait3A_210] : memref<8192x128xf32, #tpu.memory_space<hbm>> -> memref<8x128xf32, #tpu.memory_space<hbm>>
      %dma_wait3A_212 = arith.constant 0 : i32
      %dma_wait3A_213 = arith.constant 0 : i32
      %dma_wait3A_214 = tpu.memref_slice %arg2[%dma_wait3A_212, %dma_wait3A_213] : memref<8192x128xf32, #tpu.memory_space<hbm>> -> memref<8x128xf32, #tpu.memory_space<hbm>>
      tpu.wait_dma2 semaphore(%arg14 : memref<!tpu.dma_semaphore, #tpu.memory_space<semaphore_mem>>) src(%dma_wait3A_214 : memref<8x128xf32, #tpu.memory_space<hbm>>) dst(%arg10 : memref<8x128xf32, #tpu.memory_space<vmem>>)
      %ge3A = arith.constant 2 : i32
      %ge3A_215 = arith.cmpi sge, %add3A_198, %ge3A : i32
      %convert_element_type3A_216 = arith.extui %ge3A_215 : i1 to i32
      %cond3A_217 = arith.constant 0 : i32
      %cond3A_218 = arith.cmpi ne, %convert_element_type3A_216, %cond3A_217 : i32
      scf.if %cond3A_218 {
        %dma_wait3A_356 = arith.constant 0 : i32
        %dma_wait3A_357 = arith.constant 0 : i32
        %dma_wait3A_358 = arith.constant 0 : i32
        %dma_wait3A_359 = arith.constant 0 : i32
        %dma_wait3A_360 = tpu.memref_slice %arg4[%dma_wait3A_356, %dma_wait3A_357, %dma_wait3A_358, %dma_wait3A_359] : memref<4x2048x20x128xf32, #tpu.memory_space<hbm>> -> memref<1x8x20x128xf32, #tpu.memory_space<hbm>>
        %dma_wait3A_361 = tpu.memref_squeeze %dma_wait3A_360 : memref<1x8x20x128xf32, #tpu.memory_space<hbm>> -> memref<8x20x128xf32, #tpu.memory_space<hbm>>
        %dma_wait3A_362 = arith.constant 0 : i32
        %dma_wait3A_363 = arith.constant 0 : i32
        %dma_wait3A_364 = arith.constant 0 : i32
        %dma_wait3A_365 = tpu.memref_slice %arg4[%dma_wait3A_356, %dma_wait3A_362, %dma_wait3A_363, %dma_wait3A_364] : memref<4x2048x20x128xf32, #tpu.memory_space<hbm>> -> memref<1x8x20x128xf32, #tpu.memory_space<hbm>>
        %dma_wait3A_366 = tpu.memref_squeeze %dma_wait3A_365 : memref<1x8x20x128xf32, #tpu.memory_space<hbm>> -> memref<8x20x128xf32, #tpu.memory_space<hbm>>
        tpu.wait_dma2 semaphore(%arg16 : memref<!tpu.dma_semaphore, #tpu.memory_space<semaphore_mem>>) src(%arg12 : memref<8x20x128xf32, #tpu.memory_space<vmem>>) dst(%dma_wait3A_366 : memref<8x20x128xf32, #tpu.memory_space<hbm>>)
      } else {
      }
      %scan3A_219 = arith.constant 0 : i32
      %scan3A_220 = arith.constant 0 : i32
      %scan3A_221 = arith.constant 8 : i32
      %scan3A_222 = arith.addi %scan3A_220, %scan3A_221 : i32
      %scan3A_223 = arith.constant 1 : i32
      scf.for %scan3A_356 = %scan3A_220 to %scan3A_222 step %scan3A_223  : i32 {
        %get3A_357 = arith.index_cast %scan3A_356 : i32 to index
        %get3A_358 = arith.constant 0 : index
        %get3A_359 = tpu.vector_load %arg10[%get3A_357, %get3A_358] {strides = array<i32>} : memref<8x128xf32, #tpu.memory_space<vmem>>, vector<1x16xf32>,
        %get3A_360 = vector.shape_cast %get3A_359 : vector<1x16xf32> to vector<16xf32>
        %mul3A_361 = arith.constant 20 : i32
        %mul3A_362 = arith.muli %scan3A_356, %mul3A_361 : i32
        %add3A_363 = arith.constant 0 : i32
        %add3A_364 = arith.addi %mul3A_362, %add3A_363 : i32
        %get3A_365 = arith.index_cast %add3A_364 : i32 to index
        %get3A_366 = arith.constant 0 : index
        %get3A_367 = tpu.vector_load %arg8[%get3A_365, %get3A_366] {strides = array<i32>} : memref<160x128xf32, #tpu.memory_space<vmem>>, vector<1x16xf32>,
        %get3A_368 = vector.shape_cast %get3A_367 : vector<1x16xf32> to vector<16xf32>
        %swap3A_369 = arith.constant 0 : i32
        %swap3A_370 = arith.index_cast %scan3A_356 : i32 to index
        %swap3A_371 = arith.index_cast %swap3A_369 : i32 to index
        %swap3A_372 = arith.constant 0 : index
        %swap3A_373 = tpu.vector_load %arg12[%swap3A_370, %swap3A_371, %swap3A_372] {strides = array<i32>} : memref<8x20x128xf32, #tpu.memory_space<vmem>>, vector<1x1x16xf32>,
        %swap3A_374 = vector.shape_cast %swap3A_373 : vector<1x1x16xf32> to vector<16xf32>
        %swap3A_375 = vector.shape_cast %get3A_360 : vector<16xf32> to vector<1x1x16xf32>
        tpu.vector_store %arg12[%swap3A_370, %swap3A_371, %swap3A_372], %swap3A_375 {strides = array<i32>} : memref<8x20x128xf32, #tpu.memory_space<vmem>>, vector<1x1x16xf32>,
        %sub3A_376 = arith.subf %get3A_368, %get3A_360 : vector<16xf32>
        %swap3A_377 = arith.constant 0 : i32
        %swap3A_378 = arith.index_cast %scan3A_356 : i32 to index
        %swap3A_379 = arith.index_cast %swap3A_377 : i32 to index
        %swap3A_380 = arith.constant 64 : index
        %swap3A_381 = tpu.vector_load %arg12[%swap3A_378, %swap3A_379, %swap3A_380] {strides = array<i32>} : memref<8x20x128xf32, #tpu.memory_space<vmem>>, vector<1x1x16xf32>,
        %swap3A_382 = vector.shape_cast %swap3A_381 : vector<1x1x16xf32> to vector<16xf32>
        %swap3A_383 = vector.shape_cast %sub3A_376 : vector<16xf32> to vector<1x1x16xf32>
        tpu.vector_store %arg12[%swap3A_378, %swap3A_379, %swap3A_380], %swap3A_383 {strides = array<i32>} : memref<8x20x128xf32, #tpu.memory_space<vmem>>, vector<1x1x16xf32>,
        %mul3A_384 = arith.constant 20 : i32
        %mul3A_385 = arith.muli %scan3A_356, %mul3A_384 : i32
        %add3A_386 = arith.constant 1 : i32
        %add3A_387 = arith.addi %mul3A_385, %add3A_386 : i32
        %get3A_388 = arith.index_cast %add3A_387 : i32 to index
        %get3A_389 = arith.constant 0 : index
        %get3A_390 = tpu.vector_load %arg8[%get3A_388, %get3A_389] {strides = array<i32>} : memref<160x128xf32, #tpu.memory_space<vmem>>, vector<1x16xf32>,
        %get3A_391 = vector.shape_cast %get3A_390 : vector<1x16xf32> to vector<16xf32>
        %swap3A_392 = arith.constant 1 : i32
        %swap3A_393 = arith.index_cast %scan3A_356 : i32 to index
        %swap3A_394 = arith.index_cast %swap3A_392 : i32 to index
        %swap3A_395 = arith.constant 0 : index
        %swap3A_396 = tpu.vector_load %arg12[%swap3A_393, %swap3A_394, %swap3A_395] {strides = array<i32>} : memref<8x20x128xf32, #tpu.memory_space<vmem>>, vector<1x1x16xf32>,
        %swap3A_397 = vector.shape_cast %swap3A_396 : vector<1x1x16xf32> to vector<16xf32>
        %swap3A_398 = vector.shape_cast %get3A_360 : vector<16xf32> to vector<1x1x16xf32>
        tpu.vector_store %arg12[%swap3A_393, %swap3A_394, %swap3A_395], %swap3A_398 {strides = array<i32>} : memref<8x20x128xf32, #tpu.memory_space<vmem>>, vector<1x1x16xf32>,
        %sub3A_399 = arith.subf %get3A_391, %get3A_360 : vector<16xf32>
        %swap3A_400 = arith.constant 1 : i32
        %swap3A_401 = arith.index_cast %scan3A_356 : i32 to index
        %swap3A_402 = arith.index_cast %swap3A_400 : i32 to index
        %swap3A_403 = arith.constant 64 : index
        %swap3A_404 = tpu.vector_load %arg12[%swap3A_401, %swap3A_402, %swap3A_403] {strides = array<i32>} : memref<8x20x128xf32, #tpu.memory_space<vmem>>, vector<1x1x16xf32>,
        %swap3A_405 = vector.shape_cast %swap3A_404 : vector<1x1x16xf32> to vector<16xf32>
        %swap3A_406 = vector.shape_cast %sub3A_399 : vector<16xf32> to vector<1x1x16xf32>
        tpu.vector_store %arg12[%swap3A_401, %swap3A_402, %swap3A_403], %swap3A_406 {strides = array<i32>} : memref<8x20x128xf32, #tpu.memory_space<vmem>>, vector<1x1x16xf32>,
        %mul3A_407 = arith.constant 20 : i32
        %mul3A_408 = arith.muli %scan3A_356, %mul3A_407 : i32
        %add3A_409 = arith.constant 2 : i32
        %add3A_410 = arith.addi %mul3A_408, %add3A_409 : i32
        %get3A_411 = arith.index_cast %add3A_410 : i32 to index
        %get3A_412 = arith.constant 0 : index
        %get3A_413 = tpu.vector_load %arg8[%get3A_411, %get3A_412] {strides = array<i32>} : memref<160x128xf32, #tpu.memory_space<vmem>>, vector<1x16xf32>,
        %get3A_414 = vector.shape_cast %get3A_413 : vector<1x16xf32> to vector<16xf32>
        %swap3A_415 = arith.constant 2 : i32
        %swap3A_416 = arith.index_cast %scan3A_356 : i32 to index
        %swap3A_417 = arith.index_cast %swap3A_415 : i32 to index
        %swap3A_418 = arith.constant 0 : index
        %swap3A_419 = tpu.vector_load %arg12[%swap3A_416, %swap3A_417, %swap3A_418] {strides = array<i32>} : memref<8x20x128xf32, #tpu.memory_space<vmem>>, vector<1x1x16xf32>,
        %swap3A_420 = vector.shape_cast %swap3A_419 : vector<1x1x16xf32> to vector<16xf32>
        %swap3A_421 = vector.shape_cast %get3A_360 : vector<16xf32> to vector<1x1x16xf32>
        tpu.vector_store %arg12[%swap3A_416, %swap3A_417, %swap3A_418], %swap3A_421 {strides = array<i32>} : memref<8x20x128xf32, #tpu.memory_space<vmem>>, vector<1x1x16xf32>,
        %sub3A_422 = arith.subf %get3A_414, %get3A_360 : vector<16xf32>
        %swap3A_423 = arith.constant 2 : i32
        %swap3A_424 = arith.index_cast %scan3A_356 : i32 to index
        %swap3A_425 = arith.index_cast %swap3A_423 : i32 to index
        %swap3A_426 = arith.constant 64 : index
        %swap3A_427 = tpu.vector_load %arg12[%swap3A_424, %swap3A_425, %swap3A_426] {strides = array<i32>} : memref<8x20x128xf32, #tpu.memory_space<vmem>>, vector<1x1x16xf32>,
        %swap3A_428 = vector.shape_cast %swap3A_427 : vector<1x1x16xf32> to vector<16xf32>
        %swap3A_429 = vector.shape_cast %sub3A_422 : vector<16xf32> to vector<1x1x16xf32>
        tpu.vector_store %arg12[%swap3A_424, %swap3A_425, %swap3A_426], %swap3A_429 {strides = array<i32>} : memref<8x20x128xf32, #tpu.memory_space<vmem>>, vector<1x1x16xf32>,
        %mul3A_430 = arith.constant 20 : i32
        %mul3A_431 = arith.muli %scan3A_356, %mul3A_430 : i32
        %add3A_432 = arith.constant 3 : i32
        %add3A_433 = arith.addi %mul3A_431, %add3A_432 : i32
        %get3A_434 = arith.index_cast %add3A_433 : i32 to index
        %get3A_435 = arith.constant 0 : index
        %get3A_436 = tpu.vector_load %arg8[%get3A_434, %get3A_435] {strides = array<i32>} : memref<160x128xf32, #tpu.memory_space<vmem>>, vector<1x16xf32>,
        %get3A_437 = vector.shape_cast %get3A_436 : vector<1x16xf32> to vector<16xf32>
        %swap3A_438 = arith.constant 3 : i32
        %swap3A_439 = arith.index_cast %scan3A_356 : i32 to index
        %swap3A_440 = arith.index_cast %swap3A_438 : i32 to index
        %swap3A_441 = arith.constant 0 : index
        %swap3A_442 = tpu.vector_load %arg12[%swap3A_439, %swap3A_440, %swap3A_441] {strides = array<i32>} : memref<8x20x128xf32, #tpu.memory_space<vmem>>, vector<1x1x16xf32>,
        %swap3A_443 = vector.shape_cast %swap3A_442 : vector<1x1x16xf32> to vector<16xf32>
        %swap3A_444 = vector.shape_cast %get3A_360 : vector<16xf32> to vector<1x1x16xf32>
        tpu.vector_store %arg12[%swap3A_439, %swap3A_440, %swap3A_441], %swap3A_444 {strides = array<i32>} : memref<8x20x128xf32, #tpu.memory_space<vmem>>, vector<1x1x16xf32>,
        %sub3A_445 = arith.subf %get3A_437, %get3A_360 : vector<16xf32>
        %swap3A_446 = arith.constant 3 : i32
        %swap3A_447 = arith.index_cast %scan3A_356 : i32 to index
        %swap3A_448 = arith.index_cast %swap3A_446 : i32 to index
        %swap3A_449 = arith.constant 64 : index
        %swap3A_450 = tpu.vector_load %arg12[%swap3A_447, %swap3A_448, %swap3A_449] {strides = array<i32>} : memref<8x20x128xf32, #tpu.memory_space<vmem>>, vector<1x1x16xf32>,
        %swap3A_451 = vector.shape_cast %swap3A_450 : vector<1x1x16xf32> to vector<16xf32>
        %swap3A_452 = vector.shape_cast %sub3A_445 : vector<16xf32> to vector<1x1x16xf32>
        tpu.vector_store %arg12[%swap3A_447, %swap3A_448, %swap3A_449], %swap3A_452 {strides = array<i32>} : memref<8x20x128xf32, #tpu.memory_space<vmem>>, vector<1x1x16xf32>,
        %mul3A_453 = arith.constant 20 : i32
        %mul3A_454 = arith.muli %scan3A_356, %mul3A_453 : i32
        %add3A_455 = arith.constant 4 : i32
        %add3A_456 = arith.addi %mul3A_454, %add3A_455 : i32
        %get3A_457 = arith.index_cast %add3A_456 : i32 to index
        %get3A_458 = arith.constant 0 : index
        %get3A_459 = tpu.vector_load %arg8[%get3A_457, %get3A_458] {strides = array<i32>} : memref<160x128xf32, #tpu.memory_space<vmem>>, vector<1x16xf32>,
        %get3A_460 = vector.shape_cast %get3A_459 : vector<1x16xf32> to vector<16xf32>
        %swap3A_461 = arith.constant 4 : i32
        %swap3A_462 = arith.index_cast %scan3A_356 : i32 to index
        %swap3A_463 = arith.index_cast %swap3A_461 : i32 to index
        %swap3A_464 = arith.constant 0 : index
        %swap3A_465 = tpu.vector_load %arg12[%swap3A_462, %swap3A_463, %swap3A_464] {strides = array<i32>} : memref<8x20x128xf32, #tpu.memory_space<vmem>>, vector<1x1x16xf32>,
        %swap3A_466 = vector.shape_cast %swap3A_465 : vector<1x1x16xf32> to vector<16xf32>
        %swap3A_467 = vector.shape_cast %get3A_360 : vector<16xf32> to vector<1x1x16xf32>
        tpu.vector_store %arg12[%swap3A_462, %swap3A_463, %swap3A_464], %swap3A_467 {strides = array<i32>} : memref<8x20x128xf32, #tpu.memory_space<vmem>>, vector<1x1x16xf32>,
        %sub3A_468 = arith.subf %get3A_460, %get3A_360 : vector<16xf32>
        %swap3A_469 = arith.constant 4 : i32
        %swap3A_470 = arith.index_cast %scan3A_356 : i32 to index
        %swap3A_471 = arith.index_cast %swap3A_469 : i32 to index
        %swap3A_472 = arith.constant 64 : index
        %swap3A_473 = tpu.vector_load %arg12[%swap3A_470, %swap3A_471, %swap3A_472] {strides = array<i32>} : memref<8x20x128xf32, #tpu.memory_space<vmem>>, vector<1x1x16xf32>,
        %swap3A_474 = vector.shape_cast %swap3A_473 : vector<1x1x16xf32> to vector<16xf32>
        %swap3A_475 = vector.shape_cast %sub3A_468 : vector<16xf32> to vector<1x1x16xf32>
        tpu.vector_store %arg12[%swap3A_470, %swap3A_471, %swap3A_472], %swap3A_475 {strides = array<i32>} : memref<8x20x128xf32, #tpu.memory_space<vmem>>, vector<1x1x16xf32>,
        %mul3A_476 = arith.constant 20 : i32
        %mul3A_477 = arith.muli %scan3A_356, %mul3A_476 : i32
        %add3A_478 = arith.constant 5 : i32
        %add3A_479 = arith.addi %mul3A_477, %add3A_478 : i32
        %get3A_480 = arith.index_cast %add3A_479 : i32 to index
        %get3A_481 = arith.constant 0 : index
        %get3A_482 = tpu.vector_load %arg8[%get3A_480, %get3A_481] {strides = array<i32>} : memref<160x128xf32, #tpu.memory_space<vmem>>, vector<1x16xf32>,
        %get3A_483 = vector.shape_cast %get3A_482 : vector<1x16xf32> to vector<16xf32>
        %swap3A_484 = arith.constant 5 : i32
        %swap3A_485 = arith.index_cast %scan3A_356 : i32 to index
        %swap3A_486 = arith.index_cast %swap3A_484 : i32 to index
        %swap3A_487 = arith.constant 0 : index
        %swap3A_488 = tpu.vector_load %arg12[%swap3A_485, %swap3A_486, %swap3A_487] {strides = array<i32>} : memref<8x20x128xf32, #tpu.memory_space<vmem>>, vector<1x1x16xf32>,
        %swap3A_489 = vector.shape_cast %swap3A_488 : vector<1x1x16xf32> to vector<16xf32>
        %swap3A_490 = vector.shape_cast %get3A_360 : vector<16xf32> to vector<1x1x16xf32>
        tpu.vector_store %arg12[%swap3A_485, %swap3A_486, %swap3A_487], %swap3A_490 {strides = array<i32>} : memref<8x20x128xf32, #tpu.memory_space<vmem>>, vector<1x1x16xf32>,
        %sub3A_491 = arith.subf %get3A_483, %get3A_360 : vector<16xf32>
        %swap3A_492 = arith.constant 5 : i32
        %swap3A_493 = arith.index_cast %scan3A_356 : i32 to index
        %swap3A_494 = arith.index_cast %swap3A_492 : i32 to index
        %swap3A_495 = arith.constant 64 : index
        %swap3A_496 = tpu.vector_load %arg12[%swap3A_493, %swap3A_494, %swap3A_495] {strides = array<i32>} : memref<8x20x128xf32, #tpu.memory_space<vmem>>, vector<1x1x16xf32>,
        %swap3A_497 = vector.shape_cast %swap3A_496 : vector<1x1x16xf32> to vector<16xf32>
        %swap3A_498 = vector.shape_cast %sub3A_491 : vector<16xf32> to vector<1x1x16xf32>
        tpu.vector_store %arg12[%swap3A_493, %swap3A_494, %swap3A_495], %swap3A_498 {strides = array<i32>} : memref<8x20x128xf32, #tpu.memory_space<vmem>>, vector<1x1x16xf32>,
        %mul3A_499 = arith.constant 20 : i32
        %mul3A_500 = arith.muli %scan3A_356, %mul3A_499 : i32
        %add3A_501 = arith.constant 6 : i32
        %add3A_502 = arith.addi %mul3A_500, %add3A_501 : i32
        %get3A_503 = arith.index_cast %add3A_502 : i32 to index
        %get3A_504 = arith.constant 0 : index
        %get3A_505 = tpu.vector_load %arg8[%get3A_503, %get3A_504] {strides = array<i32>} : memref<160x128xf32, #tpu.memory_space<vmem>>, vector<1x16xf32>,
        %get3A_506 = vector.shape_cast %get3A_505 : vector<1x16xf32> to vector<16xf32>
        %swap3A_507 = arith.constant 6 : i32
        %swap3A_508 = arith.index_cast %scan3A_356 : i32 to index
        %swap3A_509 = arith.index_cast %swap3A_507 : i32 to index
        %swap3A_510 = arith.constant 0 : index
        %swap3A_511 = tpu.vector_load %arg12[%swap3A_508, %swap3A_509, %swap3A_510] {strides = array<i32>} : memref<8x20x128xf32, #tpu.memory_space<vmem>>, vector<1x1x16xf32>,
        %swap3A_512 = vector.shape_cast %swap3A_511 : vector<1x1x16xf32> to vector<16xf32>
        %swap3A_513 = vector.shape_cast %get3A_360 : vector<16xf32> to vector<1x1x16xf32>
        tpu.vector_store %arg12[%swap3A_508, %swap3A_509, %swap3A_510], %swap3A_513 {strides = array<i32>} : memref<8x20x128xf32, #tpu.memory_space<vmem>>, vector<1x1x16xf32>,
        %sub3A_514 = arith.subf %get3A_506, %get3A_360 : vector<16xf32>
        %swap3A_515 = arith.constant 6 : i32
        %swap3A_516 = arith.index_cast %scan3A_356 : i32 to index
        %swap3A_517 = arith.index_cast %swap3A_515 : i32 to index
        %swap3A_518 = arith.constant 64 : index
        %swap3A_519 = tpu.vector_load %arg12[%swap3A_516, %swap3A_517, %swap3A_518] {strides = array<i32>} : memref<8x20x128xf32, #tpu.memory_space<vmem>>, vector<1x1x16xf32>,
        %swap3A_520 = vector.shape_cast %swap3A_519 : vector<1x1x16xf32> to vector<16xf32>
        %swap3A_521 = vector.shape_cast %sub3A_514 : vector<16xf32> to vector<1x1x16xf32>
        tpu.vector_store %arg12[%swap3A_516, %swap3A_517, %swap3A_518], %swap3A_521 {strides = array<i32>} : memref<8x20x128xf32, #tpu.memory_space<vmem>>, vector<1x1x16xf32>,
        %mul3A_522 = arith.constant 20 : i32
        %mul3A_523 = arith.muli %scan3A_356, %mul3A_522 : i32
        %add3A_524 = arith.constant 7 : i32
        %add3A_525 = arith.addi %mul3A_523, %add3A_524 : i32
        %get3A_526 = arith.index_cast %add3A_525 : i32 to index
        %get3A_527 = arith.constant 0 : index
        %get3A_528 = tpu.vector_load %arg8[%get3A_526, %get3A_527] {strides = array<i32>} : memref<160x128xf32, #tpu.memory_space<vmem>>, vector<1x16xf32>,
        %get3A_529 = vector.shape_cast %get3A_528 : vector<1x16xf32> to vector<16xf32>
        %swap3A_530 = arith.constant 7 : i32
        %swap3A_531 = arith.index_cast %scan3A_356 : i32 to index
        %swap3A_532 = arith.index_cast %swap3A_530 : i32 to index
        %swap3A_533 = arith.constant 0 : index
        %swap3A_534 = tpu.vector_load %arg12[%swap3A_531, %swap3A_532, %swap3A_533] {strides = array<i32>} : memref<8x20x128xf32, #tpu.memory_space<vmem>>, vector<1x1x16xf32>,
        %swap3A_535 = vector.shape_cast %swap3A_534 : vector<1x1x16xf32> to vector<16xf32>
        %swap3A_536 = vector.shape_cast %get3A_360 : vector<16xf32> to vector<1x1x16xf32>
        tpu.vector_store %arg12[%swap3A_531, %swap3A_532, %swap3A_533], %swap3A_536 {strides = array<i32>} : memref<8x20x128xf32, #tpu.memory_space<vmem>>, vector<1x1x16xf32>,
        %sub3A_537 = arith.subf %get3A_529, %get3A_360 : vector<16xf32>
        %swap3A_538 = arith.constant 7 : i32
        %swap3A_539 = arith.index_cast %scan3A_356 : i32 to index
        %swap3A_540 = arith.index_cast %swap3A_538 : i32 to index
        %swap3A_541 = arith.constant 64 : index
        %swap3A_542 = tpu.vector_load %arg12[%swap3A_539, %swap3A_540, %swap3A_541] {strides = array<i32>} : memref<8x20x128xf32, #tpu.memory_space<vmem>>, vector<1x1x16xf32>,
        %swap3A_543 = vector.shape_cast %swap3A_542 : vector<1x1x16xf32> to vector<16xf32>
        %swap3A_544 = vector.shape_cast %sub3A_537 : vector<16xf32> to vector<1x1x16xf32>
        tpu.vector_store %arg12[%swap3A_539, %swap3A_540, %swap3A_541], %swap3A_544 {strides = array<i32>} : memref<8x20x128xf32, #tpu.memory_space<vmem>>, vector<1x1x16xf32>,
        %mul3A_545 = arith.constant 20 : i32
        %mul3A_546 = arith.muli %scan3A_356, %mul3A_545 : i32
        %add3A_547 = arith.constant 8 : i32
        %add3A_548 = arith.addi %mul3A_546, %add3A_547 : i32
        %get3A_549 = arith.index_cast %add3A_548 : i32 to index
        %get3A_550 = arith.constant 0 : index
        %get3A_551 = tpu.vector_load %arg8[%get3A_549, %get3A_550] {strides = array<i32>} : memref<160x128xf32, #tpu.memory_space<vmem>>, vector<1x16xf32>,
        %get3A_552 = vector.shape_cast %get3A_551 : vector<1x16xf32> to vector<16xf32>
        %swap3A_553 = arith.constant 8 : i32
        %swap3A_554 = arith.index_cast %scan3A_356 : i32 to index
        %swap3A_555 = arith.index_cast %swap3A_553 : i32 to index
        %swap3A_556 = arith.constant 0 : index
        %swap3A_557 = tpu.vector_load %arg12[%swap3A_554, %swap3A_555, %swap3A_556] {strides = array<i32>} : memref<8x20x128xf32, #tpu.memory_space<vmem>>, vector<1x1x16xf32>,
        %swap3A_558 = vector.shape_cast %swap3A_557 : vector<1x1x16xf32> to vector<16xf32>
        %swap3A_559 = vector.shape_cast %get3A_360 : vector<16xf32> to vector<1x1x16xf32>
        tpu.vector_store %arg12[%swap3A_554, %swap3A_555, %swap3A_556], %swap3A_559 {strides = array<i32>} : memref<8x20x128xf32, #tpu.memory_space<vmem>>, vector<1x1x16xf32>,
        %sub3A_560 = arith.subf %get3A_552, %get3A_360 : vector<16xf32>
        %swap3A_561 = arith.constant 8 : i32
        %swap3A_562 = arith.index_cast %scan3A_356 : i32 to index
        %swap3A_563 = arith.index_cast %swap3A_561 : i32 to index
        %swap3A_564 = arith.constant 64 : index
        %swap3A_565 = tpu.vector_load %arg12[%swap3A_562, %swap3A_563, %swap3A_564] {strides = array<i32>} : memref<8x20x128xf32, #tpu.memory_space<vmem>>, vector<1x1x16xf32>,
        %swap3A_566 = vector.shape_cast %swap3A_565 : vector<1x1x16xf32> to vector<16xf32>
        %swap3A_567 = vector.shape_cast %sub3A_560 : vector<16xf32> to vector<1x1x16xf32>
        tpu.vector_store %arg12[%swap3A_562, %swap3A_563, %swap3A_564], %swap3A_567 {strides = array<i32>} : memref<8x20x128xf32, #tpu.memory_space<vmem>>, vector<1x1x16xf32>,
        %mul3A_568 = arith.constant 20 : i32
        %mul3A_569 = arith.muli %scan3A_356, %mul3A_568 : i32
        %add3A_570 = arith.constant 9 : i32
        %add3A_571 = arith.addi %mul3A_569, %add3A_570 : i32
        %get3A_572 = arith.index_cast %add3A_571 : i32 to index
        %get3A_573 = arith.constant 0 : index
        %get3A_574 = tpu.vector_load %arg8[%get3A_572, %get3A_573] {strides = array<i32>} : memref<160x128xf32, #tpu.memory_space<vmem>>, vector<1x16xf32>,
        %get3A_575 = vector.shape_cast %get3A_574 : vector<1x16xf32> to vector<16xf32>
        %swap3A_576 = arith.constant 9 : i32
        %swap3A_577 = arith.index_cast %scan3A_356 : i32 to index
        %swap3A_578 = arith.index_cast %swap3A_576 : i32 to index
        %swap3A_579 = arith.constant 0 : index
        %swap3A_580 = tpu.vector_load %arg12[%swap3A_577, %swap3A_578, %swap3A_579] {strides = array<i32>} : memref<8x20x128xf32, #tpu.memory_space<vmem>>, vector<1x1x16xf32>,
        %swap3A_581 = vector.shape_cast %swap3A_580 : vector<1x1x16xf32> to vector<16xf32>
        %swap3A_582 = vector.shape_cast %get3A_360 : vector<16xf32> to vector<1x1x16xf32>
        tpu.vector_store %arg12[%swap3A_577, %swap3A_578, %swap3A_579], %swap3A_582 {strides = array<i32>} : memref<8x20x128xf32, #tpu.memory_space<vmem>>, vector<1x1x16xf32>,
        %sub3A_583 = arith.subf %get3A_575, %get3A_360 : vector<16xf32>
        %swap3A_584 = arith.constant 9 : i32
        %swap3A_585 = arith.index_cast %scan3A_356 : i32 to index
        %swap3A_586 = arith.index_cast %swap3A_584 : i32 to index
        %swap3A_587 = arith.constant 64 : index
        %swap3A_588 = tpu.vector_load %arg12[%swap3A_585, %swap3A_586, %swap3A_587] {strides = array<i32>} : memref<8x20x128xf32, #tpu.memory_space<vmem>>, vector<1x1x16xf32>,
        %swap3A_589 = vector.shape_cast %swap3A_588 : vector<1x1x16xf32> to vector<16xf32>
        %swap3A_590 = vector.shape_cast %sub3A_583 : vector<16xf32> to vector<1x1x16xf32>
        tpu.vector_store %arg12[%swap3A_585, %swap3A_586, %swap3A_587], %swap3A_590 {strides = array<i32>} : memref<8x20x128xf32, #tpu.memory_space<vmem>>, vector<1x1x16xf32>,
        %mul3A_591 = arith.constant 20 : i32
        %mul3A_592 = arith.muli %scan3A_356, %mul3A_591 : i32
        %add3A_593 = arith.constant 10 : i32
        %add3A_594 = arith.addi %mul3A_592, %add3A_593 : i32
        %get3A_595 = arith.index_cast %add3A_594 : i32 to index
        %get3A_596 = arith.constant 0 : index
        %get3A_597 = tpu.vector_load %arg8[%get3A_595, %get3A_596] {strides = array<i32>} : memref<160x128xf32, #tpu.memory_space<vmem>>, vector<1x16xf32>,
        %get3A_598 = vector.shape_cast %get3A_597 : vector<1x16xf32> to vector<16xf32>
        %swap3A_599 = arith.constant 10 : i32
        %swap3A_600 = arith.index_cast %scan3A_356 : i32 to index
        %swap3A_601 = arith.index_cast %swap3A_599 : i32 to index
        %swap3A_602 = arith.constant 0 : index
        %swap3A_603 = tpu.vector_load %arg12[%swap3A_600, %swap3A_601, %swap3A_602] {strides = array<i32>} : memref<8x20x128xf32, #tpu.memory_space<vmem>>, vector<1x1x16xf32>,
        %swap3A_604 = vector.shape_cast %swap3A_603 : vector<1x1x16xf32> to vector<16xf32>
        %swap3A_605 = vector.shape_cast %get3A_360 : vector<16xf32> to vector<1x1x16xf32>
        tpu.vector_store %arg12[%swap3A_600, %swap3A_601, %swap3A_602], %swap3A_605 {strides = array<i32>} : memref<8x20x128xf32, #tpu.memory_space<vmem>>, vector<1x1x16xf32>,
        %sub3A_606 = arith.subf %get3A_598, %get3A_360 : vector<16xf32>
        %swap3A_607 = arith.constant 10 : i32
        %swap3A_608 = arith.index_cast %scan3A_356 : i32 to index
        %swap3A_609 = arith.index_cast %swap3A_607 : i32 to index
        %swap3A_610 = arith.constant 64 : index
        %swap3A_611 = tpu.vector_load %arg12[%swap3A_608, %swap3A_609, %swap3A_610] {strides = array<i32>} : memref<8x20x128xf32, #tpu.memory_space<vmem>>, vector<1x1x16xf32>,
        %swap3A_612 = vector.shape_cast %swap3A_611 : vector<1x1x16xf32> to vector<16xf32>
        %swap3A_613 = vector.shape_cast %sub3A_606 : vector<16xf32> to vector<1x1x16xf32>
        tpu.vector_store %arg12[%swap3A_608, %swap3A_609, %swap3A_610], %swap3A_613 {strides = array<i32>} : memref<8x20x128xf32, #tpu.memory_space<vmem>>, vector<1x1x16xf32>,
        %mul3A_614 = arith.constant 20 : i32
        %mul3A_615 = arith.muli %scan3A_356, %mul3A_614 : i32
        %add3A_616 = arith.constant 11 : i32
        %add3A_617 = arith.addi %mul3A_615, %add3A_616 : i32
        %get3A_618 = arith.index_cast %add3A_617 : i32 to index
        %get3A_619 = arith.constant 0 : index
        %get3A_620 = tpu.vector_load %arg8[%get3A_618, %get3A_619] {strides = array<i32>} : memref<160x128xf32, #tpu.memory_space<vmem>>, vector<1x16xf32>,
        %get3A_621 = vector.shape_cast %get3A_620 : vector<1x16xf32> to vector<16xf32>
        %swap3A_622 = arith.constant 11 : i32
        %swap3A_623 = arith.index_cast %scan3A_356 : i32 to index
        %swap3A_624 = arith.index_cast %swap3A_622 : i32 to index
        %swap3A_625 = arith.constant 0 : index
        %swap3A_626 = tpu.vector_load %arg12[%swap3A_623, %swap3A_624, %swap3A_625] {strides = array<i32>} : memref<8x20x128xf32, #tpu.memory_space<vmem>>, vector<1x1x16xf32>,
        %swap3A_627 = vector.shape_cast %swap3A_626 : vector<1x1x16xf32> to vector<16xf32>
        %swap3A_628 = vector.shape_cast %get3A_360 : vector<16xf32> to vector<1x1x16xf32>
        tpu.vector_store %arg12[%swap3A_623, %swap3A_624, %swap3A_625], %swap3A_628 {strides = array<i32>} : memref<8x20x128xf32, #tpu.memory_space<vmem>>, vector<1x1x16xf32>,
        %sub3A_629 = arith.subf %get3A_621, %get3A_360 : vector<16xf32>
        %swap3A_630 = arith.constant 11 : i32
        %swap3A_631 = arith.index_cast %scan3A_356 : i32 to index
        %swap3A_632 = arith.index_cast %swap3A_630 : i32 to index
        %swap3A_633 = arith.constant 64 : index
        %swap3A_634 = tpu.vector_load %arg12[%swap3A_631, %swap3A_632, %swap3A_633] {strides = array<i32>} : memref<8x20x128xf32, #tpu.memory_space<vmem>>, vector<1x1x16xf32>,
        %swap3A_635 = vector.shape_cast %swap3A_634 : vector<1x1x16xf32> to vector<16xf32>
        %swap3A_636 = vector.shape_cast %sub3A_629 : vector<16xf32> to vector<1x1x16xf32>
        tpu.vector_store %arg12[%swap3A_631, %swap3A_632, %swap3A_633], %swap3A_636 {strides = array<i32>} : memref<8x20x128xf32, #tpu.memory_space<vmem>>, vector<1x1x16xf32>,
        %mul3A_637 = arith.constant 20 : i32
        %mul3A_638 = arith.muli %scan3A_356, %mul3A_637 : i32
        %add3A_639 = arith.constant 12 : i32
        %add3A_640 = arith.addi %mul3A_638, %add3A_639 : i32
        %get3A_641 = arith.index_cast %add3A_640 : i32 to index
        %get3A_642 = arith.constant 0 : index
        %get3A_643 = tpu.vector_load %arg8[%get3A_641, %get3A_642] {strides = array<i32>} : memref<160x128xf32, #tpu.memory_space<vmem>>, vector<1x16xf32>,
        %get3A_644 = vector.shape_cast %get3A_643 : vector<1x16xf32> to vector<16xf32>
        %swap3A_645 = arith.constant 12 : i32
        %swap3A_646 = arith.index_cast %scan3A_356 : i32 to index
        %swap3A_647 = arith.index_cast %swap3A_645 : i32 to index
        %swap3A_648 = arith.constant 0 : index
        %swap3A_649 = tpu.vector_load %arg12[%swap3A_646, %swap3A_647, %swap3A_648] {strides = array<i32>} : memref<8x20x128xf32, #tpu.memory_space<vmem>>, vector<1x1x16xf32>,
        %swap3A_650 = vector.shape_cast %swap3A_649 : vector<1x1x16xf32> to vector<16xf32>
        %swap3A_651 = vector.shape_cast %get3A_360 : vector<16xf32> to vector<1x1x16xf32>
        tpu.vector_store %arg12[%swap3A_646, %swap3A_647, %swap3A_648], %swap3A_651 {strides = array<i32>} : memref<8x20x128xf32, #tpu.memory_space<vmem>>, vector<1x1x16xf32>,
        %sub3A_652 = arith.subf %get3A_644, %get3A_360 : vector<16xf32>
        %swap3A_653 = arith.constant 12 : i32
        %swap3A_654 = arith.index_cast %scan3A_356 : i32 to index
        %swap3A_655 = arith.index_cast %swap3A_653 : i32 to index
        %swap3A_656 = arith.constant 64 : index
        %swap3A_657 = tpu.vector_load %arg12[%swap3A_654, %swap3A_655, %swap3A_656] {strides = array<i32>} : memref<8x20x128xf32, #tpu.memory_space<vmem>>, vector<1x1x16xf32>,
        %swap3A_658 = vector.shape_cast %swap3A_657 : vector<1x1x16xf32> to vector<16xf32>
        %swap3A_659 = vector.shape_cast %sub3A_652 : vector<16xf32> to vector<1x1x16xf32>
        tpu.vector_store %arg12[%swap3A_654, %swap3A_655, %swap3A_656], %swap3A_659 {strides = array<i32>} : memref<8x20x128xf32, #tpu.memory_space<vmem>>, vector<1x1x16xf32>,
        %mul3A_660 = arith.constant 20 : i32
        %mul3A_661 = arith.muli %scan3A_356, %mul3A_660 : i32
        %add3A_662 = arith.constant 13 : i32
        %add3A_663 = arith.addi %mul3A_661, %add3A_662 : i32
        %get3A_664 = arith.index_cast %add3A_663 : i32 to index
        %get3A_665 = arith.constant 0 : index
        %get3A_666 = tpu.vector_load %arg8[%get3A_664, %get3A_665] {strides = array<i32>} : memref<160x128xf32, #tpu.memory_space<vmem>>, vector<1x16xf32>,
        %get3A_667 = vector.shape_cast %get3A_666 : vector<1x16xf32> to vector<16xf32>
        %swap3A_668 = arith.constant 13 : i32
        %swap3A_669 = arith.index_cast %scan3A_356 : i32 to index
        %swap3A_670 = arith.index_cast %swap3A_668 : i32 to index
        %swap3A_671 = arith.constant 0 : index
        %swap3A_672 = tpu.vector_load %arg12[%swap3A_669, %swap3A_670, %swap3A_671] {strides = array<i32>} : memref<8x20x128xf32, #tpu.memory_space<vmem>>, vector<1x1x16xf32>,
        %swap3A_673 = vector.shape_cast %swap3A_672 : vector<1x1x16xf32> to vector<16xf32>
        %swap3A_674 = vector.shape_cast %get3A_360 : vector<16xf32> to vector<1x1x16xf32>
        tpu.vector_store %arg12[%swap3A_669, %swap3A_670, %swap3A_671], %swap3A_674 {strides = array<i32>} : memref<8x20x128xf32, #tpu.memory_space<vmem>>, vector<1x1x16xf32>,
        %sub3A_675 = arith.subf %get3A_667, %get3A_360 : vector<16xf32>
        %swap3A_676 = arith.constant 13 : i32
        %swap3A_677 = arith.index_cast %scan3A_356 : i32 to index
        %swap3A_678 = arith.index_cast %swap3A_676 : i32 to index
        %swap3A_679 = arith.constant 64 : index
        %swap3A_680 = tpu.vector_load %arg12[%swap3A_677, %swap3A_678, %swap3A_679] {strides = array<i32>} : memref<8x20x128xf32, #tpu.memory_space<vmem>>, vector<1x1x16xf32>,
        %swap3A_681 = vector.shape_cast %swap3A_680 : vector<1x1x16xf32> to vector<16xf32>
        %swap3A_682 = vector.shape_cast %sub3A_675 : vector<16xf32> to vector<1x1x16xf32>
        tpu.vector_store %arg12[%swap3A_677, %swap3A_678, %swap3A_679], %swap3A_682 {strides = array<i32>} : memref<8x20x128xf32, #tpu.memory_space<vmem>>, vector<1x1x16xf32>,
        %mul3A_683 = arith.constant 20 : i32
        %mul3A_684 = arith.muli %scan3A_356, %mul3A_683 : i32
        %add3A_685 = arith.constant 14 : i32
        %add3A_686 = arith.addi %mul3A_684, %add3A_685 : i32
        %get3A_687 = arith.index_cast %add3A_686 : i32 to index
        %get3A_688 = arith.constant 0 : index
        %get3A_689 = tpu.vector_load %arg8[%get3A_687, %get3A_688] {strides = array<i32>} : memref<160x128xf32, #tpu.memory_space<vmem>>, vector<1x16xf32>,
        %get3A_690 = vector.shape_cast %get3A_689 : vector<1x16xf32> to vector<16xf32>
        %swap3A_691 = arith.constant 14 : i32
        %swap3A_692 = arith.index_cast %scan3A_356 : i32 to index
        %swap3A_693 = arith.index_cast %swap3A_691 : i32 to index
        %swap3A_694 = arith.constant 0 : index
        %swap3A_695 = tpu.vector_load %arg12[%swap3A_692, %swap3A_693, %swap3A_694] {strides = array<i32>} : memref<8x20x128xf32, #tpu.memory_space<vmem>>, vector<1x1x16xf32>,
        %swap3A_696 = vector.shape_cast %swap3A_695 : vector<1x1x16xf32> to vector<16xf32>
        %swap3A_697 = vector.shape_cast %get3A_360 : vector<16xf32> to vector<1x1x16xf32>
        tpu.vector_store %arg12[%swap3A_692, %swap3A_693, %swap3A_694], %swap3A_697 {strides = array<i32>} : memref<8x20x128xf32, #tpu.memory_space<vmem>>, vector<1x1x16xf32>,
        %sub3A_698 = arith.subf %get3A_690, %get3A_360 : vector<16xf32>
        %swap3A_699 = arith.constant 14 : i32
        %swap3A_700 = arith.index_cast %scan3A_356 : i32 to index
        %swap3A_701 = arith.index_cast %swap3A_699 : i32 to index
        %swap3A_702 = arith.constant 64 : index
        %swap3A_703 = tpu.vector_load %arg12[%swap3A_700, %swap3A_701, %swap3A_702] {strides = array<i32>} : memref<8x20x128xf32, #tpu.memory_space<vmem>>, vector<1x1x16xf32>,
        %swap3A_704 = vector.shape_cast %swap3A_703 : vector<1x1x16xf32> to vector<16xf32>
        %swap3A_705 = vector.shape_cast %sub3A_698 : vector<16xf32> to vector<1x1x16xf32>
        tpu.vector_store %arg12[%swap3A_700, %swap3A_701, %swap3A_702], %swap3A_705 {strides = array<i32>} : memref<8x20x128xf32, #tpu.memory_space<vmem>>, vector<1x1x16xf32>,
        %mul3A_706 = arith.constant 20 : i32
        %mul3A_707 = arith.muli %scan3A_356, %mul3A_706 : i32
        %add3A_708 = arith.constant 15 : i32
        %add3A_709 = arith.addi %mul3A_707, %add3A_708 : i32
        %get3A_710 = arith.index_cast %add3A_709 : i32 to index
        %get3A_711 = arith.constant 0 : index
        %get3A_712 = tpu.vector_load %arg8[%get3A_710, %get3A_711] {strides = array<i32>} : memref<160x128xf32, #tpu.memory_space<vmem>>, vector<1x16xf32>,
        %get3A_713 = vector.shape_cast %get3A_712 : vector<1x16xf32> to vector<16xf32>
        %swap3A_714 = arith.constant 15 : i32
        %swap3A_715 = arith.index_cast %scan3A_356 : i32 to index
        %swap3A_716 = arith.index_cast %swap3A_714 : i32 to index
        %swap3A_717 = arith.constant 0 : index
        %swap3A_718 = tpu.vector_load %arg12[%swap3A_715, %swap3A_716, %swap3A_717] {strides = array<i32>} : memref<8x20x128xf32, #tpu.memory_space<vmem>>, vector<1x1x16xf32>,
        %swap3A_719 = vector.shape_cast %swap3A_718 : vector<1x1x16xf32> to vector<16xf32>
        %swap3A_720 = vector.shape_cast %get3A_360 : vector<16xf32> to vector<1x1x16xf32>
        tpu.vector_store %arg12[%swap3A_715, %swap3A_716, %swap3A_717], %swap3A_720 {strides = array<i32>} : memref<8x20x128xf32, #tpu.memory_space<vmem>>, vector<1x1x16xf32>,
        %sub3A_721 = arith.subf %get3A_713, %get3A_360 : vector<16xf32>
        %swap3A_722 = arith.constant 15 : i32
        %swap3A_723 = arith.index_cast %scan3A_356 : i32 to index
        %swap3A_724 = arith.index_cast %swap3A_722 : i32 to index
        %swap3A_725 = arith.constant 64 : index
        %swap3A_726 = tpu.vector_load %arg12[%swap3A_723, %swap3A_724, %swap3A_725] {strides = array<i32>} : memref<8x20x128xf32, #tpu.memory_space<vmem>>, vector<1x1x16xf32>,
        %swap3A_727 = vector.shape_cast %swap3A_726 : vector<1x1x16xf32> to vector<16xf32>
        %swap3A_728 = vector.shape_cast %sub3A_721 : vector<16xf32> to vector<1x1x16xf32>
        tpu.vector_store %arg12[%swap3A_723, %swap3A_724, %swap3A_725], %swap3A_728 {strides = array<i32>} : memref<8x20x128xf32, #tpu.memory_space<vmem>>, vector<1x1x16xf32>,
        %mul3A_729 = arith.constant 20 : i32
        %mul3A_730 = arith.muli %scan3A_356, %mul3A_729 : i32
        %add3A_731 = arith.constant 16 : i32
        %add3A_732 = arith.addi %mul3A_730, %add3A_731 : i32
        %get3A_733 = arith.index_cast %add3A_732 : i32 to index
        %get3A_734 = arith.constant 0 : index
        %get3A_735 = tpu.vector_load %arg8[%get3A_733, %get3A_734] {strides = array<i32>} : memref<160x128xf32, #tpu.memory_space<vmem>>, vector<1x16xf32>,
        %get3A_736 = vector.shape_cast %get3A_735 : vector<1x16xf32> to vector<16xf32>
        %swap3A_737 = arith.constant 16 : i32
        %swap3A_738 = arith.index_cast %scan3A_356 : i32 to index
        %swap3A_739 = arith.index_cast %swap3A_737 : i32 to index
        %swap3A_740 = arith.constant 0 : index
        %swap3A_741 = tpu.vector_load %arg12[%swap3A_738, %swap3A_739, %swap3A_740] {strides = array<i32>} : memref<8x20x128xf32, #tpu.memory_space<vmem>>, vector<1x1x16xf32>,
        %swap3A_742 = vector.shape_cast %swap3A_741 : vector<1x1x16xf32> to vector<16xf32>
        %swap3A_743 = vector.shape_cast %get3A_360 : vector<16xf32> to vector<1x1x16xf32>
        tpu.vector_store %arg12[%swap3A_738, %swap3A_739, %swap3A_740], %swap3A_743 {strides = array<i32>} : memref<8x20x128xf32, #tpu.memory_space<vmem>>, vector<1x1x16xf32>,
        %sub3A_744 = arith.subf %get3A_736, %get3A_360 : vector<16xf32>
        %swap3A_745 = arith.constant 16 : i32
        %swap3A_746 = arith.index_cast %scan3A_356 : i32 to index
        %swap3A_747 = arith.index_cast %swap3A_745 : i32 to index
        %swap3A_748 = arith.constant 64 : index
        %swap3A_749 = tpu.vector_load %arg12[%swap3A_746, %swap3A_747, %swap3A_748] {strides = array<i32>} : memref<8x20x128xf32, #tpu.memory_space<vmem>>, vector<1x1x16xf32>,
        %swap3A_750 = vector.shape_cast %swap3A_749 : vector<1x1x16xf32> to vector<16xf32>
        %swap3A_751 = vector.shape_cast %sub3A_744 : vector<16xf32> to vector<1x1x16xf32>
        tpu.vector_store %arg12[%swap3A_746, %swap3A_747, %swap3A_748], %swap3A_751 {strides = array<i32>} : memref<8x20x128xf32, #tpu.memory_space<vmem>>, vector<1x1x16xf32>,
        %mul3A_752 = arith.constant 20 : i32
        %mul3A_753 = arith.muli %scan3A_356, %mul3A_752 : i32
        %add3A_754 = arith.constant 17 : i32
        %add3A_755 = arith.addi %mul3A_753, %add3A_754 : i32
        %get3A_756 = arith.index_cast %add3A_755 : i32 to index
        %get3A_757 = arith.constant 0 : index
        %get3A_758 = tpu.vector_load %arg8[%get3A_756, %get3A_757] {strides = array<i32>} : memref<160x128xf32, #tpu.memory_space<vmem>>, vector<1x16xf32>,
        %get3A_759 = vector.shape_cast %get3A_758 : vector<1x16xf32> to vector<16xf32>
        %swap3A_760 = arith.constant 17 : i32
        %swap3A_761 = arith.index_cast %scan3A_356 : i32 to index
        %swap3A_762 = arith.index_cast %swap3A_760 : i32 to index
        %swap3A_763 = arith.constant 0 : index
        %swap3A_764 = tpu.vector_load %arg12[%swap3A_761, %swap3A_762, %swap3A_763] {strides = array<i32>} : memref<8x20x128xf32, #tpu.memory_space<vmem>>, vector<1x1x16xf32>,
        %swap3A_765 = vector.shape_cast %swap3A_764 : vector<1x1x16xf32> to vector<16xf32>
        %swap3A_766 = vector.shape_cast %get3A_360 : vector<16xf32> to vector<1x1x16xf32>
        tpu.vector_store %arg12[%swap3A_761, %swap3A_762, %swap3A_763], %swap3A_766 {strides = array<i32>} : memref<8x20x128xf32, #tpu.memory_space<vmem>>, vector<1x1x16xf32>,
        %sub3A_767 = arith.subf %get3A_759, %get3A_360 : vector<16xf32>
        %swap3A_768 = arith.constant 17 : i32
        %swap3A_769 = arith.index_cast %scan3A_356 : i32 to index
        %swap3A_770 = arith.index_cast %swap3A_768 : i32 to index
        %swap3A_771 = arith.constant 64 : index
        %swap3A_772 = tpu.vector_load %arg12[%swap3A_769, %swap3A_770, %swap3A_771] {strides = array<i32>} : memref<8x20x128xf32, #tpu.memory_space<vmem>>, vector<1x1x16xf32>,
        %swap3A_773 = vector.shape_cast %swap3A_772 : vector<1x1x16xf32> to vector<16xf32>
        %swap3A_774 = vector.shape_cast %sub3A_767 : vector<16xf32> to vector<1x1x16xf32>
        tpu.vector_store %arg12[%swap3A_769, %swap3A_770, %swap3A_771], %swap3A_774 {strides = array<i32>} : memref<8x20x128xf32, #tpu.memory_space<vmem>>, vector<1x1x16xf32>,
        %mul3A_775 = arith.constant 20 : i32
        %mul3A_776 = arith.muli %scan3A_356, %mul3A_775 : i32
        %add3A_777 = arith.constant 18 : i32
        %add3A_778 = arith.addi %mul3A_776, %add3A_777 : i32
        %get3A_779 = arith.index_cast %add3A_778 : i32 to index
        %get3A_780 = arith.constant 0 : index
        %get3A_781 = tpu.vector_load %arg8[%get3A_779, %get3A_780] {strides = array<i32>} : memref<160x128xf32, #tpu.memory_space<vmem>>, vector<1x16xf32>,
        %get3A_782 = vector.shape_cast %get3A_781 : vector<1x16xf32> to vector<16xf32>
        %swap3A_783 = arith.constant 18 : i32
        %swap3A_784 = arith.index_cast %scan3A_356 : i32 to index
        %swap3A_785 = arith.index_cast %swap3A_783 : i32 to index
        %swap3A_786 = arith.constant 0 : index
        %swap3A_787 = tpu.vector_load %arg12[%swap3A_784, %swap3A_785, %swap3A_786] {strides = array<i32>} : memref<8x20x128xf32, #tpu.memory_space<vmem>>, vector<1x1x16xf32>,
        %swap3A_788 = vector.shape_cast %swap3A_787 : vector<1x1x16xf32> to vector<16xf32>
        %swap3A_789 = vector.shape_cast %get3A_360 : vector<16xf32> to vector<1x1x16xf32>
        tpu.vector_store %arg12[%swap3A_784, %swap3A_785, %swap3A_786], %swap3A_789 {strides = array<i32>} : memref<8x20x128xf32, #tpu.memory_space<vmem>>, vector<1x1x16xf32>,
        %sub3A_790 = arith.subf %get3A_782, %get3A_360 : vector<16xf32>
        %swap3A_791 = arith.constant 18 : i32
        %swap3A_792 = arith.index_cast %scan3A_356 : i32 to index
        %swap3A_793 = arith.index_cast %swap3A_791 : i32 to index
        %swap3A_794 = arith.constant 64 : index
        %swap3A_795 = tpu.vector_load %arg12[%swap3A_792, %swap3A_793, %swap3A_794] {strides = array<i32>} : memref<8x20x128xf32, #tpu.memory_space<vmem>>, vector<1x1x16xf32>,
        %swap3A_796 = vector.shape_cast %swap3A_795 : vector<1x1x16xf32> to vector<16xf32>
        %swap3A_797 = vector.shape_cast %sub3A_790 : vector<16xf32> to vector<1x1x16xf32>
        tpu.vector_store %arg12[%swap3A_792, %swap3A_793, %swap3A_794], %swap3A_797 {strides = array<i32>} : memref<8x20x128xf32, #tpu.memory_space<vmem>>, vector<1x1x16xf32>,
        %mul3A_798 = arith.constant 20 : i32
        %mul3A_799 = arith.muli %scan3A_356, %mul3A_798 : i32
        %add3A_800 = arith.constant 19 : i32
        %add3A_801 = arith.addi %mul3A_799, %add3A_800 : i32
        %get3A_802 = arith.index_cast %add3A_801 : i32 to index
        %get3A_803 = arith.constant 0 : index
        %get3A_804 = tpu.vector_load %arg8[%get3A_802, %get3A_803] {strides = array<i32>} : memref<160x128xf32, #tpu.memory_space<vmem>>, vector<1x16xf32>,
        %get3A_805 = vector.shape_cast %get3A_804 : vector<1x16xf32> to vector<16xf32>
        %swap3A_806 = arith.constant 19 : i32
        %swap3A_807 = arith.index_cast %scan3A_356 : i32 to index
        %swap3A_808 = arith.index_cast %swap3A_806 : i32 to index
        %swap3A_809 = arith.constant 0 : index
        %swap3A_810 = tpu.vector_load %arg12[%swap3A_807, %swap3A_808, %swap3A_809] {strides = array<i32>} : memref<8x20x128xf32, #tpu.memory_space<vmem>>, vector<1x1x16xf32>,
        %swap3A_811 = vector.shape_cast %swap3A_810 : vector<1x1x16xf32> to vector<16xf32>
        %swap3A_812 = vector.shape_cast %get3A_360 : vector<16xf32> to vector<1x1x16xf32>
        tpu.vector_store %arg12[%swap3A_807, %swap3A_808, %swap3A_809], %swap3A_812 {strides = array<i32>} : memref<8x20x128xf32, #tpu.memory_space<vmem>>, vector<1x1x16xf32>,
        %sub3A_813 = arith.subf %get3A_805, %get3A_360 : vector<16xf32>
        %swap3A_814 = arith.constant 19 : i32
        %swap3A_815 = arith.index_cast %scan3A_356 : i32 to index
        %swap3A_816 = arith.index_cast %swap3A_814 : i32 to index
        %swap3A_817 = arith.constant 64 : index
        %swap3A_818 = tpu.vector_load %arg12[%swap3A_815, %swap3A_816, %swap3A_817] {strides = array<i32>} : memref<8x20x128xf32, #tpu.memory_space<vmem>>, vector<1x1x16xf32>,
        %swap3A_819 = vector.shape_cast %swap3A_818 : vector<1x1x16xf32> to vector<16xf32>
        %swap3A_820 = vector.shape_cast %sub3A_813 : vector<16xf32> to vector<1x1x16xf32>
        tpu.vector_store %arg12[%swap3A_815, %swap3A_816, %swap3A_817], %swap3A_820 {strides = array<i32>} : memref<8x20x128xf32, #tpu.memory_space<vmem>>, vector<1x1x16xf32>,
        %get3A_821 = arith.index_cast %scan3A_356 : i32 to index
        %get3A_822 = arith.constant 16 : index
        %get3A_823 = tpu.vector_load %arg10[%get3A_821, %get3A_822] {strides = array<i32>} : memref<8x128xf32, #tpu.memory_space<vmem>>, vector<1x16xf32>,
        %get3A_824 = vector.shape_cast %get3A_823 : vector<1x16xf32> to vector<16xf32>
        %mul3A_825 = arith.constant 20 : i32
        %mul3A_826 = arith.muli %scan3A_356, %mul3A_825 : i32
        %add3A_827 = arith.constant 0 : i32
        %add3A_828 = arith.addi %mul3A_826, %add3A_827 : i32
        %get3A_829 = arith.index_cast %add3A_828 : i32 to index
        %get3A_830 = arith.constant 16 : index
        %get3A_831 = tpu.vector_load %arg8[%get3A_829, %get3A_830] {strides = array<i32>} : memref<160x128xf32, #tpu.memory_space<vmem>>, vector<1x16xf32>,
        %get3A_832 = vector.shape_cast %get3A_831 : vector<1x16xf32> to vector<16xf32>
        %swap3A_833 = arith.constant 0 : i32
        %swap3A_834 = arith.index_cast %scan3A_356 : i32 to index
        %swap3A_835 = arith.index_cast %swap3A_833 : i32 to index
        %swap3A_836 = arith.constant 16 : index
        %swap3A_837 = tpu.vector_load %arg12[%swap3A_834, %swap3A_835, %swap3A_836] {strides = array<i32>} : memref<8x20x128xf32, #tpu.memory_space<vmem>>, vector<1x1x16xf32>,
        %swap3A_838 = vector.shape_cast %swap3A_837 : vector<1x1x16xf32> to vector<16xf32>
        %swap3A_839 = vector.shape_cast %get3A_824 : vector<16xf32> to vector<1x1x16xf32>
        tpu.vector_store %arg12[%swap3A_834, %swap3A_835, %swap3A_836], %swap3A_839 {strides = array<i32>} : memref<8x20x128xf32, #tpu.memory_space<vmem>>, vector<1x1x16xf32>,
        %sub3A_840 = arith.subf %get3A_832, %get3A_824 : vector<16xf32>
        %swap3A_841 = arith.constant 0 : i32
        %swap3A_842 = arith.index_cast %scan3A_356 : i32 to index
        %swap3A_843 = arith.index_cast %swap3A_841 : i32 to index
        %swap3A_844 = arith.constant 80 : index
        %swap3A_845 = tpu.vector_load %arg12[%swap3A_842, %swap3A_843, %swap3A_844] {strides = array<i32>} : memref<8x20x128xf32, #tpu.memory_space<vmem>>, vector<1x1x16xf32>,
        %swap3A_846 = vector.shape_cast %swap3A_845 : vector<1x1x16xf32> to vector<16xf32>
        %swap3A_847 = vector.shape_cast %sub3A_840 : vector<16xf32> to vector<1x1x16xf32>
        tpu.vector_store %arg12[%swap3A_842, %swap3A_843, %swap3A_844], %swap3A_847 {strides = array<i32>} : memref<8x20x128xf32, #tpu.memory_space<vmem>>, vector<1x1x16xf32>,
        %mul3A_848 = arith.constant 20 : i32
        %mul3A_849 = arith.muli %scan3A_356, %mul3A_848 : i32
        %add3A_850 = arith.constant 1 : i32
        %add3A_851 = arith.addi %mul3A_849, %add3A_850 : i32
        %get3A_852 = arith.index_cast %add3A_851 : i32 to index
        %get3A_853 = arith.constant 16 : index
        %get3A_854 = tpu.vector_load %arg8[%get3A_852, %get3A_853] {strides = array<i32>} : memref<160x128xf32, #tpu.memory_space<vmem>>, vector<1x16xf32>,
        %get3A_855 = vector.shape_cast %get3A_854 : vector<1x16xf32> to vector<16xf32>
        %swap3A_856 = arith.constant 1 : i32
        %swap3A_857 = arith.index_cast %scan3A_356 : i32 to index
        %swap3A_858 = arith.index_cast %swap3A_856 : i32 to index
        %swap3A_859 = arith.constant 16 : index
        %swap3A_860 = tpu.vector_load %arg12[%swap3A_857, %swap3A_858, %swap3A_859] {strides = array<i32>} : memref<8x20x128xf32, #tpu.memory_space<vmem>>, vector<1x1x16xf32>,
        %swap3A_861 = vector.shape_cast %swap3A_860 : vector<1x1x16xf32> to vector<16xf32>
        %swap3A_862 = vector.shape_cast %get3A_824 : vector<16xf32> to vector<1x1x16xf32>
        tpu.vector_store %arg12[%swap3A_857, %swap3A_858, %swap3A_859], %swap3A_862 {strides = array<i32>} : memref<8x20x128xf32, #tpu.memory_space<vmem>>, vector<1x1x16xf32>,
        %sub3A_863 = arith.subf %get3A_855, %get3A_824 : vector<16xf32>
        %swap3A_864 = arith.constant 1 : i32
        %swap3A_865 = arith.index_cast %scan3A_356 : i32 to index
        %swap3A_866 = arith.index_cast %swap3A_864 : i32 to index
        %swap3A_867 = arith.constant 80 : index
        %swap3A_868 = tpu.vector_load %arg12[%swap3A_865, %swap3A_866, %swap3A_867] {strides = array<i32>} : memref<8x20x128xf32, #tpu.memory_space<vmem>>, vector<1x1x16xf32>,
        %swap3A_869 = vector.shape_cast %swap3A_868 : vector<1x1x16xf32> to vector<16xf32>
        %swap3A_870 = vector.shape_cast %sub3A_863 : vector<16xf32> to vector<1x1x16xf32>
        tpu.vector_store %arg12[%swap3A_865, %swap3A_866, %swap3A_867], %swap3A_870 {strides = array<i32>} : memref<8x20x128xf32, #tpu.memory_space<vmem>>, vector<1x1x16xf32>,
        %mul3A_871 = arith.constant 20 : i32
        %mul3A_872 = arith.muli %scan3A_356, %mul3A_871 : i32
        %add3A_873 = arith.constant 2 : i32
        %add3A_874 = arith.addi %mul3A_872, %add3A_873 : i32
        %get3A_875 = arith.index_cast %add3A_874 : i32 to index
        %get3A_876 = arith.constant 16 : index
        %get3A_877 = tpu.vector_load %arg8[%get3A_875, %get3A_876] {strides = array<i32>} : memref<160x128xf32, #tpu.memory_space<vmem>>, vector<1x16xf32>,
        %get3A_878 = vector.shape_cast %get3A_877 : vector<1x16xf32> to vector<16xf32>
        %swap3A_879 = arith.constant 2 : i32
        %swap3A_880 = arith.index_cast %scan3A_356 : i32 to index
        %swap3A_881 = arith.index_cast %swap3A_879 : i32 to index
        %swap3A_882 = arith.constant 16 : index
        %swap3A_883 = tpu.vector_load %arg12[%swap3A_880, %swap3A_881, %swap3A_882] {strides = array<i32>} : memref<8x20x128xf32, #tpu.memory_space<vmem>>, vector<1x1x16xf32>,
        %swap3A_884 = vector.shape_cast %swap3A_883 : vector<1x1x16xf32> to vector<16xf32>
        %swap3A_885 = vector.shape_cast %get3A_824 : vector<16xf32> to vector<1x1x16xf32>
        tpu.vector_store %arg12[%swap3A_880, %swap3A_881, %swap3A_882], %swap3A_885 {strides = array<i32>} : memref<8x20x128xf32, #tpu.memory_space<vmem>>, vector<1x1x16xf32>,
        %sub3A_886 = arith.subf %get3A_878, %get3A_824 : vector<16xf32>
        %swap3A_887 = arith.constant 2 : i32
        %swap3A_888 = arith.index_cast %scan3A_356 : i32 to index
        %swap3A_889 = arith.index_cast %swap3A_887 : i32 to index
        %swap3A_890 = arith.constant 80 : index
        %swap3A_891 = tpu.vector_load %arg12[%swap3A_888, %swap3A_889, %swap3A_890] {strides = array<i32>} : memref<8x20x128xf32, #tpu.memory_space<vmem>>, vector<1x1x16xf32>,
        %swap3A_892 = vector.shape_cast %swap3A_891 : vector<1x1x16xf32> to vector<16xf32>
        %swap3A_893 = vector.shape_cast %sub3A_886 : vector<16xf32> to vector<1x1x16xf32>
        tpu.vector_store %arg12[%swap3A_888, %swap3A_889, %swap3A_890], %swap3A_893 {strides = array<i32>} : memref<8x20x128xf32, #tpu.memory_space<vmem>>, vector<1x1x16xf32>,
        %mul3A_894 = arith.constant 20 : i32
        %mul3A_895 = arith.muli %scan3A_356, %mul3A_894 : i32
        %add3A_896 = arith.constant 3 : i32
        %add3A_897 = arith.addi %mul3A_895, %add3A_896 : i32
        %get3A_898 = arith.index_cast %add3A_897 : i32 to index
        %get3A_899 = arith.constant 16 : index
        %get3A_900 = tpu.vector_load %arg8[%get3A_898, %get3A_899] {strides = array<i32>} : memref<160x128xf32, #tpu.memory_space<vmem>>, vector<1x16xf32>,
        %get3A_901 = vector.shape_cast %get3A_900 : vector<1x16xf32> to vector<16xf32>
        %swap3A_902 = arith.constant 3 : i32
        %swap3A_903 = arith.index_cast %scan3A_356 : i32 to index
        %swap3A_904 = arith.index_cast %swap3A_902 : i32 to index
        %swap3A_905 = arith.constant 16 : index
        %swap3A_906 = tpu.vector_load %arg12[%swap3A_903, %swap3A_904, %swap3A_905] {strides = array<i32>} : memref<8x20x128xf32, #tpu.memory_space<vmem>>, vector<1x1x16xf32>,
        %swap3A_907 = vector.shape_cast %swap3A_906 : vector<1x1x16xf32> to vector<16xf32>
        %swap3A_908 = vector.shape_cast %get3A_824 : vector<16xf32> to vector<1x1x16xf32>
        tpu.vector_store %arg12[%swap3A_903, %swap3A_904, %swap3A_905], %swap3A_908 {strides = array<i32>} : memref<8x20x128xf32, #tpu.memory_space<vmem>>, vector<1x1x16xf32>,
        %sub3A_909 = arith.subf %get3A_901, %get3A_824 : vector<16xf32>
        %swap3A_910 = arith.constant 3 : i32
        %swap3A_911 = arith.index_cast %scan3A_356 : i32 to index
        %swap3A_912 = arith.index_cast %swap3A_910 : i32 to index
        %swap3A_913 = arith.constant 80 : index
        %swap3A_914 = tpu.vector_load %arg12[%swap3A_911, %swap3A_912, %swap3A_913] {strides = array<i32>} : memref<8x20x128xf32, #tpu.memory_space<vmem>>, vector<1x1x16xf32>,
        %swap3A_915 = vector.shape_cast %swap3A_914 : vector<1x1x16xf32> to vector<16xf32>
        %swap3A_916 = vector.shape_cast %sub3A_909 : vector<16xf32> to vector<1x1x16xf32>
        tpu.vector_store %arg12[%swap3A_911, %swap3A_912, %swap3A_913], %swap3A_916 {strides = array<i32>} : memref<8x20x128xf32, #tpu.memory_space<vmem>>, vector<1x1x16xf32>,
        %mul3A_917 = arith.constant 20 : i32
        %mul3A_918 = arith.muli %scan3A_356, %mul3A_917 : i32
        %add3A_919 = arith.constant 4 : i32
        %add3A_920 = arith.addi %mul3A_918, %add3A_919 : i32
        %get3A_921 = arith.index_cast %add3A_920 : i32 to index
        %get3A_922 = arith.constant 16 : index
        %get3A_923 = tpu.vector_load %arg8[%get3A_921, %get3A_922] {strides = array<i32>} : memref<160x128xf32, #tpu.memory_space<vmem>>, vector<1x16xf32>,
        %get3A_924 = vector.shape_cast %get3A_923 : vector<1x16xf32> to vector<16xf32>
        %swap3A_925 = arith.constant 4 : i32
        %swap3A_926 = arith.index_cast %scan3A_356 : i32 to index
        %swap3A_927 = arith.index_cast %swap3A_925 : i32 to index
        %swap3A_928 = arith.constant 16 : index
        %swap3A_929 = tpu.vector_load %arg12[%swap3A_926, %swap3A_927, %swap3A_928] {strides = array<i32>} : memref<8x20x128xf32, #tpu.memory_space<vmem>>, vector<1x1x16xf32>,
        %swap3A_930 = vector.shape_cast %swap3A_929 : vector<1x1x16xf32> to vector<16xf32>
        %swap3A_931 = vector.shape_cast %get3A_824 : vector<16xf32> to vector<1x1x16xf32>
        tpu.vector_store %arg12[%swap3A_926, %swap3A_927, %swap3A_928], %swap3A_931 {strides = array<i32>} : memref<8x20x128xf32, #tpu.memory_space<vmem>>, vector<1x1x16xf32>,
        %sub3A_932 = arith.subf %get3A_924, %get3A_824 : vector<16xf32>
        %swap3A_933 = arith.constant 4 : i32
        %swap3A_934 = arith.index_cast %scan3A_356 : i32 to index
        %swap3A_935 = arith.index_cast %swap3A_933 : i32 to index
        %swap3A_936 = arith.constant 80 : index
        %swap3A_937 = tpu.vector_load %arg12[%swap3A_934, %swap3A_935, %swap3A_936] {strides = array<i32>} : memref<8x20x128xf32, #tpu.memory_space<vmem>>, vector<1x1x16xf32>,
        %swap3A_938 = vector.shape_cast %swap3A_937 : vector<1x1x16xf32> to vector<16xf32>
        %swap3A_939 = vector.shape_cast %sub3A_932 : vector<16xf32> to vector<1x1x16xf32>
        tpu.vector_store %arg12[%swap3A_934, %swap3A_935, %swap3A_936], %swap3A_939 {strides = array<i32>} : memref<8x20x128xf32, #tpu.memory_space<vmem>>, vector<1x1x16xf32>,
        %mul3A_940 = arith.constant 20 : i32
        %mul3A_941 = arith.muli %scan3A_356, %mul3A_940 : i32
        %add3A_942 = arith.constant 5 : i32
        %add3A_943 = arith.addi %mul3A_941, %add3A_942 : i32
        %get3A_944 = arith.index_cast %add3A_943 : i32 to index
        %get3A_945 = arith.constant 16 : index
        %get3A_946 = tpu.vector_load %arg8[%get3A_944, %get3A_945] {strides = array<i32>} : memref<160x128xf32, #tpu.memory_space<vmem>>, vector<1x16xf32>,
        %get3A_947 = vector.shape_cast %get3A_946 : vector<1x16xf32> to vector<16xf32>
        %swap3A_948 = arith.constant 5 : i32
        %swap3A_949 = arith.index_cast %scan3A_356 : i32 to index
        %swap3A_950 = arith.index_cast %swap3A_948 : i32 to index
        %swap3A_951 = arith.constant 16 : index
        %swap3A_952 = tpu.vector_load %arg12[%swap3A_949, %swap3A_950, %swap3A_951] {strides = array<i32>} : memref<8x20x128xf32, #tpu.memory_space<vmem>>, vector<1x1x16xf32>,
        %swap3A_953 = vector.shape_cast %swap3A_952 : vector<1x1x16xf32> to vector<16xf32>
        %swap3A_954 = vector.shape_cast %get3A_824 : vector<16xf32> to vector<1x1x16xf32>
        tpu.vector_store %arg12[%swap3A_949, %swap3A_950, %swap3A_951], %swap3A_954 {strides = array<i32>} : memref<8x20x128xf32, #tpu.memory_space<vmem>>, vector<1x1x16xf32>,
        %sub3A_955 = arith.subf %get3A_947, %get3A_824 : vector<16xf32>
        %swap3A_956 = arith.constant 5 : i32
        %swap3A_957 = arith.index_cast %scan3A_356 : i32 to index
        %swap3A_958 = arith.index_cast %swap3A_956 : i32 to index
        %swap3A_959 = arith.constant 80 : index
        %swap3A_960 = tpu.vector_load %arg12[%swap3A_957, %swap3A_958, %swap3A_959] {strides = array<i32>} : memref<8x20x128xf32, #tpu.memory_space<vmem>>, vector<1x1x16xf32>,
        %swap3A_961 = vector.shape_cast %swap3A_960 : vector<1x1x16xf32> to vector<16xf32>
        %swap3A_962 = vector.shape_cast %sub3A_955 : vector<16xf32> to vector<1x1x16xf32>
        tpu.vector_store %arg12[%swap3A_957, %swap3A_958, %swap3A_959], %swap3A_962 {strides = array<i32>} : memref<8x20x128xf32, #tpu.memory_space<vmem>>, vector<1x1x16xf32>,
        %mul3A_963 = arith.constant 20 : i32
        %mul3A_964 = arith.muli %scan3A_356, %mul3A_963 : i32
        %add3A_965 = arith.constant 6 : i32
        %add3A_966 = arith.addi %mul3A_964, %add3A_965 : i32
        %get3A_967 = arith.index_cast %add3A_966 : i32 to index
        %get3A_968 = arith.constant 16 : index
        %get3A_969 = tpu.vector_load %arg8[%get3A_967, %get3A_968] {strides = array<i32>} : memref<160x128xf32, #tpu.memory_space<vmem>>, vector<1x16xf32>,
        %get3A_970 = vector.shape_cast %get3A_969 : vector<1x16xf32> to vector<16xf32>
        %swap3A_971 = arith.constant 6 : i32
        %swap3A_972 = arith.index_cast %scan3A_356 : i32 to index
        %swap3A_973 = arith.index_cast %swap3A_971 : i32 to index
        %swap3A_974 = arith.constant 16 : index
        %swap3A_975 = tpu.vector_load %arg12[%swap3A_972, %swap3A_973, %swap3A_974] {strides = array<i32>} : memref<8x20x128xf32, #tpu.memory_space<vmem>>, vector<1x1x16xf32>,
        %swap3A_976 = vector.shape_cast %swap3A_975 : vector<1x1x16xf32> to vector<16xf32>
        %swap3A_977 = vector.shape_cast %get3A_824 : vector<16xf32> to vector<1x1x16xf32>
        tpu.vector_store %arg12[%swap3A_972, %swap3A_973, %swap3A_974], %swap3A_977 {strides = array<i32>} : memref<8x20x128xf32, #tpu.memory_space<vmem>>, vector<1x1x16xf32>,
        %sub3A_978 = arith.subf %get3A_970, %get3A_824 : vector<16xf32>
        %swap3A_979 = arith.constant 6 : i32
        %swap3A_980 = arith.index_cast %scan3A_356 : i32 to index
        %swap3A_981 = arith.index_cast %swap3A_979 : i32 to index
        %swap3A_982 = arith.constant 80 : index
        %swap3A_983 = tpu.vector_load %arg12[%swap3A_980, %swap3A_981, %swap3A_982] {strides = array<i32>} : memref<8x20x128xf32, #tpu.memory_space<vmem>>, vector<1x1x16xf32>,
        %swap3A_984 = vector.shape_cast %swap3A_983 : vector<1x1x16xf32> to vector<16xf32>
        %swap3A_985 = vector.shape_cast %sub3A_978 : vector<16xf32> to vector<1x1x16xf32>
        tpu.vector_store %arg12[%swap3A_980, %swap3A_981, %swap3A_982], %swap3A_985 {strides = array<i32>} : memref<8x20x128xf32, #tpu.memory_space<vmem>>, vector<1x1x16xf32>,
        %mul3A_986 = arith.constant 20 : i32
        %mul3A_987 = arith.muli %scan3A_356, %mul3A_986 : i32
        %add3A_988 = arith.constant 7 : i32
        %add3A_989 = arith.addi %mul3A_987, %add3A_988 : i32
        %get3A_990 = arith.index_cast %add3A_989 : i32 to index
        %get3A_991 = arith.constant 16 : index
        %get3A_992 = tpu.vector_load %arg8[%get3A_990, %get3A_991] {strides = array<i32>} : memref<160x128xf32, #tpu.memory_space<vmem>>, vector<1x16xf32>,
        %get3A_993 = vector.shape_cast %get3A_992 : vector<1x16xf32> to vector<16xf32>
        %swap3A_994 = arith.constant 7 : i32
        %swap3A_995 = arith.index_cast %scan3A_356 : i32 to index
        %swap3A_996 = arith.index_cast %swap3A_994 : i32 to index
        %swap3A_997 = arith.constant 16 : index
        %swap3A_998 = tpu.vector_load %arg12[%swap3A_995, %swap3A_996, %swap3A_997] {strides = array<i32>} : memref<8x20x128xf32, #tpu.memory_space<vmem>>, vector<1x1x16xf32>,
        %swap3A_999 = vector.shape_cast %swap3A_998 : vector<1x1x16xf32> to vector<16xf32>
        %swap3A_1000 = vector.shape_cast %get3A_824 : vector<16xf32> to vector<1x1x16xf32>
        tpu.vector_store %arg12[%swap3A_995, %swap3A_996, %swap3A_997], %swap3A_1000 {strides = array<i32>} : memref<8x20x128xf32, #tpu.memory_space<vmem>>, vector<1x1x16xf32>,
        %sub3A_1001 = arith.subf %get3A_993, %get3A_824 : vector<16xf32>
        %swap3A_1002 = arith.constant 7 : i32
        %swap3A_1003 = arith.index_cast %scan3A_356 : i32 to index
        %swap3A_1004 = arith.index_cast %swap3A_1002 : i32 to index
        %swap3A_1005 = arith.constant 80 : index
        %swap3A_1006 = tpu.vector_load %arg12[%swap3A_1003, %swap3A_1004, %swap3A_1005] {strides = array<i32>} : memref<8x20x128xf32, #tpu.memory_space<vmem>>, vector<1x1x16xf32>,
        %swap3A_1007 = vector.shape_cast %swap3A_1006 : vector<1x1x16xf32> to vector<16xf32>
        %swap3A_1008 = vector.shape_cast %sub3A_1001 : vector<16xf32> to vector<1x1x16xf32>
        tpu.vector_store %arg12[%swap3A_1003, %swap3A_1004, %swap3A_1005], %swap3A_1008 {strides = array<i32>} : memref<8x20x128xf32, #tpu.memory_space<vmem>>, vector<1x1x16xf32>,
        %mul3A_1009 = arith.constant 20 : i32
        %mul3A_1010 = arith.muli %scan3A_356, %mul3A_1009 : i32
        %add3A_1011 = arith.constant 8 : i32
        %add3A_1012 = arith.addi %mul3A_1010, %add3A_1011 : i32
        %get3A_1013 = arith.index_cast %add3A_1012 : i32 to index
        %get3A_1014 = arith.constant 16 : index
        %get3A_1015 = tpu.vector_load %arg8[%get3A_1013, %get3A_1014] {strides = array<i32>} : memref<160x128xf32, #tpu.memory_space<vmem>>, vector<1x16xf32>,
        %get3A_1016 = vector.shape_cast %get3A_1015 : vector<1x16xf32> to vector<16xf32>
        %swap3A_1017 = arith.constant 8 : i32
        %swap3A_1018 = arith.index_cast %scan3A_356 : i32 to index
        %swap3A_1019 = arith.index_cast %swap3A_1017 : i32 to index
        %swap3A_1020 = arith.constant 16 : index
        %swap3A_1021 = tpu.vector_load %arg12[%swap3A_1018, %swap3A_1019, %swap3A_1020] {strides = array<i32>} : memref<8x20x128xf32, #tpu.memory_space<vmem>>, vector<1x1x16xf32>,
        %swap3A_1022 = vector.shape_cast %swap3A_1021 : vector<1x1x16xf32> to vector<16xf32>
        %swap3A_1023 = vector.shape_cast %get3A_824 : vector<16xf32> to vector<1x1x16xf32>
        tpu.vector_store %arg12[%swap3A_1018, %swap3A_1019, %swap3A_1020], %swap3A_1023 {strides = array<i32>} : memref<8x20x128xf32, #tpu.memory_space<vmem>>, vector<1x1x16xf32>,
        %sub3A_1024 = arith.subf %get3A_1016, %get3A_824 : vector<16xf32>
        %swap3A_1025 = arith.constant 8 : i32
        %swap3A_1026 = arith.index_cast %scan3A_356 : i32 to index
        %swap3A_1027 = arith.index_cast %swap3A_1025 : i32 to index
        %swap3A_1028 = arith.constant 80 : index
        %swap3A_1029 = tpu.vector_load %arg12[%swap3A_1026, %swap3A_1027, %swap3A_1028] {strides = array<i32>} : memref<8x20x128xf32, #tpu.memory_space<vmem>>, vector<1x1x16xf32>,
        %swap3A_1030 = vector.shape_cast %swap3A_1029 : vector<1x1x16xf32> to vector<16xf32>
        %swap3A_1031 = vector.shape_cast %sub3A_1024 : vector<16xf32> to vector<1x1x16xf32>
        tpu.vector_store %arg12[%swap3A_1026, %swap3A_1027, %swap3A_1028], %swap3A_1031 {strides = array<i32>} : memref<8x20x128xf32, #tpu.memory_space<vmem>>, vector<1x1x16xf32>,
        %mul3A_1032 = arith.constant 20 : i32
        %mul3A_1033 = arith.muli %scan3A_356, %mul3A_1032 : i32
        %add3A_1034 = arith.constant 9 : i32
        %add3A_1035 = arith.addi %mul3A_1033, %add3A_1034 : i32
        %get3A_1036 = arith.index_cast %add3A_1035 : i32 to index
        %get3A_1037 = arith.constant 16 : index
        %get3A_1038 = tpu.vector_load %arg8[%get3A_1036, %get3A_1037] {strides = array<i32>} : memref<160x128xf32, #tpu.memory_space<vmem>>, vector<1x16xf32>,
        %get3A_1039 = vector.shape_cast %get3A_1038 : vector<1x16xf32> to vector<16xf32>
        %swap3A_1040 = arith.constant 9 : i32
        %swap3A_1041 = arith.index_cast %scan3A_356 : i32 to index
        %swap3A_1042 = arith.index_cast %swap3A_1040 : i32 to index
        %swap3A_1043 = arith.constant 16 : index
        %swap3A_1044 = tpu.vector_load %arg12[%swap3A_1041, %swap3A_1042, %swap3A_1043] {strides = array<i32>} : memref<8x20x128xf32, #tpu.memory_space<vmem>>, vector<1x1x16xf32>,
        %swap3A_1045 = vector.shape_cast %swap3A_1044 : vector<1x1x16xf32> to vector<16xf32>
        %swap3A_1046 = vector.shape_cast %get3A_824 : vector<16xf32> to vector<1x1x16xf32>
        tpu.vector_store %arg12[%swap3A_1041, %swap3A_1042, %swap3A_1043], %swap3A_1046 {strides = array<i32>} : memref<8x20x128xf32, #tpu.memory_space<vmem>>, vector<1x1x16xf32>,
        %sub3A_1047 = arith.subf %get3A_1039, %get3A_824 : vector<16xf32>
        %swap3A_1048 = arith.constant 9 : i32
        %swap3A_1049 = arith.index_cast %scan3A_356 : i32 to index
        %swap3A_1050 = arith.index_cast %swap3A_1048 : i32 to index
        %swap3A_1051 = arith.constant 80 : index
        %swap3A_1052 = tpu.vector_load %arg12[%swap3A_1049, %swap3A_1050, %swap3A_1051] {strides = array<i32>} : memref<8x20x128xf32, #tpu.memory_space<vmem>>, vector<1x1x16xf32>,
        %swap3A_1053 = vector.shape_cast %swap3A_1052 : vector<1x1x16xf32> to vector<16xf32>
        %swap3A_1054 = vector.shape_cast %sub3A_1047 : vector<16xf32> to vector<1x1x16xf32>
        tpu.vector_store %arg12[%swap3A_1049, %swap3A_1050, %swap3A_1051], %swap3A_1054 {strides = array<i32>} : memref<8x20x128xf32, #tpu.memory_space<vmem>>, vector<1x1x16xf32>,
        %mul3A_1055 = arith.constant 20 : i32
        %mul3A_1056 = arith.muli %scan3A_356, %mul3A_1055 : i32
        %add3A_1057 = arith.constant 10 : i32
        %add3A_1058 = arith.addi %mul3A_1056, %add3A_1057 : i32
        %get3A_1059 = arith.index_cast %add3A_1058 : i32 to index
        %get3A_1060 = arith.constant 16 : index
        %get3A_1061 = tpu.vector_load %arg8[%get3A_1059, %get3A_1060] {strides = array<i32>} : memref<160x128xf32, #tpu.memory_space<vmem>>, vector<1x16xf32>,
        %get3A_1062 = vector.shape_cast %get3A_1061 : vector<1x16xf32> to vector<16xf32>
        %swap3A_1063 = arith.constant 10 : i32
        %swap3A_1064 = arith.index_cast %scan3A_356 : i32 to index
        %swap3A_1065 = arith.index_cast %swap3A_1063 : i32 to index
        %swap3A_1066 = arith.constant 16 : index
        %swap3A_1067 = tpu.vector_load %arg12[%swap3A_1064, %swap3A_1065, %swap3A_1066] {strides = array<i32>} : memref<8x20x128xf32, #tpu.memory_space<vmem>>, vector<1x1x16xf32>,
        %swap3A_1068 = vector.shape_cast %swap3A_1067 : vector<1x1x16xf32> to vector<16xf32>
        %swap3A_1069 = vector.shape_cast %get3A_824 : vector<16xf32> to vector<1x1x16xf32>
        tpu.vector_store %arg12[%swap3A_1064, %swap3A_1065, %swap3A_1066], %swap3A_1069 {strides = array<i32>} : memref<8x20x128xf32, #tpu.memory_space<vmem>>, vector<1x1x16xf32>,
        %sub3A_1070 = arith.subf %get3A_1062, %get3A_824 : vector<16xf32>
        %swap3A_1071 = arith.constant 10 : i32
        %swap3A_1072 = arith.index_cast %scan3A_356 : i32 to index
        %swap3A_1073 = arith.index_cast %swap3A_1071 : i32 to index
        %swap3A_1074 = arith.constant 80 : index
        %swap3A_1075 = tpu.vector_load %arg12[%swap3A_1072, %swap3A_1073, %swap3A_1074] {strides = array<i32>} : memref<8x20x128xf32, #tpu.memory_space<vmem>>, vector<1x1x16xf32>,
        %swap3A_1076 = vector.shape_cast %swap3A_1075 : vector<1x1x16xf32> to vector<16xf32>
        %swap3A_1077 = vector.shape_cast %sub3A_1070 : vector<16xf32> to vector<1x1x16xf32>
        tpu.vector_store %arg12[%swap3A_1072, %swap3A_1073, %swap3A_1074], %swap3A_1077 {strides = array<i32>} : memref<8x20x128xf32, #tpu.memory_space<vmem>>, vector<1x1x16xf32>,
        %mul3A_1078 = arith.constant 20 : i32
        %mul3A_1079 = arith.muli %scan3A_356, %mul3A_1078 : i32
        %add3A_1080 = arith.constant 11 : i32
        %add3A_1081 = arith.addi %mul3A_1079, %add3A_1080 : i32
        %get3A_1082 = arith.index_cast %add3A_1081 : i32 to index
        %get3A_1083 = arith.constant 16 : index
        %get3A_1084 = tpu.vector_load %arg8[%get3A_1082, %get3A_1083] {strides = array<i32>} : memref<160x128xf32, #tpu.memory_space<vmem>>, vector<1x16xf32>,
        %get3A_1085 = vector.shape_cast %get3A_1084 : vector<1x16xf32> to vector<16xf32>
        %swap3A_1086 = arith.constant 11 : i32
        %swap3A_1087 = arith.index_cast %scan3A_356 : i32 to index
        %swap3A_1088 = arith.index_cast %swap3A_1086 : i32 to index
        %swap3A_1089 = arith.constant 16 : index
        %swap3A_1090 = tpu.vector_load %arg12[%swap3A_1087, %swap3A_1088, %swap3A_1089] {strides = array<i32>} : memref<8x20x128xf32, #tpu.memory_space<vmem>>, vector<1x1x16xf32>,
        %swap3A_1091 = vector.shape_cast %swap3A_1090 : vector<1x1x16xf32> to vector<16xf32>
        %swap3A_1092 = vector.shape_cast %get3A_824 : vector<16xf32> to vector<1x1x16xf32>
        tpu.vector_store %arg12[%swap3A_1087, %swap3A_1088, %swap3A_1089], %swap3A_1092 {strides = array<i32>} : memref<8x20x128xf32, #tpu.memory_space<vmem>>, vector<1x1x16xf32>,
        %sub3A_1093 = arith.subf %get3A_1085, %get3A_824 : vector<16xf32>
        %swap3A_1094 = arith.constant 11 : i32
        %swap3A_1095 = arith.index_cast %scan3A_356 : i32 to index
        %swap3A_1096 = arith.index_cast %swap3A_1094 : i32 to index
        %swap3A_1097 = arith.constant 80 : index
        %swap3A_1098 = tpu.vector_load %arg12[%swap3A_1095, %swap3A_1096, %swap3A_1097] {strides = array<i32>} : memref<8x20x128xf32, #tpu.memory_space<vmem>>, vector<1x1x16xf32>,
        %swap3A_1099 = vector.shape_cast %swap3A_1098 : vector<1x1x16xf32> to vector<16xf32>
        %swap3A_1100 = vector.shape_cast %sub3A_1093 : vector<16xf32> to vector<1x1x16xf32>
        tpu.vector_store %arg12[%swap3A_1095, %swap3A_1096, %swap3A_1097], %swap3A_1100 {strides = array<i32>} : memref<8x20x128xf32, #tpu.memory_space<vmem>>, vector<1x1x16xf32>,
        %mul3A_1101 = arith.constant 20 : i32
        %mul3A_1102 = arith.muli %scan3A_356, %mul3A_1101 : i32
        %add3A_1103 = arith.constant 12 : i32
        %add3A_1104 = arith.addi %mul3A_1102, %add3A_1103 : i32
        %get3A_1105 = arith.index_cast %add3A_1104 : i32 to index
        %get3A_1106 = arith.constant 16 : index
        %get3A_1107 = tpu.vector_load %arg8[%get3A_1105, %get3A_1106] {strides = array<i32>} : memref<160x128xf32, #tpu.memory_space<vmem>>, vector<1x16xf32>,
        %get3A_1108 = vector.shape_cast %get3A_1107 : vector<1x16xf32> to vector<16xf32>
        %swap3A_1109 = arith.constant 12 : i32
        %swap3A_1110 = arith.index_cast %scan3A_356 : i32 to index
        %swap3A_1111 = arith.index_cast %swap3A_1109 : i32 to index
        %swap3A_1112 = arith.constant 16 : index
        %swap3A_1113 = tpu.vector_load %arg12[%swap3A_1110, %swap3A_1111, %swap3A_1112] {strides = array<i32>} : memref<8x20x128xf32, #tpu.memory_space<vmem>>, vector<1x1x16xf32>,
        %swap3A_1114 = vector.shape_cast %swap3A_1113 : vector<1x1x16xf32> to vector<16xf32>
        %swap3A_1115 = vector.shape_cast %get3A_824 : vector<16xf32> to vector<1x1x16xf32>
        tpu.vector_store %arg12[%swap3A_1110, %swap3A_1111, %swap3A_1112], %swap3A_1115 {strides = array<i32>} : memref<8x20x128xf32, #tpu.memory_space<vmem>>, vector<1x1x16xf32>,
        %sub3A_1116 = arith.subf %get3A_1108, %get3A_824 : vector<16xf32>
        %swap3A_1117 = arith.constant 12 : i32
        %swap3A_1118 = arith.index_cast %scan3A_356 : i32 to index
        %swap3A_1119 = arith.index_cast %swap3A_1117 : i32 to index
        %swap3A_1120 = arith.constant 80 : index
        %swap3A_1121 = tpu.vector_load %arg12[%swap3A_1118, %swap3A_1119, %swap3A_1120] {strides = array<i32>} : memref<8x20x128xf32, #tpu.memory_space<vmem>>, vector<1x1x16xf32>,
        %swap3A_1122 = vector.shape_cast %swap3A_1121 : vector<1x1x16xf32> to vector<16xf32>
        %swap3A_1123 = vector.shape_cast %sub3A_1116 : vector<16xf32> to vector<1x1x16xf32>
        tpu.vector_store %arg12[%swap3A_1118, %swap3A_1119, %swap3A_1120], %swap3A_1123 {strides = array<i32>} : memref<8x20x128xf32, #tpu.memory_space<vmem>>, vector<1x1x16xf32>,
        %mul3A_1124 = arith.constant 20 : i32
        %mul3A_1125 = arith.muli %scan3A_356, %mul3A_1124 : i32
        %add3A_1126 = arith.constant 13 : i32
        %add3A_1127 = arith.addi %mul3A_1125, %add3A_1126 : i32
        %get3A_1128 = arith.index_cast %add3A_1127 : i32 to index
        %get3A_1129 = arith.constant 16 : index
        %get3A_1130 = tpu.vector_load %arg8[%get3A_1128, %get3A_1129] {strides = array<i32>} : memref<160x128xf32, #tpu.memory_space<vmem>>, vector<1x16xf32>,
        %get3A_1131 = vector.shape_cast %get3A_1130 : vector<1x16xf32> to vector<16xf32>
        %swap3A_1132 = arith.constant 13 : i32
        %swap3A_1133 = arith.index_cast %scan3A_356 : i32 to index
        %swap3A_1134 = arith.index_cast %swap3A_1132 : i32 to index
        %swap3A_1135 = arith.constant 16 : index
        %swap3A_1136 = tpu.vector_load %arg12[%swap3A_1133, %swap3A_1134, %swap3A_1135] {strides = array<i32>} : memref<8x20x128xf32, #tpu.memory_space<vmem>>, vector<1x1x16xf32>,
        %swap3A_1137 = vector.shape_cast %swap3A_1136 : vector<1x1x16xf32> to vector<16xf32>
        %swap3A_1138 = vector.shape_cast %get3A_824 : vector<16xf32> to vector<1x1x16xf32>
        tpu.vector_store %arg12[%swap3A_1133, %swap3A_1134, %swap3A_1135], %swap3A_1138 {strides = array<i32>} : memref<8x20x128xf32, #tpu.memory_space<vmem>>, vector<1x1x16xf32>,
        %sub3A_1139 = arith.subf %get3A_1131, %get3A_824 : vector<16xf32>
        %swap3A_1140 = arith.constant 13 : i32
        %swap3A_1141 = arith.index_cast %scan3A_356 : i32 to index
        %swap3A_1142 = arith.index_cast %swap3A_1140 : i32 to index
        %swap3A_1143 = arith.constant 80 : index
        %swap3A_1144 = tpu.vector_load %arg12[%swap3A_1141, %swap3A_1142, %swap3A_1143] {strides = array<i32>} : memref<8x20x128xf32, #tpu.memory_space<vmem>>, vector<1x1x16xf32>,
        %swap3A_1145 = vector.shape_cast %swap3A_1144 : vector<1x1x16xf32> to vector<16xf32>
        %swap3A_1146 = vector.shape_cast %sub3A_1139 : vector<16xf32> to vector<1x1x16xf32>
        tpu.vector_store %arg12[%swap3A_1141, %swap3A_1142, %swap3A_1143], %swap3A_1146 {strides = array<i32>} : memref<8x20x128xf32, #tpu.memory_space<vmem>>, vector<1x1x16xf32>,
        %mul3A_1147 = arith.constant 20 : i32
        %mul3A_1148 = arith.muli %scan3A_356, %mul3A_1147 : i32
        %add3A_1149 = arith.constant 14 : i32
        %add3A_1150 = arith.addi %mul3A_1148, %add3A_1149 : i32
        %get3A_1151 = arith.index_cast %add3A_1150 : i32 to index
        %get3A_1152 = arith.constant 16 : index
        %get3A_1153 = tpu.vector_load %arg8[%get3A_1151, %get3A_1152] {strides = array<i32>} : memref<160x128xf32, #tpu.memory_space<vmem>>, vector<1x16xf32>,
        %get3A_1154 = vector.shape_cast %get3A_1153 : vector<1x16xf32> to vector<16xf32>
        %swap3A_1155 = arith.constant 14 : i32
        %swap3A_1156 = arith.index_cast %scan3A_356 : i32 to index
        %swap3A_1157 = arith.index_cast %swap3A_1155 : i32 to index
        %swap3A_1158 = arith.constant 16 : index
        %swap3A_1159 = tpu.vector_load %arg12[%swap3A_1156, %swap3A_1157, %swap3A_1158] {strides = array<i32>} : memref<8x20x128xf32, #tpu.memory_space<vmem>>, vector<1x1x16xf32>,
        %swap3A_1160 = vector.shape_cast %swap3A_1159 : vector<1x1x16xf32> to vector<16xf32>
        %swap3A_1161 = vector.shape_cast %get3A_824 : vector<16xf32> to vector<1x1x16xf32>
        tpu.vector_store %arg12[%swap3A_1156, %swap3A_1157, %swap3A_1158], %swap3A_1161 {strides = array<i32>} : memref<8x20x128xf32, #tpu.memory_space<vmem>>, vector<1x1x16xf32>,
        %sub3A_1162 = arith.subf %get3A_1154, %get3A_824 : vector<16xf32>
        %swap3A_1163 = arith.constant 14 : i32
        %swap3A_1164 = arith.index_cast %scan3A_356 : i32 to index
        %swap3A_1165 = arith.index_cast %swap3A_1163 : i32 to index
        %swap3A_1166 = arith.constant 80 : index
        %swap3A_1167 = tpu.vector_load %arg12[%swap3A_1164, %swap3A_1165, %swap3A_1166] {strides = array<i32>} : memref<8x20x128xf32, #tpu.memory_space<vmem>>, vector<1x1x16xf32>,
        %swap3A_1168 = vector.shape_cast %swap3A_1167 : vector<1x1x16xf32> to vector<16xf32>
        %swap3A_1169 = vector.shape_cast %sub3A_1162 : vector<16xf32> to vector<1x1x16xf32>
        tpu.vector_store %arg12[%swap3A_1164, %swap3A_1165, %swap3A_1166], %swap3A_1169 {strides = array<i32>} : memref<8x20x128xf32, #tpu.memory_space<vmem>>, vector<1x1x16xf32>,
        %mul3A_1170 = arith.constant 20 : i32
        %mul3A_1171 = arith.muli %scan3A_356, %mul3A_1170 : i32
        %add3A_1172 = arith.constant 15 : i32
        %add3A_1173 = arith.addi %mul3A_1171, %add3A_1172 : i32
        %get3A_1174 = arith.index_cast %add3A_1173 : i32 to index
        %get3A_1175 = arith.constant 16 : index
        %get3A_1176 = tpu.vector_load %arg8[%get3A_1174, %get3A_1175] {strides = array<i32>} : memref<160x128xf32, #tpu.memory_space<vmem>>, vector<1x16xf32>,
        %get3A_1177 = vector.shape_cast %get3A_1176 : vector<1x16xf32> to vector<16xf32>
        %swap3A_1178 = arith.constant 15 : i32
        %swap3A_1179 = arith.index_cast %scan3A_356 : i32 to index
        %swap3A_1180 = arith.index_cast %swap3A_1178 : i32 to index
        %swap3A_1181 = arith.constant 16 : index
        %swap3A_1182 = tpu.vector_load %arg12[%swap3A_1179, %swap3A_1180, %swap3A_1181] {strides = array<i32>} : memref<8x20x128xf32, #tpu.memory_space<vmem>>, vector<1x1x16xf32>,
        %swap3A_1183 = vector.shape_cast %swap3A_1182 : vector<1x1x16xf32> to vector<16xf32>
        %swap3A_1184 = vector.shape_cast %get3A_824 : vector<16xf32> to vector<1x1x16xf32>
        tpu.vector_store %arg12[%swap3A_1179, %swap3A_1180, %swap3A_1181], %swap3A_1184 {strides = array<i32>} : memref<8x20x128xf32, #tpu.memory_space<vmem>>, vector<1x1x16xf32>,
        %sub3A_1185 = arith.subf %get3A_1177, %get3A_824 : vector<16xf32>
        %swap3A_1186 = arith.constant 15 : i32
        %swap3A_1187 = arith.index_cast %scan3A_356 : i32 to index
        %swap3A_1188 = arith.index_cast %swap3A_1186 : i32 to index
        %swap3A_1189 = arith.constant 80 : index
        %swap3A_1190 = tpu.vector_load %arg12[%swap3A_1187, %swap3A_1188, %swap3A_1189] {strides = array<i32>} : memref<8x20x128xf32, #tpu.memory_space<vmem>>, vector<1x1x16xf32>,
        %swap3A_1191 = vector.shape_cast %swap3A_1190 : vector<1x1x16xf32> to vector<16xf32>
        %swap3A_1192 = vector.shape_cast %sub3A_1185 : vector<16xf32> to vector<1x1x16xf32>
        tpu.vector_store %arg12[%swap3A_1187, %swap3A_1188, %swap3A_1189], %swap3A_1192 {strides = array<i32>} : memref<8x20x128xf32, #tpu.memory_space<vmem>>, vector<1x1x16xf32>,
        %mul3A_1193 = arith.constant 20 : i32
        %mul3A_1194 = arith.muli %scan3A_356, %mul3A_1193 : i32
        %add3A_1195 = arith.constant 16 : i32
        %add3A_1196 = arith.addi %mul3A_1194, %add3A_1195 : i32
        %get3A_1197 = arith.index_cast %add3A_1196 : i32 to index
        %get3A_1198 = arith.constant 16 : index
        %get3A_1199 = tpu.vector_load %arg8[%get3A_1197, %get3A_1198] {strides = array<i32>} : memref<160x128xf32, #tpu.memory_space<vmem>>, vector<1x16xf32>,
        %get3A_1200 = vector.shape_cast %get3A_1199 : vector<1x16xf32> to vector<16xf32>
        %swap3A_1201 = arith.constant 16 : i32
        %swap3A_1202 = arith.index_cast %scan3A_356 : i32 to index
        %swap3A_1203 = arith.index_cast %swap3A_1201 : i32 to index
        %swap3A_1204 = arith.constant 16 : index
        %swap3A_1205 = tpu.vector_load %arg12[%swap3A_1202, %swap3A_1203, %swap3A_1204] {strides = array<i32>} : memref<8x20x128xf32, #tpu.memory_space<vmem>>, vector<1x1x16xf32>,
        %swap3A_1206 = vector.shape_cast %swap3A_1205 : vector<1x1x16xf32> to vector<16xf32>
        %swap3A_1207 = vector.shape_cast %get3A_824 : vector<16xf32> to vector<1x1x16xf32>
        tpu.vector_store %arg12[%swap3A_1202, %swap3A_1203, %swap3A_1204], %swap3A_1207 {strides = array<i32>} : memref<8x20x128xf32, #tpu.memory_space<vmem>>, vector<1x1x16xf32>,
        %sub3A_1208 = arith.subf %get3A_1200, %get3A_824 : vector<16xf32>
        %swap3A_1209 = arith.constant 16 : i32
        %swap3A_1210 = arith.index_cast %scan3A_356 : i32 to index
        %swap3A_1211 = arith.index_cast %swap3A_1209 : i32 to index
        %swap3A_1212 = arith.constant 80 : index
        %swap3A_1213 = tpu.vector_load %arg12[%swap3A_1210, %swap3A_1211, %swap3A_1212] {strides = array<i32>} : memref<8x20x128xf32, #tpu.memory_space<vmem>>, vector<1x1x16xf32>,
        %swap3A_1214 = vector.shape_cast %swap3A_1213 : vector<1x1x16xf32> to vector<16xf32>
        %swap3A_1215 = vector.shape_cast %sub3A_1208 : vector<16xf32> to vector<1x1x16xf32>
        tpu.vector_store %arg12[%swap3A_1210, %swap3A_1211, %swap3A_1212], %swap3A_1215 {strides = array<i32>} : memref<8x20x128xf32, #tpu.memory_space<vmem>>, vector<1x1x16xf32>,
        %mul3A_1216 = arith.constant 20 : i32
        %mul3A_1217 = arith.muli %scan3A_356, %mul3A_1216 : i32
        %add3A_1218 = arith.constant 17 : i32
        %add3A_1219 = arith.addi %mul3A_1217, %add3A_1218 : i32
        %get3A_1220 = arith.index_cast %add3A_1219 : i32 to index
        %get3A_1221 = arith.constant 16 : index
        %get3A_1222 = tpu.vector_load %arg8[%get3A_1220, %get3A_1221] {strides = array<i32>} : memref<160x128xf32, #tpu.memory_space<vmem>>, vector<1x16xf32>,
        %get3A_1223 = vector.shape_cast %get3A_1222 : vector<1x16xf32> to vector<16xf32>
        %swap3A_1224 = arith.constant 17 : i32
        %swap3A_1225 = arith.index_cast %scan3A_356 : i32 to index
        %swap3A_1226 = arith.index_cast %swap3A_1224 : i32 to index
        %swap3A_1227 = arith.constant 16 : index
        %swap3A_1228 = tpu.vector_load %arg12[%swap3A_1225, %swap3A_1226, %swap3A_1227] {strides = array<i32>} : memref<8x20x128xf32, #tpu.memory_space<vmem>>, vector<1x1x16xf32>,
        %swap3A_1229 = vector.shape_cast %swap3A_1228 : vector<1x1x16xf32> to vector<16xf32>
        %swap3A_1230 = vector.shape_cast %get3A_824 : vector<16xf32> to vector<1x1x16xf32>
        tpu.vector_store %arg12[%swap3A_1225, %swap3A_1226, %swap3A_1227], %swap3A_1230 {strides = array<i32>} : memref<8x20x128xf32, #tpu.memory_space<vmem>>, vector<1x1x16xf32>,
        %sub3A_1231 = arith.subf %get3A_1223, %get3A_824 : vector<16xf32>
        %swap3A_1232 = arith.constant 17 : i32
        %swap3A_1233 = arith.index_cast %scan3A_356 : i32 to index
        %swap3A_1234 = arith.index_cast %swap3A_1232 : i32 to index
        %swap3A_1235 = arith.constant 80 : index
        %swap3A_1236 = tpu.vector_load %arg12[%swap3A_1233, %swap3A_1234, %swap3A_1235] {strides = array<i32>} : memref<8x20x128xf32, #tpu.memory_space<vmem>>, vector<1x1x16xf32>,
        %swap3A_1237 = vector.shape_cast %swap3A_1236 : vector<1x1x16xf32> to vector<16xf32>
        %swap3A_1238 = vector.shape_cast %sub3A_1231 : vector<16xf32> to vector<1x1x16xf32>
        tpu.vector_store %arg12[%swap3A_1233, %swap3A_1234, %swap3A_1235], %swap3A_1238 {strides = array<i32>} : memref<8x20x128xf32, #tpu.memory_space<vmem>>, vector<1x1x16xf32>,
        %mul3A_1239 = arith.constant 20 : i32
        %mul3A_1240 = arith.muli %scan3A_356, %mul3A_1239 : i32
        %add3A_1241 = arith.constant 18 : i32
        %add3A_1242 = arith.addi %mul3A_1240, %add3A_1241 : i32
        %get3A_1243 = arith.index_cast %add3A_1242 : i32 to index
        %get3A_1244 = arith.constant 16 : index
        %get3A_1245 = tpu.vector_load %arg8[%get3A_1243, %get3A_1244] {strides = array<i32>} : memref<160x128xf32, #tpu.memory_space<vmem>>, vector<1x16xf32>,
        %get3A_1246 = vector.shape_cast %get3A_1245 : vector<1x16xf32> to vector<16xf32>
        %swap3A_1247 = arith.constant 18 : i32
        %swap3A_1248 = arith.index_cast %scan3A_356 : i32 to index
        %swap3A_1249 = arith.index_cast %swap3A_1247 : i32 to index
        %swap3A_1250 = arith.constant 16 : index
        %swap3A_1251 = tpu.vector_load %arg12[%swap3A_1248, %swap3A_1249, %swap3A_1250] {strides = array<i32>} : memref<8x20x128xf32, #tpu.memory_space<vmem>>, vector<1x1x16xf32>,
        %swap3A_1252 = vector.shape_cast %swap3A_1251 : vector<1x1x16xf32> to vector<16xf32>
        %swap3A_1253 = vector.shape_cast %get3A_824 : vector<16xf32> to vector<1x1x16xf32>
        tpu.vector_store %arg12[%swap3A_1248, %swap3A_1249, %swap3A_1250], %swap3A_1253 {strides = array<i32>} : memref<8x20x128xf32, #tpu.memory_space<vmem>>, vector<1x1x16xf32>,
        %sub3A_1254 = arith.subf %get3A_1246, %get3A_824 : vector<16xf32>
        %swap3A_1255 = arith.constant 18 : i32
        %swap3A_1256 = arith.index_cast %scan3A_356 : i32 to index
        %swap3A_1257 = arith.index_cast %swap3A_1255 : i32 to index
        %swap3A_1258 = arith.constant 80 : index
        %swap3A_1259 = tpu.vector_load %arg12[%swap3A_1256, %swap3A_1257, %swap3A_1258] {strides = array<i32>} : memref<8x20x128xf32, #tpu.memory_space<vmem>>, vector<1x1x16xf32>,
        %swap3A_1260 = vector.shape_cast %swap3A_1259 : vector<1x1x16xf32> to vector<16xf32>
        %swap3A_1261 = vector.shape_cast %sub3A_1254 : vector<16xf32> to vector<1x1x16xf32>
        tpu.vector_store %arg12[%swap3A_1256, %swap3A_1257, %swap3A_1258], %swap3A_1261 {strides = array<i32>} : memref<8x20x128xf32, #tpu.memory_space<vmem>>, vector<1x1x16xf32>,
        %mul3A_1262 = arith.constant 20 : i32
        %mul3A_1263 = arith.muli %scan3A_356, %mul3A_1262 : i32
        %add3A_1264 = arith.constant 19 : i32
        %add3A_1265 = arith.addi %mul3A_1263, %add3A_1264 : i32
        %get3A_1266 = arith.index_cast %add3A_1265 : i32 to index
        %get3A_1267 = arith.constant 16 : index
        %get3A_1268 = tpu.vector_load %arg8[%get3A_1266, %get3A_1267] {strides = array<i32>} : memref<160x128xf32, #tpu.memory_space<vmem>>, vector<1x16xf32>,
        %get3A_1269 = vector.shape_cast %get3A_1268 : vector<1x16xf32> to vector<16xf32>
        %swap3A_1270 = arith.constant 19 : i32
        %swap3A_1271 = arith.index_cast %scan3A_356 : i32 to index
        %swap3A_1272 = arith.index_cast %swap3A_1270 : i32 to index
        %swap3A_1273 = arith.constant 16 : index
        %swap3A_1274 = tpu.vector_load %arg12[%swap3A_1271, %swap3A_1272, %swap3A_1273] {strides = array<i32>} : memref<8x20x128xf32, #tpu.memory_space<vmem>>, vector<1x1x16xf32>,
        %swap3A_1275 = vector.shape_cast %swap3A_1274 : vector<1x1x16xf32> to vector<16xf32>
        %swap3A_1276 = vector.shape_cast %get3A_824 : vector<16xf32> to vector<1x1x16xf32>
        tpu.vector_store %arg12[%swap3A_1271, %swap3A_1272, %swap3A_1273], %swap3A_1276 {strides = array<i32>} : memref<8x20x128xf32, #tpu.memory_space<vmem>>, vector<1x1x16xf32>,
        %sub3A_1277 = arith.subf %get3A_1269, %get3A_824 : vector<16xf32>
        %swap3A_1278 = arith.constant 19 : i32
        %swap3A_1279 = arith.index_cast %scan3A_356 : i32 to index
        %swap3A_1280 = arith.index_cast %swap3A_1278 : i32 to index
        %swap3A_1281 = arith.constant 80 : index
        %swap3A_1282 = tpu.vector_load %arg12[%swap3A_1279, %swap3A_1280, %swap3A_1281] {strides = array<i32>} : memref<8x20x128xf32, #tpu.memory_space<vmem>>, vector<1x1x16xf32>,
        %swap3A_1283 = vector.shape_cast %swap3A_1282 : vector<1x1x16xf32> to vector<16xf32>
        %swap3A_1284 = vector.shape_cast %sub3A_1277 : vector<16xf32> to vector<1x1x16xf32>
        tpu.vector_store %arg12[%swap3A_1279, %swap3A_1280, %swap3A_1281], %swap3A_1284 {strides = array<i32>} : memref<8x20x128xf32, #tpu.memory_space<vmem>>, vector<1x1x16xf32>,
        %get3A_1285 = arith.index_cast %scan3A_356 : i32 to index
        %get3A_1286 = arith.constant 32 : index
        %get3A_1287 = tpu.vector_load %arg10[%get3A_1285, %get3A_1286] {strides = array<i32>} : memref<8x128xf32, #tpu.memory_space<vmem>>, vector<1x16xf32>,
        %get3A_1288 = vector.shape_cast %get3A_1287 : vector<1x16xf32> to vector<16xf32>
        %mul3A_1289 = arith.constant 20 : i32
        %mul3A_1290 = arith.muli %scan3A_356, %mul3A_1289 : i32
        %add3A_1291 = arith.constant 0 : i32
        %add3A_1292 = arith.addi %mul3A_1290, %add3A_1291 : i32
        %get3A_1293 = arith.index_cast %add3A_1292 : i32 to index
        %get3A_1294 = arith.constant 32 : index
        %get3A_1295 = tpu.vector_load %arg8[%get3A_1293, %get3A_1294] {strides = array<i32>} : memref<160x128xf32, #tpu.memory_space<vmem>>, vector<1x16xf32>,
        %get3A_1296 = vector.shape_cast %get3A_1295 : vector<1x16xf32> to vector<16xf32>
        %swap3A_1297 = arith.constant 0 : i32
        %swap3A_1298 = arith.index_cast %scan3A_356 : i32 to index
        %swap3A_1299 = arith.index_cast %swap3A_1297 : i32 to index
        %swap3A_1300 = arith.constant 32 : index
        %swap3A_1301 = tpu.vector_load %arg12[%swap3A_1298, %swap3A_1299, %swap3A_1300] {strides = array<i32>} : memref<8x20x128xf32, #tpu.memory_space<vmem>>, vector<1x1x16xf32>,
        %swap3A_1302 = vector.shape_cast %swap3A_1301 : vector<1x1x16xf32> to vector<16xf32>
        %swap3A_1303 = vector.shape_cast %get3A_1288 : vector<16xf32> to vector<1x1x16xf32>
        tpu.vector_store %arg12[%swap3A_1298, %swap3A_1299, %swap3A_1300], %swap3A_1303 {strides = array<i32>} : memref<8x20x128xf32, #tpu.memory_space<vmem>>, vector<1x1x16xf32>,
        %sub3A_1304 = arith.subf %get3A_1296, %get3A_1288 : vector<16xf32>
        %swap3A_1305 = arith.constant 0 : i32
        %swap3A_1306 = arith.index_cast %scan3A_356 : i32 to index
        %swap3A_1307 = arith.index_cast %swap3A_1305 : i32 to index
        %swap3A_1308 = arith.constant 96 : index
        %swap3A_1309 = tpu.vector_load %arg12[%swap3A_1306, %swap3A_1307, %swap3A_1308] {strides = array<i32>} : memref<8x20x128xf32, #tpu.memory_space<vmem>>, vector<1x1x16xf32>,
        %swap3A_1310 = vector.shape_cast %swap3A_1309 : vector<1x1x16xf32> to vector<16xf32>
        %swap3A_1311 = vector.shape_cast %sub3A_1304 : vector<16xf32> to vector<1x1x16xf32>
        tpu.vector_store %arg12[%swap3A_1306, %swap3A_1307, %swap3A_1308], %swap3A_1311 {strides = array<i32>} : memref<8x20x128xf32, #tpu.memory_space<vmem>>, vector<1x1x16xf32>,
        %mul3A_1312 = arith.constant 20 : i32
        %mul3A_1313 = arith.muli %scan3A_356, %mul3A_1312 : i32
        %add3A_1314 = arith.constant 1 : i32
        %add3A_1315 = arith.addi %mul3A_1313, %add3A_1314 : i32
        %get3A_1316 = arith.index_cast %add3A_1315 : i32 to index
        %get3A_1317 = arith.constant 32 : index
        %get3A_1318 = tpu.vector_load %arg8[%get3A_1316, %get3A_1317] {strides = array<i32>} : memref<160x128xf32, #tpu.memory_space<vmem>>, vector<1x16xf32>,
        %get3A_1319 = vector.shape_cast %get3A_1318 : vector<1x16xf32> to vector<16xf32>
        %swap3A_1320 = arith.constant 1 : i32
        %swap3A_1321 = arith.index_cast %scan3A_356 : i32 to index
        %swap3A_1322 = arith.index_cast %swap3A_1320 : i32 to index
        %swap3A_1323 = arith.constant 32 : index
        %swap3A_1324 = tpu.vector_load %arg12[%swap3A_1321, %swap3A_1322, %swap3A_1323] {strides = array<i32>} : memref<8x20x128xf32, #tpu.memory_space<vmem>>, vector<1x1x16xf32>,
        %swap3A_1325 = vector.shape_cast %swap3A_1324 : vector<1x1x16xf32> to vector<16xf32>
        %swap3A_1326 = vector.shape_cast %get3A_1288 : vector<16xf32> to vector<1x1x16xf32>
        tpu.vector_store %arg12[%swap3A_1321, %swap3A_1322, %swap3A_1323], %swap3A_1326 {strides = array<i32>} : memref<8x20x128xf32, #tpu.memory_space<vmem>>, vector<1x1x16xf32>,
        %sub3A_1327 = arith.subf %get3A_1319, %get3A_1288 : vector<16xf32>
        %swap3A_1328 = arith.constant 1 : i32
        %swap3A_1329 = arith.index_cast %scan3A_356 : i32 to index
        %swap3A_1330 = arith.index_cast %swap3A_1328 : i32 to index
        %swap3A_1331 = arith.constant 96 : index
        %swap3A_1332 = tpu.vector_load %arg12[%swap3A_1329, %swap3A_1330, %swap3A_1331] {strides = array<i32>} : memref<8x20x128xf32, #tpu.memory_space<vmem>>, vector<1x1x16xf32>,
        %swap3A_1333 = vector.shape_cast %swap3A_1332 : vector<1x1x16xf32> to vector<16xf32>
        %swap3A_1334 = vector.shape_cast %sub3A_1327 : vector<16xf32> to vector<1x1x16xf32>
        tpu.vector_store %arg12[%swap3A_1329, %swap3A_1330, %swap3A_1331], %swap3A_1334 {strides = array<i32>} : memref<8x20x128xf32, #tpu.memory_space<vmem>>, vector<1x1x16xf32>,
        %mul3A_1335 = arith.constant 20 : i32
        %mul3A_1336 = arith.muli %scan3A_356, %mul3A_1335 : i32
        %add3A_1337 = arith.constant 2 : i32
        %add3A_1338 = arith.addi %mul3A_1336, %add3A_1337 : i32
        %get3A_1339 = arith.index_cast %add3A_1338 : i32 to index
        %get3A_1340 = arith.constant 32 : index
        %get3A_1341 = tpu.vector_load %arg8[%get3A_1339, %get3A_1340] {strides = array<i32>} : memref<160x128xf32, #tpu.memory_space<vmem>>, vector<1x16xf32>,
        %get3A_1342 = vector.shape_cast %get3A_1341 : vector<1x16xf32> to vector<16xf32>
        %swap3A_1343 = arith.constant 2 : i32
        %swap3A_1344 = arith.index_cast %scan3A_356 : i32 to index
        %swap3A_1345 = arith.index_cast %swap3A_1343 : i32 to index
        %swap3A_1346 = arith.constant 32 : index
        %swap3A_1347 = tpu.vector_load %arg12[%swap3A_1344, %swap3A_1345, %swap3A_1346] {strides = array<i32>} : memref<8x20x128xf32, #tpu.memory_space<vmem>>, vector<1x1x16xf32>,
        %swap3A_1348 = vector.shape_cast %swap3A_1347 : vector<1x1x16xf32> to vector<16xf32>
        %swap3A_1349 = vector.shape_cast %get3A_1288 : vector<16xf32> to vector<1x1x16xf32>
        tpu.vector_store %arg12[%swap3A_1344, %swap3A_1345, %swap3A_1346], %swap3A_1349 {strides = array<i32>} : memref<8x20x128xf32, #tpu.memory_space<vmem>>, vector<1x1x16xf32>,
        %sub3A_1350 = arith.subf %get3A_1342, %get3A_1288 : vector<16xf32>
        %swap3A_1351 = arith.constant 2 : i32
        %swap3A_1352 = arith.index_cast %scan3A_356 : i32 to index
        %swap3A_1353 = arith.index_cast %swap3A_1351 : i32 to index
        %swap3A_1354 = arith.constant 96 : index
        %swap3A_1355 = tpu.vector_load %arg12[%swap3A_1352, %swap3A_1353, %swap3A_1354] {strides = array<i32>} : memref<8x20x128xf32, #tpu.memory_space<vmem>>, vector<1x1x16xf32>,
        %swap3A_1356 = vector.shape_cast %swap3A_1355 : vector<1x1x16xf32> to vector<16xf32>
        %swap3A_1357 = vector.shape_cast %sub3A_1350 : vector<16xf32> to vector<1x1x16xf32>
        tpu.vector_store %arg12[%swap3A_1352, %swap3A_1353, %swap3A_1354], %swap3A_1357 {strides = array<i32>} : memref<8x20x128xf32, #tpu.memory_space<vmem>>, vector<1x1x16xf32>,
        %mul3A_1358 = arith.constant 20 : i32
        %mul3A_1359 = arith.muli %scan3A_356, %mul3A_1358 : i32
        %add3A_1360 = arith.constant 3 : i32
        %add3A_1361 = arith.addi %mul3A_1359, %add3A_1360 : i32
        %get3A_1362 = arith.index_cast %add3A_1361 : i32 to index
        %get3A_1363 = arith.constant 32 : index
        %get3A_1364 = tpu.vector_load %arg8[%get3A_1362, %get3A_1363] {strides = array<i32>} : memref<160x128xf32, #tpu.memory_space<vmem>>, vector<1x16xf32>,
        %get3A_1365 = vector.shape_cast %get3A_1364 : vector<1x16xf32> to vector<16xf32>
        %swap3A_1366 = arith.constant 3 : i32
        %swap3A_1367 = arith.index_cast %scan3A_356 : i32 to index
        %swap3A_1368 = arith.index_cast %swap3A_1366 : i32 to index
        %swap3A_1369 = arith.constant 32 : index
        %swap3A_1370 = tpu.vector_load %arg12[%swap3A_1367, %swap3A_1368, %swap3A_1369] {strides = array<i32>} : memref<8x20x128xf32, #tpu.memory_space<vmem>>, vector<1x1x16xf32>,
        %swap3A_1371 = vector.shape_cast %swap3A_1370 : vector<1x1x16xf32> to vector<16xf32>
        %swap3A_1372 = vector.shape_cast %get3A_1288 : vector<16xf32> to vector<1x1x16xf32>
        tpu.vector_store %arg12[%swap3A_1367, %swap3A_1368, %swap3A_1369], %swap3A_1372 {strides = array<i32>} : memref<8x20x128xf32, #tpu.memory_space<vmem>>, vector<1x1x16xf32>,
        %sub3A_1373 = arith.subf %get3A_1365, %get3A_1288 : vector<16xf32>
        %swap3A_1374 = arith.constant 3 : i32
        %swap3A_1375 = arith.index_cast %scan3A_356 : i32 to index
        %swap3A_1376 = arith.index_cast %swap3A_1374 : i32 to index
        %swap3A_1377 = arith.constant 96 : index
        %swap3A_1378 = tpu.vector_load %arg12[%swap3A_1375, %swap3A_1376, %swap3A_1377] {strides = array<i32>} : memref<8x20x128xf32, #tpu.memory_space<vmem>>, vector<1x1x16xf32>,
        %swap3A_1379 = vector.shape_cast %swap3A_1378 : vector<1x1x16xf32> to vector<16xf32>
        %swap3A_1380 = vector.shape_cast %sub3A_1373 : vector<16xf32> to vector<1x1x16xf32>
        tpu.vector_store %arg12[%swap3A_1375, %swap3A_1376, %swap3A_1377], %swap3A_1380 {strides = array<i32>} : memref<8x20x128xf32, #tpu.memory_space<vmem>>, vector<1x1x16xf32>,
        %mul3A_1381 = arith.constant 20 : i32
        %mul3A_1382 = arith.muli %scan3A_356, %mul3A_1381 : i32
        %add3A_1383 = arith.constant 4 : i32
        %add3A_1384 = arith.addi %mul3A_1382, %add3A_1383 : i32
        %get3A_1385 = arith.index_cast %add3A_1384 : i32 to index
        %get3A_1386 = arith.constant 32 : index
        %get3A_1387 = tpu.vector_load %arg8[%get3A_1385, %get3A_1386] {strides = array<i32>} : memref<160x128xf32, #tpu.memory_space<vmem>>, vector<1x16xf32>,
        %get3A_1388 = vector.shape_cast %get3A_1387 : vector<1x16xf32> to vector<16xf32>
        %swap3A_1389 = arith.constant 4 : i32
        %swap3A_1390 = arith.index_cast %scan3A_356 : i32 to index
        %swap3A_1391 = arith.index_cast %swap3A_1389 : i32 to index
        %swap3A_1392 = arith.constant 32 : index
        %swap3A_1393 = tpu.vector_load %arg12[%swap3A_1390, %swap3A_1391, %swap3A_1392] {strides = array<i32>} : memref<8x20x128xf32, #tpu.memory_space<vmem>>, vector<1x1x16xf32>,
        %swap3A_1394 = vector.shape_cast %swap3A_1393 : vector<1x1x16xf32> to vector<16xf32>
        %swap3A_1395 = vector.shape_cast %get3A_1288 : vector<16xf32> to vector<1x1x16xf32>
        tpu.vector_store %arg12[%swap3A_1390, %swap3A_1391, %swap3A_1392], %swap3A_1395 {strides = array<i32>} : memref<8x20x128xf32, #tpu.memory_space<vmem>>, vector<1x1x16xf32>,
        %sub3A_1396 = arith.subf %get3A_1388, %get3A_1288 : vector<16xf32>
        %swap3A_1397 = arith.constant 4 : i32
        %swap3A_1398 = arith.index_cast %scan3A_356 : i32 to index
        %swap3A_1399 = arith.index_cast %swap3A_1397 : i32 to index
        %swap3A_1400 = arith.constant 96 : index
        %swap3A_1401 = tpu.vector_load %arg12[%swap3A_1398, %swap3A_1399, %swap3A_1400] {strides = array<i32>} : memref<8x20x128xf32, #tpu.memory_space<vmem>>, vector<1x1x16xf32>,
        %swap3A_1402 = vector.shape_cast %swap3A_1401 : vector<1x1x16xf32> to vector<16xf32>
        %swap3A_1403 = vector.shape_cast %sub3A_1396 : vector<16xf32> to vector<1x1x16xf32>
        tpu.vector_store %arg12[%swap3A_1398, %swap3A_1399, %swap3A_1400], %swap3A_1403 {strides = array<i32>} : memref<8x20x128xf32, #tpu.memory_space<vmem>>, vector<1x1x16xf32>,
        %mul3A_1404 = arith.constant 20 : i32
        %mul3A_1405 = arith.muli %scan3A_356, %mul3A_1404 : i32
        %add3A_1406 = arith.constant 5 : i32
        %add3A_1407 = arith.addi %mul3A_1405, %add3A_1406 : i32
        %get3A_1408 = arith.index_cast %add3A_1407 : i32 to index
        %get3A_1409 = arith.constant 32 : index
        %get3A_1410 = tpu.vector_load %arg8[%get3A_1408, %get3A_1409] {strides = array<i32>} : memref<160x128xf32, #tpu.memory_space<vmem>>, vector<1x16xf32>,
        %get3A_1411 = vector.shape_cast %get3A_1410 : vector<1x16xf32> to vector<16xf32>
        %swap3A_1412 = arith.constant 5 : i32
        %swap3A_1413 = arith.index_cast %scan3A_356 : i32 to index
        %swap3A_1414 = arith.index_cast %swap3A_1412 : i32 to index
        %swap3A_1415 = arith.constant 32 : index
        %swap3A_1416 = tpu.vector_load %arg12[%swap3A_1413, %swap3A_1414, %swap3A_1415] {strides = array<i32>} : memref<8x20x128xf32, #tpu.memory_space<vmem>>, vector<1x1x16xf32>,
        %swap3A_1417 = vector.shape_cast %swap3A_1416 : vector<1x1x16xf32> to vector<16xf32>
        %swap3A_1418 = vector.shape_cast %get3A_1288 : vector<16xf32> to vector<1x1x16xf32>
        tpu.vector_store %arg12[%swap3A_1413, %swap3A_1414, %swap3A_1415], %swap3A_1418 {strides = array<i32>} : memref<8x20x128xf32, #tpu.memory_space<vmem>>, vector<1x1x16xf32>,
        %sub3A_1419 = arith.subf %get3A_1411, %get3A_1288 : vector<16xf32>
        %swap3A_1420 = arith.constant 5 : i32
        %swap3A_1421 = arith.index_cast %scan3A_356 : i32 to index
        %swap3A_1422 = arith.index_cast %swap3A_1420 : i32 to index
        %swap3A_1423 = arith.constant 96 : index
        %swap3A_1424 = tpu.vector_load %arg12[%swap3A_1421, %swap3A_1422, %swap3A_1423] {strides = array<i32>} : memref<8x20x128xf32, #tpu.memory_space<vmem>>, vector<1x1x16xf32>,
        %swap3A_1425 = vector.shape_cast %swap3A_1424 : vector<1x1x16xf32> to vector<16xf32>
        %swap3A_1426 = vector.shape_cast %sub3A_1419 : vector<16xf32> to vector<1x1x16xf32>
        tpu.vector_store %arg12[%swap3A_1421, %swap3A_1422, %swap3A_1423], %swap3A_1426 {strides = array<i32>} : memref<8x20x128xf32, #tpu.memory_space<vmem>>, vector<1x1x16xf32>,
        %mul3A_1427 = arith.constant 20 : i32
        %mul3A_1428 = arith.muli %scan3A_356, %mul3A_1427 : i32
        %add3A_1429 = arith.constant 6 : i32
        %add3A_1430 = arith.addi %mul3A_1428, %add3A_1429 : i32
        %get3A_1431 = arith.index_cast %add3A_1430 : i32 to index
        %get3A_1432 = arith.constant 32 : index
        %get3A_1433 = tpu.vector_load %arg8[%get3A_1431, %get3A_1432] {strides = array<i32>} : memref<160x128xf32, #tpu.memory_space<vmem>>, vector<1x16xf32>,
        %get3A_1434 = vector.shape_cast %get3A_1433 : vector<1x16xf32> to vector<16xf32>
        %swap3A_1435 = arith.constant 6 : i32
        %swap3A_1436 = arith.index_cast %scan3A_356 : i32 to index
        %swap3A_1437 = arith.index_cast %swap3A_1435 : i32 to index
        %swap3A_1438 = arith.constant 32 : index
        %swap3A_1439 = tpu.vector_load %arg12[%swap3A_1436, %swap3A_1437, %swap3A_1438] {strides = array<i32>} : memref<8x20x128xf32, #tpu.memory_space<vmem>>, vector<1x1x16xf32>,
        %swap3A_1440 = vector.shape_cast %swap3A_1439 : vector<1x1x16xf32> to vector<16xf32>
        %swap3A_1441 = vector.shape_cast %get3A_1288 : vector<16xf32> to vector<1x1x16xf32>
        tpu.vector_store %arg12[%swap3A_1436, %swap3A_1437, %swap3A_1438], %swap3A_1441 {strides = array<i32>} : memref<8x20x128xf32, #tpu.memory_space<vmem>>, vector<1x1x16xf32>,
        %sub3A_1442 = arith.subf %get3A_1434, %get3A_1288 : vector<16xf32>
        %swap3A_1443 = arith.constant 6 : i32
        %swap3A_1444 = arith.index_cast %scan3A_356 : i32 to index
        %swap3A_1445 = arith.index_cast %swap3A_1443 : i32 to index
        %swap3A_1446 = arith.constant 96 : index
        %swap3A_1447 = tpu.vector_load %arg12[%swap3A_1444, %swap3A_1445, %swap3A_1446] {strides = array<i32>} : memref<8x20x128xf32, #tpu.memory_space<vmem>>, vector<1x1x16xf32>,
        %swap3A_1448 = vector.shape_cast %swap3A_1447 : vector<1x1x16xf32> to vector<16xf32>
        %swap3A_1449 = vector.shape_cast %sub3A_1442 : vector<16xf32> to vector<1x1x16xf32>
        tpu.vector_store %arg12[%swap3A_1444, %swap3A_1445, %swap3A_1446], %swap3A_1449 {strides = array<i32>} : memref<8x20x128xf32, #tpu.memory_space<vmem>>, vector<1x1x16xf32>,
        %mul3A_1450 = arith.constant 20 : i32
        %mul3A_1451 = arith.muli %scan3A_356, %mul3A_1450 : i32
        %add3A_1452 = arith.constant 7 : i32
        %add3A_1453 = arith.addi %mul3A_1451, %add3A_1452 : i32
        %get3A_1454 = arith.index_cast %add3A_1453 : i32 to index
        %get3A_1455 = arith.constant 32 : index
        %get3A_1456 = tpu.vector_load %arg8[%get3A_1454, %get3A_1455] {strides = array<i32>} : memref<160x128xf32, #tpu.memory_space<vmem>>, vector<1x16xf32>,
        %get3A_1457 = vector.shape_cast %get3A_1456 : vector<1x16xf32> to vector<16xf32>
        %swap3A_1458 = arith.constant 7 : i32
        %swap3A_1459 = arith.index_cast %scan3A_356 : i32 to index
        %swap3A_1460 = arith.index_cast %swap3A_1458 : i32 to index
        %swap3A_1461 = arith.constant 32 : index
        %swap3A_1462 = tpu.vector_load %arg12[%swap3A_1459, %swap3A_1460, %swap3A_1461] {strides = array<i32>} : memref<8x20x128xf32, #tpu.memory_space<vmem>>, vector<1x1x16xf32>,
        %swap3A_1463 = vector.shape_cast %swap3A_1462 : vector<1x1x16xf32> to vector<16xf32>
        %swap3A_1464 = vector.shape_cast %get3A_1288 : vector<16xf32> to vector<1x1x16xf32>
        tpu.vector_store %arg12[%swap3A_1459, %swap3A_1460, %swap3A_1461], %swap3A_1464 {strides = array<i32>} : memref<8x20x128xf32, #tpu.memory_space<vmem>>, vector<1x1x16xf32>,
        %sub3A_1465 = arith.subf %get3A_1457, %get3A_1288 : vector<16xf32>
        %swap3A_1466 = arith.constant 7 : i32
        %swap3A_1467 = arith.index_cast %scan3A_356 : i32 to index
        %swap3A_1468 = arith.index_cast %swap3A_1466 : i32 to index
        %swap3A_1469 = arith.constant 96 : index
        %swap3A_1470 = tpu.vector_load %arg12[%swap3A_1467, %swap3A_1468, %swap3A_1469] {strides = array<i32>} : memref<8x20x128xf32, #tpu.memory_space<vmem>>, vector<1x1x16xf32>,
        %swap3A_1471 = vector.shape_cast %swap3A_1470 : vector<1x1x16xf32> to vector<16xf32>
        %swap3A_1472 = vector.shape_cast %sub3A_1465 : vector<16xf32> to vector<1x1x16xf32>
        tpu.vector_store %arg12[%swap3A_1467, %swap3A_1468, %swap3A_1469], %swap3A_1472 {strides = array<i32>} : memref<8x20x128xf32, #tpu.memory_space<vmem>>, vector<1x1x16xf32>,
        %mul3A_1473 = arith.constant 20 : i32
        %mul3A_1474 = arith.muli %scan3A_356, %mul3A_1473 : i32
        %add3A_1475 = arith.constant 8 : i32
        %add3A_1476 = arith.addi %mul3A_1474, %add3A_1475 : i32
        %get3A_1477 = arith.index_cast %add3A_1476 : i32 to index
        %get3A_1478 = arith.constant 32 : index
        %get3A_1479 = tpu.vector_load %arg8[%get3A_1477, %get3A_1478] {strides = array<i32>} : memref<160x128xf32, #tpu.memory_space<vmem>>, vector<1x16xf32>,
        %get3A_1480 = vector.shape_cast %get3A_1479 : vector<1x16xf32> to vector<16xf32>
        %swap3A_1481 = arith.constant 8 : i32
        %swap3A_1482 = arith.index_cast %scan3A_356 : i32 to index
        %swap3A_1483 = arith.index_cast %swap3A_1481 : i32 to index
        %swap3A_1484 = arith.constant 32 : index
        %swap3A_1485 = tpu.vector_load %arg12[%swap3A_1482, %swap3A_1483, %swap3A_1484] {strides = array<i32>} : memref<8x20x128xf32, #tpu.memory_space<vmem>>, vector<1x1x16xf32>,
        %swap3A_1486 = vector.shape_cast %swap3A_1485 : vector<1x1x16xf32> to vector<16xf32>
        %swap3A_1487 = vector.shape_cast %get3A_1288 : vector<16xf32> to vector<1x1x16xf32>
        tpu.vector_store %arg12[%swap3A_1482, %swap3A_1483, %swap3A_1484], %swap3A_1487 {strides = array<i32>} : memref<8x20x128xf32, #tpu.memory_space<vmem>>, vector<1x1x16xf32>,
        %sub3A_1488 = arith.subf %get3A_1480, %get3A_1288 : vector<16xf32>
        %swap3A_1489 = arith.constant 8 : i32
        %swap3A_1490 = arith.index_cast %scan3A_356 : i32 to index
        %swap3A_1491 = arith.index_cast %swap3A_1489 : i32 to index
        %swap3A_1492 = arith.constant 96 : index
        %swap3A_1493 = tpu.vector_load %arg12[%swap3A_1490, %swap3A_1491, %swap3A_1492] {strides = array<i32>} : memref<8x20x128xf32, #tpu.memory_space<vmem>>, vector<1x1x16xf32>,
        %swap3A_1494 = vector.shape_cast %swap3A_1493 : vector<1x1x16xf32> to vector<16xf32>
        %swap3A_1495 = vector.shape_cast %sub3A_1488 : vector<16xf32> to vector<1x1x16xf32>
        tpu.vector_store %arg12[%swap3A_1490, %swap3A_1491, %swap3A_1492], %swap3A_1495 {strides = array<i32>} : memref<8x20x128xf32, #tpu.memory_space<vmem>>, vector<1x1x16xf32>,
        %mul3A_1496 = arith.constant 20 : i32
        %mul3A_1497 = arith.muli %scan3A_356, %mul3A_1496 : i32
        %add3A_1498 = arith.constant 9 : i32
        %add3A_1499 = arith.addi %mul3A_1497, %add3A_1498 : i32
        %get3A_1500 = arith.index_cast %add3A_1499 : i32 to index
        %get3A_1501 = arith.constant 32 : index
        %get3A_1502 = tpu.vector_load %arg8[%get3A_1500, %get3A_1501] {strides = array<i32>} : memref<160x128xf32, #tpu.memory_space<vmem>>, vector<1x16xf32>,
        %get3A_1503 = vector.shape_cast %get3A_1502 : vector<1x16xf32> to vector<16xf32>
        %swap3A_1504 = arith.constant 9 : i32
        %swap3A_1505 = arith.index_cast %scan3A_356 : i32 to index
        %swap3A_1506 = arith.index_cast %swap3A_1504 : i32 to index
        %swap3A_1507 = arith.constant 32 : index
        %swap3A_1508 = tpu.vector_load %arg12[%swap3A_1505, %swap3A_1506, %swap3A_1507] {strides = array<i32>} : memref<8x20x128xf32, #tpu.memory_space<vmem>>, vector<1x1x16xf32>,
        %swap3A_1509 = vector.shape_cast %swap3A_1508 : vector<1x1x16xf32> to vector<16xf32>
        %swap3A_1510 = vector.shape_cast %get3A_1288 : vector<16xf32> to vector<1x1x16xf32>
        tpu.vector_store %arg12[%swap3A_1505, %swap3A_1506, %swap3A_1507], %swap3A_1510 {strides = array<i32>} : memref<8x20x128xf32, #tpu.memory_space<vmem>>, vector<1x1x16xf32>,
        %sub3A_1511 = arith.subf %get3A_1503, %get3A_1288 : vector<16xf32>
        %swap3A_1512 = arith.constant 9 : i32
        %swap3A_1513 = arith.index_cast %scan3A_356 : i32 to index
        %swap3A_1514 = arith.index_cast %swap3A_1512 : i32 to index
        %swap3A_1515 = arith.constant 96 : index
        %swap3A_1516 = tpu.vector_load %arg12[%swap3A_1513, %swap3A_1514, %swap3A_1515] {strides = array<i32>} : memref<8x20x128xf32, #tpu.memory_space<vmem>>, vector<1x1x16xf32>,
        %swap3A_1517 = vector.shape_cast %swap3A_1516 : vector<1x1x16xf32> to vector<16xf32>
        %swap3A_1518 = vector.shape_cast %sub3A_1511 : vector<16xf32> to vector<1x1x16xf32>
        tpu.vector_store %arg12[%swap3A_1513, %swap3A_1514, %swap3A_1515], %swap3A_1518 {strides = array<i32>} : memref<8x20x128xf32, #tpu.memory_space<vmem>>, vector<1x1x16xf32>,
        %mul3A_1519 = arith.constant 20 : i32
        %mul3A_1520 = arith.muli %scan3A_356, %mul3A_1519 : i32
        %add3A_1521 = arith.constant 10 : i32
        %add3A_1522 = arith.addi %mul3A_1520, %add3A_1521 : i32
        %get3A_1523 = arith.index_cast %add3A_1522 : i32 to index
        %get3A_1524 = arith.constant 32 : index
        %get3A_1525 = tpu.vector_load %arg8[%get3A_1523, %get3A_1524] {strides = array<i32>} : memref<160x128xf32, #tpu.memory_space<vmem>>, vector<1x16xf32>,
        %get3A_1526 = vector.shape_cast %get3A_1525 : vector<1x16xf32> to vector<16xf32>
        %swap3A_1527 = arith.constant 10 : i32
        %swap3A_1528 = arith.index_cast %scan3A_356 : i32 to index
        %swap3A_1529 = arith.index_cast %swap3A_1527 : i32 to index
        %swap3A_1530 = arith.constant 32 : index
        %swap3A_1531 = tpu.vector_load %arg12[%swap3A_1528, %swap3A_1529, %swap3A_1530] {strides = array<i32>} : memref<8x20x128xf32, #tpu.memory_space<vmem>>, vector<1x1x16xf32>,
        %swap3A_1532 = vector.shape_cast %swap3A_1531 : vector<1x1x16xf32> to vector<16xf32>
        %swap3A_1533 = vector.shape_cast %get3A_1288 : vector<16xf32> to vector<1x1x16xf32>
        tpu.vector_store %arg12[%swap3A_1528, %swap3A_1529, %swap3A_1530], %swap3A_1533 {strides = array<i32>} : memref<8x20x128xf32, #tpu.memory_space<vmem>>, vector<1x1x16xf32>,
        %sub3A_1534 = arith.subf %get3A_1526, %get3A_1288 : vector<16xf32>
        %swap3A_1535 = arith.constant 10 : i32
        %swap3A_1536 = arith.index_cast %scan3A_356 : i32 to index
        %swap3A_1537 = arith.index_cast %swap3A_1535 : i32 to index
        %swap3A_1538 = arith.constant 96 : index
        %swap3A_1539 = tpu.vector_load %arg12[%swap3A_1536, %swap3A_1537, %swap3A_1538] {strides = array<i32>} : memref<8x20x128xf32, #tpu.memory_space<vmem>>, vector<1x1x16xf32>,
        %swap3A_1540 = vector.shape_cast %swap3A_1539 : vector<1x1x16xf32> to vector<16xf32>
        %swap3A_1541 = vector.shape_cast %sub3A_1534 : vector<16xf32> to vector<1x1x16xf32>
        tpu.vector_store %arg12[%swap3A_1536, %swap3A_1537, %swap3A_1538], %swap3A_1541 {strides = array<i32>} : memref<8x20x128xf32, #tpu.memory_space<vmem>>, vector<1x1x16xf32>,
        %mul3A_1542 = arith.constant 20 : i32
        %mul3A_1543 = arith.muli %scan3A_356, %mul3A_1542 : i32
        %add3A_1544 = arith.constant 11 : i32
        %add3A_1545 = arith.addi %mul3A_1543, %add3A_1544 : i32
        %get3A_1546 = arith.index_cast %add3A_1545 : i32 to index
        %get3A_1547 = arith.constant 32 : index
        %get3A_1548 = tpu.vector_load %arg8[%get3A_1546, %get3A_1547] {strides = array<i32>} : memref<160x128xf32, #tpu.memory_space<vmem>>, vector<1x16xf32>,
        %get3A_1549 = vector.shape_cast %get3A_1548 : vector<1x16xf32> to vector<16xf32>
        %swap3A_1550 = arith.constant 11 : i32
        %swap3A_1551 = arith.index_cast %scan3A_356 : i32 to index
        %swap3A_1552 = arith.index_cast %swap3A_1550 : i32 to index
        %swap3A_1553 = arith.constant 32 : index
        %swap3A_1554 = tpu.vector_load %arg12[%swap3A_1551, %swap3A_1552, %swap3A_1553] {strides = array<i32>} : memref<8x20x128xf32, #tpu.memory_space<vmem>>, vector<1x1x16xf32>,
        %swap3A_1555 = vector.shape_cast %swap3A_1554 : vector<1x1x16xf32> to vector<16xf32>
        %swap3A_1556 = vector.shape_cast %get3A_1288 : vector<16xf32> to vector<1x1x16xf32>
        tpu.vector_store %arg12[%swap3A_1551, %swap3A_1552, %swap3A_1553], %swap3A_1556 {strides = array<i32>} : memref<8x20x128xf32, #tpu.memory_space<vmem>>, vector<1x1x16xf32>,
        %sub3A_1557 = arith.subf %get3A_1549, %get3A_1288 : vector<16xf32>
        %swap3A_1558 = arith.constant 11 : i32
        %swap3A_1559 = arith.index_cast %scan3A_356 : i32 to index
        %swap3A_1560 = arith.index_cast %swap3A_1558 : i32 to index
        %swap3A_1561 = arith.constant 96 : index
        %swap3A_1562 = tpu.vector_load %arg12[%swap3A_1559, %swap3A_1560, %swap3A_1561] {strides = array<i32>} : memref<8x20x128xf32, #tpu.memory_space<vmem>>, vector<1x1x16xf32>,
        %swap3A_1563 = vector.shape_cast %swap3A_1562 : vector<1x1x16xf32> to vector<16xf32>
        %swap3A_1564 = vector.shape_cast %sub3A_1557 : vector<16xf32> to vector<1x1x16xf32>
        tpu.vector_store %arg12[%swap3A_1559, %swap3A_1560, %swap3A_1561], %swap3A_1564 {strides = array<i32>} : memref<8x20x128xf32, #tpu.memory_space<vmem>>, vector<1x1x16xf32>,
        %mul3A_1565 = arith.constant 20 : i32
        %mul3A_1566 = arith.muli %scan3A_356, %mul3A_1565 : i32
        %add3A_1567 = arith.constant 12 : i32
        %add3A_1568 = arith.addi %mul3A_1566, %add3A_1567 : i32
        %get3A_1569 = arith.index_cast %add3A_1568 : i32 to index
        %get3A_1570 = arith.constant 32 : index
        %get3A_1571 = tpu.vector_load %arg8[%get3A_1569, %get3A_1570] {strides = array<i32>} : memref<160x128xf32, #tpu.memory_space<vmem>>, vector<1x16xf32>,
        %get3A_1572 = vector.shape_cast %get3A_1571 : vector<1x16xf32> to vector<16xf32>
        %swap3A_1573 = arith.constant 12 : i32
        %swap3A_1574 = arith.index_cast %scan3A_356 : i32 to index
        %swap3A_1575 = arith.index_cast %swap3A_1573 : i32 to index
        %swap3A_1576 = arith.constant 32 : index
        %swap3A_1577 = tpu.vector_load %arg12[%swap3A_1574, %swap3A_1575, %swap3A_1576] {strides = array<i32>} : memref<8x20x128xf32, #tpu.memory_space<vmem>>, vector<1x1x16xf32>,
        %swap3A_1578 = vector.shape_cast %swap3A_1577 : vector<1x1x16xf32> to vector<16xf32>
        %swap3A_1579 = vector.shape_cast %get3A_1288 : vector<16xf32> to vector<1x1x16xf32>
        tpu.vector_store %arg12[%swap3A_1574, %swap3A_1575, %swap3A_1576], %swap3A_1579 {strides = array<i32>} : memref<8x20x128xf32, #tpu.memory_space<vmem>>, vector<1x1x16xf32>,
        %sub3A_1580 = arith.subf %get3A_1572, %get3A_1288 : vector<16xf32>
        %swap3A_1581 = arith.constant 12 : i32
        %swap3A_1582 = arith.index_cast %scan3A_356 : i32 to index
        %swap3A_1583 = arith.index_cast %swap3A_1581 : i32 to index
        %swap3A_1584 = arith.constant 96 : index
        %swap3A_1585 = tpu.vector_load %arg12[%swap3A_1582, %swap3A_1583, %swap3A_1584] {strides = array<i32>} : memref<8x20x128xf32, #tpu.memory_space<vmem>>, vector<1x1x16xf32>,
        %swap3A_1586 = vector.shape_cast %swap3A_1585 : vector<1x1x16xf32> to vector<16xf32>
        %swap3A_1587 = vector.shape_cast %sub3A_1580 : vector<16xf32> to vector<1x1x16xf32>
        tpu.vector_store %arg12[%swap3A_1582, %swap3A_1583, %swap3A_1584], %swap3A_1587 {strides = array<i32>} : memref<8x20x128xf32, #tpu.memory_space<vmem>>, vector<1x1x16xf32>,
        %mul3A_1588 = arith.constant 20 : i32
        %mul3A_1589 = arith.muli %scan3A_356, %mul3A_1588 : i32
        %add3A_1590 = arith.constant 13 : i32
        %add3A_1591 = arith.addi %mul3A_1589, %add3A_1590 : i32
        %get3A_1592 = arith.index_cast %add3A_1591 : i32 to index
        %get3A_1593 = arith.constant 32 : index
        %get3A_1594 = tpu.vector_load %arg8[%get3A_1592, %get3A_1593] {strides = array<i32>} : memref<160x128xf32, #tpu.memory_space<vmem>>, vector<1x16xf32>,
        %get3A_1595 = vector.shape_cast %get3A_1594 : vector<1x16xf32> to vector<16xf32>
        %swap3A_1596 = arith.constant 13 : i32
        %swap3A_1597 = arith.index_cast %scan3A_356 : i32 to index
        %swap3A_1598 = arith.index_cast %swap3A_1596 : i32 to index
        %swap3A_1599 = arith.constant 32 : index
        %swap3A_1600 = tpu.vector_load %arg12[%swap3A_1597, %swap3A_1598, %swap3A_1599] {strides = array<i32>} : memref<8x20x128xf32, #tpu.memory_space<vmem>>, vector<1x1x16xf32>,
        %swap3A_1601 = vector.shape_cast %swap3A_1600 : vector<1x1x16xf32> to vector<16xf32>
        %swap3A_1602 = vector.shape_cast %get3A_1288 : vector<16xf32> to vector<1x1x16xf32>
        tpu.vector_store %arg12[%swap3A_1597, %swap3A_1598, %swap3A_1599], %swap3A_1602 {strides = array<i32>} : memref<8x20x128xf32, #tpu.memory_space<vmem>>, vector<1x1x16xf32>,
        %sub3A_1603 = arith.subf %get3A_1595, %get3A_1288 : vector<16xf32>
        %swap3A_1604 = arith.constant 13 : i32
        %swap3A_1605 = arith.index_cast %scan3A_356 : i32 to index
        %swap3A_1606 = arith.index_cast %swap3A_1604 : i32 to index
        %swap3A_1607 = arith.constant 96 : index
        %swap3A_1608 = tpu.vector_load %arg12[%swap3A_1605, %swap3A_1606, %swap3A_1607] {strides = array<i32>} : memref<8x20x128xf32, #tpu.memory_space<vmem>>, vector<1x1x16xf32>,
        %swap3A_1609 = vector.shape_cast %swap3A_1608 : vector<1x1x16xf32> to vector<16xf32>
        %swap3A_1610 = vector.shape_cast %sub3A_1603 : vector<16xf32> to vector<1x1x16xf32>
        tpu.vector_store %arg12[%swap3A_1605, %swap3A_1606, %swap3A_1607], %swap3A_1610 {strides = array<i32>} : memref<8x20x128xf32, #tpu.memory_space<vmem>>, vector<1x1x16xf32>,
        %mul3A_1611 = arith.constant 20 : i32
        %mul3A_1612 = arith.muli %scan3A_356, %mul3A_1611 : i32
        %add3A_1613 = arith.constant 14 : i32
        %add3A_1614 = arith.addi %mul3A_1612, %add3A_1613 : i32
        %get3A_1615 = arith.index_cast %add3A_1614 : i32 to index
        %get3A_1616 = arith.constant 32 : index
        %get3A_1617 = tpu.vector_load %arg8[%get3A_1615, %get3A_1616] {strides = array<i32>} : memref<160x128xf32, #tpu.memory_space<vmem>>, vector<1x16xf32>,
        %get3A_1618 = vector.shape_cast %get3A_1617 : vector<1x16xf32> to vector<16xf32>
        %swap3A_1619 = arith.constant 14 : i32
        %swap3A_1620 = arith.index_cast %scan3A_356 : i32 to index
        %swap3A_1621 = arith.index_cast %swap3A_1619 : i32 to index
        %swap3A_1622 = arith.constant 32 : index
        %swap3A_1623 = tpu.vector_load %arg12[%swap3A_1620, %swap3A_1621, %swap3A_1622] {strides = array<i32>} : memref<8x20x128xf32, #tpu.memory_space<vmem>>, vector<1x1x16xf32>,
        %swap3A_1624 = vector.shape_cast %swap3A_1623 : vector<1x1x16xf32> to vector<16xf32>
        %swap3A_1625 = vector.shape_cast %get3A_1288 : vector<16xf32> to vector<1x1x16xf32>
        tpu.vector_store %arg12[%swap3A_1620, %swap3A_1621, %swap3A_1622], %swap3A_1625 {strides = array<i32>} : memref<8x20x128xf32, #tpu.memory_space<vmem>>, vector<1x1x16xf32>,
        %sub3A_1626 = arith.subf %get3A_1618, %get3A_1288 : vector<16xf32>
        %swap3A_1627 = arith.constant 14 : i32
        %swap3A_1628 = arith.index_cast %scan3A_356 : i32 to index
        %swap3A_1629 = arith.index_cast %swap3A_1627 : i32 to index
        %swap3A_1630 = arith.constant 96 : index
        %swap3A_1631 = tpu.vector_load %arg12[%swap3A_1628, %swap3A_1629, %swap3A_1630] {strides = array<i32>} : memref<8x20x128xf32, #tpu.memory_space<vmem>>, vector<1x1x16xf32>,
        %swap3A_1632 = vector.shape_cast %swap3A_1631 : vector<1x1x16xf32> to vector<16xf32>
        %swap3A_1633 = vector.shape_cast %sub3A_1626 : vector<16xf32> to vector<1x1x16xf32>
        tpu.vector_store %arg12[%swap3A_1628, %swap3A_1629, %swap3A_1630], %swap3A_1633 {strides = array<i32>} : memref<8x20x128xf32, #tpu.memory_space<vmem>>, vector<1x1x16xf32>,
        %mul3A_1634 = arith.constant 20 : i32
        %mul3A_1635 = arith.muli %scan3A_356, %mul3A_1634 : i32
        %add3A_1636 = arith.constant 15 : i32
        %add3A_1637 = arith.addi %mul3A_1635, %add3A_1636 : i32
        %get3A_1638 = arith.index_cast %add3A_1637 : i32 to index
        %get3A_1639 = arith.constant 32 : index
        %get3A_1640 = tpu.vector_load %arg8[%get3A_1638, %get3A_1639] {strides = array<i32>} : memref<160x128xf32, #tpu.memory_space<vmem>>, vector<1x16xf32>,
        %get3A_1641 = vector.shape_cast %get3A_1640 : vector<1x16xf32> to vector<16xf32>
        %swap3A_1642 = arith.constant 15 : i32
        %swap3A_1643 = arith.index_cast %scan3A_356 : i32 to index
        %swap3A_1644 = arith.index_cast %swap3A_1642 : i32 to index
        %swap3A_1645 = arith.constant 32 : index
        %swap3A_1646 = tpu.vector_load %arg12[%swap3A_1643, %swap3A_1644, %swap3A_1645] {strides = array<i32>} : memref<8x20x128xf32, #tpu.memory_space<vmem>>, vector<1x1x16xf32>,
        %swap3A_1647 = vector.shape_cast %swap3A_1646 : vector<1x1x16xf32> to vector<16xf32>
        %swap3A_1648 = vector.shape_cast %get3A_1288 : vector<16xf32> to vector<1x1x16xf32>
        tpu.vector_store %arg12[%swap3A_1643, %swap3A_1644, %swap3A_1645], %swap3A_1648 {strides = array<i32>} : memref<8x20x128xf32, #tpu.memory_space<vmem>>, vector<1x1x16xf32>,
        %sub3A_1649 = arith.subf %get3A_1641, %get3A_1288 : vector<16xf32>
        %swap3A_1650 = arith.constant 15 : i32
        %swap3A_1651 = arith.index_cast %scan3A_356 : i32 to index
        %swap3A_1652 = arith.index_cast %swap3A_1650 : i32 to index
        %swap3A_1653 = arith.constant 96 : index
        %swap3A_1654 = tpu.vector_load %arg12[%swap3A_1651, %swap3A_1652, %swap3A_1653] {strides = array<i32>} : memref<8x20x128xf32, #tpu.memory_space<vmem>>, vector<1x1x16xf32>,
        %swap3A_1655 = vector.shape_cast %swap3A_1654 : vector<1x1x16xf32> to vector<16xf32>
        %swap3A_1656 = vector.shape_cast %sub3A_1649 : vector<16xf32> to vector<1x1x16xf32>
        tpu.vector_store %arg12[%swap3A_1651, %swap3A_1652, %swap3A_1653], %swap3A_1656 {strides = array<i32>} : memref<8x20x128xf32, #tpu.memory_space<vmem>>, vector<1x1x16xf32>,
        %mul3A_1657 = arith.constant 20 : i32
        %mul3A_1658 = arith.muli %scan3A_356, %mul3A_1657 : i32
        %add3A_1659 = arith.constant 16 : i32
        %add3A_1660 = arith.addi %mul3A_1658, %add3A_1659 : i32
        %get3A_1661 = arith.index_cast %add3A_1660 : i32 to index
        %get3A_1662 = arith.constant 32 : index
        %get3A_1663 = tpu.vector_load %arg8[%get3A_1661, %get3A_1662] {strides = array<i32>} : memref<160x128xf32, #tpu.memory_space<vmem>>, vector<1x16xf32>,
        %get3A_1664 = vector.shape_cast %get3A_1663 : vector<1x16xf32> to vector<16xf32>
        %swap3A_1665 = arith.constant 16 : i32
        %swap3A_1666 = arith.index_cast %scan3A_356 : i32 to index
        %swap3A_1667 = arith.index_cast %swap3A_1665 : i32 to index
        %swap3A_1668 = arith.constant 32 : index
        %swap3A_1669 = tpu.vector_load %arg12[%swap3A_1666, %swap3A_1667, %swap3A_1668] {strides = array<i32>} : memref<8x20x128xf32, #tpu.memory_space<vmem>>, vector<1x1x16xf32>,
        %swap3A_1670 = vector.shape_cast %swap3A_1669 : vector<1x1x16xf32> to vector<16xf32>
        %swap3A_1671 = vector.shape_cast %get3A_1288 : vector<16xf32> to vector<1x1x16xf32>
        tpu.vector_store %arg12[%swap3A_1666, %swap3A_1667, %swap3A_1668], %swap3A_1671 {strides = array<i32>} : memref<8x20x128xf32, #tpu.memory_space<vmem>>, vector<1x1x16xf32>,
        %sub3A_1672 = arith.subf %get3A_1664, %get3A_1288 : vector<16xf32>
        %swap3A_1673 = arith.constant 16 : i32
        %swap3A_1674 = arith.index_cast %scan3A_356 : i32 to index
        %swap3A_1675 = arith.index_cast %swap3A_1673 : i32 to index
        %swap3A_1676 = arith.constant 96 : index
        %swap3A_1677 = tpu.vector_load %arg12[%swap3A_1674, %swap3A_1675, %swap3A_1676] {strides = array<i32>} : memref<8x20x128xf32, #tpu.memory_space<vmem>>, vector<1x1x16xf32>,
        %swap3A_1678 = vector.shape_cast %swap3A_1677 : vector<1x1x16xf32> to vector<16xf32>
        %swap3A_1679 = vector.shape_cast %sub3A_1672 : vector<16xf32> to vector<1x1x16xf32>
        tpu.vector_store %arg12[%swap3A_1674, %swap3A_1675, %swap3A_1676], %swap3A_1679 {strides = array<i32>} : memref<8x20x128xf32, #tpu.memory_space<vmem>>, vector<1x1x16xf32>,
        %mul3A_1680 = arith.constant 20 : i32
        %mul3A_1681 = arith.muli %scan3A_356, %mul3A_1680 : i32
        %add3A_1682 = arith.constant 17 : i32
        %add3A_1683 = arith.addi %mul3A_1681, %add3A_1682 : i32
        %get3A_1684 = arith.index_cast %add3A_1683 : i32 to index
        %get3A_1685 = arith.constant 32 : index
        %get3A_1686 = tpu.vector_load %arg8[%get3A_1684, %get3A_1685] {strides = array<i32>} : memref<160x128xf32, #tpu.memory_space<vmem>>, vector<1x16xf32>,
        %get3A_1687 = vector.shape_cast %get3A_1686 : vector<1x16xf32> to vector<16xf32>
        %swap3A_1688 = arith.constant 17 : i32
        %swap3A_1689 = arith.index_cast %scan3A_356 : i32 to index
        %swap3A_1690 = arith.index_cast %swap3A_1688 : i32 to index
        %swap3A_1691 = arith.constant 32 : index
        %swap3A_1692 = tpu.vector_load %arg12[%swap3A_1689, %swap3A_1690, %swap3A_1691] {strides = array<i32>} : memref<8x20x128xf32, #tpu.memory_space<vmem>>, vector<1x1x16xf32>,
        %swap3A_1693 = vector.shape_cast %swap3A_1692 : vector<1x1x16xf32> to vector<16xf32>
        %swap3A_1694 = vector.shape_cast %get3A_1288 : vector<16xf32> to vector<1x1x16xf32>
        tpu.vector_store %arg12[%swap3A_1689, %swap3A_1690, %swap3A_1691], %swap3A_1694 {strides = array<i32>} : memref<8x20x128xf32, #tpu.memory_space<vmem>>, vector<1x1x16xf32>,
        %sub3A_1695 = arith.subf %get3A_1687, %get3A_1288 : vector<16xf32>
        %swap3A_1696 = arith.constant 17 : i32
        %swap3A_1697 = arith.index_cast %scan3A_356 : i32 to index
        %swap3A_1698 = arith.index_cast %swap3A_1696 : i32 to index
        %swap3A_1699 = arith.constant 96 : index
        %swap3A_1700 = tpu.vector_load %arg12[%swap3A_1697, %swap3A_1698, %swap3A_1699] {strides = array<i32>} : memref<8x20x128xf32, #tpu.memory_space<vmem>>, vector<1x1x16xf32>,
        %swap3A_1701 = vector.shape_cast %swap3A_1700 : vector<1x1x16xf32> to vector<16xf32>
        %swap3A_1702 = vector.shape_cast %sub3A_1695 : vector<16xf32> to vector<1x1x16xf32>
        tpu.vector_store %arg12[%swap3A_1697, %swap3A_1698, %swap3A_1699], %swap3A_1702 {strides = array<i32>} : memref<8x20x128xf32, #tpu.memory_space<vmem>>, vector<1x1x16xf32>,
        %mul3A_1703 = arith.constant 20 : i32
        %mul3A_1704 = arith.muli %scan3A_356, %mul3A_1703 : i32
        %add3A_1705 = arith.constant 18 : i32
        %add3A_1706 = arith.addi %mul3A_1704, %add3A_1705 : i32
        %get3A_1707 = arith.index_cast %add3A_1706 : i32 to index
        %get3A_1708 = arith.constant 32 : index
        %get3A_1709 = tpu.vector_load %arg8[%get3A_1707, %get3A_1708] {strides = array<i32>} : memref<160x128xf32, #tpu.memory_space<vmem>>, vector<1x16xf32>,
        %get3A_1710 = vector.shape_cast %get3A_1709 : vector<1x16xf32> to vector<16xf32>
        %swap3A_1711 = arith.constant 18 : i32
        %swap3A_1712 = arith.index_cast %scan3A_356 : i32 to index
        %swap3A_1713 = arith.index_cast %swap3A_1711 : i32 to index
        %swap3A_1714 = arith.constant 32 : index
        %swap3A_1715 = tpu.vector_load %arg12[%swap3A_1712, %swap3A_1713, %swap3A_1714] {strides = array<i32>} : memref<8x20x128xf32, #tpu.memory_space<vmem>>, vector<1x1x16xf32>,
        %swap3A_1716 = vector.shape_cast %swap3A_1715 : vector<1x1x16xf32> to vector<16xf32>
        %swap3A_1717 = vector.shape_cast %get3A_1288 : vector<16xf32> to vector<1x1x16xf32>
        tpu.vector_store %arg12[%swap3A_1712, %swap3A_1713, %swap3A_1714], %swap3A_1717 {strides = array<i32>} : memref<8x20x128xf32, #tpu.memory_space<vmem>>, vector<1x1x16xf32>,
        %sub3A_1718 = arith.subf %get3A_1710, %get3A_1288 : vector<16xf32>
        %swap3A_1719 = arith.constant 18 : i32
        %swap3A_1720 = arith.index_cast %scan3A_356 : i32 to index
        %swap3A_1721 = arith.index_cast %swap3A_1719 : i32 to index
        %swap3A_1722 = arith.constant 96 : index
        %swap3A_1723 = tpu.vector_load %arg12[%swap3A_1720, %swap3A_1721, %swap3A_1722] {strides = array<i32>} : memref<8x20x128xf32, #tpu.memory_space<vmem>>, vector<1x1x16xf32>,
        %swap3A_1724 = vector.shape_cast %swap3A_1723 : vector<1x1x16xf32> to vector<16xf32>
        %swap3A_1725 = vector.shape_cast %sub3A_1718 : vector<16xf32> to vector<1x1x16xf32>
        tpu.vector_store %arg12[%swap3A_1720, %swap3A_1721, %swap3A_1722], %swap3A_1725 {strides = array<i32>} : memref<8x20x128xf32, #tpu.memory_space<vmem>>, vector<1x1x16xf32>,
        %mul3A_1726 = arith.constant 20 : i32
        %mul3A_1727 = arith.muli %scan3A_356, %mul3A_1726 : i32
        %add3A_1728 = arith.constant 19 : i32
        %add3A_1729 = arith.addi %mul3A_1727, %add3A_1728 : i32
        %get3A_1730 = arith.index_cast %add3A_1729 : i32 to index
        %get3A_1731 = arith.constant 32 : index
        %get3A_1732 = tpu.vector_load %arg8[%get3A_1730, %get3A_1731] {strides = array<i32>} : memref<160x128xf32, #tpu.memory_space<vmem>>, vector<1x16xf32>,
        %get3A_1733 = vector.shape_cast %get3A_1732 : vector<1x16xf32> to vector<16xf32>
        %swap3A_1734 = arith.constant 19 : i32
        %swap3A_1735 = arith.index_cast %scan3A_356 : i32 to index
        %swap3A_1736 = arith.index_cast %swap3A_1734 : i32 to index
        %swap3A_1737 = arith.constant 32 : index
        %swap3A_1738 = tpu.vector_load %arg12[%swap3A_1735, %swap3A_1736, %swap3A_1737] {strides = array<i32>} : memref<8x20x128xf32, #tpu.memory_space<vmem>>, vector<1x1x16xf32>,
        %swap3A_1739 = vector.shape_cast %swap3A_1738 : vector<1x1x16xf32> to vector<16xf32>
        %swap3A_1740 = vector.shape_cast %get3A_1288 : vector<16xf32> to vector<1x1x16xf32>
        tpu.vector_store %arg12[%swap3A_1735, %swap3A_1736, %swap3A_1737], %swap3A_1740 {strides = array<i32>} : memref<8x20x128xf32, #tpu.memory_space<vmem>>, vector<1x1x16xf32>,
        %sub3A_1741 = arith.subf %get3A_1733, %get3A_1288 : vector<16xf32>
        %swap3A_1742 = arith.constant 19 : i32
        %swap3A_1743 = arith.index_cast %scan3A_356 : i32 to index
        %swap3A_1744 = arith.index_cast %swap3A_1742 : i32 to index
        %swap3A_1745 = arith.constant 96 : index
        %swap3A_1746 = tpu.vector_load %arg12[%swap3A_1743, %swap3A_1744, %swap3A_1745] {strides = array<i32>} : memref<8x20x128xf32, #tpu.memory_space<vmem>>, vector<1x1x16xf32>,
        %swap3A_1747 = vector.shape_cast %swap3A_1746 : vector<1x1x16xf32> to vector<16xf32>
        %swap3A_1748 = vector.shape_cast %sub3A_1741 : vector<16xf32> to vector<1x1x16xf32>
        tpu.vector_store %arg12[%swap3A_1743, %swap3A_1744, %swap3A_1745], %swap3A_1748 {strides = array<i32>} : memref<8x20x128xf32, #tpu.memory_space<vmem>>, vector<1x1x16xf32>,
        %get3A_1749 = arith.index_cast %scan3A_356 : i32 to index
        %get3A_1750 = arith.constant 48 : index
        %get3A_1751 = tpu.vector_load %arg10[%get3A_1749, %get3A_1750] {strides = array<i32>} : memref<8x128xf32, #tpu.memory_space<vmem>>, vector<1x16xf32>,
        %get3A_1752 = vector.shape_cast %get3A_1751 : vector<1x16xf32> to vector<16xf32>
        %mul3A_1753 = arith.constant 20 : i32
        %mul3A_1754 = arith.muli %scan3A_356, %mul3A_1753 : i32
        %add3A_1755 = arith.constant 0 : i32
        %add3A_1756 = arith.addi %mul3A_1754, %add3A_1755 : i32
        %get3A_1757 = arith.index_cast %add3A_1756 : i32 to index
        %get3A_1758 = arith.constant 48 : index
        %get3A_1759 = tpu.vector_load %arg8[%get3A_1757, %get3A_1758] {strides = array<i32>} : memref<160x128xf32, #tpu.memory_space<vmem>>, vector<1x16xf32>,
        %get3A_1760 = vector.shape_cast %get3A_1759 : vector<1x16xf32> to vector<16xf32>
        %swap3A_1761 = arith.constant 0 : i32
        %swap3A_1762 = arith.index_cast %scan3A_356 : i32 to index
        %swap3A_1763 = arith.index_cast %swap3A_1761 : i32 to index
        %swap3A_1764 = arith.constant 48 : index
        %swap3A_1765 = tpu.vector_load %arg12[%swap3A_1762, %swap3A_1763, %swap3A_1764] {strides = array<i32>} : memref<8x20x128xf32, #tpu.memory_space<vmem>>, vector<1x1x16xf32>,
        %swap3A_1766 = vector.shape_cast %swap3A_1765 : vector<1x1x16xf32> to vector<16xf32>
        %swap3A_1767 = vector.shape_cast %get3A_1752 : vector<16xf32> to vector<1x1x16xf32>
        tpu.vector_store %arg12[%swap3A_1762, %swap3A_1763, %swap3A_1764], %swap3A_1767 {strides = array<i32>} : memref<8x20x128xf32, #tpu.memory_space<vmem>>, vector<1x1x16xf32>,
        %sub3A_1768 = arith.subf %get3A_1760, %get3A_1752 : vector<16xf32>
        %swap3A_1769 = arith.constant 0 : i32
        %swap3A_1770 = arith.index_cast %scan3A_356 : i32 to index
        %swap3A_1771 = arith.index_cast %swap3A_1769 : i32 to index
        %swap3A_1772 = arith.constant 112 : index
        %swap3A_1773 = tpu.vector_load %arg12[%swap3A_1770, %swap3A_1771, %swap3A_1772] {strides = array<i32>} : memref<8x20x128xf32, #tpu.memory_space<vmem>>, vector<1x1x16xf32>,
        %swap3A_1774 = vector.shape_cast %swap3A_1773 : vector<1x1x16xf32> to vector<16xf32>
        %swap3A_1775 = vector.shape_cast %sub3A_1768 : vector<16xf32> to vector<1x1x16xf32>
        tpu.vector_store %arg12[%swap3A_1770, %swap3A_1771, %swap3A_1772], %swap3A_1775 {strides = array<i32>} : memref<8x20x128xf32, #tpu.memory_space<vmem>>, vector<1x1x16xf32>,
        %mul3A_1776 = arith.constant 20 : i32
        %mul3A_1777 = arith.muli %scan3A_356, %mul3A_1776 : i32
        %add3A_1778 = arith.constant 1 : i32
        %add3A_1779 = arith.addi %mul3A_1777, %add3A_1778 : i32
        %get3A_1780 = arith.index_cast %add3A_1779 : i32 to index
        %get3A_1781 = arith.constant 48 : index
        %get3A_1782 = tpu.vector_load %arg8[%get3A_1780, %get3A_1781] {strides = array<i32>} : memref<160x128xf32, #tpu.memory_space<vmem>>, vector<1x16xf32>,
        %get3A_1783 = vector.shape_cast %get3A_1782 : vector<1x16xf32> to vector<16xf32>
        %swap3A_1784 = arith.constant 1 : i32
        %swap3A_1785 = arith.index_cast %scan3A_356 : i32 to index
        %swap3A_1786 = arith.index_cast %swap3A_1784 : i32 to index
        %swap3A_1787 = arith.constant 48 : index
        %swap3A_1788 = tpu.vector_load %arg12[%swap3A_1785, %swap3A_1786, %swap3A_1787] {strides = array<i32>} : memref<8x20x128xf32, #tpu.memory_space<vmem>>, vector<1x1x16xf32>,
        %swap3A_1789 = vector.shape_cast %swap3A_1788 : vector<1x1x16xf32> to vector<16xf32>
        %swap3A_1790 = vector.shape_cast %get3A_1752 : vector<16xf32> to vector<1x1x16xf32>
        tpu.vector_store %arg12[%swap3A_1785, %swap3A_1786, %swap3A_1787], %swap3A_1790 {strides = array<i32>} : memref<8x20x128xf32, #tpu.memory_space<vmem>>, vector<1x1x16xf32>,
        %sub3A_1791 = arith.subf %get3A_1783, %get3A_1752 : vector<16xf32>
        %swap3A_1792 = arith.constant 1 : i32
        %swap3A_1793 = arith.index_cast %scan3A_356 : i32 to index
        %swap3A_1794 = arith.index_cast %swap3A_1792 : i32 to index
        %swap3A_1795 = arith.constant 112 : index
        %swap3A_1796 = tpu.vector_load %arg12[%swap3A_1793, %swap3A_1794, %swap3A_1795] {strides = array<i32>} : memref<8x20x128xf32, #tpu.memory_space<vmem>>, vector<1x1x16xf32>,
        %swap3A_1797 = vector.shape_cast %swap3A_1796 : vector<1x1x16xf32> to vector<16xf32>
        %swap3A_1798 = vector.shape_cast %sub3A_1791 : vector<16xf32> to vector<1x1x16xf32>
        tpu.vector_store %arg12[%swap3A_1793, %swap3A_1794, %swap3A_1795], %swap3A_1798 {strides = array<i32>} : memref<8x20x128xf32, #tpu.memory_space<vmem>>, vector<1x1x16xf32>,
        %mul3A_1799 = arith.constant 20 : i32
        %mul3A_1800 = arith.muli %scan3A_356, %mul3A_1799 : i32
        %add3A_1801 = arith.constant 2 : i32
        %add3A_1802 = arith.addi %mul3A_1800, %add3A_1801 : i32
        %get3A_1803 = arith.index_cast %add3A_1802 : i32 to index
        %get3A_1804 = arith.constant 48 : index
        %get3A_1805 = tpu.vector_load %arg8[%get3A_1803, %get3A_1804] {strides = array<i32>} : memref<160x128xf32, #tpu.memory_space<vmem>>, vector<1x16xf32>,
        %get3A_1806 = vector.shape_cast %get3A_1805 : vector<1x16xf32> to vector<16xf32>
        %swap3A_1807 = arith.constant 2 : i32
        %swap3A_1808 = arith.index_cast %scan3A_356 : i32 to index
        %swap3A_1809 = arith.index_cast %swap3A_1807 : i32 to index
        %swap3A_1810 = arith.constant 48 : index
        %swap3A_1811 = tpu.vector_load %arg12[%swap3A_1808, %swap3A_1809, %swap3A_1810] {strides = array<i32>} : memref<8x20x128xf32, #tpu.memory_space<vmem>>, vector<1x1x16xf32>,
        %swap3A_1812 = vector.shape_cast %swap3A_1811 : vector<1x1x16xf32> to vector<16xf32>
        %swap3A_1813 = vector.shape_cast %get3A_1752 : vector<16xf32> to vector<1x1x16xf32>
        tpu.vector_store %arg12[%swap3A_1808, %swap3A_1809, %swap3A_1810], %swap3A_1813 {strides = array<i32>} : memref<8x20x128xf32, #tpu.memory_space<vmem>>, vector<1x1x16xf32>,
        %sub3A_1814 = arith.subf %get3A_1806, %get3A_1752 : vector<16xf32>
        %swap3A_1815 = arith.constant 2 : i32
        %swap3A_1816 = arith.index_cast %scan3A_356 : i32 to index
        %swap3A_1817 = arith.index_cast %swap3A_1815 : i32 to index
        %swap3A_1818 = arith.constant 112 : index
        %swap3A_1819 = tpu.vector_load %arg12[%swap3A_1816, %swap3A_1817, %swap3A_1818] {strides = array<i32>} : memref<8x20x128xf32, #tpu.memory_space<vmem>>, vector<1x1x16xf32>,
        %swap3A_1820 = vector.shape_cast %swap3A_1819 : vector<1x1x16xf32> to vector<16xf32>
        %swap3A_1821 = vector.shape_cast %sub3A_1814 : vector<16xf32> to vector<1x1x16xf32>
        tpu.vector_store %arg12[%swap3A_1816, %swap3A_1817, %swap3A_1818], %swap3A_1821 {strides = array<i32>} : memref<8x20x128xf32, #tpu.memory_space<vmem>>, vector<1x1x16xf32>,
        %mul3A_1822 = arith.constant 20 : i32
        %mul3A_1823 = arith.muli %scan3A_356, %mul3A_1822 : i32
        %add3A_1824 = arith.constant 3 : i32
        %add3A_1825 = arith.addi %mul3A_1823, %add3A_1824 : i32
        %get3A_1826 = arith.index_cast %add3A_1825 : i32 to index
        %get3A_1827 = arith.constant 48 : index
        %get3A_1828 = tpu.vector_load %arg8[%get3A_1826, %get3A_1827] {strides = array<i32>} : memref<160x128xf32, #tpu.memory_space<vmem>>, vector<1x16xf32>,
        %get3A_1829 = vector.shape_cast %get3A_1828 : vector<1x16xf32> to vector<16xf32>
        %swap3A_1830 = arith.constant 3 : i32
        %swap3A_1831 = arith.index_cast %scan3A_356 : i32 to index
        %swap3A_1832 = arith.index_cast %swap3A_1830 : i32 to index
        %swap3A_1833 = arith.constant 48 : index
        %swap3A_1834 = tpu.vector_load %arg12[%swap3A_1831, %swap3A_1832, %swap3A_1833] {strides = array<i32>} : memref<8x20x128xf32, #tpu.memory_space<vmem>>, vector<1x1x16xf32>,
        %swap3A_1835 = vector.shape_cast %swap3A_1834 : vector<1x1x16xf32> to vector<16xf32>
        %swap3A_1836 = vector.shape_cast %get3A_1752 : vector<16xf32> to vector<1x1x16xf32>
        tpu.vector_store %arg12[%swap3A_1831, %swap3A_1832, %swap3A_1833], %swap3A_1836 {strides = array<i32>} : memref<8x20x128xf32, #tpu.memory_space<vmem>>, vector<1x1x16xf32>,
        %sub3A_1837 = arith.subf %get3A_1829, %get3A_1752 : vector<16xf32>
        %swap3A_1838 = arith.constant 3 : i32
        %swap3A_1839 = arith.index_cast %scan3A_356 : i32 to index
        %swap3A_1840 = arith.index_cast %swap3A_1838 : i32 to index
        %swap3A_1841 = arith.constant 112 : index
        %swap3A_1842 = tpu.vector_load %arg12[%swap3A_1839, %swap3A_1840, %swap3A_1841] {strides = array<i32>} : memref<8x20x128xf32, #tpu.memory_space<vmem>>, vector<1x1x16xf32>,
        %swap3A_1843 = vector.shape_cast %swap3A_1842 : vector<1x1x16xf32> to vector<16xf32>
        %swap3A_1844 = vector.shape_cast %sub3A_1837 : vector<16xf32> to vector<1x1x16xf32>
        tpu.vector_store %arg12[%swap3A_1839, %swap3A_1840, %swap3A_1841], %swap3A_1844 {strides = array<i32>} : memref<8x20x128xf32, #tpu.memory_space<vmem>>, vector<1x1x16xf32>,
        %mul3A_1845 = arith.constant 20 : i32
        %mul3A_1846 = arith.muli %scan3A_356, %mul3A_1845 : i32
        %add3A_1847 = arith.constant 4 : i32
        %add3A_1848 = arith.addi %mul3A_1846, %add3A_1847 : i32
        %get3A_1849 = arith.index_cast %add3A_1848 : i32 to index
        %get3A_1850 = arith.constant 48 : index
        %get3A_1851 = tpu.vector_load %arg8[%get3A_1849, %get3A_1850] {strides = array<i32>} : memref<160x128xf32, #tpu.memory_space<vmem>>, vector<1x16xf32>,
        %get3A_1852 = vector.shape_cast %get3A_1851 : vector<1x16xf32> to vector<16xf32>
        %swap3A_1853 = arith.constant 4 : i32
        %swap3A_1854 = arith.index_cast %scan3A_356 : i32 to index
        %swap3A_1855 = arith.index_cast %swap3A_1853 : i32 to index
        %swap3A_1856 = arith.constant 48 : index
        %swap3A_1857 = tpu.vector_load %arg12[%swap3A_1854, %swap3A_1855, %swap3A_1856] {strides = array<i32>} : memref<8x20x128xf32, #tpu.memory_space<vmem>>, vector<1x1x16xf32>,
        %swap3A_1858 = vector.shape_cast %swap3A_1857 : vector<1x1x16xf32> to vector<16xf32>
        %swap3A_1859 = vector.shape_cast %get3A_1752 : vector<16xf32> to vector<1x1x16xf32>
        tpu.vector_store %arg12[%swap3A_1854, %swap3A_1855, %swap3A_1856], %swap3A_1859 {strides = array<i32>} : memref<8x20x128xf32, #tpu.memory_space<vmem>>, vector<1x1x16xf32>,
        %sub3A_1860 = arith.subf %get3A_1852, %get3A_1752 : vector<16xf32>
        %swap3A_1861 = arith.constant 4 : i32
        %swap3A_1862 = arith.index_cast %scan3A_356 : i32 to index
        %swap3A_1863 = arith.index_cast %swap3A_1861 : i32 to index
        %swap3A_1864 = arith.constant 112 : index
        %swap3A_1865 = tpu.vector_load %arg12[%swap3A_1862, %swap3A_1863, %swap3A_1864] {strides = array<i32>} : memref<8x20x128xf32, #tpu.memory_space<vmem>>, vector<1x1x16xf32>,
        %swap3A_1866 = vector.shape_cast %swap3A_1865 : vector<1x1x16xf32> to vector<16xf32>
        %swap3A_1867 = vector.shape_cast %sub3A_1860 : vector<16xf32> to vector<1x1x16xf32>
        tpu.vector_store %arg12[%swap3A_1862, %swap3A_1863, %swap3A_1864], %swap3A_1867 {strides = array<i32>} : memref<8x20x128xf32, #tpu.memory_space<vmem>>, vector<1x1x16xf32>,
        %mul3A_1868 = arith.constant 20 : i32
        %mul3A_1869 = arith.muli %scan3A_356, %mul3A_1868 : i32
        %add3A_1870 = arith.constant 5 : i32
        %add3A_1871 = arith.addi %mul3A_1869, %add3A_1870 : i32
        %get3A_1872 = arith.index_cast %add3A_1871 : i32 to index
        %get3A_1873 = arith.constant 48 : index
        %get3A_1874 = tpu.vector_load %arg8[%get3A_1872, %get3A_1873] {strides = array<i32>} : memref<160x128xf32, #tpu.memory_space<vmem>>, vector<1x16xf32>,
        %get3A_1875 = vector.shape_cast %get3A_1874 : vector<1x16xf32> to vector<16xf32>
        %swap3A_1876 = arith.constant 5 : i32
        %swap3A_1877 = arith.index_cast %scan3A_356 : i32 to index
        %swap3A_1878 = arith.index_cast %swap3A_1876 : i32 to index
        %swap3A_1879 = arith.constant 48 : index
        %swap3A_1880 = tpu.vector_load %arg12[%swap3A_1877, %swap3A_1878, %swap3A_1879] {strides = array<i32>} : memref<8x20x128xf32, #tpu.memory_space<vmem>>, vector<1x1x16xf32>,
        %swap3A_1881 = vector.shape_cast %swap3A_1880 : vector<1x1x16xf32> to vector<16xf32>
        %swap3A_1882 = vector.shape_cast %get3A_1752 : vector<16xf32> to vector<1x1x16xf32>
        tpu.vector_store %arg12[%swap3A_1877, %swap3A_1878, %swap3A_1879], %swap3A_1882 {strides = array<i32>} : memref<8x20x128xf32, #tpu.memory_space<vmem>>, vector<1x1x16xf32>,
        %sub3A_1883 = arith.subf %get3A_1875, %get3A_1752 : vector<16xf32>
        %swap3A_1884 = arith.constant 5 : i32
        %swap3A_1885 = arith.index_cast %scan3A_356 : i32 to index
        %swap3A_1886 = arith.index_cast %swap3A_1884 : i32 to index
        %swap3A_1887 = arith.constant 112 : index
        %swap3A_1888 = tpu.vector_load %arg12[%swap3A_1885, %swap3A_1886, %swap3A_1887] {strides = array<i32>} : memref<8x20x128xf32, #tpu.memory_space<vmem>>, vector<1x1x16xf32>,
        %swap3A_1889 = vector.shape_cast %swap3A_1888 : vector<1x1x16xf32> to vector<16xf32>
        %swap3A_1890 = vector.shape_cast %sub3A_1883 : vector<16xf32> to vector<1x1x16xf32>
        tpu.vector_store %arg12[%swap3A_1885, %swap3A_1886, %swap3A_1887], %swap3A_1890 {strides = array<i32>} : memref<8x20x128xf32, #tpu.memory_space<vmem>>, vector<1x1x16xf32>,
        %mul3A_1891 = arith.constant 20 : i32
        %mul3A_1892 = arith.muli %scan3A_356, %mul3A_1891 : i32
        %add3A_1893 = arith.constant 6 : i32
        %add3A_1894 = arith.addi %mul3A_1892, %add3A_1893 : i32
        %get3A_1895 = arith.index_cast %add3A_1894 : i32 to index
        %get3A_1896 = arith.constant 48 : index
        %get3A_1897 = tpu.vector_load %arg8[%get3A_1895, %get3A_1896] {strides = array<i32>} : memref<160x128xf32, #tpu.memory_space<vmem>>, vector<1x16xf32>,
        %get3A_1898 = vector.shape_cast %get3A_1897 : vector<1x16xf32> to vector<16xf32>
        %swap3A_1899 = arith.constant 6 : i32
        %swap3A_1900 = arith.index_cast %scan3A_356 : i32 to index
        %swap3A_1901 = arith.index_cast %swap3A_1899 : i32 to index
        %swap3A_1902 = arith.constant 48 : index
        %swap3A_1903 = tpu.vector_load %arg12[%swap3A_1900, %swap3A_1901, %swap3A_1902] {strides = array<i32>} : memref<8x20x128xf32, #tpu.memory_space<vmem>>, vector<1x1x16xf32>,
        %swap3A_1904 = vector.shape_cast %swap3A_1903 : vector<1x1x16xf32> to vector<16xf32>
        %swap3A_1905 = vector.shape_cast %get3A_1752 : vector<16xf32> to vector<1x1x16xf32>
        tpu.vector_store %arg12[%swap3A_1900, %swap3A_1901, %swap3A_1902], %swap3A_1905 {strides = array<i32>} : memref<8x20x128xf32, #tpu.memory_space<vmem>>, vector<1x1x16xf32>,
        %sub3A_1906 = arith.subf %get3A_1898, %get3A_1752 : vector<16xf32>
        %swap3A_1907 = arith.constant 6 : i32
        %swap3A_1908 = arith.index_cast %scan3A_356 : i32 to index
        %swap3A_1909 = arith.index_cast %swap3A_1907 : i32 to index
        %swap3A_1910 = arith.constant 112 : index
        %swap3A_1911 = tpu.vector_load %arg12[%swap3A_1908, %swap3A_1909, %swap3A_1910] {strides = array<i32>} : memref<8x20x128xf32, #tpu.memory_space<vmem>>, vector<1x1x16xf32>,
        %swap3A_1912 = vector.shape_cast %swap3A_1911 : vector<1x1x16xf32> to vector<16xf32>
        %swap3A_1913 = vector.shape_cast %sub3A_1906 : vector<16xf32> to vector<1x1x16xf32>
        tpu.vector_store %arg12[%swap3A_1908, %swap3A_1909, %swap3A_1910], %swap3A_1913 {strides = array<i32>} : memref<8x20x128xf32, #tpu.memory_space<vmem>>, vector<1x1x16xf32>,
        %mul3A_1914 = arith.constant 20 : i32
        %mul3A_1915 = arith.muli %scan3A_356, %mul3A_1914 : i32
        %add3A_1916 = arith.constant 7 : i32
        %add3A_1917 = arith.addi %mul3A_1915, %add3A_1916 : i32
        %get3A_1918 = arith.index_cast %add3A_1917 : i32 to index
        %get3A_1919 = arith.constant 48 : index
        %get3A_1920 = tpu.vector_load %arg8[%get3A_1918, %get3A_1919] {strides = array<i32>} : memref<160x128xf32, #tpu.memory_space<vmem>>, vector<1x16xf32>,
        %get3A_1921 = vector.shape_cast %get3A_1920 : vector<1x16xf32> to vector<16xf32>
        %swap3A_1922 = arith.constant 7 : i32
        %swap3A_1923 = arith.index_cast %scan3A_356 : i32 to index
        %swap3A_1924 = arith.index_cast %swap3A_1922 : i32 to index
        %swap3A_1925 = arith.constant 48 : index
        %swap3A_1926 = tpu.vector_load %arg12[%swap3A_1923, %swap3A_1924, %swap3A_1925] {strides = array<i32>} : memref<8x20x128xf32, #tpu.memory_space<vmem>>, vector<1x1x16xf32>,
        %swap3A_1927 = vector.shape_cast %swap3A_1926 : vector<1x1x16xf32> to vector<16xf32>
        %swap3A_1928 = vector.shape_cast %get3A_1752 : vector<16xf32> to vector<1x1x16xf32>
        tpu.vector_store %arg12[%swap3A_1923, %swap3A_1924, %swap3A_1925], %swap3A_1928 {strides = array<i32>} : memref<8x20x128xf32, #tpu.memory_space<vmem>>, vector<1x1x16xf32>,
        %sub3A_1929 = arith.subf %get3A_1921, %get3A_1752 : vector<16xf32>
        %swap3A_1930 = arith.constant 7 : i32
        %swap3A_1931 = arith.index_cast %scan3A_356 : i32 to index
        %swap3A_1932 = arith.index_cast %swap3A_1930 : i32 to index
        %swap3A_1933 = arith.constant 112 : index
        %swap3A_1934 = tpu.vector_load %arg12[%swap3A_1931, %swap3A_1932, %swap3A_1933] {strides = array<i32>} : memref<8x20x128xf32, #tpu.memory_space<vmem>>, vector<1x1x16xf32>,
        %swap3A_1935 = vector.shape_cast %swap3A_1934 : vector<1x1x16xf32> to vector<16xf32>
        %swap3A_1936 = vector.shape_cast %sub3A_1929 : vector<16xf32> to vector<1x1x16xf32>
        tpu.vector_store %arg12[%swap3A_1931, %swap3A_1932, %swap3A_1933], %swap3A_1936 {strides = array<i32>} : memref<8x20x128xf32, #tpu.memory_space<vmem>>, vector<1x1x16xf32>,
        %mul3A_1937 = arith.constant 20 : i32
        %mul3A_1938 = arith.muli %scan3A_356, %mul3A_1937 : i32
        %add3A_1939 = arith.constant 8 : i32
        %add3A_1940 = arith.addi %mul3A_1938, %add3A_1939 : i32
        %get3A_1941 = arith.index_cast %add3A_1940 : i32 to index
        %get3A_1942 = arith.constant 48 : index
        %get3A_1943 = tpu.vector_load %arg8[%get3A_1941, %get3A_1942] {strides = array<i32>} : memref<160x128xf32, #tpu.memory_space<vmem>>, vector<1x16xf32>,
        %get3A_1944 = vector.shape_cast %get3A_1943 : vector<1x16xf32> to vector<16xf32>
        %swap3A_1945 = arith.constant 8 : i32
        %swap3A_1946 = arith.index_cast %scan3A_356 : i32 to index
        %swap3A_1947 = arith.index_cast %swap3A_1945 : i32 to index
        %swap3A_1948 = arith.constant 48 : index
        %swap3A_1949 = tpu.vector_load %arg12[%swap3A_1946, %swap3A_1947, %swap3A_1948] {strides = array<i32>} : memref<8x20x128xf32, #tpu.memory_space<vmem>>, vector<1x1x16xf32>,
        %swap3A_1950 = vector.shape_cast %swap3A_1949 : vector<1x1x16xf32> to vector<16xf32>
        %swap3A_1951 = vector.shape_cast %get3A_1752 : vector<16xf32> to vector<1x1x16xf32>
        tpu.vector_store %arg12[%swap3A_1946, %swap3A_1947, %swap3A_1948], %swap3A_1951 {strides = array<i32>} : memref<8x20x128xf32, #tpu.memory_space<vmem>>, vector<1x1x16xf32>,
        %sub3A_1952 = arith.subf %get3A_1944, %get3A_1752 : vector<16xf32>
        %swap3A_1953 = arith.constant 8 : i32
        %swap3A_1954 = arith.index_cast %scan3A_356 : i32 to index
        %swap3A_1955 = arith.index_cast %swap3A_1953 : i32 to index
        %swap3A_1956 = arith.constant 112 : index
        %swap3A_1957 = tpu.vector_load %arg12[%swap3A_1954, %swap3A_1955, %swap3A_1956] {strides = array<i32>} : memref<8x20x128xf32, #tpu.memory_space<vmem>>, vector<1x1x16xf32>,
        %swap3A_1958 = vector.shape_cast %swap3A_1957 : vector<1x1x16xf32> to vector<16xf32>
        %swap3A_1959 = vector.shape_cast %sub3A_1952 : vector<16xf32> to vector<1x1x16xf32>
        tpu.vector_store %arg12[%swap3A_1954, %swap3A_1955, %swap3A_1956], %swap3A_1959 {strides = array<i32>} : memref<8x20x128xf32, #tpu.memory_space<vmem>>, vector<1x1x16xf32>,
        %mul3A_1960 = arith.constant 20 : i32
        %mul3A_1961 = arith.muli %scan3A_356, %mul3A_1960 : i32
        %add3A_1962 = arith.constant 9 : i32
        %add3A_1963 = arith.addi %mul3A_1961, %add3A_1962 : i32
        %get3A_1964 = arith.index_cast %add3A_1963 : i32 to index
        %get3A_1965 = arith.constant 48 : index
        %get3A_1966 = tpu.vector_load %arg8[%get3A_1964, %get3A_1965] {strides = array<i32>} : memref<160x128xf32, #tpu.memory_space<vmem>>, vector<1x16xf32>,
        %get3A_1967 = vector.shape_cast %get3A_1966 : vector<1x16xf32> to vector<16xf32>
        %swap3A_1968 = arith.constant 9 : i32
        %swap3A_1969 = arith.index_cast %scan3A_356 : i32 to index
        %swap3A_1970 = arith.index_cast %swap3A_1968 : i32 to index
        %swap3A_1971 = arith.constant 48 : index
        %swap3A_1972 = tpu.vector_load %arg12[%swap3A_1969, %swap3A_1970, %swap3A_1971] {strides = array<i32>} : memref<8x20x128xf32, #tpu.memory_space<vmem>>, vector<1x1x16xf32>,
        %swap3A_1973 = vector.shape_cast %swap3A_1972 : vector<1x1x16xf32> to vector<16xf32>
        %swap3A_1974 = vector.shape_cast %get3A_1752 : vector<16xf32> to vector<1x1x16xf32>
        tpu.vector_store %arg12[%swap3A_1969, %swap3A_1970, %swap3A_1971], %swap3A_1974 {strides = array<i32>} : memref<8x20x128xf32, #tpu.memory_space<vmem>>, vector<1x1x16xf32>,
        %sub3A_1975 = arith.subf %get3A_1967, %get3A_1752 : vector<16xf32>
        %swap3A_1976 = arith.constant 9 : i32
        %swap3A_1977 = arith.index_cast %scan3A_356 : i32 to index
        %swap3A_1978 = arith.index_cast %swap3A_1976 : i32 to index
        %swap3A_1979 = arith.constant 112 : index
        %swap3A_1980 = tpu.vector_load %arg12[%swap3A_1977, %swap3A_1978, %swap3A_1979] {strides = array<i32>} : memref<8x20x128xf32, #tpu.memory_space<vmem>>, vector<1x1x16xf32>,
        %swap3A_1981 = vector.shape_cast %swap3A_1980 : vector<1x1x16xf32> to vector<16xf32>
        %swap3A_1982 = vector.shape_cast %sub3A_1975 : vector<16xf32> to vector<1x1x16xf32>
        tpu.vector_store %arg12[%swap3A_1977, %swap3A_1978, %swap3A_1979], %swap3A_1982 {strides = array<i32>} : memref<8x20x128xf32, #tpu.memory_space<vmem>>, vector<1x1x16xf32>,
        %mul3A_1983 = arith.constant 20 : i32
        %mul3A_1984 = arith.muli %scan3A_356, %mul3A_1983 : i32
        %add3A_1985 = arith.constant 10 : i32
        %add3A_1986 = arith.addi %mul3A_1984, %add3A_1985 : i32
        %get3A_1987 = arith.index_cast %add3A_1986 : i32 to index
        %get3A_1988 = arith.constant 48 : index
        %get3A_1989 = tpu.vector_load %arg8[%get3A_1987, %get3A_1988] {strides = array<i32>} : memref<160x128xf32, #tpu.memory_space<vmem>>, vector<1x16xf32>,
        %get3A_1990 = vector.shape_cast %get3A_1989 : vector<1x16xf32> to vector<16xf32>
        %swap3A_1991 = arith.constant 10 : i32
        %swap3A_1992 = arith.index_cast %scan3A_356 : i32 to index
        %swap3A_1993 = arith.index_cast %swap3A_1991 : i32 to index
        %swap3A_1994 = arith.constant 48 : index
        %swap3A_1995 = tpu.vector_load %arg12[%swap3A_1992, %swap3A_1993, %swap3A_1994] {strides = array<i32>} : memref<8x20x128xf32, #tpu.memory_space<vmem>>, vector<1x1x16xf32>,
        %swap3A_1996 = vector.shape_cast %swap3A_1995 : vector<1x1x16xf32> to vector<16xf32>
        %swap3A_1997 = vector.shape_cast %get3A_1752 : vector<16xf32> to vector<1x1x16xf32>
        tpu.vector_store %arg12[%swap3A_1992, %swap3A_1993, %swap3A_1994], %swap3A_1997 {strides = array<i32>} : memref<8x20x128xf32, #tpu.memory_space<vmem>>, vector<1x1x16xf32>,
        %sub3A_1998 = arith.subf %get3A_1990, %get3A_1752 : vector<16xf32>
        %swap3A_1999 = arith.constant 10 : i32
        %swap3A_2000 = arith.index_cast %scan3A_356 : i32 to index
        %swap3A_2001 = arith.index_cast %swap3A_1999 : i32 to index
        %swap3A_2002 = arith.constant 112 : index
        %swap3A_2003 = tpu.vector_load %arg12[%swap3A_2000, %swap3A_2001, %swap3A_2002] {strides = array<i32>} : memref<8x20x128xf32, #tpu.memory_space<vmem>>, vector<1x1x16xf32>,
        %swap3A_2004 = vector.shape_cast %swap3A_2003 : vector<1x1x16xf32> to vector<16xf32>
        %swap3A_2005 = vector.shape_cast %sub3A_1998 : vector<16xf32> to vector<1x1x16xf32>
        tpu.vector_store %arg12[%swap3A_2000, %swap3A_2001, %swap3A_2002], %swap3A_2005 {strides = array<i32>} : memref<8x20x128xf32, #tpu.memory_space<vmem>>, vector<1x1x16xf32>,
        %mul3A_2006 = arith.constant 20 : i32
        %mul3A_2007 = arith.muli %scan3A_356, %mul3A_2006 : i32
        %add3A_2008 = arith.constant 11 : i32
        %add3A_2009 = arith.addi %mul3A_2007, %add3A_2008 : i32
        %get3A_2010 = arith.index_cast %add3A_2009 : i32 to index
        %get3A_2011 = arith.constant 48 : index
        %get3A_2012 = tpu.vector_load %arg8[%get3A_2010, %get3A_2011] {strides = array<i32>} : memref<160x128xf32, #tpu.memory_space<vmem>>, vector<1x16xf32>,
        %get3A_2013 = vector.shape_cast %get3A_2012 : vector<1x16xf32> to vector<16xf32>
        %swap3A_2014 = arith.constant 11 : i32
        %swap3A_2015 = arith.index_cast %scan3A_356 : i32 to index
        %swap3A_2016 = arith.index_cast %swap3A_2014 : i32 to index
        %swap3A_2017 = arith.constant 48 : index
        %swap3A_2018 = tpu.vector_load %arg12[%swap3A_2015, %swap3A_2016, %swap3A_2017] {strides = array<i32>} : memref<8x20x128xf32, #tpu.memory_space<vmem>>, vector<1x1x16xf32>,
        %swap3A_2019 = vector.shape_cast %swap3A_2018 : vector<1x1x16xf32> to vector<16xf32>
        %swap3A_2020 = vector.shape_cast %get3A_1752 : vector<16xf32> to vector<1x1x16xf32>
        tpu.vector_store %arg12[%swap3A_2015, %swap3A_2016, %swap3A_2017], %swap3A_2020 {strides = array<i32>} : memref<8x20x128xf32, #tpu.memory_space<vmem>>, vector<1x1x16xf32>,
        %sub3A_2021 = arith.subf %get3A_2013, %get3A_1752 : vector<16xf32>
        %swap3A_2022 = arith.constant 11 : i32
        %swap3A_2023 = arith.index_cast %scan3A_356 : i32 to index
        %swap3A_2024 = arith.index_cast %swap3A_2022 : i32 to index
        %swap3A_2025 = arith.constant 112 : index
        %swap3A_2026 = tpu.vector_load %arg12[%swap3A_2023, %swap3A_2024, %swap3A_2025] {strides = array<i32>} : memref<8x20x128xf32, #tpu.memory_space<vmem>>, vector<1x1x16xf32>,
        %swap3A_2027 = vector.shape_cast %swap3A_2026 : vector<1x1x16xf32> to vector<16xf32>
        %swap3A_2028 = vector.shape_cast %sub3A_2021 : vector<16xf32> to vector<1x1x16xf32>
        tpu.vector_store %arg12[%swap3A_2023, %swap3A_2024, %swap3A_2025], %swap3A_2028 {strides = array<i32>} : memref<8x20x128xf32, #tpu.memory_space<vmem>>, vector<1x1x16xf32>,
        %mul3A_2029 = arith.constant 20 : i32
        %mul3A_2030 = arith.muli %scan3A_356, %mul3A_2029 : i32
        %add3A_2031 = arith.constant 12 : i32
        %add3A_2032 = arith.addi %mul3A_2030, %add3A_2031 : i32
        %get3A_2033 = arith.index_cast %add3A_2032 : i32 to index
        %get3A_2034 = arith.constant 48 : index
        %get3A_2035 = tpu.vector_load %arg8[%get3A_2033, %get3A_2034] {strides = array<i32>} : memref<160x128xf32, #tpu.memory_space<vmem>>, vector<1x16xf32>,
        %get3A_2036 = vector.shape_cast %get3A_2035 : vector<1x16xf32> to vector<16xf32>
        %swap3A_2037 = arith.constant 12 : i32
        %swap3A_2038 = arith.index_cast %scan3A_356 : i32 to index
        %swap3A_2039 = arith.index_cast %swap3A_2037 : i32 to index
        %swap3A_2040 = arith.constant 48 : index
        %swap3A_2041 = tpu.vector_load %arg12[%swap3A_2038, %swap3A_2039, %swap3A_2040] {strides = array<i32>} : memref<8x20x128xf32, #tpu.memory_space<vmem>>, vector<1x1x16xf32>,
        %swap3A_2042 = vector.shape_cast %swap3A_2041 : vector<1x1x16xf32> to vector<16xf32>
        %swap3A_2043 = vector.shape_cast %get3A_1752 : vector<16xf32> to vector<1x1x16xf32>
        tpu.vector_store %arg12[%swap3A_2038, %swap3A_2039, %swap3A_2040], %swap3A_2043 {strides = array<i32>} : memref<8x20x128xf32, #tpu.memory_space<vmem>>, vector<1x1x16xf32>,
        %sub3A_2044 = arith.subf %get3A_2036, %get3A_1752 : vector<16xf32>
        %swap3A_2045 = arith.constant 12 : i32
        %swap3A_2046 = arith.index_cast %scan3A_356 : i32 to index
        %swap3A_2047 = arith.index_cast %swap3A_2045 : i32 to index
        %swap3A_2048 = arith.constant 112 : index
        %swap3A_2049 = tpu.vector_load %arg12[%swap3A_2046, %swap3A_2047, %swap3A_2048] {strides = array<i32>} : memref<8x20x128xf32, #tpu.memory_space<vmem>>, vector<1x1x16xf32>,
        %swap3A_2050 = vector.shape_cast %swap3A_2049 : vector<1x1x16xf32> to vector<16xf32>
        %swap3A_2051 = vector.shape_cast %sub3A_2044 : vector<16xf32> to vector<1x1x16xf32>
        tpu.vector_store %arg12[%swap3A_2046, %swap3A_2047, %swap3A_2048], %swap3A_2051 {strides = array<i32>} : memref<8x20x128xf32, #tpu.memory_space<vmem>>, vector<1x1x16xf32>,
        %mul3A_2052 = arith.constant 20 : i32
        %mul3A_2053 = arith.muli %scan3A_356, %mul3A_2052 : i32
        %add3A_2054 = arith.constant 13 : i32
        %add3A_2055 = arith.addi %mul3A_2053, %add3A_2054 : i32
        %get3A_2056 = arith.index_cast %add3A_2055 : i32 to index
        %get3A_2057 = arith.constant 48 : index
        %get3A_2058 = tpu.vector_load %arg8[%get3A_2056, %get3A_2057] {strides = array<i32>} : memref<160x128xf32, #tpu.memory_space<vmem>>, vector<1x16xf32>,
        %get3A_2059 = vector.shape_cast %get3A_2058 : vector<1x16xf32> to vector<16xf32>
        %swap3A_2060 = arith.constant 13 : i32
        %swap3A_2061 = arith.index_cast %scan3A_356 : i32 to index
        %swap3A_2062 = arith.index_cast %swap3A_2060 : i32 to index
        %swap3A_2063 = arith.constant 48 : index
        %swap3A_2064 = tpu.vector_load %arg12[%swap3A_2061, %swap3A_2062, %swap3A_2063] {strides = array<i32>} : memref<8x20x128xf32, #tpu.memory_space<vmem>>, vector<1x1x16xf32>,
        %swap3A_2065 = vector.shape_cast %swap3A_2064 : vector<1x1x16xf32> to vector<16xf32>
        %swap3A_2066 = vector.shape_cast %get3A_1752 : vector<16xf32> to vector<1x1x16xf32>
        tpu.vector_store %arg12[%swap3A_2061, %swap3A_2062, %swap3A_2063], %swap3A_2066 {strides = array<i32>} : memref<8x20x128xf32, #tpu.memory_space<vmem>>, vector<1x1x16xf32>,
        %sub3A_2067 = arith.subf %get3A_2059, %get3A_1752 : vector<16xf32>
        %swap3A_2068 = arith.constant 13 : i32
        %swap3A_2069 = arith.index_cast %scan3A_356 : i32 to index
        %swap3A_2070 = arith.index_cast %swap3A_2068 : i32 to index
        %swap3A_2071 = arith.constant 112 : index
        %swap3A_2072 = tpu.vector_load %arg12[%swap3A_2069, %swap3A_2070, %swap3A_2071] {strides = array<i32>} : memref<8x20x128xf32, #tpu.memory_space<vmem>>, vector<1x1x16xf32>,
        %swap3A_2073 = vector.shape_cast %swap3A_2072 : vector<1x1x16xf32> to vector<16xf32>
        %swap3A_2074 = vector.shape_cast %sub3A_2067 : vector<16xf32> to vector<1x1x16xf32>
        tpu.vector_store %arg12[%swap3A_2069, %swap3A_2070, %swap3A_2071], %swap3A_2074 {strides = array<i32>} : memref<8x20x128xf32, #tpu.memory_space<vmem>>, vector<1x1x16xf32>,
        %mul3A_2075 = arith.constant 20 : i32
        %mul3A_2076 = arith.muli %scan3A_356, %mul3A_2075 : i32
        %add3A_2077 = arith.constant 14 : i32
        %add3A_2078 = arith.addi %mul3A_2076, %add3A_2077 : i32
        %get3A_2079 = arith.index_cast %add3A_2078 : i32 to index
        %get3A_2080 = arith.constant 48 : index
        %get3A_2081 = tpu.vector_load %arg8[%get3A_2079, %get3A_2080] {strides = array<i32>} : memref<160x128xf32, #tpu.memory_space<vmem>>, vector<1x16xf32>,
        %get3A_2082 = vector.shape_cast %get3A_2081 : vector<1x16xf32> to vector<16xf32>
        %swap3A_2083 = arith.constant 14 : i32
        %swap3A_2084 = arith.index_cast %scan3A_356 : i32 to index
        %swap3A_2085 = arith.index_cast %swap3A_2083 : i32 to index
        %swap3A_2086 = arith.constant 48 : index
        %swap3A_2087 = tpu.vector_load %arg12[%swap3A_2084, %swap3A_2085, %swap3A_2086] {strides = array<i32>} : memref<8x20x128xf32, #tpu.memory_space<vmem>>, vector<1x1x16xf32>,
        %swap3A_2088 = vector.shape_cast %swap3A_2087 : vector<1x1x16xf32> to vector<16xf32>
        %swap3A_2089 = vector.shape_cast %get3A_1752 : vector<16xf32> to vector<1x1x16xf32>
        tpu.vector_store %arg12[%swap3A_2084, %swap3A_2085, %swap3A_2086], %swap3A_2089 {strides = array<i32>} : memref<8x20x128xf32, #tpu.memory_space<vmem>>, vector<1x1x16xf32>,
        %sub3A_2090 = arith.subf %get3A_2082, %get3A_1752 : vector<16xf32>
        %swap3A_2091 = arith.constant 14 : i32
        %swap3A_2092 = arith.index_cast %scan3A_356 : i32 to index
        %swap3A_2093 = arith.index_cast %swap3A_2091 : i32 to index
        %swap3A_2094 = arith.constant 112 : index
        %swap3A_2095 = tpu.vector_load %arg12[%swap3A_2092, %swap3A_2093, %swap3A_2094] {strides = array<i32>} : memref<8x20x128xf32, #tpu.memory_space<vmem>>, vector<1x1x16xf32>,
        %swap3A_2096 = vector.shape_cast %swap3A_2095 : vector<1x1x16xf32> to vector<16xf32>
        %swap3A_2097 = vector.shape_cast %sub3A_2090 : vector<16xf32> to vector<1x1x16xf32>
        tpu.vector_store %arg12[%swap3A_2092, %swap3A_2093, %swap3A_2094], %swap3A_2097 {strides = array<i32>} : memref<8x20x128xf32, #tpu.memory_space<vmem>>, vector<1x1x16xf32>,
        %mul3A_2098 = arith.constant 20 : i32
        %mul3A_2099 = arith.muli %scan3A_356, %mul3A_2098 : i32
        %add3A_2100 = arith.constant 15 : i32
        %add3A_2101 = arith.addi %mul3A_2099, %add3A_2100 : i32
        %get3A_2102 = arith.index_cast %add3A_2101 : i32 to index
        %get3A_2103 = arith.constant 48 : index
        %get3A_2104 = tpu.vector_load %arg8[%get3A_2102, %get3A_2103] {strides = array<i32>} : memref<160x128xf32, #tpu.memory_space<vmem>>, vector<1x16xf32>,
        %get3A_2105 = vector.shape_cast %get3A_2104 : vector<1x16xf32> to vector<16xf32>
        %swap3A_2106 = arith.constant 15 : i32
        %swap3A_2107 = arith.index_cast %scan3A_356 : i32 to index
        %swap3A_2108 = arith.index_cast %swap3A_2106 : i32 to index
        %swap3A_2109 = arith.constant 48 : index
        %swap3A_2110 = tpu.vector_load %arg12[%swap3A_2107, %swap3A_2108, %swap3A_2109] {strides = array<i32>} : memref<8x20x128xf32, #tpu.memory_space<vmem>>, vector<1x1x16xf32>,
        %swap3A_2111 = vector.shape_cast %swap3A_2110 : vector<1x1x16xf32> to vector<16xf32>
        %swap3A_2112 = vector.shape_cast %get3A_1752 : vector<16xf32> to vector<1x1x16xf32>
        tpu.vector_store %arg12[%swap3A_2107, %swap3A_2108, %swap3A_2109], %swap3A_2112 {strides = array<i32>} : memref<8x20x128xf32, #tpu.memory_space<vmem>>, vector<1x1x16xf32>,
        %sub3A_2113 = arith.subf %get3A_2105, %get3A_1752 : vector<16xf32>
        %swap3A_2114 = arith.constant 15 : i32
        %swap3A_2115 = arith.index_cast %scan3A_356 : i32 to index
        %swap3A_2116 = arith.index_cast %swap3A_2114 : i32 to index
        %swap3A_2117 = arith.constant 112 : index
        %swap3A_2118 = tpu.vector_load %arg12[%swap3A_2115, %swap3A_2116, %swap3A_2117] {strides = array<i32>} : memref<8x20x128xf32, #tpu.memory_space<vmem>>, vector<1x1x16xf32>,
        %swap3A_2119 = vector.shape_cast %swap3A_2118 : vector<1x1x16xf32> to vector<16xf32>
        %swap3A_2120 = vector.shape_cast %sub3A_2113 : vector<16xf32> to vector<1x1x16xf32>
        tpu.vector_store %arg12[%swap3A_2115, %swap3A_2116, %swap3A_2117], %swap3A_2120 {strides = array<i32>} : memref<8x20x128xf32, #tpu.memory_space<vmem>>, vector<1x1x16xf32>,
        %mul3A_2121 = arith.constant 20 : i32
        %mul3A_2122 = arith.muli %scan3A_356, %mul3A_2121 : i32
        %add3A_2123 = arith.constant 16 : i32
        %add3A_2124 = arith.addi %mul3A_2122, %add3A_2123 : i32
        %get3A_2125 = arith.index_cast %add3A_2124 : i32 to index
        %get3A_2126 = arith.constant 48 : index
        %get3A_2127 = tpu.vector_load %arg8[%get3A_2125, %get3A_2126] {strides = array<i32>} : memref<160x128xf32, #tpu.memory_space<vmem>>, vector<1x16xf32>,
        %get3A_2128 = vector.shape_cast %get3A_2127 : vector<1x16xf32> to vector<16xf32>
        %swap3A_2129 = arith.constant 16 : i32
        %swap3A_2130 = arith.index_cast %scan3A_356 : i32 to index
        %swap3A_2131 = arith.index_cast %swap3A_2129 : i32 to index
        %swap3A_2132 = arith.constant 48 : index
        %swap3A_2133 = tpu.vector_load %arg12[%swap3A_2130, %swap3A_2131, %swap3A_2132] {strides = array<i32>} : memref<8x20x128xf32, #tpu.memory_space<vmem>>, vector<1x1x16xf32>,
        %swap3A_2134 = vector.shape_cast %swap3A_2133 : vector<1x1x16xf32> to vector<16xf32>
        %swap3A_2135 = vector.shape_cast %get3A_1752 : vector<16xf32> to vector<1x1x16xf32>
        tpu.vector_store %arg12[%swap3A_2130, %swap3A_2131, %swap3A_2132], %swap3A_2135 {strides = array<i32>} : memref<8x20x128xf32, #tpu.memory_space<vmem>>, vector<1x1x16xf32>,
        %sub3A_2136 = arith.subf %get3A_2128, %get3A_1752 : vector<16xf32>
        %swap3A_2137 = arith.constant 16 : i32
        %swap3A_2138 = arith.index_cast %scan3A_356 : i32 to index
        %swap3A_2139 = arith.index_cast %swap3A_2137 : i32 to index
        %swap3A_2140 = arith.constant 112 : index
        %swap3A_2141 = tpu.vector_load %arg12[%swap3A_2138, %swap3A_2139, %swap3A_2140] {strides = array<i32>} : memref<8x20x128xf32, #tpu.memory_space<vmem>>, vector<1x1x16xf32>,
        %swap3A_2142 = vector.shape_cast %swap3A_2141 : vector<1x1x16xf32> to vector<16xf32>
        %swap3A_2143 = vector.shape_cast %sub3A_2136 : vector<16xf32> to vector<1x1x16xf32>
        tpu.vector_store %arg12[%swap3A_2138, %swap3A_2139, %swap3A_2140], %swap3A_2143 {strides = array<i32>} : memref<8x20x128xf32, #tpu.memory_space<vmem>>, vector<1x1x16xf32>,
        %mul3A_2144 = arith.constant 20 : i32
        %mul3A_2145 = arith.muli %scan3A_356, %mul3A_2144 : i32
        %add3A_2146 = arith.constant 17 : i32
        %add3A_2147 = arith.addi %mul3A_2145, %add3A_2146 : i32
        %get3A_2148 = arith.index_cast %add3A_2147 : i32 to index
        %get3A_2149 = arith.constant 48 : index
        %get3A_2150 = tpu.vector_load %arg8[%get3A_2148, %get3A_2149] {strides = array<i32>} : memref<160x128xf32, #tpu.memory_space<vmem>>, vector<1x16xf32>,
        %get3A_2151 = vector.shape_cast %get3A_2150 : vector<1x16xf32> to vector<16xf32>
        %swap3A_2152 = arith.constant 17 : i32
        %swap3A_2153 = arith.index_cast %scan3A_356 : i32 to index
        %swap3A_2154 = arith.index_cast %swap3A_2152 : i32 to index
        %swap3A_2155 = arith.constant 48 : index
        %swap3A_2156 = tpu.vector_load %arg12[%swap3A_2153, %swap3A_2154, %swap3A_2155] {strides = array<i32>} : memref<8x20x128xf32, #tpu.memory_space<vmem>>, vector<1x1x16xf32>,
        %swap3A_2157 = vector.shape_cast %swap3A_2156 : vector<1x1x16xf32> to vector<16xf32>
        %swap3A_2158 = vector.shape_cast %get3A_1752 : vector<16xf32> to vector<1x1x16xf32>
        tpu.vector_store %arg12[%swap3A_2153, %swap3A_2154, %swap3A_2155], %swap3A_2158 {strides = array<i32>} : memref<8x20x128xf32, #tpu.memory_space<vmem>>, vector<1x1x16xf32>,
        %sub3A_2159 = arith.subf %get3A_2151, %get3A_1752 : vector<16xf32>
        %swap3A_2160 = arith.constant 17 : i32
        %swap3A_2161 = arith.index_cast %scan3A_356 : i32 to index
        %swap3A_2162 = arith.index_cast %swap3A_2160 : i32 to index
        %swap3A_2163 = arith.constant 112 : index
        %swap3A_2164 = tpu.vector_load %arg12[%swap3A_2161, %swap3A_2162, %swap3A_2163] {strides = array<i32>} : memref<8x20x128xf32, #tpu.memory_space<vmem>>, vector<1x1x16xf32>,
        %swap3A_2165 = vector.shape_cast %swap3A_2164 : vector<1x1x16xf32> to vector<16xf32>
        %swap3A_2166 = vector.shape_cast %sub3A_2159 : vector<16xf32> to vector<1x1x16xf32>
        tpu.vector_store %arg12[%swap3A_2161, %swap3A_2162, %swap3A_2163], %swap3A_2166 {strides = array<i32>} : memref<8x20x128xf32, #tpu.memory_space<vmem>>, vector<1x1x16xf32>,
        %mul3A_2167 = arith.constant 20 : i32
        %mul3A_2168 = arith.muli %scan3A_356, %mul3A_2167 : i32
        %add3A_2169 = arith.constant 18 : i32
        %add3A_2170 = arith.addi %mul3A_2168, %add3A_2169 : i32
        %get3A_2171 = arith.index_cast %add3A_2170 : i32 to index
        %get3A_2172 = arith.constant 48 : index
        %get3A_2173 = tpu.vector_load %arg8[%get3A_2171, %get3A_2172] {strides = array<i32>} : memref<160x128xf32, #tpu.memory_space<vmem>>, vector<1x16xf32>,
        %get3A_2174 = vector.shape_cast %get3A_2173 : vector<1x16xf32> to vector<16xf32>
        %swap3A_2175 = arith.constant 18 : i32
        %swap3A_2176 = arith.index_cast %scan3A_356 : i32 to index
        %swap3A_2177 = arith.index_cast %swap3A_2175 : i32 to index
        %swap3A_2178 = arith.constant 48 : index
        %swap3A_2179 = tpu.vector_load %arg12[%swap3A_2176, %swap3A_2177, %swap3A_2178] {strides = array<i32>} : memref<8x20x128xf32, #tpu.memory_space<vmem>>, vector<1x1x16xf32>,
        %swap3A_2180 = vector.shape_cast %swap3A_2179 : vector<1x1x16xf32> to vector<16xf32>
        %swap3A_2181 = vector.shape_cast %get3A_1752 : vector<16xf32> to vector<1x1x16xf32>
        tpu.vector_store %arg12[%swap3A_2176, %swap3A_2177, %swap3A_2178], %swap3A_2181 {strides = array<i32>} : memref<8x20x128xf32, #tpu.memory_space<vmem>>, vector<1x1x16xf32>,
        %sub3A_2182 = arith.subf %get3A_2174, %get3A_1752 : vector<16xf32>
        %swap3A_2183 = arith.constant 18 : i32
        %swap3A_2184 = arith.index_cast %scan3A_356 : i32 to index
        %swap3A_2185 = arith.index_cast %swap3A_2183 : i32 to index
        %swap3A_2186 = arith.constant 112 : index
        %swap3A_2187 = tpu.vector_load %arg12[%swap3A_2184, %swap3A_2185, %swap3A_2186] {strides = array<i32>} : memref<8x20x128xf32, #tpu.memory_space<vmem>>, vector<1x1x16xf32>,
        %swap3A_2188 = vector.shape_cast %swap3A_2187 : vector<1x1x16xf32> to vector<16xf32>
        %swap3A_2189 = vector.shape_cast %sub3A_2182 : vector<16xf32> to vector<1x1x16xf32>
        tpu.vector_store %arg12[%swap3A_2184, %swap3A_2185, %swap3A_2186], %swap3A_2189 {strides = array<i32>} : memref<8x20x128xf32, #tpu.memory_space<vmem>>, vector<1x1x16xf32>,
        %mul3A_2190 = arith.constant 20 : i32
        %mul3A_2191 = arith.muli %scan3A_356, %mul3A_2190 : i32
        %add3A_2192 = arith.constant 19 : i32
        %add3A_2193 = arith.addi %mul3A_2191, %add3A_2192 : i32
        %get3A_2194 = arith.index_cast %add3A_2193 : i32 to index
        %get3A_2195 = arith.constant 48 : index
        %get3A_2196 = tpu.vector_load %arg8[%get3A_2194, %get3A_2195] {strides = array<i32>} : memref<160x128xf32, #tpu.memory_space<vmem>>, vector<1x16xf32>,
        %get3A_2197 = vector.shape_cast %get3A_2196 : vector<1x16xf32> to vector<16xf32>
        %swap3A_2198 = arith.constant 19 : i32
        %swap3A_2199 = arith.index_cast %scan3A_356 : i32 to index
        %swap3A_2200 = arith.index_cast %swap3A_2198 : i32 to index
        %swap3A_2201 = arith.constant 48 : index
        %swap3A_2202 = tpu.vector_load %arg12[%swap3A_2199, %swap3A_2200, %swap3A_2201] {strides = array<i32>} : memref<8x20x128xf32, #tpu.memory_space<vmem>>, vector<1x1x16xf32>,
        %swap3A_2203 = vector.shape_cast %swap3A_2202 : vector<1x1x16xf32> to vector<16xf32>
        %swap3A_2204 = vector.shape_cast %get3A_1752 : vector<16xf32> to vector<1x1x16xf32>
        tpu.vector_store %arg12[%swap3A_2199, %swap3A_2200, %swap3A_2201], %swap3A_2204 {strides = array<i32>} : memref<8x20x128xf32, #tpu.memory_space<vmem>>, vector<1x1x16xf32>,
        %sub3A_2205 = arith.subf %get3A_2197, %get3A_1752 : vector<16xf32>
        %swap3A_2206 = arith.constant 19 : i32
        %swap3A_2207 = arith.index_cast %scan3A_356 : i32 to index
        %swap3A_2208 = arith.index_cast %swap3A_2206 : i32 to index
        %swap3A_2209 = arith.constant 112 : index
        %swap3A_2210 = tpu.vector_load %arg12[%swap3A_2207, %swap3A_2208, %swap3A_2209] {strides = array<i32>} : memref<8x20x128xf32, #tpu.memory_space<vmem>>, vector<1x1x16xf32>,
        %swap3A_2211 = vector.shape_cast %swap3A_2210 : vector<1x1x16xf32> to vector<16xf32>
        %swap3A_2212 = vector.shape_cast %sub3A_2205 : vector<16xf32> to vector<1x1x16xf32>
        tpu.vector_store %arg12[%swap3A_2207, %swap3A_2208, %swap3A_2209], %swap3A_2212 {strides = array<i32>} : memref<8x20x128xf32, #tpu.memory_space<vmem>>, vector<1x1x16xf32>,
      }
      %scan3A_224 = arith.constant 8 : i32
      %jit3A = arith.constant 8 : i32
      %div3A = arith.divsi %add3A, %jit3A : i32
      %sign3A = arith.constant 0 : i32
      %sign3A_225 = arith.cmpi sgt, %add3A, %sign3A : i32
      %sign3A_226 = arith.extui %sign3A_225 : i1 to i32
      %sign3A_227 = arith.constant 0 : i32
      %sign3A_228 = arith.cmpi slt, %add3A, %sign3A_227 : i32
      %sign3A_229 = arith.extui %sign3A_228 : i1 to i32
      %sign3A_230 = arith.subi %sign3A_226, %sign3A_229 : i32
      %sign3A_231 = arith.constant 0 : i32
      %sign3A_232 = arith.cmpi sgt, %jit3A, %sign3A_231 : i32
      %sign3A_233 = arith.extui %sign3A_232 : i1 to i32
      %sign3A_234 = arith.constant 0 : i32
      %sign3A_235 = arith.cmpi slt, %jit3A, %sign3A_234 : i32
      %sign3A_236 = arith.extui %sign3A_235 : i1 to i32
      %sign3A_237 = arith.subi %sign3A_233, %sign3A_236 : i32
      %ne3A = arith.cmpi ne, %sign3A_230, %sign3A_237 : i32
      %rem3A = arith.remsi %add3A, %jit3A : i32
      %ne3A_238 = arith.constant 0 : i32
      %ne3A_239 = arith.cmpi ne, %rem3A, %ne3A_238 : i32
      %and3A = arith.andi %ne3A, %ne3A_239 : i1
      %sub3A = arith.constant 1 : i32
      %sub3A_240 = arith.subi %div3A, %sub3A : i32
      %select_n3A = arith.select %and3A, %sub3A_240, %div3A : i32
      %jit3A_241 = arith.constant 8 : i32
      %eq3A = arith.constant 0 : i32
      %eq3A_242 = arith.cmpi eq, %jit3A_241, %eq3A : i32
      %jit3A_243 = arith.constant 1 : i32
      %select_n3A_244 = arith.select %eq3A_242, %jit3A_243, %jit3A_241 : i32
      %rem3A_245 = arith.remsi %add3A, %select_n3A_244 : i32
      %ne3A_246 = arith.constant 0 : i32
      %ne3A_247 = arith.cmpi ne, %rem3A_245, %ne3A_246 : i32
      %lt3A_248 = arith.constant 0 : i32
      %lt3A_249 = arith.cmpi slt, %rem3A_245, %lt3A_248 : i32
      %lt3A_250 = arith.constant 0 : i32
      %lt3A_251 = arith.cmpi slt, %select_n3A_244, %lt3A_250 : i32
      %ne3A_252 = arith.xori %lt3A_249, %lt3A_251 : i1
      %and3A_253 = arith.andi %ne3A_252, %ne3A_247 : i1
      %add3A_254 = arith.addi %rem3A_245, %select_n3A_244 : i32
      %select_n3A_255 = arith.select %and3A_253, %add3A_254, %rem3A_245 : i32
      %mul3A_256 = arith.constant 256 : i32
      %mul3A_257 = arith.muli %select_n3A_255, %mul3A_256 : i32
      %mul3A_258 = arith.constant 8 : i32
      %mul3A_259 = arith.muli %add3A_198, %mul3A_258 : i32
      %add3A_260 = arith.addi %mul3A_257, %mul3A_259 : i32
      %dma_start3A_261 = arith.constant 0 : i32
      %dma_start3A_262 = arith.constant 0 : i32
      %dma_start3A_263 = tpu.memref_slice %arg4[%select_n3A, %add3A_260, %dma_start3A_261, %dma_start3A_262] : memref<4x2048x20x128xf32, #tpu.memory_space<hbm>> -> memref<1x8x20x128xf32, #tpu.memory_space<hbm>>
      %dma_start3A_264 = tpu.memref_squeeze %dma_start3A_263 : memref<1x8x20x128xf32, #tpu.memory_space<hbm>> -> memref<8x20x128xf32, #tpu.memory_space<hbm>>
      %dma_start3A_265 = arith.constant 0 : i32
      %dma_start3A_266 = arith.constant 0 : i32
      %dma_start3A_267 = tpu.memref_slice %arg4[%select_n3A, %add3A_260, %dma_start3A_265, %dma_start3A_266] : memref<4x2048x20x128xf32, #tpu.memory_space<hbm>> -> memref<1x8x20x128xf32, #tpu.memory_space<hbm>>
      %dma_start3A_268 = tpu.memref_squeeze %dma_start3A_267 : memref<1x8x20x128xf32, #tpu.memory_space<hbm>> -> memref<8x20x128xf32, #tpu.memory_space<hbm>>
      tpu.enqueue_dma source(%arg12 : memref<8x20x128xf32, #tpu.memory_space<vmem>>) target(%dma_start3A_268 : memref<8x20x128xf32, #tpu.memory_space<hbm>>) target_semaphore(%arg16 : memref<!tpu.dma_semaphore, #tpu.memory_space<semaphore_mem>>)
      %mul3A_269 = arith.constant 2 : i32
      %mul3A_270 = arith.muli %mul3A_269, %scan3A_194 : i32
      %add3A_271 = arith.constant 1 : i32
      %add3A_272 = arith.addi %mul3A_270, %add3A_271 : i32
      %add3A_273 = arith.constant 1 : i32
      %add3A_274 = arith.addi %add3A_272, %add3A_273 : i32
      %lt3A_275 = arith.constant 32 : i32
      %lt3A_276 = arith.cmpi slt, %add3A_274, %lt3A_275 : i32
      %convert_element_type3A_277 = arith.extui %lt3A_276 : i1 to i32
      %cond3A_278 = arith.constant 0 : i32
      %cond3A_279 = arith.cmpi ne, %convert_element_type3A_277, %cond3A_278 : i32
      scf.if %cond3A_279 {
        %add3A_356 = arith.constant 1 : i32
        %add3A_357 = arith.addi %add3A_272, %add3A_356 : i32
        %mul3A_358 = arith.constant 8 : i32
        %mul3A_359 = arith.muli %add3A_357, %mul3A_358 : i32
        %add3A_360 = arith.constant 0 : i32
        %add3A_361 = arith.addi %mul3A_359, %add3A_360 : i32
        %get3A_362 = arith.index_cast %add3A_361 : i32 to index
        %get3A_363 = arith.constant 0 : index
        %get3A_364 = tpu.vector_load %arg5[%get3A_362, %get3A_363] {strides = array<i32>} : memref<256x32xi32, #tpu.memory_space<vmem>>, vector<1x16xi32>,
        %get3A_365 = vector.shape_cast %get3A_364 : vector<1x16xi32> to vector<16xi32>
        %swap3A_366 = arith.constant 0 : index
        %swap3A_367 = tpu.vector_load %arg6[%swap3A_366] {strides = array<i32>} : memref<176xi32, #tpu.memory_space<vmem>>, vector<16xi32>,
        %swap3A_368 = vector.shape_cast %swap3A_367 : vector<16xi32> to vector<16xi32>
        %swap3A_369 = vector.shape_cast %get3A_365 : vector<16xi32> to vector<16xi32>
        tpu.vector_store %arg6[%swap3A_366], %swap3A_369 {strides = array<i32>} : memref<176xi32, #tpu.memory_space<vmem>>, vector<16xi32>,
        %get3A_370 = arith.index_cast %add3A_361 : i32 to index
        %get3A_371 = arith.constant 16 : index
        %get3A_372 = tpu.vector_load %arg5[%get3A_370, %get3A_371] {strides = array<i32>} : memref<256x32xi32, #tpu.memory_space<vmem>>, vector<1x16xi32>,
        %get3A_373 = vector.shape_cast %get3A_372 : vector<1x16xi32> to vector<16xi32>
        %swap3A_374 = arith.constant 16 : index
        %swap3A_375 = tpu.vector_load %arg6[%swap3A_374] {strides = array<i32>} : memref<176xi32, #tpu.memory_space<vmem>>, vector<16xi32>,
        %swap3A_376 = vector.shape_cast %swap3A_375 : vector<16xi32> to vector<16xi32>
        %swap3A_377 = vector.shape_cast %get3A_373 : vector<16xi32> to vector<16xi32>
        tpu.vector_store %arg6[%swap3A_374], %swap3A_377 {strides = array<i32>} : memref<176xi32, #tpu.memory_space<vmem>>, vector<16xi32>,
        %mul3A_378 = arith.constant 8 : i32
        %mul3A_379 = arith.muli %add3A_357, %mul3A_378 : i32
        %add3A_380 = arith.constant 1 : i32
        %add3A_381 = arith.addi %mul3A_379, %add3A_380 : i32
        %get3A_382 = arith.index_cast %add3A_381 : i32 to index
        %get3A_383 = arith.constant 0 : index
        %get3A_384 = tpu.vector_load %arg5[%get3A_382, %get3A_383] {strides = array<i32>} : memref<256x32xi32, #tpu.memory_space<vmem>>, vector<1x16xi32>,
        %get3A_385 = vector.shape_cast %get3A_384 : vector<1x16xi32> to vector<16xi32>
        %swap3A_386 = arith.constant 20 : index
        %swap3A_387 = tpu.vector_load %arg6[%swap3A_386] {strides = array<i32>} : memref<176xi32, #tpu.memory_space<vmem>>, vector<16xi32>,
        %swap3A_388 = vector.shape_cast %swap3A_387 : vector<16xi32> to vector<16xi32>
        %swap3A_389 = vector.shape_cast %get3A_385 : vector<16xi32> to vector<16xi32>
        tpu.vector_store %arg6[%swap3A_386], %swap3A_389 {strides = array<i32>} : memref<176xi32, #tpu.memory_space<vmem>>, vector<16xi32>,
        %get3A_390 = arith.index_cast %add3A_381 : i32 to index
        %get3A_391 = arith.constant 16 : index
        %get3A_392 = tpu.vector_load %arg5[%get3A_390, %get3A_391] {strides = array<i32>} : memref<256x32xi32, #tpu.memory_space<vmem>>, vector<1x16xi32>,
        %get3A_393 = vector.shape_cast %get3A_392 : vector<1x16xi32> to vector<16xi32>
        %swap3A_394 = arith.constant 36 : index
        %swap3A_395 = tpu.vector_load %arg6[%swap3A_394] {strides = array<i32>} : memref<176xi32, #tpu.memory_space<vmem>>, vector<16xi32>,
        %swap3A_396 = vector.shape_cast %swap3A_395 : vector<16xi32> to vector<16xi32>
        %swap3A_397 = vector.shape_cast %get3A_393 : vector<16xi32> to vector<16xi32>
        tpu.vector_store %arg6[%swap3A_394], %swap3A_397 {strides = array<i32>} : memref<176xi32, #tpu.memory_space<vmem>>, vector<16xi32>,
        %mul3A_398 = arith.constant 8 : i32
        %mul3A_399 = arith.muli %add3A_357, %mul3A_398 : i32
        %add3A_400 = arith.constant 2 : i32
        %add3A_401 = arith.addi %mul3A_399, %add3A_400 : i32
        %get3A_402 = arith.index_cast %add3A_401 : i32 to index
        %get3A_403 = arith.constant 0 : index
        %get3A_404 = tpu.vector_load %arg5[%get3A_402, %get3A_403] {strides = array<i32>} : memref<256x32xi32, #tpu.memory_space<vmem>>, vector<1x16xi32>,
        %get3A_405 = vector.shape_cast %get3A_404 : vector<1x16xi32> to vector<16xi32>
        %swap3A_406 = arith.constant 40 : index
        %swap3A_407 = tpu.vector_load %arg6[%swap3A_406] {strides = array<i32>} : memref<176xi32, #tpu.memory_space<vmem>>, vector<16xi32>,
        %swap3A_408 = vector.shape_cast %swap3A_407 : vector<16xi32> to vector<16xi32>
        %swap3A_409 = vector.shape_cast %get3A_405 : vector<16xi32> to vector<16xi32>
        tpu.vector_store %arg6[%swap3A_406], %swap3A_409 {strides = array<i32>} : memref<176xi32, #tpu.memory_space<vmem>>, vector<16xi32>,
        %get3A_410 = arith.index_cast %add3A_401 : i32 to index
        %get3A_411 = arith.constant 16 : index
        %get3A_412 = tpu.vector_load %arg5[%get3A_410, %get3A_411] {strides = array<i32>} : memref<256x32xi32, #tpu.memory_space<vmem>>, vector<1x16xi32>,
        %get3A_413 = vector.shape_cast %get3A_412 : vector<1x16xi32> to vector<16xi32>
        %swap3A_414 = arith.constant 56 : index
        %swap3A_415 = tpu.vector_load %arg6[%swap3A_414] {strides = array<i32>} : memref<176xi32, #tpu.memory_space<vmem>>, vector<16xi32>,
        %swap3A_416 = vector.shape_cast %swap3A_415 : vector<16xi32> to vector<16xi32>
        %swap3A_417 = vector.shape_cast %get3A_413 : vector<16xi32> to vector<16xi32>
        tpu.vector_store %arg6[%swap3A_414], %swap3A_417 {strides = array<i32>} : memref<176xi32, #tpu.memory_space<vmem>>, vector<16xi32>,
        %mul3A_418 = arith.constant 8 : i32
        %mul3A_419 = arith.muli %add3A_357, %mul3A_418 : i32
        %add3A_420 = arith.constant 3 : i32
        %add3A_421 = arith.addi %mul3A_419, %add3A_420 : i32
        %get3A_422 = arith.index_cast %add3A_421 : i32 to index
        %get3A_423 = arith.constant 0 : index
        %get3A_424 = tpu.vector_load %arg5[%get3A_422, %get3A_423] {strides = array<i32>} : memref<256x32xi32, #tpu.memory_space<vmem>>, vector<1x16xi32>,
        %get3A_425 = vector.shape_cast %get3A_424 : vector<1x16xi32> to vector<16xi32>
        %swap3A_426 = arith.constant 60 : index
        %swap3A_427 = tpu.vector_load %arg6[%swap3A_426] {strides = array<i32>} : memref<176xi32, #tpu.memory_space<vmem>>, vector<16xi32>,
        %swap3A_428 = vector.shape_cast %swap3A_427 : vector<16xi32> to vector<16xi32>
        %swap3A_429 = vector.shape_cast %get3A_425 : vector<16xi32> to vector<16xi32>
        tpu.vector_store %arg6[%swap3A_426], %swap3A_429 {strides = array<i32>} : memref<176xi32, #tpu.memory_space<vmem>>, vector<16xi32>,
        %get3A_430 = arith.index_cast %add3A_421 : i32 to index
        %get3A_431 = arith.constant 16 : index
        %get3A_432 = tpu.vector_load %arg5[%get3A_430, %get3A_431] {strides = array<i32>} : memref<256x32xi32, #tpu.memory_space<vmem>>, vector<1x16xi32>,
        %get3A_433 = vector.shape_cast %get3A_432 : vector<1x16xi32> to vector<16xi32>
        %swap3A_434 = arith.constant 76 : index
        %swap3A_435 = tpu.vector_load %arg6[%swap3A_434] {strides = array<i32>} : memref<176xi32, #tpu.memory_space<vmem>>, vector<16xi32>,
        %swap3A_436 = vector.shape_cast %swap3A_435 : vector<16xi32> to vector<16xi32>
        %swap3A_437 = vector.shape_cast %get3A_433 : vector<16xi32> to vector<16xi32>
        tpu.vector_store %arg6[%swap3A_434], %swap3A_437 {strides = array<i32>} : memref<176xi32, #tpu.memory_space<vmem>>, vector<16xi32>,
        %mul3A_438 = arith.constant 8 : i32
        %mul3A_439 = arith.muli %add3A_357, %mul3A_438 : i32
        %add3A_440 = arith.constant 4 : i32
        %add3A_441 = arith.addi %mul3A_439, %add3A_440 : i32
        %get3A_442 = arith.index_cast %add3A_441 : i32 to index
        %get3A_443 = arith.constant 0 : index
        %get3A_444 = tpu.vector_load %arg5[%get3A_442, %get3A_443] {strides = array<i32>} : memref<256x32xi32, #tpu.memory_space<vmem>>, vector<1x16xi32>,
        %get3A_445 = vector.shape_cast %get3A_444 : vector<1x16xi32> to vector<16xi32>
        %swap3A_446 = arith.constant 80 : index
        %swap3A_447 = tpu.vector_load %arg6[%swap3A_446] {strides = array<i32>} : memref<176xi32, #tpu.memory_space<vmem>>, vector<16xi32>,
        %swap3A_448 = vector.shape_cast %swap3A_447 : vector<16xi32> to vector<16xi32>
        %swap3A_449 = vector.shape_cast %get3A_445 : vector<16xi32> to vector<16xi32>
        tpu.vector_store %arg6[%swap3A_446], %swap3A_449 {strides = array<i32>} : memref<176xi32, #tpu.memory_space<vmem>>, vector<16xi32>,
        %get3A_450 = arith.index_cast %add3A_441 : i32 to index
        %get3A_451 = arith.constant 16 : index
        %get3A_452 = tpu.vector_load %arg5[%get3A_450, %get3A_451] {strides = array<i32>} : memref<256x32xi32, #tpu.memory_space<vmem>>, vector<1x16xi32>,
        %get3A_453 = vector.shape_cast %get3A_452 : vector<1x16xi32> to vector<16xi32>
        %swap3A_454 = arith.constant 96 : index
        %swap3A_455 = tpu.vector_load %arg6[%swap3A_454] {strides = array<i32>} : memref<176xi32, #tpu.memory_space<vmem>>, vector<16xi32>,
        %swap3A_456 = vector.shape_cast %swap3A_455 : vector<16xi32> to vector<16xi32>
        %swap3A_457 = vector.shape_cast %get3A_453 : vector<16xi32> to vector<16xi32>
        tpu.vector_store %arg6[%swap3A_454], %swap3A_457 {strides = array<i32>} : memref<176xi32, #tpu.memory_space<vmem>>, vector<16xi32>,
        %mul3A_458 = arith.constant 8 : i32
        %mul3A_459 = arith.muli %add3A_357, %mul3A_458 : i32
        %add3A_460 = arith.constant 5 : i32
        %add3A_461 = arith.addi %mul3A_459, %add3A_460 : i32
        %get3A_462 = arith.index_cast %add3A_461 : i32 to index
        %get3A_463 = arith.constant 0 : index
        %get3A_464 = tpu.vector_load %arg5[%get3A_462, %get3A_463] {strides = array<i32>} : memref<256x32xi32, #tpu.memory_space<vmem>>, vector<1x16xi32>,
        %get3A_465 = vector.shape_cast %get3A_464 : vector<1x16xi32> to vector<16xi32>
        %swap3A_466 = arith.constant 100 : index
        %swap3A_467 = tpu.vector_load %arg6[%swap3A_466] {strides = array<i32>} : memref<176xi32, #tpu.memory_space<vmem>>, vector<16xi32>,
        %swap3A_468 = vector.shape_cast %swap3A_467 : vector<16xi32> to vector<16xi32>
        %swap3A_469 = vector.shape_cast %get3A_465 : vector<16xi32> to vector<16xi32>
        tpu.vector_store %arg6[%swap3A_466], %swap3A_469 {strides = array<i32>} : memref<176xi32, #tpu.memory_space<vmem>>, vector<16xi32>,
        %get3A_470 = arith.index_cast %add3A_461 : i32 to index
        %get3A_471 = arith.constant 16 : index
        %get3A_472 = tpu.vector_load %arg5[%get3A_470, %get3A_471] {strides = array<i32>} : memref<256x32xi32, #tpu.memory_space<vmem>>, vector<1x16xi32>,
        %get3A_473 = vector.shape_cast %get3A_472 : vector<1x16xi32> to vector<16xi32>
        %swap3A_474 = arith.constant 116 : index
        %swap3A_475 = tpu.vector_load %arg6[%swap3A_474] {strides = array<i32>} : memref<176xi32, #tpu.memory_space<vmem>>, vector<16xi32>,
        %swap3A_476 = vector.shape_cast %swap3A_475 : vector<16xi32> to vector<16xi32>
        %swap3A_477 = vector.shape_cast %get3A_473 : vector<16xi32> to vector<16xi32>
        tpu.vector_store %arg6[%swap3A_474], %swap3A_477 {strides = array<i32>} : memref<176xi32, #tpu.memory_space<vmem>>, vector<16xi32>,
        %mul3A_478 = arith.constant 8 : i32
        %mul3A_479 = arith.muli %add3A_357, %mul3A_478 : i32
        %add3A_480 = arith.constant 6 : i32
        %add3A_481 = arith.addi %mul3A_479, %add3A_480 : i32
        %get3A_482 = arith.index_cast %add3A_481 : i32 to index
        %get3A_483 = arith.constant 0 : index
        %get3A_484 = tpu.vector_load %arg5[%get3A_482, %get3A_483] {strides = array<i32>} : memref<256x32xi32, #tpu.memory_space<vmem>>, vector<1x16xi32>,
        %get3A_485 = vector.shape_cast %get3A_484 : vector<1x16xi32> to vector<16xi32>
        %swap3A_486 = arith.constant 120 : index
        %swap3A_487 = tpu.vector_load %arg6[%swap3A_486] {strides = array<i32>} : memref<176xi32, #tpu.memory_space<vmem>>, vector<16xi32>,
        %swap3A_488 = vector.shape_cast %swap3A_487 : vector<16xi32> to vector<16xi32>
        %swap3A_489 = vector.shape_cast %get3A_485 : vector<16xi32> to vector<16xi32>
        tpu.vector_store %arg6[%swap3A_486], %swap3A_489 {strides = array<i32>} : memref<176xi32, #tpu.memory_space<vmem>>, vector<16xi32>,
        %get3A_490 = arith.index_cast %add3A_481 : i32 to index
        %get3A_491 = arith.constant 16 : index
        %get3A_492 = tpu.vector_load %arg5[%get3A_490, %get3A_491] {strides = array<i32>} : memref<256x32xi32, #tpu.memory_space<vmem>>, vector<1x16xi32>,
        %get3A_493 = vector.shape_cast %get3A_492 : vector<1x16xi32> to vector<16xi32>
        %swap3A_494 = arith.constant 136 : index
        %swap3A_495 = tpu.vector_load %arg6[%swap3A_494] {strides = array<i32>} : memref<176xi32, #tpu.memory_space<vmem>>, vector<16xi32>,
        %swap3A_496 = vector.shape_cast %swap3A_495 : vector<16xi32> to vector<16xi32>
        %swap3A_497 = vector.shape_cast %get3A_493 : vector<16xi32> to vector<16xi32>
        tpu.vector_store %arg6[%swap3A_494], %swap3A_497 {strides = array<i32>} : memref<176xi32, #tpu.memory_space<vmem>>, vector<16xi32>,
        %mul3A_498 = arith.constant 8 : i32
        %mul3A_499 = arith.muli %add3A_357, %mul3A_498 : i32
        %add3A_500 = arith.constant 7 : i32
        %add3A_501 = arith.addi %mul3A_499, %add3A_500 : i32
        %get3A_502 = arith.index_cast %add3A_501 : i32 to index
        %get3A_503 = arith.constant 0 : index
        %get3A_504 = tpu.vector_load %arg5[%get3A_502, %get3A_503] {strides = array<i32>} : memref<256x32xi32, #tpu.memory_space<vmem>>, vector<1x16xi32>,
        %get3A_505 = vector.shape_cast %get3A_504 : vector<1x16xi32> to vector<16xi32>
        %swap3A_506 = arith.constant 140 : index
        %swap3A_507 = tpu.vector_load %arg6[%swap3A_506] {strides = array<i32>} : memref<176xi32, #tpu.memory_space<vmem>>, vector<16xi32>,
        %swap3A_508 = vector.shape_cast %swap3A_507 : vector<16xi32> to vector<16xi32>
        %swap3A_509 = vector.shape_cast %get3A_505 : vector<16xi32> to vector<16xi32>
        tpu.vector_store %arg6[%swap3A_506], %swap3A_509 {strides = array<i32>} : memref<176xi32, #tpu.memory_space<vmem>>, vector<16xi32>,
        %get3A_510 = arith.index_cast %add3A_501 : i32 to index
        %get3A_511 = arith.constant 16 : index
        %get3A_512 = tpu.vector_load %arg5[%get3A_510, %get3A_511] {strides = array<i32>} : memref<256x32xi32, #tpu.memory_space<vmem>>, vector<1x16xi32>,
        %get3A_513 = vector.shape_cast %get3A_512 : vector<1x16xi32> to vector<16xi32>
        %swap3A_514 = arith.constant 156 : index
        %swap3A_515 = tpu.vector_load %arg6[%swap3A_514] {strides = array<i32>} : memref<176xi32, #tpu.memory_space<vmem>>, vector<16xi32>,
        %swap3A_516 = vector.shape_cast %swap3A_515 : vector<16xi32> to vector<16xi32>
        %swap3A_517 = vector.shape_cast %get3A_513 : vector<16xi32> to vector<16xi32>
        tpu.vector_store %arg6[%swap3A_514], %swap3A_517 {strides = array<i32>} : memref<176xi32, #tpu.memory_space<vmem>>, vector<16xi32>,
        %dma_start3A_518 = arith.constant 0 : i32
        %dma_start3A_519 = arith.constant 0 : i32
        %dma_start3A_520 = tpu.memref_slice %arg8[%dma_start3A_518, %dma_start3A_519] : memref<160x128xf32, #tpu.memory_space<vmem>> -> memref<80x128xf32, #tpu.memory_space<vmem>>
        %dma_start3A_521 = arith.constant 0 : i32
        %dma_start3A_522 = tpu.memref_slice %arg6[%dma_start3A_521] : memref<176xi32, #tpu.memory_space<vmem>> -> memref<80xi32, #tpu.memory_space<vmem>>
        %dma_start3A_523 = arith.constant 0 : i32
        %dma_start3A_524 = arith.constant 0 : i32
        %dma_start3A_525 = tpu.memref_slice %arg2[%dma_start3A_523, %dma_start3A_524] : memref<8192x128xf32, #tpu.memory_space<hbm>> -> memref<8192x128xf32, #tpu.memory_space<hbm>>
        tpu.enqueue_indirect_dma source(%dma_start3A_525 : memref<8192x128xf32, #tpu.memory_space<hbm>>) target(%dma_start3A_520 : memref<80x128xf32, #tpu.memory_space<vmem>>) offsets(%dma_start3A_522 : memref<80xi32, #tpu.memory_space<vmem>>) semaphore(%arg14 : memref<!tpu.dma_semaphore, #tpu.memory_space<semaphore_mem>>)
        %dma_start3A_526 = arith.constant 80 : i32
        %dma_start3A_527 = arith.constant 0 : i32
        %dma_start3A_528 = tpu.memref_slice %arg8[%dma_start3A_526, %dma_start3A_527] : memref<160x128xf32, #tpu.memory_space<vmem>> -> memref<80x128xf32, #tpu.memory_space<vmem>>
        %dma_start3A_529 = arith.constant 80 : i32
        %dma_start3A_530 = tpu.memref_slice %arg6[%dma_start3A_529] : memref<176xi32, #tpu.memory_space<vmem>> -> memref<80xi32, #tpu.memory_space<vmem>>
        %dma_start3A_531 = arith.constant 0 : i32
        %dma_start3A_532 = arith.constant 0 : i32
        %dma_start3A_533 = tpu.memref_slice %arg2[%dma_start3A_531, %dma_start3A_532] : memref<8192x128xf32, #tpu.memory_space<hbm>> -> memref<8192x128xf32, #tpu.memory_space<hbm>>
        tpu.enqueue_indirect_dma source(%dma_start3A_533 : memref<8192x128xf32, #tpu.memory_space<hbm>>) target(%dma_start3A_528 : memref<80x128xf32, #tpu.memory_space<vmem>>) offsets(%dma_start3A_530 : memref<80xi32, #tpu.memory_space<vmem>>) semaphore(%arg14 : memref<!tpu.dma_semaphore, #tpu.memory_space<semaphore_mem>>)
        %mul3A_534 = arith.constant 256 : i32
        %mul3A_535 = arith.muli %add3A, %mul3A_534 : i32
        %mul3A_536 = arith.constant 8 : i32
        %mul3A_537 = arith.muli %add3A_357, %mul3A_536 : i32
        %add3A_538 = arith.addi %mul3A_535, %mul3A_537 : i32
        %dma_start3A_539 = arith.constant 0 : i32
        %dma_start3A_540 = tpu.memref_slice %arg2[%add3A_538, %dma_start3A_539] : memref<8192x128xf32, #tpu.memory_space<hbm>> -> memref<8x128xf32, #tpu.memory_space<hbm>>
        %dma_start3A_541 = arith.constant 0 : i32
        %dma_start3A_542 = tpu.memref_slice %arg2[%add3A_538, %dma_start3A_541] : memref<8192x128xf32, #tpu.memory_space<hbm>> -> memref<8x128xf32, #tpu.memory_space<hbm>>
        tpu.enqueue_dma source(%dma_start3A_542 : memref<8x128xf32, #tpu.memory_space<hbm>>) target(%arg10 : memref<8x128xf32, #tpu.memory_space<vmem>>) target_semaphore(%arg14 : memref<!tpu.dma_semaphore, #tpu.memory_space<semaphore_mem>>)
      } else {
      }
      %dma_wait3A_280 = arith.constant 0 : i32
      %dma_wait3A_281 = arith.constant 0 : i32
      %dma_wait3A_282 = tpu.memref_slice %arg2[%dma_wait3A_280, %dma_wait3A_281] : memref<8192x128xf32, #tpu.memory_space<hbm>> -> memref<160x128xf32, #tpu.memory_space<hbm>>
      %dma_wait3A_283 = arith.constant 0 : i32
      %dma_wait3A_284 = arith.constant 0 : i32
      %dma_wait3A_285 = tpu.memref_slice %arg2[%dma_wait3A_283, %dma_wait3A_284] : memref<8192x128xf32, #tpu.memory_space<hbm>> -> memref<160x128xf32, #tpu.memory_space<hbm>>
      tpu.wait_dma2 semaphore(%arg15 : memref<!tpu.dma_semaphore, #tpu.memory_space<semaphore_mem>>) src(%dma_wait3A_285 : memref<160x128xf32, #tpu.memory_space<hbm>>) dst(%arg9 : memref<160x128xf32, #tpu.memory_space<vmem>>)
      %dma_wait3A_286 = arith.constant 0 : i32
      %dma_wait3A_287 = arith.constant 0 : i32
      %dma_wait3A_288 = tpu.memref_slice %arg2[%dma_wait3A_286, %dma_wait3A_287] : memref<8192x128xf32, #tpu.memory_space<hbm>> -> memref<8x128xf32, #tpu.memory_space<hbm>>
      %dma_wait3A_289 = arith.constant 0 : i32
      %dma_wait3A_290 = arith.constant 0 : i32
      %dma_wait3A_291 = tpu.memref_slice %arg2[%dma_wait3A_289, %dma_wait3A_290] : memref<8192x128xf32, #tpu.memory_space<hbm>> -> memref<8x128xf32, #tpu.memory_space<hbm>>
      tpu.wait_dma2 semaphore(%arg15 : memref<!tpu.dma_semaphore, #tpu.memory_space<semaphore_mem>>) src(%dma_wait3A_291 : memref<8x128xf32, #tpu.memory_space<hbm>>) dst(%arg11 : memref<8x128xf32, #tpu.memory_space<vmem>>)
      %ge3A_292 = arith.constant 2 : i32
      %ge3A_293 = arith.cmpi sge, %add3A_272, %ge3A_292 : i32
      %convert_element_type3A_294 = arith.extui %ge3A_293 : i1 to i32
      %cond3A_295 = arith.constant 0 : i32
      %cond3A_296 = arith.cmpi ne, %convert_element_type3A_294, %cond3A_295 : i32
      scf.if %cond3A_296 {
        %dma_wait3A_356 = arith.constant 0 : i32
        %dma_wait3A_357 = arith.constant 0 : i32
        %dma_wait3A_358 = arith.constant 0 : i32
        %dma_wait3A_359 = arith.constant 0 : i32
        %dma_wait3A_360 = tpu.memref_slice %arg4[%dma_wait3A_356, %dma_wait3A_357, %dma_wait3A_358, %dma_wait3A_359] : memref<4x2048x20x128xf32, #tpu.memory_space<hbm>> -> memref<1x8x20x128xf32, #tpu.memory_space<hbm>>
        %dma_wait3A_361 = tpu.memref_squeeze %dma_wait3A_360 : memref<1x8x20x128xf32, #tpu.memory_space<hbm>> -> memref<8x20x128xf32, #tpu.memory_space<hbm>>
        %dma_wait3A_362 = arith.constant 0 : i32
        %dma_wait3A_363 = arith.constant 0 : i32
        %dma_wait3A_364 = arith.constant 0 : i32
        %dma_wait3A_365 = tpu.memref_slice %arg4[%dma_wait3A_356, %dma_wait3A_362, %dma_wait3A_363, %dma_wait3A_364] : memref<4x2048x20x128xf32, #tpu.memory_space<hbm>> -> memref<1x8x20x128xf32, #tpu.memory_space<hbm>>
        %dma_wait3A_366 = tpu.memref_squeeze %dma_wait3A_365 : memref<1x8x20x128xf32, #tpu.memory_space<hbm>> -> memref<8x20x128xf32, #tpu.memory_space<hbm>>
        tpu.wait_dma2 semaphore(%arg17 : memref<!tpu.dma_semaphore, #tpu.memory_space<semaphore_mem>>) src(%arg13 : memref<8x20x128xf32, #tpu.memory_space<vmem>>) dst(%dma_wait3A_366 : memref<8x20x128xf32, #tpu.memory_space<hbm>>)
      } else {
      }
      %scan3A_297 = arith.constant 0 : i32
      %scan3A_298 = arith.constant 0 : i32
      %scan3A_299 = arith.constant 8 : i32
      %scan3A_300 = arith.addi %scan3A_298, %scan3A_299 : i32
      %scan3A_301 = arith.constant 1 : i32
      scf.for %scan3A_356 = %scan3A_298 to %scan3A_300 step %scan3A_301  : i32 {
        %get3A_357 = arith.index_cast %scan3A_356 : i32 to index
        %get3A_358 = arith.constant 0 : index
        %get3A_359 = tpu.vector_load %arg11[%get3A_357, %get3A_358] {strides = array<i32>} : memref<8x128xf32, #tpu.memory_space<vmem>>, vector<1x16xf32>,
        %get3A_360 = vector.shape_cast %get3A_359 : vector<1x16xf32> to vector<16xf32>
        %mul3A_361 = arith.constant 20 : i32
        %mul3A_362 = arith.muli %scan3A_356, %mul3A_361 : i32
        %add3A_363 = arith.constant 0 : i32
        %add3A_364 = arith.addi %mul3A_362, %add3A_363 : i32
        %get3A_365 = arith.index_cast %add3A_364 : i32 to index
        %get3A_366 = arith.constant 0 : index
        %get3A_367 = tpu.vector_load %arg9[%get3A_365, %get3A_366] {strides = array<i32>} : memref<160x128xf32, #tpu.memory_space<vmem>>, vector<1x16xf32>,
        %get3A_368 = vector.shape_cast %get3A_367 : vector<1x16xf32> to vector<16xf32>
        %swap3A_369 = arith.constant 0 : i32
        %swap3A_370 = arith.index_cast %scan3A_356 : i32 to index
        %swap3A_371 = arith.index_cast %swap3A_369 : i32 to index
        %swap3A_372 = arith.constant 0 : index
        %swap3A_373 = tpu.vector_load %arg13[%swap3A_370, %swap3A_371, %swap3A_372] {strides = array<i32>} : memref<8x20x128xf32, #tpu.memory_space<vmem>>, vector<1x1x16xf32>,
        %swap3A_374 = vector.shape_cast %swap3A_373 : vector<1x1x16xf32> to vector<16xf32>
        %swap3A_375 = vector.shape_cast %get3A_360 : vector<16xf32> to vector<1x1x16xf32>
        tpu.vector_store %arg13[%swap3A_370, %swap3A_371, %swap3A_372], %swap3A_375 {strides = array<i32>} : memref<8x20x128xf32, #tpu.memory_space<vmem>>, vector<1x1x16xf32>,
        %sub3A_376 = arith.subf %get3A_368, %get3A_360 : vector<16xf32>
        %swap3A_377 = arith.constant 0 : i32
        %swap3A_378 = arith.index_cast %scan3A_356 : i32 to index
        %swap3A_379 = arith.index_cast %swap3A_377 : i32 to index
        %swap3A_380 = arith.constant 64 : index
        %swap3A_381 = tpu.vector_load %arg13[%swap3A_378, %swap3A_379, %swap3A_380] {strides = array<i32>} : memref<8x20x128xf32, #tpu.memory_space<vmem>>, vector<1x1x16xf32>,
        %swap3A_382 = vector.shape_cast %swap3A_381 : vector<1x1x16xf32> to vector<16xf32>
        %swap3A_383 = vector.shape_cast %sub3A_376 : vector<16xf32> to vector<1x1x16xf32>
        tpu.vector_store %arg13[%swap3A_378, %swap3A_379, %swap3A_380], %swap3A_383 {strides = array<i32>} : memref<8x20x128xf32, #tpu.memory_space<vmem>>, vector<1x1x16xf32>,
        %mul3A_384 = arith.constant 20 : i32
        %mul3A_385 = arith.muli %scan3A_356, %mul3A_384 : i32
        %add3A_386 = arith.constant 1 : i32
        %add3A_387 = arith.addi %mul3A_385, %add3A_386 : i32
        %get3A_388 = arith.index_cast %add3A_387 : i32 to index
        %get3A_389 = arith.constant 0 : index
        %get3A_390 = tpu.vector_load %arg9[%get3A_388, %get3A_389] {strides = array<i32>} : memref<160x128xf32, #tpu.memory_space<vmem>>, vector<1x16xf32>,
        %get3A_391 = vector.shape_cast %get3A_390 : vector<1x16xf32> to vector<16xf32>
        %swap3A_392 = arith.constant 1 : i32
        %swap3A_393 = arith.index_cast %scan3A_356 : i32 to index
        %swap3A_394 = arith.index_cast %swap3A_392 : i32 to index
        %swap3A_395 = arith.constant 0 : index
        %swap3A_396 = tpu.vector_load %arg13[%swap3A_393, %swap3A_394, %swap3A_395] {strides = array<i32>} : memref<8x20x128xf32, #tpu.memory_space<vmem>>, vector<1x1x16xf32>,
        %swap3A_397 = vector.shape_cast %swap3A_396 : vector<1x1x16xf32> to vector<16xf32>
        %swap3A_398 = vector.shape_cast %get3A_360 : vector<16xf32> to vector<1x1x16xf32>
        tpu.vector_store %arg13[%swap3A_393, %swap3A_394, %swap3A_395], %swap3A_398 {strides = array<i32>} : memref<8x20x128xf32, #tpu.memory_space<vmem>>, vector<1x1x16xf32>,
        %sub3A_399 = arith.subf %get3A_391, %get3A_360 : vector<16xf32>
        %swap3A_400 = arith.constant 1 : i32
        %swap3A_401 = arith.index_cast %scan3A_356 : i32 to index
        %swap3A_402 = arith.index_cast %swap3A_400 : i32 to index
        %swap3A_403 = arith.constant 64 : index
        %swap3A_404 = tpu.vector_load %arg13[%swap3A_401, %swap3A_402, %swap3A_403] {strides = array<i32>} : memref<8x20x128xf32, #tpu.memory_space<vmem>>, vector<1x1x16xf32>,
        %swap3A_405 = vector.shape_cast %swap3A_404 : vector<1x1x16xf32> to vector<16xf32>
        %swap3A_406 = vector.shape_cast %sub3A_399 : vector<16xf32> to vector<1x1x16xf32>
        tpu.vector_store %arg13[%swap3A_401, %swap3A_402, %swap3A_403], %swap3A_406 {strides = array<i32>} : memref<8x20x128xf32, #tpu.memory_space<vmem>>, vector<1x1x16xf32>,
        %mul3A_407 = arith.constant 20 : i32
        %mul3A_408 = arith.muli %scan3A_356, %mul3A_407 : i32
        %add3A_409 = arith.constant 2 : i32
        %add3A_410 = arith.addi %mul3A_408, %add3A_409 : i32
        %get3A_411 = arith.index_cast %add3A_410 : i32 to index
        %get3A_412 = arith.constant 0 : index
        %get3A_413 = tpu.vector_load %arg9[%get3A_411, %get3A_412] {strides = array<i32>} : memref<160x128xf32, #tpu.memory_space<vmem>>, vector<1x16xf32>,
        %get3A_414 = vector.shape_cast %get3A_413 : vector<1x16xf32> to vector<16xf32>
        %swap3A_415 = arith.constant 2 : i32
        %swap3A_416 = arith.index_cast %scan3A_356 : i32 to index
        %swap3A_417 = arith.index_cast %swap3A_415 : i32 to index
        %swap3A_418 = arith.constant 0 : index
        %swap3A_419 = tpu.vector_load %arg13[%swap3A_416, %swap3A_417, %swap3A_418] {strides = array<i32>} : memref<8x20x128xf32, #tpu.memory_space<vmem>>, vector<1x1x16xf32>,
        %swap3A_420 = vector.shape_cast %swap3A_419 : vector<1x1x16xf32> to vector<16xf32>
        %swap3A_421 = vector.shape_cast %get3A_360 : vector<16xf32> to vector<1x1x16xf32>
        tpu.vector_store %arg13[%swap3A_416, %swap3A_417, %swap3A_418], %swap3A_421 {strides = array<i32>} : memref<8x20x128xf32, #tpu.memory_space<vmem>>, vector<1x1x16xf32>,
        %sub3A_422 = arith.subf %get3A_414, %get3A_360 : vector<16xf32>
        %swap3A_423 = arith.constant 2 : i32
        %swap3A_424 = arith.index_cast %scan3A_356 : i32 to index
        %swap3A_425 = arith.index_cast %swap3A_423 : i32 to index
        %swap3A_426 = arith.constant 64 : index
        %swap3A_427 = tpu.vector_load %arg13[%swap3A_424, %swap3A_425, %swap3A_426] {strides = array<i32>} : memref<8x20x128xf32, #tpu.memory_space<vmem>>, vector<1x1x16xf32>,
        %swap3A_428 = vector.shape_cast %swap3A_427 : vector<1x1x16xf32> to vector<16xf32>
        %swap3A_429 = vector.shape_cast %sub3A_422 : vector<16xf32> to vector<1x1x16xf32>
        tpu.vector_store %arg13[%swap3A_424, %swap3A_425, %swap3A_426], %swap3A_429 {strides = array<i32>} : memref<8x20x128xf32, #tpu.memory_space<vmem>>, vector<1x1x16xf32>,
        %mul3A_430 = arith.constant 20 : i32
        %mul3A_431 = arith.muli %scan3A_356, %mul3A_430 : i32
        %add3A_432 = arith.constant 3 : i32
        %add3A_433 = arith.addi %mul3A_431, %add3A_432 : i32
        %get3A_434 = arith.index_cast %add3A_433 : i32 to index
        %get3A_435 = arith.constant 0 : index
        %get3A_436 = tpu.vector_load %arg9[%get3A_434, %get3A_435] {strides = array<i32>} : memref<160x128xf32, #tpu.memory_space<vmem>>, vector<1x16xf32>,
        %get3A_437 = vector.shape_cast %get3A_436 : vector<1x16xf32> to vector<16xf32>
        %swap3A_438 = arith.constant 3 : i32
        %swap3A_439 = arith.index_cast %scan3A_356 : i32 to index
        %swap3A_440 = arith.index_cast %swap3A_438 : i32 to index
        %swap3A_441 = arith.constant 0 : index
        %swap3A_442 = tpu.vector_load %arg13[%swap3A_439, %swap3A_440, %swap3A_441] {strides = array<i32>} : memref<8x20x128xf32, #tpu.memory_space<vmem>>, vector<1x1x16xf32>,
        %swap3A_443 = vector.shape_cast %swap3A_442 : vector<1x1x16xf32> to vector<16xf32>
        %swap3A_444 = vector.shape_cast %get3A_360 : vector<16xf32> to vector<1x1x16xf32>
        tpu.vector_store %arg13[%swap3A_439, %swap3A_440, %swap3A_441], %swap3A_444 {strides = array<i32>} : memref<8x20x128xf32, #tpu.memory_space<vmem>>, vector<1x1x16xf32>,
        %sub3A_445 = arith.subf %get3A_437, %get3A_360 : vector<16xf32>
        %swap3A_446 = arith.constant 3 : i32
        %swap3A_447 = arith.index_cast %scan3A_356 : i32 to index
        %swap3A_448 = arith.index_cast %swap3A_446 : i32 to index
        %swap3A_449 = arith.constant 64 : index
        %swap3A_450 = tpu.vector_load %arg13[%swap3A_447, %swap3A_448, %swap3A_449] {strides = array<i32>} : memref<8x20x128xf32, #tpu.memory_space<vmem>>, vector<1x1x16xf32>,
        %swap3A_451 = vector.shape_cast %swap3A_450 : vector<1x1x16xf32> to vector<16xf32>
        %swap3A_452 = vector.shape_cast %sub3A_445 : vector<16xf32> to vector<1x1x16xf32>
        tpu.vector_store %arg13[%swap3A_447, %swap3A_448, %swap3A_449], %swap3A_452 {strides = array<i32>} : memref<8x20x128xf32, #tpu.memory_space<vmem>>, vector<1x1x16xf32>,
        %mul3A_453 = arith.constant 20 : i32
        %mul3A_454 = arith.muli %scan3A_356, %mul3A_453 : i32
        %add3A_455 = arith.constant 4 : i32
        %add3A_456 = arith.addi %mul3A_454, %add3A_455 : i32
        %get3A_457 = arith.index_cast %add3A_456 : i32 to index
        %get3A_458 = arith.constant 0 : index
        %get3A_459 = tpu.vector_load %arg9[%get3A_457, %get3A_458] {strides = array<i32>} : memref<160x128xf32, #tpu.memory_space<vmem>>, vector<1x16xf32>,
        %get3A_460 = vector.shape_cast %get3A_459 : vector<1x16xf32> to vector<16xf32>
        %swap3A_461 = arith.constant 4 : i32
        %swap3A_462 = arith.index_cast %scan3A_356 : i32 to index
        %swap3A_463 = arith.index_cast %swap3A_461 : i32 to index
        %swap3A_464 = arith.constant 0 : index
        %swap3A_465 = tpu.vector_load %arg13[%swap3A_462, %swap3A_463, %swap3A_464] {strides = array<i32>} : memref<8x20x128xf32, #tpu.memory_space<vmem>>, vector<1x1x16xf32>,
        %swap3A_466 = vector.shape_cast %swap3A_465 : vector<1x1x16xf32> to vector<16xf32>
        %swap3A_467 = vector.shape_cast %get3A_360 : vector<16xf32> to vector<1x1x16xf32>
        tpu.vector_store %arg13[%swap3A_462, %swap3A_463, %swap3A_464], %swap3A_467 {strides = array<i32>} : memref<8x20x128xf32, #tpu.memory_space<vmem>>, vector<1x1x16xf32>,
        %sub3A_468 = arith.subf %get3A_460, %get3A_360 : vector<16xf32>
        %swap3A_469 = arith.constant 4 : i32
        %swap3A_470 = arith.index_cast %scan3A_356 : i32 to index
        %swap3A_471 = arith.index_cast %swap3A_469 : i32 to index
        %swap3A_472 = arith.constant 64 : index
        %swap3A_473 = tpu.vector_load %arg13[%swap3A_470, %swap3A_471, %swap3A_472] {strides = array<i32>} : memref<8x20x128xf32, #tpu.memory_space<vmem>>, vector<1x1x16xf32>,
        %swap3A_474 = vector.shape_cast %swap3A_473 : vector<1x1x16xf32> to vector<16xf32>
        %swap3A_475 = vector.shape_cast %sub3A_468 : vector<16xf32> to vector<1x1x16xf32>
        tpu.vector_store %arg13[%swap3A_470, %swap3A_471, %swap3A_472], %swap3A_475 {strides = array<i32>} : memref<8x20x128xf32, #tpu.memory_space<vmem>>, vector<1x1x16xf32>,
        %mul3A_476 = arith.constant 20 : i32
        %mul3A_477 = arith.muli %scan3A_356, %mul3A_476 : i32
        %add3A_478 = arith.constant 5 : i32
        %add3A_479 = arith.addi %mul3A_477, %add3A_478 : i32
        %get3A_480 = arith.index_cast %add3A_479 : i32 to index
        %get3A_481 = arith.constant 0 : index
        %get3A_482 = tpu.vector_load %arg9[%get3A_480, %get3A_481] {strides = array<i32>} : memref<160x128xf32, #tpu.memory_space<vmem>>, vector<1x16xf32>,
        %get3A_483 = vector.shape_cast %get3A_482 : vector<1x16xf32> to vector<16xf32>
        %swap3A_484 = arith.constant 5 : i32
        %swap3A_485 = arith.index_cast %scan3A_356 : i32 to index
        %swap3A_486 = arith.index_cast %swap3A_484 : i32 to index
        %swap3A_487 = arith.constant 0 : index
        %swap3A_488 = tpu.vector_load %arg13[%swap3A_485, %swap3A_486, %swap3A_487] {strides = array<i32>} : memref<8x20x128xf32, #tpu.memory_space<vmem>>, vector<1x1x16xf32>,
        %swap3A_489 = vector.shape_cast %swap3A_488 : vector<1x1x16xf32> to vector<16xf32>
        %swap3A_490 = vector.shape_cast %get3A_360 : vector<16xf32> to vector<1x1x16xf32>
        tpu.vector_store %arg13[%swap3A_485, %swap3A_486, %swap3A_487], %swap3A_490 {strides = array<i32>} : memref<8x20x128xf32, #tpu.memory_space<vmem>>, vector<1x1x16xf32>,
        %sub3A_491 = arith.subf %get3A_483, %get3A_360 : vector<16xf32>
        %swap3A_492 = arith.constant 5 : i32
        %swap3A_493 = arith.index_cast %scan3A_356 : i32 to index
        %swap3A_494 = arith.index_cast %swap3A_492 : i32 to index
        %swap3A_495 = arith.constant 64 : index
        %swap3A_496 = tpu.vector_load %arg13[%swap3A_493, %swap3A_494, %swap3A_495] {strides = array<i32>} : memref<8x20x128xf32, #tpu.memory_space<vmem>>, vector<1x1x16xf32>,
        %swap3A_497 = vector.shape_cast %swap3A_496 : vector<1x1x16xf32> to vector<16xf32>
        %swap3A_498 = vector.shape_cast %sub3A_491 : vector<16xf32> to vector<1x1x16xf32>
        tpu.vector_store %arg13[%swap3A_493, %swap3A_494, %swap3A_495], %swap3A_498 {strides = array<i32>} : memref<8x20x128xf32, #tpu.memory_space<vmem>>, vector<1x1x16xf32>,
        %mul3A_499 = arith.constant 20 : i32
        %mul3A_500 = arith.muli %scan3A_356, %mul3A_499 : i32
        %add3A_501 = arith.constant 6 : i32
        %add3A_502 = arith.addi %mul3A_500, %add3A_501 : i32
        %get3A_503 = arith.index_cast %add3A_502 : i32 to index
        %get3A_504 = arith.constant 0 : index
        %get3A_505 = tpu.vector_load %arg9[%get3A_503, %get3A_504] {strides = array<i32>} : memref<160x128xf32, #tpu.memory_space<vmem>>, vector<1x16xf32>,
        %get3A_506 = vector.shape_cast %get3A_505 : vector<1x16xf32> to vector<16xf32>
        %swap3A_507 = arith.constant 6 : i32
        %swap3A_508 = arith.index_cast %scan3A_356 : i32 to index
        %swap3A_509 = arith.index_cast %swap3A_507 : i32 to index
        %swap3A_510 = arith.constant 0 : index
        %swap3A_511 = tpu.vector_load %arg13[%swap3A_508, %swap3A_509, %swap3A_510] {strides = array<i32>} : memref<8x20x128xf32, #tpu.memory_space<vmem>>, vector<1x1x16xf32>,
        %swap3A_512 = vector.shape_cast %swap3A_511 : vector<1x1x16xf32> to vector<16xf32>
        %swap3A_513 = vector.shape_cast %get3A_360 : vector<16xf32> to vector<1x1x16xf32>
        tpu.vector_store %arg13[%swap3A_508, %swap3A_509, %swap3A_510], %swap3A_513 {strides = array<i32>} : memref<8x20x128xf32, #tpu.memory_space<vmem>>, vector<1x1x16xf32>,
        %sub3A_514 = arith.subf %get3A_506, %get3A_360 : vector<16xf32>
        %swap3A_515 = arith.constant 6 : i32
        %swap3A_516 = arith.index_cast %scan3A_356 : i32 to index
        %swap3A_517 = arith.index_cast %swap3A_515 : i32 to index
        %swap3A_518 = arith.constant 64 : index
        %swap3A_519 = tpu.vector_load %arg13[%swap3A_516, %swap3A_517, %swap3A_518] {strides = array<i32>} : memref<8x20x128xf32, #tpu.memory_space<vmem>>, vector<1x1x16xf32>,
        %swap3A_520 = vector.shape_cast %swap3A_519 : vector<1x1x16xf32> to vector<16xf32>
        %swap3A_521 = vector.shape_cast %sub3A_514 : vector<16xf32> to vector<1x1x16xf32>
        tpu.vector_store %arg13[%swap3A_516, %swap3A_517, %swap3A_518], %swap3A_521 {strides = array<i32>} : memref<8x20x128xf32, #tpu.memory_space<vmem>>, vector<1x1x16xf32>,
        %mul3A_522 = arith.constant 20 : i32
        %mul3A_523 = arith.muli %scan3A_356, %mul3A_522 : i32
        %add3A_524 = arith.constant 7 : i32
        %add3A_525 = arith.addi %mul3A_523, %add3A_524 : i32
        %get3A_526 = arith.index_cast %add3A_525 : i32 to index
        %get3A_527 = arith.constant 0 : index
        %get3A_528 = tpu.vector_load %arg9[%get3A_526, %get3A_527] {strides = array<i32>} : memref<160x128xf32, #tpu.memory_space<vmem>>, vector<1x16xf32>,
        %get3A_529 = vector.shape_cast %get3A_528 : vector<1x16xf32> to vector<16xf32>
        %swap3A_530 = arith.constant 7 : i32
        %swap3A_531 = arith.index_cast %scan3A_356 : i32 to index
        %swap3A_532 = arith.index_cast %swap3A_530 : i32 to index
        %swap3A_533 = arith.constant 0 : index
        %swap3A_534 = tpu.vector_load %arg13[%swap3A_531, %swap3A_532, %swap3A_533] {strides = array<i32>} : memref<8x20x128xf32, #tpu.memory_space<vmem>>, vector<1x1x16xf32>,
        %swap3A_535 = vector.shape_cast %swap3A_534 : vector<1x1x16xf32> to vector<16xf32>
        %swap3A_536 = vector.shape_cast %get3A_360 : vector<16xf32> to vector<1x1x16xf32>
        tpu.vector_store %arg13[%swap3A_531, %swap3A_532, %swap3A_533], %swap3A_536 {strides = array<i32>} : memref<8x20x128xf32, #tpu.memory_space<vmem>>, vector<1x1x16xf32>,
        %sub3A_537 = arith.subf %get3A_529, %get3A_360 : vector<16xf32>
        %swap3A_538 = arith.constant 7 : i32
        %swap3A_539 = arith.index_cast %scan3A_356 : i32 to index
        %swap3A_540 = arith.index_cast %swap3A_538 : i32 to index
        %swap3A_541 = arith.constant 64 : index
        %swap3A_542 = tpu.vector_load %arg13[%swap3A_539, %swap3A_540, %swap3A_541] {strides = array<i32>} : memref<8x20x128xf32, #tpu.memory_space<vmem>>, vector<1x1x16xf32>,
        %swap3A_543 = vector.shape_cast %swap3A_542 : vector<1x1x16xf32> to vector<16xf32>
        %swap3A_544 = vector.shape_cast %sub3A_537 : vector<16xf32> to vector<1x1x16xf32>
        tpu.vector_store %arg13[%swap3A_539, %swap3A_540, %swap3A_541], %swap3A_544 {strides = array<i32>} : memref<8x20x128xf32, #tpu.memory_space<vmem>>, vector<1x1x16xf32>,
        %mul3A_545 = arith.constant 20 : i32
        %mul3A_546 = arith.muli %scan3A_356, %mul3A_545 : i32
        %add3A_547 = arith.constant 8 : i32
        %add3A_548 = arith.addi %mul3A_546, %add3A_547 : i32
        %get3A_549 = arith.index_cast %add3A_548 : i32 to index
        %get3A_550 = arith.constant 0 : index
        %get3A_551 = tpu.vector_load %arg9[%get3A_549, %get3A_550] {strides = array<i32>} : memref<160x128xf32, #tpu.memory_space<vmem>>, vector<1x16xf32>,
        %get3A_552 = vector.shape_cast %get3A_551 : vector<1x16xf32> to vector<16xf32>
        %swap3A_553 = arith.constant 8 : i32
        %swap3A_554 = arith.index_cast %scan3A_356 : i32 to index
        %swap3A_555 = arith.index_cast %swap3A_553 : i32 to index
        %swap3A_556 = arith.constant 0 : index
        %swap3A_557 = tpu.vector_load %arg13[%swap3A_554, %swap3A_555, %swap3A_556] {strides = array<i32>} : memref<8x20x128xf32, #tpu.memory_space<vmem>>, vector<1x1x16xf32>,
        %swap3A_558 = vector.shape_cast %swap3A_557 : vector<1x1x16xf32> to vector<16xf32>
        %swap3A_559 = vector.shape_cast %get3A_360 : vector<16xf32> to vector<1x1x16xf32>
        tpu.vector_store %arg13[%swap3A_554, %swap3A_555, %swap3A_556], %swap3A_559 {strides = array<i32>} : memref<8x20x128xf32, #tpu.memory_space<vmem>>, vector<1x1x16xf32>,
        %sub3A_560 = arith.subf %get3A_552, %get3A_360 : vector<16xf32>
        %swap3A_561 = arith.constant 8 : i32
        %swap3A_562 = arith.index_cast %scan3A_356 : i32 to index
        %swap3A_563 = arith.index_cast %swap3A_561 : i32 to index
        %swap3A_564 = arith.constant 64 : index
        %swap3A_565 = tpu.vector_load %arg13[%swap3A_562, %swap3A_563, %swap3A_564] {strides = array<i32>} : memref<8x20x128xf32, #tpu.memory_space<vmem>>, vector<1x1x16xf32>,
        %swap3A_566 = vector.shape_cast %swap3A_565 : vector<1x1x16xf32> to vector<16xf32>
        %swap3A_567 = vector.shape_cast %sub3A_560 : vector<16xf32> to vector<1x1x16xf32>
        tpu.vector_store %arg13[%swap3A_562, %swap3A_563, %swap3A_564], %swap3A_567 {strides = array<i32>} : memref<8x20x128xf32, #tpu.memory_space<vmem>>, vector<1x1x16xf32>,
        %mul3A_568 = arith.constant 20 : i32
        %mul3A_569 = arith.muli %scan3A_356, %mul3A_568 : i32
        %add3A_570 = arith.constant 9 : i32
        %add3A_571 = arith.addi %mul3A_569, %add3A_570 : i32
        %get3A_572 = arith.index_cast %add3A_571 : i32 to index
        %get3A_573 = arith.constant 0 : index
        %get3A_574 = tpu.vector_load %arg9[%get3A_572, %get3A_573] {strides = array<i32>} : memref<160x128xf32, #tpu.memory_space<vmem>>, vector<1x16xf32>,
        %get3A_575 = vector.shape_cast %get3A_574 : vector<1x16xf32> to vector<16xf32>
        %swap3A_576 = arith.constant 9 : i32
        %swap3A_577 = arith.index_cast %scan3A_356 : i32 to index
        %swap3A_578 = arith.index_cast %swap3A_576 : i32 to index
        %swap3A_579 = arith.constant 0 : index
        %swap3A_580 = tpu.vector_load %arg13[%swap3A_577, %swap3A_578, %swap3A_579] {strides = array<i32>} : memref<8x20x128xf32, #tpu.memory_space<vmem>>, vector<1x1x16xf32>,
        %swap3A_581 = vector.shape_cast %swap3A_580 : vector<1x1x16xf32> to vector<16xf32>
        %swap3A_582 = vector.shape_cast %get3A_360 : vector<16xf32> to vector<1x1x16xf32>
        tpu.vector_store %arg13[%swap3A_577, %swap3A_578, %swap3A_579], %swap3A_582 {strides = array<i32>} : memref<8x20x128xf32, #tpu.memory_space<vmem>>, vector<1x1x16xf32>,
        %sub3A_583 = arith.subf %get3A_575, %get3A_360 : vector<16xf32>
        %swap3A_584 = arith.constant 9 : i32
        %swap3A_585 = arith.index_cast %scan3A_356 : i32 to index
        %swap3A_586 = arith.index_cast %swap3A_584 : i32 to index
        %swap3A_587 = arith.constant 64 : index
        %swap3A_588 = tpu.vector_load %arg13[%swap3A_585, %swap3A_586, %swap3A_587] {strides = array<i32>} : memref<8x20x128xf32, #tpu.memory_space<vmem>>, vector<1x1x16xf32>,
        %swap3A_589 = vector.shape_cast %swap3A_588 : vector<1x1x16xf32> to vector<16xf32>
        %swap3A_590 = vector.shape_cast %sub3A_583 : vector<16xf32> to vector<1x1x16xf32>
        tpu.vector_store %arg13[%swap3A_585, %swap3A_586, %swap3A_587], %swap3A_590 {strides = array<i32>} : memref<8x20x128xf32, #tpu.memory_space<vmem>>, vector<1x1x16xf32>,
        %mul3A_591 = arith.constant 20 : i32
        %mul3A_592 = arith.muli %scan3A_356, %mul3A_591 : i32
        %add3A_593 = arith.constant 10 : i32
        %add3A_594 = arith.addi %mul3A_592, %add3A_593 : i32
        %get3A_595 = arith.index_cast %add3A_594 : i32 to index
        %get3A_596 = arith.constant 0 : index
        %get3A_597 = tpu.vector_load %arg9[%get3A_595, %get3A_596] {strides = array<i32>} : memref<160x128xf32, #tpu.memory_space<vmem>>, vector<1x16xf32>,
        %get3A_598 = vector.shape_cast %get3A_597 : vector<1x16xf32> to vector<16xf32>
        %swap3A_599 = arith.constant 10 : i32
        %swap3A_600 = arith.index_cast %scan3A_356 : i32 to index
        %swap3A_601 = arith.index_cast %swap3A_599 : i32 to index
        %swap3A_602 = arith.constant 0 : index
        %swap3A_603 = tpu.vector_load %arg13[%swap3A_600, %swap3A_601, %swap3A_602] {strides = array<i32>} : memref<8x20x128xf32, #tpu.memory_space<vmem>>, vector<1x1x16xf32>,
        %swap3A_604 = vector.shape_cast %swap3A_603 : vector<1x1x16xf32> to vector<16xf32>
        %swap3A_605 = vector.shape_cast %get3A_360 : vector<16xf32> to vector<1x1x16xf32>
        tpu.vector_store %arg13[%swap3A_600, %swap3A_601, %swap3A_602], %swap3A_605 {strides = array<i32>} : memref<8x20x128xf32, #tpu.memory_space<vmem>>, vector<1x1x16xf32>,
        %sub3A_606 = arith.subf %get3A_598, %get3A_360 : vector<16xf32>
        %swap3A_607 = arith.constant 10 : i32
        %swap3A_608 = arith.index_cast %scan3A_356 : i32 to index
        %swap3A_609 = arith.index_cast %swap3A_607 : i32 to index
        %swap3A_610 = arith.constant 64 : index
        %swap3A_611 = tpu.vector_load %arg13[%swap3A_608, %swap3A_609, %swap3A_610] {strides = array<i32>} : memref<8x20x128xf32, #tpu.memory_space<vmem>>, vector<1x1x16xf32>,
        %swap3A_612 = vector.shape_cast %swap3A_611 : vector<1x1x16xf32> to vector<16xf32>
        %swap3A_613 = vector.shape_cast %sub3A_606 : vector<16xf32> to vector<1x1x16xf32>
        tpu.vector_store %arg13[%swap3A_608, %swap3A_609, %swap3A_610], %swap3A_613 {strides = array<i32>} : memref<8x20x128xf32, #tpu.memory_space<vmem>>, vector<1x1x16xf32>,
        %mul3A_614 = arith.constant 20 : i32
        %mul3A_615 = arith.muli %scan3A_356, %mul3A_614 : i32
        %add3A_616 = arith.constant 11 : i32
        %add3A_617 = arith.addi %mul3A_615, %add3A_616 : i32
        %get3A_618 = arith.index_cast %add3A_617 : i32 to index
        %get3A_619 = arith.constant 0 : index
        %get3A_620 = tpu.vector_load %arg9[%get3A_618, %get3A_619] {strides = array<i32>} : memref<160x128xf32, #tpu.memory_space<vmem>>, vector<1x16xf32>,
        %get3A_621 = vector.shape_cast %get3A_620 : vector<1x16xf32> to vector<16xf32>
        %swap3A_622 = arith.constant 11 : i32
        %swap3A_623 = arith.index_cast %scan3A_356 : i32 to index
        %swap3A_624 = arith.index_cast %swap3A_622 : i32 to index
        %swap3A_625 = arith.constant 0 : index
        %swap3A_626 = tpu.vector_load %arg13[%swap3A_623, %swap3A_624, %swap3A_625] {strides = array<i32>} : memref<8x20x128xf32, #tpu.memory_space<vmem>>, vector<1x1x16xf32>,
        %swap3A_627 = vector.shape_cast %swap3A_626 : vector<1x1x16xf32> to vector<16xf32>
        %swap3A_628 = vector.shape_cast %get3A_360 : vector<16xf32> to vector<1x1x16xf32>
        tpu.vector_store %arg13[%swap3A_623, %swap3A_624, %swap3A_625], %swap3A_628 {strides = array<i32>} : memref<8x20x128xf32, #tpu.memory_space<vmem>>, vector<1x1x16xf32>,
        %sub3A_629 = arith.subf %get3A_621, %get3A_360 : vector<16xf32>
        %swap3A_630 = arith.constant 11 : i32
        %swap3A_631 = arith.index_cast %scan3A_356 : i32 to index
        %swap3A_632 = arith.index_cast %swap3A_630 : i32 to index
        %swap3A_633 = arith.constant 64 : index
        %swap3A_634 = tpu.vector_load %arg13[%swap3A_631, %swap3A_632, %swap3A_633] {strides = array<i32>} : memref<8x20x128xf32, #tpu.memory_space<vmem>>, vector<1x1x16xf32>,
        %swap3A_635 = vector.shape_cast %swap3A_634 : vector<1x1x16xf32> to vector<16xf32>
        %swap3A_636 = vector.shape_cast %sub3A_629 : vector<16xf32> to vector<1x1x16xf32>
        tpu.vector_store %arg13[%swap3A_631, %swap3A_632, %swap3A_633], %swap3A_636 {strides = array<i32>} : memref<8x20x128xf32, #tpu.memory_space<vmem>>, vector<1x1x16xf32>,
        %mul3A_637 = arith.constant 20 : i32
        %mul3A_638 = arith.muli %scan3A_356, %mul3A_637 : i32
        %add3A_639 = arith.constant 12 : i32
        %add3A_640 = arith.addi %mul3A_638, %add3A_639 : i32
        %get3A_641 = arith.index_cast %add3A_640 : i32 to index
        %get3A_642 = arith.constant 0 : index
        %get3A_643 = tpu.vector_load %arg9[%get3A_641, %get3A_642] {strides = array<i32>} : memref<160x128xf32, #tpu.memory_space<vmem>>, vector<1x16xf32>,
        %get3A_644 = vector.shape_cast %get3A_643 : vector<1x16xf32> to vector<16xf32>
        %swap3A_645 = arith.constant 12 : i32
        %swap3A_646 = arith.index_cast %scan3A_356 : i32 to index
        %swap3A_647 = arith.index_cast %swap3A_645 : i32 to index
        %swap3A_648 = arith.constant 0 : index
        %swap3A_649 = tpu.vector_load %arg13[%swap3A_646, %swap3A_647, %swap3A_648] {strides = array<i32>} : memref<8x20x128xf32, #tpu.memory_space<vmem>>, vector<1x1x16xf32>,
        %swap3A_650 = vector.shape_cast %swap3A_649 : vector<1x1x16xf32> to vector<16xf32>
        %swap3A_651 = vector.shape_cast %get3A_360 : vector<16xf32> to vector<1x1x16xf32>
        tpu.vector_store %arg13[%swap3A_646, %swap3A_647, %swap3A_648], %swap3A_651 {strides = array<i32>} : memref<8x20x128xf32, #tpu.memory_space<vmem>>, vector<1x1x16xf32>,
        %sub3A_652 = arith.subf %get3A_644, %get3A_360 : vector<16xf32>
        %swap3A_653 = arith.constant 12 : i32
        %swap3A_654 = arith.index_cast %scan3A_356 : i32 to index
        %swap3A_655 = arith.index_cast %swap3A_653 : i32 to index
        %swap3A_656 = arith.constant 64 : index
        %swap3A_657 = tpu.vector_load %arg13[%swap3A_654, %swap3A_655, %swap3A_656] {strides = array<i32>} : memref<8x20x128xf32, #tpu.memory_space<vmem>>, vector<1x1x16xf32>,
        %swap3A_658 = vector.shape_cast %swap3A_657 : vector<1x1x16xf32> to vector<16xf32>
        %swap3A_659 = vector.shape_cast %sub3A_652 : vector<16xf32> to vector<1x1x16xf32>
        tpu.vector_store %arg13[%swap3A_654, %swap3A_655, %swap3A_656], %swap3A_659 {strides = array<i32>} : memref<8x20x128xf32, #tpu.memory_space<vmem>>, vector<1x1x16xf32>,
        %mul3A_660 = arith.constant 20 : i32
        %mul3A_661 = arith.muli %scan3A_356, %mul3A_660 : i32
        %add3A_662 = arith.constant 13 : i32
        %add3A_663 = arith.addi %mul3A_661, %add3A_662 : i32
        %get3A_664 = arith.index_cast %add3A_663 : i32 to index
        %get3A_665 = arith.constant 0 : index
        %get3A_666 = tpu.vector_load %arg9[%get3A_664, %get3A_665] {strides = array<i32>} : memref<160x128xf32, #tpu.memory_space<vmem>>, vector<1x16xf32>,
        %get3A_667 = vector.shape_cast %get3A_666 : vector<1x16xf32> to vector<16xf32>
        %swap3A_668 = arith.constant 13 : i32
        %swap3A_669 = arith.index_cast %scan3A_356 : i32 to index
        %swap3A_670 = arith.index_cast %swap3A_668 : i32 to index
        %swap3A_671 = arith.constant 0 : index
        %swap3A_672 = tpu.vector_load %arg13[%swap3A_669, %swap3A_670, %swap3A_671] {strides = array<i32>} : memref<8x20x128xf32, #tpu.memory_space<vmem>>, vector<1x1x16xf32>,
        %swap3A_673 = vector.shape_cast %swap3A_672 : vector<1x1x16xf32> to vector<16xf32>
        %swap3A_674 = vector.shape_cast %get3A_360 : vector<16xf32> to vector<1x1x16xf32>
        tpu.vector_store %arg13[%swap3A_669, %swap3A_670, %swap3A_671], %swap3A_674 {strides = array<i32>} : memref<8x20x128xf32, #tpu.memory_space<vmem>>, vector<1x1x16xf32>,
        %sub3A_675 = arith.subf %get3A_667, %get3A_360 : vector<16xf32>
        %swap3A_676 = arith.constant 13 : i32
        %swap3A_677 = arith.index_cast %scan3A_356 : i32 to index
        %swap3A_678 = arith.index_cast %swap3A_676 : i32 to index
        %swap3A_679 = arith.constant 64 : index
        %swap3A_680 = tpu.vector_load %arg13[%swap3A_677, %swap3A_678, %swap3A_679] {strides = array<i32>} : memref<8x20x128xf32, #tpu.memory_space<vmem>>, vector<1x1x16xf32>,
        %swap3A_681 = vector.shape_cast %swap3A_680 : vector<1x1x16xf32> to vector<16xf32>
        %swap3A_682 = vector.shape_cast %sub3A_675 : vector<16xf32> to vector<1x1x16xf32>
        tpu.vector_store %arg13[%swap3A_677, %swap3A_678, %swap3A_679], %swap3A_682 {strides = array<i32>} : memref<8x20x128xf32, #tpu.memory_space<vmem>>, vector<1x1x16xf32>,
        %mul3A_683 = arith.constant 20 : i32
        %mul3A_684 = arith.muli %scan3A_356, %mul3A_683 : i32
        %add3A_685 = arith.constant 14 : i32
        %add3A_686 = arith.addi %mul3A_684, %add3A_685 : i32
        %get3A_687 = arith.index_cast %add3A_686 : i32 to index
        %get3A_688 = arith.constant 0 : index
        %get3A_689 = tpu.vector_load %arg9[%get3A_687, %get3A_688] {strides = array<i32>} : memref<160x128xf32, #tpu.memory_space<vmem>>, vector<1x16xf32>,
        %get3A_690 = vector.shape_cast %get3A_689 : vector<1x16xf32> to vector<16xf32>
        %swap3A_691 = arith.constant 14 : i32
        %swap3A_692 = arith.index_cast %scan3A_356 : i32 to index
        %swap3A_693 = arith.index_cast %swap3A_691 : i32 to index
        %swap3A_694 = arith.constant 0 : index
        %swap3A_695 = tpu.vector_load %arg13[%swap3A_692, %swap3A_693, %swap3A_694] {strides = array<i32>} : memref<8x20x128xf32, #tpu.memory_space<vmem>>, vector<1x1x16xf32>,
        %swap3A_696 = vector.shape_cast %swap3A_695 : vector<1x1x16xf32> to vector<16xf32>
        %swap3A_697 = vector.shape_cast %get3A_360 : vector<16xf32> to vector<1x1x16xf32>
        tpu.vector_store %arg13[%swap3A_692, %swap3A_693, %swap3A_694], %swap3A_697 {strides = array<i32>} : memref<8x20x128xf32, #tpu.memory_space<vmem>>, vector<1x1x16xf32>,
        %sub3A_698 = arith.subf %get3A_690, %get3A_360 : vector<16xf32>
        %swap3A_699 = arith.constant 14 : i32
        %swap3A_700 = arith.index_cast %scan3A_356 : i32 to index
        %swap3A_701 = arith.index_cast %swap3A_699 : i32 to index
        %swap3A_702 = arith.constant 64 : index
        %swap3A_703 = tpu.vector_load %arg13[%swap3A_700, %swap3A_701, %swap3A_702] {strides = array<i32>} : memref<8x20x128xf32, #tpu.memory_space<vmem>>, vector<1x1x16xf32>,
        %swap3A_704 = vector.shape_cast %swap3A_703 : vector<1x1x16xf32> to vector<16xf32>
        %swap3A_705 = vector.shape_cast %sub3A_698 : vector<16xf32> to vector<1x1x16xf32>
        tpu.vector_store %arg13[%swap3A_700, %swap3A_701, %swap3A_702], %swap3A_705 {strides = array<i32>} : memref<8x20x128xf32, #tpu.memory_space<vmem>>, vector<1x1x16xf32>,
        %mul3A_706 = arith.constant 20 : i32
        %mul3A_707 = arith.muli %scan3A_356, %mul3A_706 : i32
        %add3A_708 = arith.constant 15 : i32
        %add3A_709 = arith.addi %mul3A_707, %add3A_708 : i32
        %get3A_710 = arith.index_cast %add3A_709 : i32 to index
        %get3A_711 = arith.constant 0 : index
        %get3A_712 = tpu.vector_load %arg9[%get3A_710, %get3A_711] {strides = array<i32>} : memref<160x128xf32, #tpu.memory_space<vmem>>, vector<1x16xf32>,
        %get3A_713 = vector.shape_cast %get3A_712 : vector<1x16xf32> to vector<16xf32>
        %swap3A_714 = arith.constant 15 : i32
        %swap3A_715 = arith.index_cast %scan3A_356 : i32 to index
        %swap3A_716 = arith.index_cast %swap3A_714 : i32 to index
        %swap3A_717 = arith.constant 0 : index
        %swap3A_718 = tpu.vector_load %arg13[%swap3A_715, %swap3A_716, %swap3A_717] {strides = array<i32>} : memref<8x20x128xf32, #tpu.memory_space<vmem>>, vector<1x1x16xf32>,
        %swap3A_719 = vector.shape_cast %swap3A_718 : vector<1x1x16xf32> to vector<16xf32>
        %swap3A_720 = vector.shape_cast %get3A_360 : vector<16xf32> to vector<1x1x16xf32>
        tpu.vector_store %arg13[%swap3A_715, %swap3A_716, %swap3A_717], %swap3A_720 {strides = array<i32>} : memref<8x20x128xf32, #tpu.memory_space<vmem>>, vector<1x1x16xf32>,
        %sub3A_721 = arith.subf %get3A_713, %get3A_360 : vector<16xf32>
        %swap3A_722 = arith.constant 15 : i32
        %swap3A_723 = arith.index_cast %scan3A_356 : i32 to index
        %swap3A_724 = arith.index_cast %swap3A_722 : i32 to index
        %swap3A_725 = arith.constant 64 : index
        %swap3A_726 = tpu.vector_load %arg13[%swap3A_723, %swap3A_724, %swap3A_725] {strides = array<i32>} : memref<8x20x128xf32, #tpu.memory_space<vmem>>, vector<1x1x16xf32>,
        %swap3A_727 = vector.shape_cast %swap3A_726 : vector<1x1x16xf32> to vector<16xf32>
        %swap3A_728 = vector.shape_cast %sub3A_721 : vector<16xf32> to vector<1x1x16xf32>
        tpu.vector_store %arg13[%swap3A_723, %swap3A_724, %swap3A_725], %swap3A_728 {strides = array<i32>} : memref<8x20x128xf32, #tpu.memory_space<vmem>>, vector<1x1x16xf32>,
        %mul3A_729 = arith.constant 20 : i32
        %mul3A_730 = arith.muli %scan3A_356, %mul3A_729 : i32
        %add3A_731 = arith.constant 16 : i32
        %add3A_732 = arith.addi %mul3A_730, %add3A_731 : i32
        %get3A_733 = arith.index_cast %add3A_732 : i32 to index
        %get3A_734 = arith.constant 0 : index
        %get3A_735 = tpu.vector_load %arg9[%get3A_733, %get3A_734] {strides = array<i32>} : memref<160x128xf32, #tpu.memory_space<vmem>>, vector<1x16xf32>,
        %get3A_736 = vector.shape_cast %get3A_735 : vector<1x16xf32> to vector<16xf32>
        %swap3A_737 = arith.constant 16 : i32
        %swap3A_738 = arith.index_cast %scan3A_356 : i32 to index
        %swap3A_739 = arith.index_cast %swap3A_737 : i32 to index
        %swap3A_740 = arith.constant 0 : index
        %swap3A_741 = tpu.vector_load %arg13[%swap3A_738, %swap3A_739, %swap3A_740] {strides = array<i32>} : memref<8x20x128xf32, #tpu.memory_space<vmem>>, vector<1x1x16xf32>,
        %swap3A_742 = vector.shape_cast %swap3A_741 : vector<1x1x16xf32> to vector<16xf32>
        %swap3A_743 = vector.shape_cast %get3A_360 : vector<16xf32> to vector<1x1x16xf32>
        tpu.vector_store %arg13[%swap3A_738, %swap3A_739, %swap3A_740], %swap3A_743 {strides = array<i32>} : memref<8x20x128xf32, #tpu.memory_space<vmem>>, vector<1x1x16xf32>,
        %sub3A_744 = arith.subf %get3A_736, %get3A_360 : vector<16xf32>
        %swap3A_745 = arith.constant 16 : i32
        %swap3A_746 = arith.index_cast %scan3A_356 : i32 to index
        %swap3A_747 = arith.index_cast %swap3A_745 : i32 to index
        %swap3A_748 = arith.constant 64 : index
        %swap3A_749 = tpu.vector_load %arg13[%swap3A_746, %swap3A_747, %swap3A_748] {strides = array<i32>} : memref<8x20x128xf32, #tpu.memory_space<vmem>>, vector<1x1x16xf32>,
        %swap3A_750 = vector.shape_cast %swap3A_749 : vector<1x1x16xf32> to vector<16xf32>
        %swap3A_751 = vector.shape_cast %sub3A_744 : vector<16xf32> to vector<1x1x16xf32>
        tpu.vector_store %arg13[%swap3A_746, %swap3A_747, %swap3A_748], %swap3A_751 {strides = array<i32>} : memref<8x20x128xf32, #tpu.memory_space<vmem>>, vector<1x1x16xf32>,
        %mul3A_752 = arith.constant 20 : i32
        %mul3A_753 = arith.muli %scan3A_356, %mul3A_752 : i32
        %add3A_754 = arith.constant 17 : i32
        %add3A_755 = arith.addi %mul3A_753, %add3A_754 : i32
        %get3A_756 = arith.index_cast %add3A_755 : i32 to index
        %get3A_757 = arith.constant 0 : index
        %get3A_758 = tpu.vector_load %arg9[%get3A_756, %get3A_757] {strides = array<i32>} : memref<160x128xf32, #tpu.memory_space<vmem>>, vector<1x16xf32>,
        %get3A_759 = vector.shape_cast %get3A_758 : vector<1x16xf32> to vector<16xf32>
        %swap3A_760 = arith.constant 17 : i32
        %swap3A_761 = arith.index_cast %scan3A_356 : i32 to index
        %swap3A_762 = arith.index_cast %swap3A_760 : i32 to index
        %swap3A_763 = arith.constant 0 : index
        %swap3A_764 = tpu.vector_load %arg13[%swap3A_761, %swap3A_762, %swap3A_763] {strides = array<i32>} : memref<8x20x128xf32, #tpu.memory_space<vmem>>, vector<1x1x16xf32>,
        %swap3A_765 = vector.shape_cast %swap3A_764 : vector<1x1x16xf32> to vector<16xf32>
        %swap3A_766 = vector.shape_cast %get3A_360 : vector<16xf32> to vector<1x1x16xf32>
        tpu.vector_store %arg13[%swap3A_761, %swap3A_762, %swap3A_763], %swap3A_766 {strides = array<i32>} : memref<8x20x128xf32, #tpu.memory_space<vmem>>, vector<1x1x16xf32>,
        %sub3A_767 = arith.subf %get3A_759, %get3A_360 : vector<16xf32>
        %swap3A_768 = arith.constant 17 : i32
        %swap3A_769 = arith.index_cast %scan3A_356 : i32 to index
        %swap3A_770 = arith.index_cast %swap3A_768 : i32 to index
        %swap3A_771 = arith.constant 64 : index
        %swap3A_772 = tpu.vector_load %arg13[%swap3A_769, %swap3A_770, %swap3A_771] {strides = array<i32>} : memref<8x20x128xf32, #tpu.memory_space<vmem>>, vector<1x1x16xf32>,
        %swap3A_773 = vector.shape_cast %swap3A_772 : vector<1x1x16xf32> to vector<16xf32>
        %swap3A_774 = vector.shape_cast %sub3A_767 : vector<16xf32> to vector<1x1x16xf32>
        tpu.vector_store %arg13[%swap3A_769, %swap3A_770, %swap3A_771], %swap3A_774 {strides = array<i32>} : memref<8x20x128xf32, #tpu.memory_space<vmem>>, vector<1x1x16xf32>,
        %mul3A_775 = arith.constant 20 : i32
        %mul3A_776 = arith.muli %scan3A_356, %mul3A_775 : i32
        %add3A_777 = arith.constant 18 : i32
        %add3A_778 = arith.addi %mul3A_776, %add3A_777 : i32
        %get3A_779 = arith.index_cast %add3A_778 : i32 to index
        %get3A_780 = arith.constant 0 : index
        %get3A_781 = tpu.vector_load %arg9[%get3A_779, %get3A_780] {strides = array<i32>} : memref<160x128xf32, #tpu.memory_space<vmem>>, vector<1x16xf32>,
        %get3A_782 = vector.shape_cast %get3A_781 : vector<1x16xf32> to vector<16xf32>
        %swap3A_783 = arith.constant 18 : i32
        %swap3A_784 = arith.index_cast %scan3A_356 : i32 to index
        %swap3A_785 = arith.index_cast %swap3A_783 : i32 to index
        %swap3A_786 = arith.constant 0 : index
        %swap3A_787 = tpu.vector_load %arg13[%swap3A_784, %swap3A_785, %swap3A_786] {strides = array<i32>} : memref<8x20x128xf32, #tpu.memory_space<vmem>>, vector<1x1x16xf32>,
        %swap3A_788 = vector.shape_cast %swap3A_787 : vector<1x1x16xf32> to vector<16xf32>
        %swap3A_789 = vector.shape_cast %get3A_360 : vector<16xf32> to vector<1x1x16xf32>
        tpu.vector_store %arg13[%swap3A_784, %swap3A_785, %swap3A_786], %swap3A_789 {strides = array<i32>} : memref<8x20x128xf32, #tpu.memory_space<vmem>>, vector<1x1x16xf32>,
        %sub3A_790 = arith.subf %get3A_782, %get3A_360 : vector<16xf32>
        %swap3A_791 = arith.constant 18 : i32
        %swap3A_792 = arith.index_cast %scan3A_356 : i32 to index
        %swap3A_793 = arith.index_cast %swap3A_791 : i32 to index
        %swap3A_794 = arith.constant 64 : index
        %swap3A_795 = tpu.vector_load %arg13[%swap3A_792, %swap3A_793, %swap3A_794] {strides = array<i32>} : memref<8x20x128xf32, #tpu.memory_space<vmem>>, vector<1x1x16xf32>,
        %swap3A_796 = vector.shape_cast %swap3A_795 : vector<1x1x16xf32> to vector<16xf32>
        %swap3A_797 = vector.shape_cast %sub3A_790 : vector<16xf32> to vector<1x1x16xf32>
        tpu.vector_store %arg13[%swap3A_792, %swap3A_793, %swap3A_794], %swap3A_797 {strides = array<i32>} : memref<8x20x128xf32, #tpu.memory_space<vmem>>, vector<1x1x16xf32>,
        %mul3A_798 = arith.constant 20 : i32
        %mul3A_799 = arith.muli %scan3A_356, %mul3A_798 : i32
        %add3A_800 = arith.constant 19 : i32
        %add3A_801 = arith.addi %mul3A_799, %add3A_800 : i32
        %get3A_802 = arith.index_cast %add3A_801 : i32 to index
        %get3A_803 = arith.constant 0 : index
        %get3A_804 = tpu.vector_load %arg9[%get3A_802, %get3A_803] {strides = array<i32>} : memref<160x128xf32, #tpu.memory_space<vmem>>, vector<1x16xf32>,
        %get3A_805 = vector.shape_cast %get3A_804 : vector<1x16xf32> to vector<16xf32>
        %swap3A_806 = arith.constant 19 : i32
        %swap3A_807 = arith.index_cast %scan3A_356 : i32 to index
        %swap3A_808 = arith.index_cast %swap3A_806 : i32 to index
        %swap3A_809 = arith.constant 0 : index
        %swap3A_810 = tpu.vector_load %arg13[%swap3A_807, %swap3A_808, %swap3A_809] {strides = array<i32>} : memref<8x20x128xf32, #tpu.memory_space<vmem>>, vector<1x1x16xf32>,
        %swap3A_811 = vector.shape_cast %swap3A_810 : vector<1x1x16xf32> to vector<16xf32>
        %swap3A_812 = vector.shape_cast %get3A_360 : vector<16xf32> to vector<1x1x16xf32>
        tpu.vector_store %arg13[%swap3A_807, %swap3A_808, %swap3A_809], %swap3A_812 {strides = array<i32>} : memref<8x20x128xf32, #tpu.memory_space<vmem>>, vector<1x1x16xf32>,
        %sub3A_813 = arith.subf %get3A_805, %get3A_360 : vector<16xf32>
        %swap3A_814 = arith.constant 19 : i32
        %swap3A_815 = arith.index_cast %scan3A_356 : i32 to index
        %swap3A_816 = arith.index_cast %swap3A_814 : i32 to index
        %swap3A_817 = arith.constant 64 : index
        %swap3A_818 = tpu.vector_load %arg13[%swap3A_815, %swap3A_816, %swap3A_817] {strides = array<i32>} : memref<8x20x128xf32, #tpu.memory_space<vmem>>, vector<1x1x16xf32>,
        %swap3A_819 = vector.shape_cast %swap3A_818 : vector<1x1x16xf32> to vector<16xf32>
        %swap3A_820 = vector.shape_cast %sub3A_813 : vector<16xf32> to vector<1x1x16xf32>
        tpu.vector_store %arg13[%swap3A_815, %swap3A_816, %swap3A_817], %swap3A_820 {strides = array<i32>} : memref<8x20x128xf32, #tpu.memory_space<vmem>>, vector<1x1x16xf32>,
        %get3A_821 = arith.index_cast %scan3A_356 : i32 to index
        %get3A_822 = arith.constant 16 : index
        %get3A_823 = tpu.vector_load %arg11[%get3A_821, %get3A_822] {strides = array<i32>} : memref<8x128xf32, #tpu.memory_space<vmem>>, vector<1x16xf32>,
        %get3A_824 = vector.shape_cast %get3A_823 : vector<1x16xf32> to vector<16xf32>
        %mul3A_825 = arith.constant 20 : i32
        %mul3A_826 = arith.muli %scan3A_356, %mul3A_825 : i32
        %add3A_827 = arith.constant 0 : i32
        %add3A_828 = arith.addi %mul3A_826, %add3A_827 : i32
        %get3A_829 = arith.index_cast %add3A_828 : i32 to index
        %get3A_830 = arith.constant 16 : index
        %get3A_831 = tpu.vector_load %arg9[%get3A_829, %get3A_830] {strides = array<i32>} : memref<160x128xf32, #tpu.memory_space<vmem>>, vector<1x16xf32>,
        %get3A_832 = vector.shape_cast %get3A_831 : vector<1x16xf32> to vector<16xf32>
        %swap3A_833 = arith.constant 0 : i32
        %swap3A_834 = arith.index_cast %scan3A_356 : i32 to index
        %swap3A_835 = arith.index_cast %swap3A_833 : i32 to index
        %swap3A_836 = arith.constant 16 : index
        %swap3A_837 = tpu.vector_load %arg13[%swap3A_834, %swap3A_835, %swap3A_836] {strides = array<i32>} : memref<8x20x128xf32, #tpu.memory_space<vmem>>, vector<1x1x16xf32>,
        %swap3A_838 = vector.shape_cast %swap3A_837 : vector<1x1x16xf32> to vector<16xf32>
        %swap3A_839 = vector.shape_cast %get3A_824 : vector<16xf32> to vector<1x1x16xf32>
        tpu.vector_store %arg13[%swap3A_834, %swap3A_835, %swap3A_836], %swap3A_839 {strides = array<i32>} : memref<8x20x128xf32, #tpu.memory_space<vmem>>, vector<1x1x16xf32>,
        %sub3A_840 = arith.subf %get3A_832, %get3A_824 : vector<16xf32>
        %swap3A_841 = arith.constant 0 : i32
        %swap3A_842 = arith.index_cast %scan3A_356 : i32 to index
        %swap3A_843 = arith.index_cast %swap3A_841 : i32 to index
        %swap3A_844 = arith.constant 80 : index
        %swap3A_845 = tpu.vector_load %arg13[%swap3A_842, %swap3A_843, %swap3A_844] {strides = array<i32>} : memref<8x20x128xf32, #tpu.memory_space<vmem>>, vector<1x1x16xf32>,
        %swap3A_846 = vector.shape_cast %swap3A_845 : vector<1x1x16xf32> to vector<16xf32>
        %swap3A_847 = vector.shape_cast %sub3A_840 : vector<16xf32> to vector<1x1x16xf32>
        tpu.vector_store %arg13[%swap3A_842, %swap3A_843, %swap3A_844], %swap3A_847 {strides = array<i32>} : memref<8x20x128xf32, #tpu.memory_space<vmem>>, vector<1x1x16xf32>,
        %mul3A_848 = arith.constant 20 : i32
        %mul3A_849 = arith.muli %scan3A_356, %mul3A_848 : i32
        %add3A_850 = arith.constant 1 : i32
        %add3A_851 = arith.addi %mul3A_849, %add3A_850 : i32
        %get3A_852 = arith.index_cast %add3A_851 : i32 to index
        %get3A_853 = arith.constant 16 : index
        %get3A_854 = tpu.vector_load %arg9[%get3A_852, %get3A_853] {strides = array<i32>} : memref<160x128xf32, #tpu.memory_space<vmem>>, vector<1x16xf32>,
        %get3A_855 = vector.shape_cast %get3A_854 : vector<1x16xf32> to vector<16xf32>
        %swap3A_856 = arith.constant 1 : i32
        %swap3A_857 = arith.index_cast %scan3A_356 : i32 to index
        %swap3A_858 = arith.index_cast %swap3A_856 : i32 to index
        %swap3A_859 = arith.constant 16 : index
        %swap3A_860 = tpu.vector_load %arg13[%swap3A_857, %swap3A_858, %swap3A_859] {strides = array<i32>} : memref<8x20x128xf32, #tpu.memory_space<vmem>>, vector<1x1x16xf32>,
        %swap3A_861 = vector.shape_cast %swap3A_860 : vector<1x1x16xf32> to vector<16xf32>
        %swap3A_862 = vector.shape_cast %get3A_824 : vector<16xf32> to vector<1x1x16xf32>
        tpu.vector_store %arg13[%swap3A_857, %swap3A_858, %swap3A_859], %swap3A_862 {strides = array<i32>} : memref<8x20x128xf32, #tpu.memory_space<vmem>>, vector<1x1x16xf32>,
        %sub3A_863 = arith.subf %get3A_855, %get3A_824 : vector<16xf32>
        %swap3A_864 = arith.constant 1 : i32
        %swap3A_865 = arith.index_cast %scan3A_356 : i32 to index
        %swap3A_866 = arith.index_cast %swap3A_864 : i32 to index
        %swap3A_867 = arith.constant 80 : index
        %swap3A_868 = tpu.vector_load %arg13[%swap3A_865, %swap3A_866, %swap3A_867] {strides = array<i32>} : memref<8x20x128xf32, #tpu.memory_space<vmem>>, vector<1x1x16xf32>,
        %swap3A_869 = vector.shape_cast %swap3A_868 : vector<1x1x16xf32> to vector<16xf32>
        %swap3A_870 = vector.shape_cast %sub3A_863 : vector<16xf32> to vector<1x1x16xf32>
        tpu.vector_store %arg13[%swap3A_865, %swap3A_866, %swap3A_867], %swap3A_870 {strides = array<i32>} : memref<8x20x128xf32, #tpu.memory_space<vmem>>, vector<1x1x16xf32>,
        %mul3A_871 = arith.constant 20 : i32
        %mul3A_872 = arith.muli %scan3A_356, %mul3A_871 : i32
        %add3A_873 = arith.constant 2 : i32
        %add3A_874 = arith.addi %mul3A_872, %add3A_873 : i32
        %get3A_875 = arith.index_cast %add3A_874 : i32 to index
        %get3A_876 = arith.constant 16 : index
        %get3A_877 = tpu.vector_load %arg9[%get3A_875, %get3A_876] {strides = array<i32>} : memref<160x128xf32, #tpu.memory_space<vmem>>, vector<1x16xf32>,
        %get3A_878 = vector.shape_cast %get3A_877 : vector<1x16xf32> to vector<16xf32>
        %swap3A_879 = arith.constant 2 : i32
        %swap3A_880 = arith.index_cast %scan3A_356 : i32 to index
        %swap3A_881 = arith.index_cast %swap3A_879 : i32 to index
        %swap3A_882 = arith.constant 16 : index
        %swap3A_883 = tpu.vector_load %arg13[%swap3A_880, %swap3A_881, %swap3A_882] {strides = array<i32>} : memref<8x20x128xf32, #tpu.memory_space<vmem>>, vector<1x1x16xf32>,
        %swap3A_884 = vector.shape_cast %swap3A_883 : vector<1x1x16xf32> to vector<16xf32>
        %swap3A_885 = vector.shape_cast %get3A_824 : vector<16xf32> to vector<1x1x16xf32>
        tpu.vector_store %arg13[%swap3A_880, %swap3A_881, %swap3A_882], %swap3A_885 {strides = array<i32>} : memref<8x20x128xf32, #tpu.memory_space<vmem>>, vector<1x1x16xf32>,
        %sub3A_886 = arith.subf %get3A_878, %get3A_824 : vector<16xf32>
        %swap3A_887 = arith.constant 2 : i32
        %swap3A_888 = arith.index_cast %scan3A_356 : i32 to index
        %swap3A_889 = arith.index_cast %swap3A_887 : i32 to index
        %swap3A_890 = arith.constant 80 : index
        %swap3A_891 = tpu.vector_load %arg13[%swap3A_888, %swap3A_889, %swap3A_890] {strides = array<i32>} : memref<8x20x128xf32, #tpu.memory_space<vmem>>, vector<1x1x16xf32>,
        %swap3A_892 = vector.shape_cast %swap3A_891 : vector<1x1x16xf32> to vector<16xf32>
        %swap3A_893 = vector.shape_cast %sub3A_886 : vector<16xf32> to vector<1x1x16xf32>
        tpu.vector_store %arg13[%swap3A_888, %swap3A_889, %swap3A_890], %swap3A_893 {strides = array<i32>} : memref<8x20x128xf32, #tpu.memory_space<vmem>>, vector<1x1x16xf32>,
        %mul3A_894 = arith.constant 20 : i32
        %mul3A_895 = arith.muli %scan3A_356, %mul3A_894 : i32
        %add3A_896 = arith.constant 3 : i32
        %add3A_897 = arith.addi %mul3A_895, %add3A_896 : i32
        %get3A_898 = arith.index_cast %add3A_897 : i32 to index
        %get3A_899 = arith.constant 16 : index
        %get3A_900 = tpu.vector_load %arg9[%get3A_898, %get3A_899] {strides = array<i32>} : memref<160x128xf32, #tpu.memory_space<vmem>>, vector<1x16xf32>,
        %get3A_901 = vector.shape_cast %get3A_900 : vector<1x16xf32> to vector<16xf32>
        %swap3A_902 = arith.constant 3 : i32
        %swap3A_903 = arith.index_cast %scan3A_356 : i32 to index
        %swap3A_904 = arith.index_cast %swap3A_902 : i32 to index
        %swap3A_905 = arith.constant 16 : index
        %swap3A_906 = tpu.vector_load %arg13[%swap3A_903, %swap3A_904, %swap3A_905] {strides = array<i32>} : memref<8x20x128xf32, #tpu.memory_space<vmem>>, vector<1x1x16xf32>,
        %swap3A_907 = vector.shape_cast %swap3A_906 : vector<1x1x16xf32> to vector<16xf32>
        %swap3A_908 = vector.shape_cast %get3A_824 : vector<16xf32> to vector<1x1x16xf32>
        tpu.vector_store %arg13[%swap3A_903, %swap3A_904, %swap3A_905], %swap3A_908 {strides = array<i32>} : memref<8x20x128xf32, #tpu.memory_space<vmem>>, vector<1x1x16xf32>,
        %sub3A_909 = arith.subf %get3A_901, %get3A_824 : vector<16xf32>
        %swap3A_910 = arith.constant 3 : i32
        %swap3A_911 = arith.index_cast %scan3A_356 : i32 to index
        %swap3A_912 = arith.index_cast %swap3A_910 : i32 to index
        %swap3A_913 = arith.constant 80 : index
        %swap3A_914 = tpu.vector_load %arg13[%swap3A_911, %swap3A_912, %swap3A_913] {strides = array<i32>} : memref<8x20x128xf32, #tpu.memory_space<vmem>>, vector<1x1x16xf32>,
        %swap3A_915 = vector.shape_cast %swap3A_914 : vector<1x1x16xf32> to vector<16xf32>
        %swap3A_916 = vector.shape_cast %sub3A_909 : vector<16xf32> to vector<1x1x16xf32>
        tpu.vector_store %arg13[%swap3A_911, %swap3A_912, %swap3A_913], %swap3A_916 {strides = array<i32>} : memref<8x20x128xf32, #tpu.memory_space<vmem>>, vector<1x1x16xf32>,
        %mul3A_917 = arith.constant 20 : i32
        %mul3A_918 = arith.muli %scan3A_356, %mul3A_917 : i32
        %add3A_919 = arith.constant 4 : i32
        %add3A_920 = arith.addi %mul3A_918, %add3A_919 : i32
        %get3A_921 = arith.index_cast %add3A_920 : i32 to index
        %get3A_922 = arith.constant 16 : index
        %get3A_923 = tpu.vector_load %arg9[%get3A_921, %get3A_922] {strides = array<i32>} : memref<160x128xf32, #tpu.memory_space<vmem>>, vector<1x16xf32>,
        %get3A_924 = vector.shape_cast %get3A_923 : vector<1x16xf32> to vector<16xf32>
        %swap3A_925 = arith.constant 4 : i32
        %swap3A_926 = arith.index_cast %scan3A_356 : i32 to index
        %swap3A_927 = arith.index_cast %swap3A_925 : i32 to index
        %swap3A_928 = arith.constant 16 : index
        %swap3A_929 = tpu.vector_load %arg13[%swap3A_926, %swap3A_927, %swap3A_928] {strides = array<i32>} : memref<8x20x128xf32, #tpu.memory_space<vmem>>, vector<1x1x16xf32>,
        %swap3A_930 = vector.shape_cast %swap3A_929 : vector<1x1x16xf32> to vector<16xf32>
        %swap3A_931 = vector.shape_cast %get3A_824 : vector<16xf32> to vector<1x1x16xf32>
        tpu.vector_store %arg13[%swap3A_926, %swap3A_927, %swap3A_928], %swap3A_931 {strides = array<i32>} : memref<8x20x128xf32, #tpu.memory_space<vmem>>, vector<1x1x16xf32>,
        %sub3A_932 = arith.subf %get3A_924, %get3A_824 : vector<16xf32>
        %swap3A_933 = arith.constant 4 : i32
        %swap3A_934 = arith.index_cast %scan3A_356 : i32 to index
        %swap3A_935 = arith.index_cast %swap3A_933 : i32 to index
        %swap3A_936 = arith.constant 80 : index
        %swap3A_937 = tpu.vector_load %arg13[%swap3A_934, %swap3A_935, %swap3A_936] {strides = array<i32>} : memref<8x20x128xf32, #tpu.memory_space<vmem>>, vector<1x1x16xf32>,
        %swap3A_938 = vector.shape_cast %swap3A_937 : vector<1x1x16xf32> to vector<16xf32>
        %swap3A_939 = vector.shape_cast %sub3A_932 : vector<16xf32> to vector<1x1x16xf32>
        tpu.vector_store %arg13[%swap3A_934, %swap3A_935, %swap3A_936], %swap3A_939 {strides = array<i32>} : memref<8x20x128xf32, #tpu.memory_space<vmem>>, vector<1x1x16xf32>,
        %mul3A_940 = arith.constant 20 : i32
        %mul3A_941 = arith.muli %scan3A_356, %mul3A_940 : i32
        %add3A_942 = arith.constant 5 : i32
        %add3A_943 = arith.addi %mul3A_941, %add3A_942 : i32
        %get3A_944 = arith.index_cast %add3A_943 : i32 to index
        %get3A_945 = arith.constant 16 : index
        %get3A_946 = tpu.vector_load %arg9[%get3A_944, %get3A_945] {strides = array<i32>} : memref<160x128xf32, #tpu.memory_space<vmem>>, vector<1x16xf32>,
        %get3A_947 = vector.shape_cast %get3A_946 : vector<1x16xf32> to vector<16xf32>
        %swap3A_948 = arith.constant 5 : i32
        %swap3A_949 = arith.index_cast %scan3A_356 : i32 to index
        %swap3A_950 = arith.index_cast %swap3A_948 : i32 to index
        %swap3A_951 = arith.constant 16 : index
        %swap3A_952 = tpu.vector_load %arg13[%swap3A_949, %swap3A_950, %swap3A_951] {strides = array<i32>} : memref<8x20x128xf32, #tpu.memory_space<vmem>>, vector<1x1x16xf32>,
        %swap3A_953 = vector.shape_cast %swap3A_952 : vector<1x1x16xf32> to vector<16xf32>
        %swap3A_954 = vector.shape_cast %get3A_824 : vector<16xf32> to vector<1x1x16xf32>
        tpu.vector_store %arg13[%swap3A_949, %swap3A_950, %swap3A_951], %swap3A_954 {strides = array<i32>} : memref<8x20x128xf32, #tpu.memory_space<vmem>>, vector<1x1x16xf32>,
        %sub3A_955 = arith.subf %get3A_947, %get3A_824 : vector<16xf32>
        %swap3A_956 = arith.constant 5 : i32
        %swap3A_957 = arith.index_cast %scan3A_356 : i32 to index
        %swap3A_958 = arith.index_cast %swap3A_956 : i32 to index
        %swap3A_959 = arith.constant 80 : index
        %swap3A_960 = tpu.vector_load %arg13[%swap3A_957, %swap3A_958, %swap3A_959] {strides = array<i32>} : memref<8x20x128xf32, #tpu.memory_space<vmem>>, vector<1x1x16xf32>,
        %swap3A_961 = vector.shape_cast %swap3A_960 : vector<1x1x16xf32> to vector<16xf32>
        %swap3A_962 = vector.shape_cast %sub3A_955 : vector<16xf32> to vector<1x1x16xf32>
        tpu.vector_store %arg13[%swap3A_957, %swap3A_958, %swap3A_959], %swap3A_962 {strides = array<i32>} : memref<8x20x128xf32, #tpu.memory_space<vmem>>, vector<1x1x16xf32>,
        %mul3A_963 = arith.constant 20 : i32
        %mul3A_964 = arith.muli %scan3A_356, %mul3A_963 : i32
        %add3A_965 = arith.constant 6 : i32
        %add3A_966 = arith.addi %mul3A_964, %add3A_965 : i32
        %get3A_967 = arith.index_cast %add3A_966 : i32 to index
        %get3A_968 = arith.constant 16 : index
        %get3A_969 = tpu.vector_load %arg9[%get3A_967, %get3A_968] {strides = array<i32>} : memref<160x128xf32, #tpu.memory_space<vmem>>, vector<1x16xf32>,
        %get3A_970 = vector.shape_cast %get3A_969 : vector<1x16xf32> to vector<16xf32>
        %swap3A_971 = arith.constant 6 : i32
        %swap3A_972 = arith.index_cast %scan3A_356 : i32 to index
        %swap3A_973 = arith.index_cast %swap3A_971 : i32 to index
        %swap3A_974 = arith.constant 16 : index
        %swap3A_975 = tpu.vector_load %arg13[%swap3A_972, %swap3A_973, %swap3A_974] {strides = array<i32>} : memref<8x20x128xf32, #tpu.memory_space<vmem>>, vector<1x1x16xf32>,
        %swap3A_976 = vector.shape_cast %swap3A_975 : vector<1x1x16xf32> to vector<16xf32>
        %swap3A_977 = vector.shape_cast %get3A_824 : vector<16xf32> to vector<1x1x16xf32>
        tpu.vector_store %arg13[%swap3A_972, %swap3A_973, %swap3A_974], %swap3A_977 {strides = array<i32>} : memref<8x20x128xf32, #tpu.memory_space<vmem>>, vector<1x1x16xf32>,
        %sub3A_978 = arith.subf %get3A_970, %get3A_824 : vector<16xf32>
        %swap3A_979 = arith.constant 6 : i32
        %swap3A_980 = arith.index_cast %scan3A_356 : i32 to index
        %swap3A_981 = arith.index_cast %swap3A_979 : i32 to index
        %swap3A_982 = arith.constant 80 : index
        %swap3A_983 = tpu.vector_load %arg13[%swap3A_980, %swap3A_981, %swap3A_982] {strides = array<i32>} : memref<8x20x128xf32, #tpu.memory_space<vmem>>, vector<1x1x16xf32>,
        %swap3A_984 = vector.shape_cast %swap3A_983 : vector<1x1x16xf32> to vector<16xf32>
        %swap3A_985 = vector.shape_cast %sub3A_978 : vector<16xf32> to vector<1x1x16xf32>
        tpu.vector_store %arg13[%swap3A_980, %swap3A_981, %swap3A_982], %swap3A_985 {strides = array<i32>} : memref<8x20x128xf32, #tpu.memory_space<vmem>>, vector<1x1x16xf32>,
        %mul3A_986 = arith.constant 20 : i32
        %mul3A_987 = arith.muli %scan3A_356, %mul3A_986 : i32
        %add3A_988 = arith.constant 7 : i32
        %add3A_989 = arith.addi %mul3A_987, %add3A_988 : i32
        %get3A_990 = arith.index_cast %add3A_989 : i32 to index
        %get3A_991 = arith.constant 16 : index
        %get3A_992 = tpu.vector_load %arg9[%get3A_990, %get3A_991] {strides = array<i32>} : memref<160x128xf32, #tpu.memory_space<vmem>>, vector<1x16xf32>,
        %get3A_993 = vector.shape_cast %get3A_992 : vector<1x16xf32> to vector<16xf32>
        %swap3A_994 = arith.constant 7 : i32
        %swap3A_995 = arith.index_cast %scan3A_356 : i32 to index
        %swap3A_996 = arith.index_cast %swap3A_994 : i32 to index
        %swap3A_997 = arith.constant 16 : index
        %swap3A_998 = tpu.vector_load %arg13[%swap3A_995, %swap3A_996, %swap3A_997] {strides = array<i32>} : memref<8x20x128xf32, #tpu.memory_space<vmem>>, vector<1x1x16xf32>,
        %swap3A_999 = vector.shape_cast %swap3A_998 : vector<1x1x16xf32> to vector<16xf32>
        %swap3A_1000 = vector.shape_cast %get3A_824 : vector<16xf32> to vector<1x1x16xf32>
        tpu.vector_store %arg13[%swap3A_995, %swap3A_996, %swap3A_997], %swap3A_1000 {strides = array<i32>} : memref<8x20x128xf32, #tpu.memory_space<vmem>>, vector<1x1x16xf32>,
        %sub3A_1001 = arith.subf %get3A_993, %get3A_824 : vector<16xf32>
        %swap3A_1002 = arith.constant 7 : i32
        %swap3A_1003 = arith.index_cast %scan3A_356 : i32 to index
        %swap3A_1004 = arith.index_cast %swap3A_1002 : i32 to index
        %swap3A_1005 = arith.constant 80 : index
        %swap3A_1006 = tpu.vector_load %arg13[%swap3A_1003, %swap3A_1004, %swap3A_1005] {strides = array<i32>} : memref<8x20x128xf32, #tpu.memory_space<vmem>>, vector<1x1x16xf32>,
        %swap3A_1007 = vector.shape_cast %swap3A_1006 : vector<1x1x16xf32> to vector<16xf32>
        %swap3A_1008 = vector.shape_cast %sub3A_1001 : vector<16xf32> to vector<1x1x16xf32>
        tpu.vector_store %arg13[%swap3A_1003, %swap3A_1004, %swap3A_1005], %swap3A_1008 {strides = array<i32>} : memref<8x20x128xf32, #tpu.memory_space<vmem>>, vector<1x1x16xf32>,
        %mul3A_1009 = arith.constant 20 : i32
        %mul3A_1010 = arith.muli %scan3A_356, %mul3A_1009 : i32
        %add3A_1011 = arith.constant 8 : i32
        %add3A_1012 = arith.addi %mul3A_1010, %add3A_1011 : i32
        %get3A_1013 = arith.index_cast %add3A_1012 : i32 to index
        %get3A_1014 = arith.constant 16 : index
        %get3A_1015 = tpu.vector_load %arg9[%get3A_1013, %get3A_1014] {strides = array<i32>} : memref<160x128xf32, #tpu.memory_space<vmem>>, vector<1x16xf32>,
        %get3A_1016 = vector.shape_cast %get3A_1015 : vector<1x16xf32> to vector<16xf32>
        %swap3A_1017 = arith.constant 8 : i32
        %swap3A_1018 = arith.index_cast %scan3A_356 : i32 to index
        %swap3A_1019 = arith.index_cast %swap3A_1017 : i32 to index
        %swap3A_1020 = arith.constant 16 : index
        %swap3A_1021 = tpu.vector_load %arg13[%swap3A_1018, %swap3A_1019, %swap3A_1020] {strides = array<i32>} : memref<8x20x128xf32, #tpu.memory_space<vmem>>, vector<1x1x16xf32>,
        %swap3A_1022 = vector.shape_cast %swap3A_1021 : vector<1x1x16xf32> to vector<16xf32>
        %swap3A_1023 = vector.shape_cast %get3A_824 : vector<16xf32> to vector<1x1x16xf32>
        tpu.vector_store %arg13[%swap3A_1018, %swap3A_1019, %swap3A_1020], %swap3A_1023 {strides = array<i32>} : memref<8x20x128xf32, #tpu.memory_space<vmem>>, vector<1x1x16xf32>,
        %sub3A_1024 = arith.subf %get3A_1016, %get3A_824 : vector<16xf32>
        %swap3A_1025 = arith.constant 8 : i32
        %swap3A_1026 = arith.index_cast %scan3A_356 : i32 to index
        %swap3A_1027 = arith.index_cast %swap3A_1025 : i32 to index
        %swap3A_1028 = arith.constant 80 : index
        %swap3A_1029 = tpu.vector_load %arg13[%swap3A_1026, %swap3A_1027, %swap3A_1028] {strides = array<i32>} : memref<8x20x128xf32, #tpu.memory_space<vmem>>, vector<1x1x16xf32>,
        %swap3A_1030 = vector.shape_cast %swap3A_1029 : vector<1x1x16xf32> to vector<16xf32>
        %swap3A_1031 = vector.shape_cast %sub3A_1024 : vector<16xf32> to vector<1x1x16xf32>
        tpu.vector_store %arg13[%swap3A_1026, %swap3A_1027, %swap3A_1028], %swap3A_1031 {strides = array<i32>} : memref<8x20x128xf32, #tpu.memory_space<vmem>>, vector<1x1x16xf32>,
        %mul3A_1032 = arith.constant 20 : i32
        %mul3A_1033 = arith.muli %scan3A_356, %mul3A_1032 : i32
        %add3A_1034 = arith.constant 9 : i32
        %add3A_1035 = arith.addi %mul3A_1033, %add3A_1034 : i32
        %get3A_1036 = arith.index_cast %add3A_1035 : i32 to index
        %get3A_1037 = arith.constant 16 : index
        %get3A_1038 = tpu.vector_load %arg9[%get3A_1036, %get3A_1037] {strides = array<i32>} : memref<160x128xf32, #tpu.memory_space<vmem>>, vector<1x16xf32>,
        %get3A_1039 = vector.shape_cast %get3A_1038 : vector<1x16xf32> to vector<16xf32>
        %swap3A_1040 = arith.constant 9 : i32
        %swap3A_1041 = arith.index_cast %scan3A_356 : i32 to index
        %swap3A_1042 = arith.index_cast %swap3A_1040 : i32 to index
        %swap3A_1043 = arith.constant 16 : index
        %swap3A_1044 = tpu.vector_load %arg13[%swap3A_1041, %swap3A_1042, %swap3A_1043] {strides = array<i32>} : memref<8x20x128xf32, #tpu.memory_space<vmem>>, vector<1x1x16xf32>,
        %swap3A_1045 = vector.shape_cast %swap3A_1044 : vector<1x1x16xf32> to vector<16xf32>
        %swap3A_1046 = vector.shape_cast %get3A_824 : vector<16xf32> to vector<1x1x16xf32>
        tpu.vector_store %arg13[%swap3A_1041, %swap3A_1042, %swap3A_1043], %swap3A_1046 {strides = array<i32>} : memref<8x20x128xf32, #tpu.memory_space<vmem>>, vector<1x1x16xf32>,
        %sub3A_1047 = arith.subf %get3A_1039, %get3A_824 : vector<16xf32>
        %swap3A_1048 = arith.constant 9 : i32
        %swap3A_1049 = arith.index_cast %scan3A_356 : i32 to index
        %swap3A_1050 = arith.index_cast %swap3A_1048 : i32 to index
        %swap3A_1051 = arith.constant 80 : index
        %swap3A_1052 = tpu.vector_load %arg13[%swap3A_1049, %swap3A_1050, %swap3A_1051] {strides = array<i32>} : memref<8x20x128xf32, #tpu.memory_space<vmem>>, vector<1x1x16xf32>,
        %swap3A_1053 = vector.shape_cast %swap3A_1052 : vector<1x1x16xf32> to vector<16xf32>
        %swap3A_1054 = vector.shape_cast %sub3A_1047 : vector<16xf32> to vector<1x1x16xf32>
        tpu.vector_store %arg13[%swap3A_1049, %swap3A_1050, %swap3A_1051], %swap3A_1054 {strides = array<i32>} : memref<8x20x128xf32, #tpu.memory_space<vmem>>, vector<1x1x16xf32>,
        %mul3A_1055 = arith.constant 20 : i32
        %mul3A_1056 = arith.muli %scan3A_356, %mul3A_1055 : i32
        %add3A_1057 = arith.constant 10 : i32
        %add3A_1058 = arith.addi %mul3A_1056, %add3A_1057 : i32
        %get3A_1059 = arith.index_cast %add3A_1058 : i32 to index
        %get3A_1060 = arith.constant 16 : index
        %get3A_1061 = tpu.vector_load %arg9[%get3A_1059, %get3A_1060] {strides = array<i32>} : memref<160x128xf32, #tpu.memory_space<vmem>>, vector<1x16xf32>,
        %get3A_1062 = vector.shape_cast %get3A_1061 : vector<1x16xf32> to vector<16xf32>
        %swap3A_1063 = arith.constant 10 : i32
        %swap3A_1064 = arith.index_cast %scan3A_356 : i32 to index
        %swap3A_1065 = arith.index_cast %swap3A_1063 : i32 to index
        %swap3A_1066 = arith.constant 16 : index
        %swap3A_1067 = tpu.vector_load %arg13[%swap3A_1064, %swap3A_1065, %swap3A_1066] {strides = array<i32>} : memref<8x20x128xf32, #tpu.memory_space<vmem>>, vector<1x1x16xf32>,
        %swap3A_1068 = vector.shape_cast %swap3A_1067 : vector<1x1x16xf32> to vector<16xf32>
        %swap3A_1069 = vector.shape_cast %get3A_824 : vector<16xf32> to vector<1x1x16xf32>
        tpu.vector_store %arg13[%swap3A_1064, %swap3A_1065, %swap3A_1066], %swap3A_1069 {strides = array<i32>} : memref<8x20x128xf32, #tpu.memory_space<vmem>>, vector<1x1x16xf32>,
        %sub3A_1070 = arith.subf %get3A_1062, %get3A_824 : vector<16xf32>
        %swap3A_1071 = arith.constant 10 : i32
        %swap3A_1072 = arith.index_cast %scan3A_356 : i32 to index
        %swap3A_1073 = arith.index_cast %swap3A_1071 : i32 to index
        %swap3A_1074 = arith.constant 80 : index
        %swap3A_1075 = tpu.vector_load %arg13[%swap3A_1072, %swap3A_1073, %swap3A_1074] {strides = array<i32>} : memref<8x20x128xf32, #tpu.memory_space<vmem>>, vector<1x1x16xf32>,
        %swap3A_1076 = vector.shape_cast %swap3A_1075 : vector<1x1x16xf32> to vector<16xf32>
        %swap3A_1077 = vector.shape_cast %sub3A_1070 : vector<16xf32> to vector<1x1x16xf32>
        tpu.vector_store %arg13[%swap3A_1072, %swap3A_1073, %swap3A_1074], %swap3A_1077 {strides = array<i32>} : memref<8x20x128xf32, #tpu.memory_space<vmem>>, vector<1x1x16xf32>,
        %mul3A_1078 = arith.constant 20 : i32
        %mul3A_1079 = arith.muli %scan3A_356, %mul3A_1078 : i32
        %add3A_1080 = arith.constant 11 : i32
        %add3A_1081 = arith.addi %mul3A_1079, %add3A_1080 : i32
        %get3A_1082 = arith.index_cast %add3A_1081 : i32 to index
        %get3A_1083 = arith.constant 16 : index
        %get3A_1084 = tpu.vector_load %arg9[%get3A_1082, %get3A_1083] {strides = array<i32>} : memref<160x128xf32, #tpu.memory_space<vmem>>, vector<1x16xf32>,
        %get3A_1085 = vector.shape_cast %get3A_1084 : vector<1x16xf32> to vector<16xf32>
        %swap3A_1086 = arith.constant 11 : i32
        %swap3A_1087 = arith.index_cast %scan3A_356 : i32 to index
        %swap3A_1088 = arith.index_cast %swap3A_1086 : i32 to index
        %swap3A_1089 = arith.constant 16 : index
        %swap3A_1090 = tpu.vector_load %arg13[%swap3A_1087, %swap3A_1088, %swap3A_1089] {strides = array<i32>} : memref<8x20x128xf32, #tpu.memory_space<vmem>>, vector<1x1x16xf32>,
        %swap3A_1091 = vector.shape_cast %swap3A_1090 : vector<1x1x16xf32> to vector<16xf32>
        %swap3A_1092 = vector.shape_cast %get3A_824 : vector<16xf32> to vector<1x1x16xf32>
        tpu.vector_store %arg13[%swap3A_1087, %swap3A_1088, %swap3A_1089], %swap3A_1092 {strides = array<i32>} : memref<8x20x128xf32, #tpu.memory_space<vmem>>, vector<1x1x16xf32>,
        %sub3A_1093 = arith.subf %get3A_1085, %get3A_824 : vector<16xf32>
        %swap3A_1094 = arith.constant 11 : i32
        %swap3A_1095 = arith.index_cast %scan3A_356 : i32 to index
        %swap3A_1096 = arith.index_cast %swap3A_1094 : i32 to index
        %swap3A_1097 = arith.constant 80 : index
        %swap3A_1098 = tpu.vector_load %arg13[%swap3A_1095, %swap3A_1096, %swap3A_1097] {strides = array<i32>} : memref<8x20x128xf32, #tpu.memory_space<vmem>>, vector<1x1x16xf32>,
        %swap3A_1099 = vector.shape_cast %swap3A_1098 : vector<1x1x16xf32> to vector<16xf32>
        %swap3A_1100 = vector.shape_cast %sub3A_1093 : vector<16xf32> to vector<1x1x16xf32>
        tpu.vector_store %arg13[%swap3A_1095, %swap3A_1096, %swap3A_1097], %swap3A_1100 {strides = array<i32>} : memref<8x20x128xf32, #tpu.memory_space<vmem>>, vector<1x1x16xf32>,
        %mul3A_1101 = arith.constant 20 : i32
        %mul3A_1102 = arith.muli %scan3A_356, %mul3A_1101 : i32
        %add3A_1103 = arith.constant 12 : i32
        %add3A_1104 = arith.addi %mul3A_1102, %add3A_1103 : i32
        %get3A_1105 = arith.index_cast %add3A_1104 : i32 to index
        %get3A_1106 = arith.constant 16 : index
        %get3A_1107 = tpu.vector_load %arg9[%get3A_1105, %get3A_1106] {strides = array<i32>} : memref<160x128xf32, #tpu.memory_space<vmem>>, vector<1x16xf32>,
        %get3A_1108 = vector.shape_cast %get3A_1107 : vector<1x16xf32> to vector<16xf32>
        %swap3A_1109 = arith.constant 12 : i32
        %swap3A_1110 = arith.index_cast %scan3A_356 : i32 to index
        %swap3A_1111 = arith.index_cast %swap3A_1109 : i32 to index
        %swap3A_1112 = arith.constant 16 : index
        %swap3A_1113 = tpu.vector_load %arg13[%swap3A_1110, %swap3A_1111, %swap3A_1112] {strides = array<i32>} : memref<8x20x128xf32, #tpu.memory_space<vmem>>, vector<1x1x16xf32>,
        %swap3A_1114 = vector.shape_cast %swap3A_1113 : vector<1x1x16xf32> to vector<16xf32>
        %swap3A_1115 = vector.shape_cast %get3A_824 : vector<16xf32> to vector<1x1x16xf32>
        tpu.vector_store %arg13[%swap3A_1110, %swap3A_1111, %swap3A_1112], %swap3A_1115 {strides = array<i32>} : memref<8x20x128xf32, #tpu.memory_space<vmem>>, vector<1x1x16xf32>,
        %sub3A_1116 = arith.subf %get3A_1108, %get3A_824 : vector<16xf32>
        %swap3A_1117 = arith.constant 12 : i32
        %swap3A_1118 = arith.index_cast %scan3A_356 : i32 to index
        %swap3A_1119 = arith.index_cast %swap3A_1117 : i32 to index
        %swap3A_1120 = arith.constant 80 : index
        %swap3A_1121 = tpu.vector_load %arg13[%swap3A_1118, %swap3A_1119, %swap3A_1120] {strides = array<i32>} : memref<8x20x128xf32, #tpu.memory_space<vmem>>, vector<1x1x16xf32>,
        %swap3A_1122 = vector.shape_cast %swap3A_1121 : vector<1x1x16xf32> to vector<16xf32>
        %swap3A_1123 = vector.shape_cast %sub3A_1116 : vector<16xf32> to vector<1x1x16xf32>
        tpu.vector_store %arg13[%swap3A_1118, %swap3A_1119, %swap3A_1120], %swap3A_1123 {strides = array<i32>} : memref<8x20x128xf32, #tpu.memory_space<vmem>>, vector<1x1x16xf32>,
        %mul3A_1124 = arith.constant 20 : i32
        %mul3A_1125 = arith.muli %scan3A_356, %mul3A_1124 : i32
        %add3A_1126 = arith.constant 13 : i32
        %add3A_1127 = arith.addi %mul3A_1125, %add3A_1126 : i32
        %get3A_1128 = arith.index_cast %add3A_1127 : i32 to index
        %get3A_1129 = arith.constant 16 : index
        %get3A_1130 = tpu.vector_load %arg9[%get3A_1128, %get3A_1129] {strides = array<i32>} : memref<160x128xf32, #tpu.memory_space<vmem>>, vector<1x16xf32>,
        %get3A_1131 = vector.shape_cast %get3A_1130 : vector<1x16xf32> to vector<16xf32>
        %swap3A_1132 = arith.constant 13 : i32
        %swap3A_1133 = arith.index_cast %scan3A_356 : i32 to index
        %swap3A_1134 = arith.index_cast %swap3A_1132 : i32 to index
        %swap3A_1135 = arith.constant 16 : index
        %swap3A_1136 = tpu.vector_load %arg13[%swap3A_1133, %swap3A_1134, %swap3A_1135] {strides = array<i32>} : memref<8x20x128xf32, #tpu.memory_space<vmem>>, vector<1x1x16xf32>,
        %swap3A_1137 = vector.shape_cast %swap3A_1136 : vector<1x1x16xf32> to vector<16xf32>
        %swap3A_1138 = vector.shape_cast %get3A_824 : vector<16xf32> to vector<1x1x16xf32>
        tpu.vector_store %arg13[%swap3A_1133, %swap3A_1134, %swap3A_1135], %swap3A_1138 {strides = array<i32>} : memref<8x20x128xf32, #tpu.memory_space<vmem>>, vector<1x1x16xf32>,
        %sub3A_1139 = arith.subf %get3A_1131, %get3A_824 : vector<16xf32>
        %swap3A_1140 = arith.constant 13 : i32
        %swap3A_1141 = arith.index_cast %scan3A_356 : i32 to index
        %swap3A_1142 = arith.index_cast %swap3A_1140 : i32 to index
        %swap3A_1143 = arith.constant 80 : index
        %swap3A_1144 = tpu.vector_load %arg13[%swap3A_1141, %swap3A_1142, %swap3A_1143] {strides = array<i32>} : memref<8x20x128xf32, #tpu.memory_space<vmem>>, vector<1x1x16xf32>,
        %swap3A_1145 = vector.shape_cast %swap3A_1144 : vector<1x1x16xf32> to vector<16xf32>
        %swap3A_1146 = vector.shape_cast %sub3A_1139 : vector<16xf32> to vector<1x1x16xf32>
        tpu.vector_store %arg13[%swap3A_1141, %swap3A_1142, %swap3A_1143], %swap3A_1146 {strides = array<i32>} : memref<8x20x128xf32, #tpu.memory_space<vmem>>, vector<1x1x16xf32>,
        %mul3A_1147 = arith.constant 20 : i32
        %mul3A_1148 = arith.muli %scan3A_356, %mul3A_1147 : i32
        %add3A_1149 = arith.constant 14 : i32
        %add3A_1150 = arith.addi %mul3A_1148, %add3A_1149 : i32
        %get3A_1151 = arith.index_cast %add3A_1150 : i32 to index
        %get3A_1152 = arith.constant 16 : index
        %get3A_1153 = tpu.vector_load %arg9[%get3A_1151, %get3A_1152] {strides = array<i32>} : memref<160x128xf32, #tpu.memory_space<vmem>>, vector<1x16xf32>,
        %get3A_1154 = vector.shape_cast %get3A_1153 : vector<1x16xf32> to vector<16xf32>
        %swap3A_1155 = arith.constant 14 : i32
        %swap3A_1156 = arith.index_cast %scan3A_356 : i32 to index
        %swap3A_1157 = arith.index_cast %swap3A_1155 : i32 to index
        %swap3A_1158 = arith.constant 16 : index
        %swap3A_1159 = tpu.vector_load %arg13[%swap3A_1156, %swap3A_1157, %swap3A_1158] {strides = array<i32>} : memref<8x20x128xf32, #tpu.memory_space<vmem>>, vector<1x1x16xf32>,
        %swap3A_1160 = vector.shape_cast %swap3A_1159 : vector<1x1x16xf32> to vector<16xf32>
        %swap3A_1161 = vector.shape_cast %get3A_824 : vector<16xf32> to vector<1x1x16xf32>
        tpu.vector_store %arg13[%swap3A_1156, %swap3A_1157, %swap3A_1158], %swap3A_1161 {strides = array<i32>} : memref<8x20x128xf32, #tpu.memory_space<vmem>>, vector<1x1x16xf32>,
        %sub3A_1162 = arith.subf %get3A_1154, %get3A_824 : vector<16xf32>
        %swap3A_1163 = arith.constant 14 : i32
        %swap3A_1164 = arith.index_cast %scan3A_356 : i32 to index
        %swap3A_1165 = arith.index_cast %swap3A_1163 : i32 to index
        %swap3A_1166 = arith.constant 80 : index
        %swap3A_1167 = tpu.vector_load %arg13[%swap3A_1164, %swap3A_1165, %swap3A_1166] {strides = array<i32>} : memref<8x20x128xf32, #tpu.memory_space<vmem>>, vector<1x1x16xf32>,
        %swap3A_1168 = vector.shape_cast %swap3A_1167 : vector<1x1x16xf32> to vector<16xf32>
        %swap3A_1169 = vector.shape_cast %sub3A_1162 : vector<16xf32> to vector<1x1x16xf32>
        tpu.vector_store %arg13[%swap3A_1164, %swap3A_1165, %swap3A_1166], %swap3A_1169 {strides = array<i32>} : memref<8x20x128xf32, #tpu.memory_space<vmem>>, vector<1x1x16xf32>,
        %mul3A_1170 = arith.constant 20 : i32
        %mul3A_1171 = arith.muli %scan3A_356, %mul3A_1170 : i32
        %add3A_1172 = arith.constant 15 : i32
        %add3A_1173 = arith.addi %mul3A_1171, %add3A_1172 : i32
        %get3A_1174 = arith.index_cast %add3A_1173 : i32 to index
        %get3A_1175 = arith.constant 16 : index
        %get3A_1176 = tpu.vector_load %arg9[%get3A_1174, %get3A_1175] {strides = array<i32>} : memref<160x128xf32, #tpu.memory_space<vmem>>, vector<1x16xf32>,
        %get3A_1177 = vector.shape_cast %get3A_1176 : vector<1x16xf32> to vector<16xf32>
        %swap3A_1178 = arith.constant 15 : i32
        %swap3A_1179 = arith.index_cast %scan3A_356 : i32 to index
        %swap3A_1180 = arith.index_cast %swap3A_1178 : i32 to index
        %swap3A_1181 = arith.constant 16 : index
        %swap3A_1182 = tpu.vector_load %arg13[%swap3A_1179, %swap3A_1180, %swap3A_1181] {strides = array<i32>} : memref<8x20x128xf32, #tpu.memory_space<vmem>>, vector<1x1x16xf32>,
        %swap3A_1183 = vector.shape_cast %swap3A_1182 : vector<1x1x16xf32> to vector<16xf32>
        %swap3A_1184 = vector.shape_cast %get3A_824 : vector<16xf32> to vector<1x1x16xf32>
        tpu.vector_store %arg13[%swap3A_1179, %swap3A_1180, %swap3A_1181], %swap3A_1184 {strides = array<i32>} : memref<8x20x128xf32, #tpu.memory_space<vmem>>, vector<1x1x16xf32>,
        %sub3A_1185 = arith.subf %get3A_1177, %get3A_824 : vector<16xf32>
        %swap3A_1186 = arith.constant 15 : i32
        %swap3A_1187 = arith.index_cast %scan3A_356 : i32 to index
        %swap3A_1188 = arith.index_cast %swap3A_1186 : i32 to index
        %swap3A_1189 = arith.constant 80 : index
        %swap3A_1190 = tpu.vector_load %arg13[%swap3A_1187, %swap3A_1188, %swap3A_1189] {strides = array<i32>} : memref<8x20x128xf32, #tpu.memory_space<vmem>>, vector<1x1x16xf32>,
        %swap3A_1191 = vector.shape_cast %swap3A_1190 : vector<1x1x16xf32> to vector<16xf32>
        %swap3A_1192 = vector.shape_cast %sub3A_1185 : vector<16xf32> to vector<1x1x16xf32>
        tpu.vector_store %arg13[%swap3A_1187, %swap3A_1188, %swap3A_1189], %swap3A_1192 {strides = array<i32>} : memref<8x20x128xf32, #tpu.memory_space<vmem>>, vector<1x1x16xf32>,
        %mul3A_1193 = arith.constant 20 : i32
        %mul3A_1194 = arith.muli %scan3A_356, %mul3A_1193 : i32
        %add3A_1195 = arith.constant 16 : i32
        %add3A_1196 = arith.addi %mul3A_1194, %add3A_1195 : i32
        %get3A_1197 = arith.index_cast %add3A_1196 : i32 to index
        %get3A_1198 = arith.constant 16 : index
        %get3A_1199 = tpu.vector_load %arg9[%get3A_1197, %get3A_1198] {strides = array<i32>} : memref<160x128xf32, #tpu.memory_space<vmem>>, vector<1x16xf32>,
        %get3A_1200 = vector.shape_cast %get3A_1199 : vector<1x16xf32> to vector<16xf32>
        %swap3A_1201 = arith.constant 16 : i32
        %swap3A_1202 = arith.index_cast %scan3A_356 : i32 to index
        %swap3A_1203 = arith.index_cast %swap3A_1201 : i32 to index
        %swap3A_1204 = arith.constant 16 : index
        %swap3A_1205 = tpu.vector_load %arg13[%swap3A_1202, %swap3A_1203, %swap3A_1204] {strides = array<i32>} : memref<8x20x128xf32, #tpu.memory_space<vmem>>, vector<1x1x16xf32>,
        %swap3A_1206 = vector.shape_cast %swap3A_1205 : vector<1x1x16xf32> to vector<16xf32>
        %swap3A_1207 = vector.shape_cast %get3A_824 : vector<16xf32> to vector<1x1x16xf32>
        tpu.vector_store %arg13[%swap3A_1202, %swap3A_1203, %swap3A_1204], %swap3A_1207 {strides = array<i32>} : memref<8x20x128xf32, #tpu.memory_space<vmem>>, vector<1x1x16xf32>,
        %sub3A_1208 = arith.subf %get3A_1200, %get3A_824 : vector<16xf32>
        %swap3A_1209 = arith.constant 16 : i32
        %swap3A_1210 = arith.index_cast %scan3A_356 : i32 to index
        %swap3A_1211 = arith.index_cast %swap3A_1209 : i32 to index
        %swap3A_1212 = arith.constant 80 : index
        %swap3A_1213 = tpu.vector_load %arg13[%swap3A_1210, %swap3A_1211, %swap3A_1212] {strides = array<i32>} : memref<8x20x128xf32, #tpu.memory_space<vmem>>, vector<1x1x16xf32>,
        %swap3A_1214 = vector.shape_cast %swap3A_1213 : vector<1x1x16xf32> to vector<16xf32>
        %swap3A_1215 = vector.shape_cast %sub3A_1208 : vector<16xf32> to vector<1x1x16xf32>
        tpu.vector_store %arg13[%swap3A_1210, %swap3A_1211, %swap3A_1212], %swap3A_1215 {strides = array<i32>} : memref<8x20x128xf32, #tpu.memory_space<vmem>>, vector<1x1x16xf32>,
        %mul3A_1216 = arith.constant 20 : i32
        %mul3A_1217 = arith.muli %scan3A_356, %mul3A_1216 : i32
        %add3A_1218 = arith.constant 17 : i32
        %add3A_1219 = arith.addi %mul3A_1217, %add3A_1218 : i32
        %get3A_1220 = arith.index_cast %add3A_1219 : i32 to index
        %get3A_1221 = arith.constant 16 : index
        %get3A_1222 = tpu.vector_load %arg9[%get3A_1220, %get3A_1221] {strides = array<i32>} : memref<160x128xf32, #tpu.memory_space<vmem>>, vector<1x16xf32>,
        %get3A_1223 = vector.shape_cast %get3A_1222 : vector<1x16xf32> to vector<16xf32>
        %swap3A_1224 = arith.constant 17 : i32
        %swap3A_1225 = arith.index_cast %scan3A_356 : i32 to index
        %swap3A_1226 = arith.index_cast %swap3A_1224 : i32 to index
        %swap3A_1227 = arith.constant 16 : index
        %swap3A_1228 = tpu.vector_load %arg13[%swap3A_1225, %swap3A_1226, %swap3A_1227] {strides = array<i32>} : memref<8x20x128xf32, #tpu.memory_space<vmem>>, vector<1x1x16xf32>,
        %swap3A_1229 = vector.shape_cast %swap3A_1228 : vector<1x1x16xf32> to vector<16xf32>
        %swap3A_1230 = vector.shape_cast %get3A_824 : vector<16xf32> to vector<1x1x16xf32>
        tpu.vector_store %arg13[%swap3A_1225, %swap3A_1226, %swap3A_1227], %swap3A_1230 {strides = array<i32>} : memref<8x20x128xf32, #tpu.memory_space<vmem>>, vector<1x1x16xf32>,
        %sub3A_1231 = arith.subf %get3A_1223, %get3A_824 : vector<16xf32>
        %swap3A_1232 = arith.constant 17 : i32
        %swap3A_1233 = arith.index_cast %scan3A_356 : i32 to index
        %swap3A_1234 = arith.index_cast %swap3A_1232 : i32 to index
        %swap3A_1235 = arith.constant 80 : index
        %swap3A_1236 = tpu.vector_load %arg13[%swap3A_1233, %swap3A_1234, %swap3A_1235] {strides = array<i32>} : memref<8x20x128xf32, #tpu.memory_space<vmem>>, vector<1x1x16xf32>,
        %swap3A_1237 = vector.shape_cast %swap3A_1236 : vector<1x1x16xf32> to vector<16xf32>
        %swap3A_1238 = vector.shape_cast %sub3A_1231 : vector<16xf32> to vector<1x1x16xf32>
        tpu.vector_store %arg13[%swap3A_1233, %swap3A_1234, %swap3A_1235], %swap3A_1238 {strides = array<i32>} : memref<8x20x128xf32, #tpu.memory_space<vmem>>, vector<1x1x16xf32>,
        %mul3A_1239 = arith.constant 20 : i32
        %mul3A_1240 = arith.muli %scan3A_356, %mul3A_1239 : i32
        %add3A_1241 = arith.constant 18 : i32
        %add3A_1242 = arith.addi %mul3A_1240, %add3A_1241 : i32
        %get3A_1243 = arith.index_cast %add3A_1242 : i32 to index
        %get3A_1244 = arith.constant 16 : index
        %get3A_1245 = tpu.vector_load %arg9[%get3A_1243, %get3A_1244] {strides = array<i32>} : memref<160x128xf32, #tpu.memory_space<vmem>>, vector<1x16xf32>,
        %get3A_1246 = vector.shape_cast %get3A_1245 : vector<1x16xf32> to vector<16xf32>
        %swap3A_1247 = arith.constant 18 : i32
        %swap3A_1248 = arith.index_cast %scan3A_356 : i32 to index
        %swap3A_1249 = arith.index_cast %swap3A_1247 : i32 to index
        %swap3A_1250 = arith.constant 16 : index
        %swap3A_1251 = tpu.vector_load %arg13[%swap3A_1248, %swap3A_1249, %swap3A_1250] {strides = array<i32>} : memref<8x20x128xf32, #tpu.memory_space<vmem>>, vector<1x1x16xf32>,
        %swap3A_1252 = vector.shape_cast %swap3A_1251 : vector<1x1x16xf32> to vector<16xf32>
        %swap3A_1253 = vector.shape_cast %get3A_824 : vector<16xf32> to vector<1x1x16xf32>
        tpu.vector_store %arg13[%swap3A_1248, %swap3A_1249, %swap3A_1250], %swap3A_1253 {strides = array<i32>} : memref<8x20x128xf32, #tpu.memory_space<vmem>>, vector<1x1x16xf32>,
        %sub3A_1254 = arith.subf %get3A_1246, %get3A_824 : vector<16xf32>
        %swap3A_1255 = arith.constant 18 : i32
        %swap3A_1256 = arith.index_cast %scan3A_356 : i32 to index
        %swap3A_1257 = arith.index_cast %swap3A_1255 : i32 to index
        %swap3A_1258 = arith.constant 80 : index
        %swap3A_1259 = tpu.vector_load %arg13[%swap3A_1256, %swap3A_1257, %swap3A_1258] {strides = array<i32>} : memref<8x20x128xf32, #tpu.memory_space<vmem>>, vector<1x1x16xf32>,
        %swap3A_1260 = vector.shape_cast %swap3A_1259 : vector<1x1x16xf32> to vector<16xf32>
        %swap3A_1261 = vector.shape_cast %sub3A_1254 : vector<16xf32> to vector<1x1x16xf32>
        tpu.vector_store %arg13[%swap3A_1256, %swap3A_1257, %swap3A_1258], %swap3A_1261 {strides = array<i32>} : memref<8x20x128xf32, #tpu.memory_space<vmem>>, vector<1x1x16xf32>,
        %mul3A_1262 = arith.constant 20 : i32
        %mul3A_1263 = arith.muli %scan3A_356, %mul3A_1262 : i32
        %add3A_1264 = arith.constant 19 : i32
        %add3A_1265 = arith.addi %mul3A_1263, %add3A_1264 : i32
        %get3A_1266 = arith.index_cast %add3A_1265 : i32 to index
        %get3A_1267 = arith.constant 16 : index
        %get3A_1268 = tpu.vector_load %arg9[%get3A_1266, %get3A_1267] {strides = array<i32>} : memref<160x128xf32, #tpu.memory_space<vmem>>, vector<1x16xf32>,
        %get3A_1269 = vector.shape_cast %get3A_1268 : vector<1x16xf32> to vector<16xf32>
        %swap3A_1270 = arith.constant 19 : i32
        %swap3A_1271 = arith.index_cast %scan3A_356 : i32 to index
        %swap3A_1272 = arith.index_cast %swap3A_1270 : i32 to index
        %swap3A_1273 = arith.constant 16 : index
        %swap3A_1274 = tpu.vector_load %arg13[%swap3A_1271, %swap3A_1272, %swap3A_1273] {strides = array<i32>} : memref<8x20x128xf32, #tpu.memory_space<vmem>>, vector<1x1x16xf32>,
        %swap3A_1275 = vector.shape_cast %swap3A_1274 : vector<1x1x16xf32> to vector<16xf32>
        %swap3A_1276 = vector.shape_cast %get3A_824 : vector<16xf32> to vector<1x1x16xf32>
        tpu.vector_store %arg13[%swap3A_1271, %swap3A_1272, %swap3A_1273], %swap3A_1276 {strides = array<i32>} : memref<8x20x128xf32, #tpu.memory_space<vmem>>, vector<1x1x16xf32>,
        %sub3A_1277 = arith.subf %get3A_1269, %get3A_824 : vector<16xf32>
        %swap3A_1278 = arith.constant 19 : i32
        %swap3A_1279 = arith.index_cast %scan3A_356 : i32 to index
        %swap3A_1280 = arith.index_cast %swap3A_1278 : i32 to index
        %swap3A_1281 = arith.constant 80 : index
        %swap3A_1282 = tpu.vector_load %arg13[%swap3A_1279, %swap3A_1280, %swap3A_1281] {strides = array<i32>} : memref<8x20x128xf32, #tpu.memory_space<vmem>>, vector<1x1x16xf32>,
        %swap3A_1283 = vector.shape_cast %swap3A_1282 : vector<1x1x16xf32> to vector<16xf32>
        %swap3A_1284 = vector.shape_cast %sub3A_1277 : vector<16xf32> to vector<1x1x16xf32>
        tpu.vector_store %arg13[%swap3A_1279, %swap3A_1280, %swap3A_1281], %swap3A_1284 {strides = array<i32>} : memref<8x20x128xf32, #tpu.memory_space<vmem>>, vector<1x1x16xf32>,
        %get3A_1285 = arith.index_cast %scan3A_356 : i32 to index
        %get3A_1286 = arith.constant 32 : index
        %get3A_1287 = tpu.vector_load %arg11[%get3A_1285, %get3A_1286] {strides = array<i32>} : memref<8x128xf32, #tpu.memory_space<vmem>>, vector<1x16xf32>,
        %get3A_1288 = vector.shape_cast %get3A_1287 : vector<1x16xf32> to vector<16xf32>
        %mul3A_1289 = arith.constant 20 : i32
        %mul3A_1290 = arith.muli %scan3A_356, %mul3A_1289 : i32
        %add3A_1291 = arith.constant 0 : i32
        %add3A_1292 = arith.addi %mul3A_1290, %add3A_1291 : i32
        %get3A_1293 = arith.index_cast %add3A_1292 : i32 to index
        %get3A_1294 = arith.constant 32 : index
        %get3A_1295 = tpu.vector_load %arg9[%get3A_1293, %get3A_1294] {strides = array<i32>} : memref<160x128xf32, #tpu.memory_space<vmem>>, vector<1x16xf32>,
        %get3A_1296 = vector.shape_cast %get3A_1295 : vector<1x16xf32> to vector<16xf32>
        %swap3A_1297 = arith.constant 0 : i32
        %swap3A_1298 = arith.index_cast %scan3A_356 : i32 to index
        %swap3A_1299 = arith.index_cast %swap3A_1297 : i32 to index
        %swap3A_1300 = arith.constant 32 : index
        %swap3A_1301 = tpu.vector_load %arg13[%swap3A_1298, %swap3A_1299, %swap3A_1300] {strides = array<i32>} : memref<8x20x128xf32, #tpu.memory_space<vmem>>, vector<1x1x16xf32>,
        %swap3A_1302 = vector.shape_cast %swap3A_1301 : vector<1x1x16xf32> to vector<16xf32>
        %swap3A_1303 = vector.shape_cast %get3A_1288 : vector<16xf32> to vector<1x1x16xf32>
        tpu.vector_store %arg13[%swap3A_1298, %swap3A_1299, %swap3A_1300], %swap3A_1303 {strides = array<i32>} : memref<8x20x128xf32, #tpu.memory_space<vmem>>, vector<1x1x16xf32>,
        %sub3A_1304 = arith.subf %get3A_1296, %get3A_1288 : vector<16xf32>
        %swap3A_1305 = arith.constant 0 : i32
        %swap3A_1306 = arith.index_cast %scan3A_356 : i32 to index
        %swap3A_1307 = arith.index_cast %swap3A_1305 : i32 to index
        %swap3A_1308 = arith.constant 96 : index
        %swap3A_1309 = tpu.vector_load %arg13[%swap3A_1306, %swap3A_1307, %swap3A_1308] {strides = array<i32>} : memref<8x20x128xf32, #tpu.memory_space<vmem>>, vector<1x1x16xf32>,
        %swap3A_1310 = vector.shape_cast %swap3A_1309 : vector<1x1x16xf32> to vector<16xf32>
        %swap3A_1311 = vector.shape_cast %sub3A_1304 : vector<16xf32> to vector<1x1x16xf32>
        tpu.vector_store %arg13[%swap3A_1306, %swap3A_1307, %swap3A_1308], %swap3A_1311 {strides = array<i32>} : memref<8x20x128xf32, #tpu.memory_space<vmem>>, vector<1x1x16xf32>,
        %mul3A_1312 = arith.constant 20 : i32
        %mul3A_1313 = arith.muli %scan3A_356, %mul3A_1312 : i32
        %add3A_1314 = arith.constant 1 : i32
        %add3A_1315 = arith.addi %mul3A_1313, %add3A_1314 : i32
        %get3A_1316 = arith.index_cast %add3A_1315 : i32 to index
        %get3A_1317 = arith.constant 32 : index
        %get3A_1318 = tpu.vector_load %arg9[%get3A_1316, %get3A_1317] {strides = array<i32>} : memref<160x128xf32, #tpu.memory_space<vmem>>, vector<1x16xf32>,
        %get3A_1319 = vector.shape_cast %get3A_1318 : vector<1x16xf32> to vector<16xf32>
        %swap3A_1320 = arith.constant 1 : i32
        %swap3A_1321 = arith.index_cast %scan3A_356 : i32 to index
        %swap3A_1322 = arith.index_cast %swap3A_1320 : i32 to index
        %swap3A_1323 = arith.constant 32 : index
        %swap3A_1324 = tpu.vector_load %arg13[%swap3A_1321, %swap3A_1322, %swap3A_1323] {strides = array<i32>} : memref<8x20x128xf32, #tpu.memory_space<vmem>>, vector<1x1x16xf32>,
        %swap3A_1325 = vector.shape_cast %swap3A_1324 : vector<1x1x16xf32> to vector<16xf32>
        %swap3A_1326 = vector.shape_cast %get3A_1288 : vector<16xf32> to vector<1x1x16xf32>
        tpu.vector_store %arg13[%swap3A_1321, %swap3A_1322, %swap3A_1323], %swap3A_1326 {strides = array<i32>} : memref<8x20x128xf32, #tpu.memory_space<vmem>>, vector<1x1x16xf32>,
        %sub3A_1327 = arith.subf %get3A_1319, %get3A_1288 : vector<16xf32>
        %swap3A_1328 = arith.constant 1 : i32
        %swap3A_1329 = arith.index_cast %scan3A_356 : i32 to index
        %swap3A_1330 = arith.index_cast %swap3A_1328 : i32 to index
        %swap3A_1331 = arith.constant 96 : index
        %swap3A_1332 = tpu.vector_load %arg13[%swap3A_1329, %swap3A_1330, %swap3A_1331] {strides = array<i32>} : memref<8x20x128xf32, #tpu.memory_space<vmem>>, vector<1x1x16xf32>,
        %swap3A_1333 = vector.shape_cast %swap3A_1332 : vector<1x1x16xf32> to vector<16xf32>
        %swap3A_1334 = vector.shape_cast %sub3A_1327 : vector<16xf32> to vector<1x1x16xf32>
        tpu.vector_store %arg13[%swap3A_1329, %swap3A_1330, %swap3A_1331], %swap3A_1334 {strides = array<i32>} : memref<8x20x128xf32, #tpu.memory_space<vmem>>, vector<1x1x16xf32>,
        %mul3A_1335 = arith.constant 20 : i32
        %mul3A_1336 = arith.muli %scan3A_356, %mul3A_1335 : i32
        %add3A_1337 = arith.constant 2 : i32
        %add3A_1338 = arith.addi %mul3A_1336, %add3A_1337 : i32
        %get3A_1339 = arith.index_cast %add3A_1338 : i32 to index
        %get3A_1340 = arith.constant 32 : index
        %get3A_1341 = tpu.vector_load %arg9[%get3A_1339, %get3A_1340] {strides = array<i32>} : memref<160x128xf32, #tpu.memory_space<vmem>>, vector<1x16xf32>,
        %get3A_1342 = vector.shape_cast %get3A_1341 : vector<1x16xf32> to vector<16xf32>
        %swap3A_1343 = arith.constant 2 : i32
        %swap3A_1344 = arith.index_cast %scan3A_356 : i32 to index
        %swap3A_1345 = arith.index_cast %swap3A_1343 : i32 to index
        %swap3A_1346 = arith.constant 32 : index
        %swap3A_1347 = tpu.vector_load %arg13[%swap3A_1344, %swap3A_1345, %swap3A_1346] {strides = array<i32>} : memref<8x20x128xf32, #tpu.memory_space<vmem>>, vector<1x1x16xf32>,
        %swap3A_1348 = vector.shape_cast %swap3A_1347 : vector<1x1x16xf32> to vector<16xf32>
        %swap3A_1349 = vector.shape_cast %get3A_1288 : vector<16xf32> to vector<1x1x16xf32>
        tpu.vector_store %arg13[%swap3A_1344, %swap3A_1345, %swap3A_1346], %swap3A_1349 {strides = array<i32>} : memref<8x20x128xf32, #tpu.memory_space<vmem>>, vector<1x1x16xf32>,
        %sub3A_1350 = arith.subf %get3A_1342, %get3A_1288 : vector<16xf32>
        %swap3A_1351 = arith.constant 2 : i32
        %swap3A_1352 = arith.index_cast %scan3A_356 : i32 to index
        %swap3A_1353 = arith.index_cast %swap3A_1351 : i32 to index
        %swap3A_1354 = arith.constant 96 : index
        %swap3A_1355 = tpu.vector_load %arg13[%swap3A_1352, %swap3A_1353, %swap3A_1354] {strides = array<i32>} : memref<8x20x128xf32, #tpu.memory_space<vmem>>, vector<1x1x16xf32>,
        %swap3A_1356 = vector.shape_cast %swap3A_1355 : vector<1x1x16xf32> to vector<16xf32>
        %swap3A_1357 = vector.shape_cast %sub3A_1350 : vector<16xf32> to vector<1x1x16xf32>
        tpu.vector_store %arg13[%swap3A_1352, %swap3A_1353, %swap3A_1354], %swap3A_1357 {strides = array<i32>} : memref<8x20x128xf32, #tpu.memory_space<vmem>>, vector<1x1x16xf32>,
        %mul3A_1358 = arith.constant 20 : i32
        %mul3A_1359 = arith.muli %scan3A_356, %mul3A_1358 : i32
        %add3A_1360 = arith.constant 3 : i32
        %add3A_1361 = arith.addi %mul3A_1359, %add3A_1360 : i32
        %get3A_1362 = arith.index_cast %add3A_1361 : i32 to index
        %get3A_1363 = arith.constant 32 : index
        %get3A_1364 = tpu.vector_load %arg9[%get3A_1362, %get3A_1363] {strides = array<i32>} : memref<160x128xf32, #tpu.memory_space<vmem>>, vector<1x16xf32>,
        %get3A_1365 = vector.shape_cast %get3A_1364 : vector<1x16xf32> to vector<16xf32>
        %swap3A_1366 = arith.constant 3 : i32
        %swap3A_1367 = arith.index_cast %scan3A_356 : i32 to index
        %swap3A_1368 = arith.index_cast %swap3A_1366 : i32 to index
        %swap3A_1369 = arith.constant 32 : index
        %swap3A_1370 = tpu.vector_load %arg13[%swap3A_1367, %swap3A_1368, %swap3A_1369] {strides = array<i32>} : memref<8x20x128xf32, #tpu.memory_space<vmem>>, vector<1x1x16xf32>,
        %swap3A_1371 = vector.shape_cast %swap3A_1370 : vector<1x1x16xf32> to vector<16xf32>
        %swap3A_1372 = vector.shape_cast %get3A_1288 : vector<16xf32> to vector<1x1x16xf32>
        tpu.vector_store %arg13[%swap3A_1367, %swap3A_1368, %swap3A_1369], %swap3A_1372 {strides = array<i32>} : memref<8x20x128xf32, #tpu.memory_space<vmem>>, vector<1x1x16xf32>,
        %sub3A_1373 = arith.subf %get3A_1365, %get3A_1288 : vector<16xf32>
        %swap3A_1374 = arith.constant 3 : i32
        %swap3A_1375 = arith.index_cast %scan3A_356 : i32 to index
        %swap3A_1376 = arith.index_cast %swap3A_1374 : i32 to index
        %swap3A_1377 = arith.constant 96 : index
        %swap3A_1378 = tpu.vector_load %arg13[%swap3A_1375, %swap3A_1376, %swap3A_1377] {strides = array<i32>} : memref<8x20x128xf32, #tpu.memory_space<vmem>>, vector<1x1x16xf32>,
        %swap3A_1379 = vector.shape_cast %swap3A_1378 : vector<1x1x16xf32> to vector<16xf32>
        %swap3A_1380 = vector.shape_cast %sub3A_1373 : vector<16xf32> to vector<1x1x16xf32>
        tpu.vector_store %arg13[%swap3A_1375, %swap3A_1376, %swap3A_1377], %swap3A_1380 {strides = array<i32>} : memref<8x20x128xf32, #tpu.memory_space<vmem>>, vector<1x1x16xf32>,
        %mul3A_1381 = arith.constant 20 : i32
        %mul3A_1382 = arith.muli %scan3A_356, %mul3A_1381 : i32
        %add3A_1383 = arith.constant 4 : i32
        %add3A_1384 = arith.addi %mul3A_1382, %add3A_1383 : i32
        %get3A_1385 = arith.index_cast %add3A_1384 : i32 to index
        %get3A_1386 = arith.constant 32 : index
        %get3A_1387 = tpu.vector_load %arg9[%get3A_1385, %get3A_1386] {strides = array<i32>} : memref<160x128xf32, #tpu.memory_space<vmem>>, vector<1x16xf32>,
        %get3A_1388 = vector.shape_cast %get3A_1387 : vector<1x16xf32> to vector<16xf32>
        %swap3A_1389 = arith.constant 4 : i32
        %swap3A_1390 = arith.index_cast %scan3A_356 : i32 to index
        %swap3A_1391 = arith.index_cast %swap3A_1389 : i32 to index
        %swap3A_1392 = arith.constant 32 : index
        %swap3A_1393 = tpu.vector_load %arg13[%swap3A_1390, %swap3A_1391, %swap3A_1392] {strides = array<i32>} : memref<8x20x128xf32, #tpu.memory_space<vmem>>, vector<1x1x16xf32>,
        %swap3A_1394 = vector.shape_cast %swap3A_1393 : vector<1x1x16xf32> to vector<16xf32>
        %swap3A_1395 = vector.shape_cast %get3A_1288 : vector<16xf32> to vector<1x1x16xf32>
        tpu.vector_store %arg13[%swap3A_1390, %swap3A_1391, %swap3A_1392], %swap3A_1395 {strides = array<i32>} : memref<8x20x128xf32, #tpu.memory_space<vmem>>, vector<1x1x16xf32>,
        %sub3A_1396 = arith.subf %get3A_1388, %get3A_1288 : vector<16xf32>
        %swap3A_1397 = arith.constant 4 : i32
        %swap3A_1398 = arith.index_cast %scan3A_356 : i32 to index
        %swap3A_1399 = arith.index_cast %swap3A_1397 : i32 to index
        %swap3A_1400 = arith.constant 96 : index
        %swap3A_1401 = tpu.vector_load %arg13[%swap3A_1398, %swap3A_1399, %swap3A_1400] {strides = array<i32>} : memref<8x20x128xf32, #tpu.memory_space<vmem>>, vector<1x1x16xf32>,
        %swap3A_1402 = vector.shape_cast %swap3A_1401 : vector<1x1x16xf32> to vector<16xf32>
        %swap3A_1403 = vector.shape_cast %sub3A_1396 : vector<16xf32> to vector<1x1x16xf32>
        tpu.vector_store %arg13[%swap3A_1398, %swap3A_1399, %swap3A_1400], %swap3A_1403 {strides = array<i32>} : memref<8x20x128xf32, #tpu.memory_space<vmem>>, vector<1x1x16xf32>,
        %mul3A_1404 = arith.constant 20 : i32
        %mul3A_1405 = arith.muli %scan3A_356, %mul3A_1404 : i32
        %add3A_1406 = arith.constant 5 : i32
        %add3A_1407 = arith.addi %mul3A_1405, %add3A_1406 : i32
        %get3A_1408 = arith.index_cast %add3A_1407 : i32 to index
        %get3A_1409 = arith.constant 32 : index
        %get3A_1410 = tpu.vector_load %arg9[%get3A_1408, %get3A_1409] {strides = array<i32>} : memref<160x128xf32, #tpu.memory_space<vmem>>, vector<1x16xf32>,
        %get3A_1411 = vector.shape_cast %get3A_1410 : vector<1x16xf32> to vector<16xf32>
        %swap3A_1412 = arith.constant 5 : i32
        %swap3A_1413 = arith.index_cast %scan3A_356 : i32 to index
        %swap3A_1414 = arith.index_cast %swap3A_1412 : i32 to index
        %swap3A_1415 = arith.constant 32 : index
        %swap3A_1416 = tpu.vector_load %arg13[%swap3A_1413, %swap3A_1414, %swap3A_1415] {strides = array<i32>} : memref<8x20x128xf32, #tpu.memory_space<vmem>>, vector<1x1x16xf32>,
        %swap3A_1417 = vector.shape_cast %swap3A_1416 : vector<1x1x16xf32> to vector<16xf32>
        %swap3A_1418 = vector.shape_cast %get3A_1288 : vector<16xf32> to vector<1x1x16xf32>
        tpu.vector_store %arg13[%swap3A_1413, %swap3A_1414, %swap3A_1415], %swap3A_1418 {strides = array<i32>} : memref<8x20x128xf32, #tpu.memory_space<vmem>>, vector<1x1x16xf32>,
        %sub3A_1419 = arith.subf %get3A_1411, %get3A_1288 : vector<16xf32>
        %swap3A_1420 = arith.constant 5 : i32
        %swap3A_1421 = arith.index_cast %scan3A_356 : i32 to index
        %swap3A_1422 = arith.index_cast %swap3A_1420 : i32 to index
        %swap3A_1423 = arith.constant 96 : index
        %swap3A_1424 = tpu.vector_load %arg13[%swap3A_1421, %swap3A_1422, %swap3A_1423] {strides = array<i32>} : memref<8x20x128xf32, #tpu.memory_space<vmem>>, vector<1x1x16xf32>,
        %swap3A_1425 = vector.shape_cast %swap3A_1424 : vector<1x1x16xf32> to vector<16xf32>
        %swap3A_1426 = vector.shape_cast %sub3A_1419 : vector<16xf32> to vector<1x1x16xf32>
        tpu.vector_store %arg13[%swap3A_1421, %swap3A_1422, %swap3A_1423], %swap3A_1426 {strides = array<i32>} : memref<8x20x128xf32, #tpu.memory_space<vmem>>, vector<1x1x16xf32>,
        %mul3A_1427 = arith.constant 20 : i32
        %mul3A_1428 = arith.muli %scan3A_356, %mul3A_1427 : i32
        %add3A_1429 = arith.constant 6 : i32
        %add3A_1430 = arith.addi %mul3A_1428, %add3A_1429 : i32
        %get3A_1431 = arith.index_cast %add3A_1430 : i32 to index
        %get3A_1432 = arith.constant 32 : index
        %get3A_1433 = tpu.vector_load %arg9[%get3A_1431, %get3A_1432] {strides = array<i32>} : memref<160x128xf32, #tpu.memory_space<vmem>>, vector<1x16xf32>,
        %get3A_1434 = vector.shape_cast %get3A_1433 : vector<1x16xf32> to vector<16xf32>
        %swap3A_1435 = arith.constant 6 : i32
        %swap3A_1436 = arith.index_cast %scan3A_356 : i32 to index
        %swap3A_1437 = arith.index_cast %swap3A_1435 : i32 to index
        %swap3A_1438 = arith.constant 32 : index
        %swap3A_1439 = tpu.vector_load %arg13[%swap3A_1436, %swap3A_1437, %swap3A_1438] {strides = array<i32>} : memref<8x20x128xf32, #tpu.memory_space<vmem>>, vector<1x1x16xf32>,
        %swap3A_1440 = vector.shape_cast %swap3A_1439 : vector<1x1x16xf32> to vector<16xf32>
        %swap3A_1441 = vector.shape_cast %get3A_1288 : vector<16xf32> to vector<1x1x16xf32>
        tpu.vector_store %arg13[%swap3A_1436, %swap3A_1437, %swap3A_1438], %swap3A_1441 {strides = array<i32>} : memref<8x20x128xf32, #tpu.memory_space<vmem>>, vector<1x1x16xf32>,
        %sub3A_1442 = arith.subf %get3A_1434, %get3A_1288 : vector<16xf32>
        %swap3A_1443 = arith.constant 6 : i32
        %swap3A_1444 = arith.index_cast %scan3A_356 : i32 to index
        %swap3A_1445 = arith.index_cast %swap3A_1443 : i32 to index
        %swap3A_1446 = arith.constant 96 : index
        %swap3A_1447 = tpu.vector_load %arg13[%swap3A_1444, %swap3A_1445, %swap3A_1446] {strides = array<i32>} : memref<8x20x128xf32, #tpu.memory_space<vmem>>, vector<1x1x16xf32>,
        %swap3A_1448 = vector.shape_cast %swap3A_1447 : vector<1x1x16xf32> to vector<16xf32>
        %swap3A_1449 = vector.shape_cast %sub3A_1442 : vector<16xf32> to vector<1x1x16xf32>
        tpu.vector_store %arg13[%swap3A_1444, %swap3A_1445, %swap3A_1446], %swap3A_1449 {strides = array<i32>} : memref<8x20x128xf32, #tpu.memory_space<vmem>>, vector<1x1x16xf32>,
        %mul3A_1450 = arith.constant 20 : i32
        %mul3A_1451 = arith.muli %scan3A_356, %mul3A_1450 : i32
        %add3A_1452 = arith.constant 7 : i32
        %add3A_1453 = arith.addi %mul3A_1451, %add3A_1452 : i32
        %get3A_1454 = arith.index_cast %add3A_1453 : i32 to index
        %get3A_1455 = arith.constant 32 : index
        %get3A_1456 = tpu.vector_load %arg9[%get3A_1454, %get3A_1455] {strides = array<i32>} : memref<160x128xf32, #tpu.memory_space<vmem>>, vector<1x16xf32>,
        %get3A_1457 = vector.shape_cast %get3A_1456 : vector<1x16xf32> to vector<16xf32>
        %swap3A_1458 = arith.constant 7 : i32
        %swap3A_1459 = arith.index_cast %scan3A_356 : i32 to index
        %swap3A_1460 = arith.index_cast %swap3A_1458 : i32 to index
        %swap3A_1461 = arith.constant 32 : index
        %swap3A_1462 = tpu.vector_load %arg13[%swap3A_1459, %swap3A_1460, %swap3A_1461] {strides = array<i32>} : memref<8x20x128xf32, #tpu.memory_space<vmem>>, vector<1x1x16xf32>,
        %swap3A_1463 = vector.shape_cast %swap3A_1462 : vector<1x1x16xf32> to vector<16xf32>
        %swap3A_1464 = vector.shape_cast %get3A_1288 : vector<16xf32> to vector<1x1x16xf32>
        tpu.vector_store %arg13[%swap3A_1459, %swap3A_1460, %swap3A_1461], %swap3A_1464 {strides = array<i32>} : memref<8x20x128xf32, #tpu.memory_space<vmem>>, vector<1x1x16xf32>,
        %sub3A_1465 = arith.subf %get3A_1457, %get3A_1288 : vector<16xf32>
        %swap3A_1466 = arith.constant 7 : i32
        %swap3A_1467 = arith.index_cast %scan3A_356 : i32 to index
        %swap3A_1468 = arith.index_cast %swap3A_1466 : i32 to index
        %swap3A_1469 = arith.constant 96 : index
        %swap3A_1470 = tpu.vector_load %arg13[%swap3A_1467, %swap3A_1468, %swap3A_1469] {strides = array<i32>} : memref<8x20x128xf32, #tpu.memory_space<vmem>>, vector<1x1x16xf32>,
        %swap3A_1471 = vector.shape_cast %swap3A_1470 : vector<1x1x16xf32> to vector<16xf32>
        %swap3A_1472 = vector.shape_cast %sub3A_1465 : vector<16xf32> to vector<1x1x16xf32>
        tpu.vector_store %arg13[%swap3A_1467, %swap3A_1468, %swap3A_1469], %swap3A_1472 {strides = array<i32>} : memref<8x20x128xf32, #tpu.memory_space<vmem>>, vector<1x1x16xf32>,
        %mul3A_1473 = arith.constant 20 : i32
        %mul3A_1474 = arith.muli %scan3A_356, %mul3A_1473 : i32
        %add3A_1475 = arith.constant 8 : i32
        %add3A_1476 = arith.addi %mul3A_1474, %add3A_1475 : i32
        %get3A_1477 = arith.index_cast %add3A_1476 : i32 to index
        %get3A_1478 = arith.constant 32 : index
        %get3A_1479 = tpu.vector_load %arg9[%get3A_1477, %get3A_1478] {strides = array<i32>} : memref<160x128xf32, #tpu.memory_space<vmem>>, vector<1x16xf32>,
        %get3A_1480 = vector.shape_cast %get3A_1479 : vector<1x16xf32> to vector<16xf32>
        %swap3A_1481 = arith.constant 8 : i32
        %swap3A_1482 = arith.index_cast %scan3A_356 : i32 to index
        %swap3A_1483 = arith.index_cast %swap3A_1481 : i32 to index
        %swap3A_1484 = arith.constant 32 : index
        %swap3A_1485 = tpu.vector_load %arg13[%swap3A_1482, %swap3A_1483, %swap3A_1484] {strides = array<i32>} : memref<8x20x128xf32, #tpu.memory_space<vmem>>, vector<1x1x16xf32>,
        %swap3A_1486 = vector.shape_cast %swap3A_1485 : vector<1x1x16xf32> to vector<16xf32>
        %swap3A_1487 = vector.shape_cast %get3A_1288 : vector<16xf32> to vector<1x1x16xf32>
        tpu.vector_store %arg13[%swap3A_1482, %swap3A_1483, %swap3A_1484], %swap3A_1487 {strides = array<i32>} : memref<8x20x128xf32, #tpu.memory_space<vmem>>, vector<1x1x16xf32>,
        %sub3A_1488 = arith.subf %get3A_1480, %get3A_1288 : vector<16xf32>
        %swap3A_1489 = arith.constant 8 : i32
        %swap3A_1490 = arith.index_cast %scan3A_356 : i32 to index
        %swap3A_1491 = arith.index_cast %swap3A_1489 : i32 to index
        %swap3A_1492 = arith.constant 96 : index
        %swap3A_1493 = tpu.vector_load %arg13[%swap3A_1490, %swap3A_1491, %swap3A_1492] {strides = array<i32>} : memref<8x20x128xf32, #tpu.memory_space<vmem>>, vector<1x1x16xf32>,
        %swap3A_1494 = vector.shape_cast %swap3A_1493 : vector<1x1x16xf32> to vector<16xf32>
        %swap3A_1495 = vector.shape_cast %sub3A_1488 : vector<16xf32> to vector<1x1x16xf32>
        tpu.vector_store %arg13[%swap3A_1490, %swap3A_1491, %swap3A_1492], %swap3A_1495 {strides = array<i32>} : memref<8x20x128xf32, #tpu.memory_space<vmem>>, vector<1x1x16xf32>,
        %mul3A_1496 = arith.constant 20 : i32
        %mul3A_1497 = arith.muli %scan3A_356, %mul3A_1496 : i32
        %add3A_1498 = arith.constant 9 : i32
        %add3A_1499 = arith.addi %mul3A_1497, %add3A_1498 : i32
        %get3A_1500 = arith.index_cast %add3A_1499 : i32 to index
        %get3A_1501 = arith.constant 32 : index
        %get3A_1502 = tpu.vector_load %arg9[%get3A_1500, %get3A_1501] {strides = array<i32>} : memref<160x128xf32, #tpu.memory_space<vmem>>, vector<1x16xf32>,
        %get3A_1503 = vector.shape_cast %get3A_1502 : vector<1x16xf32> to vector<16xf32>
        %swap3A_1504 = arith.constant 9 : i32
        %swap3A_1505 = arith.index_cast %scan3A_356 : i32 to index
        %swap3A_1506 = arith.index_cast %swap3A_1504 : i32 to index
        %swap3A_1507 = arith.constant 32 : index
        %swap3A_1508 = tpu.vector_load %arg13[%swap3A_1505, %swap3A_1506, %swap3A_1507] {strides = array<i32>} : memref<8x20x128xf32, #tpu.memory_space<vmem>>, vector<1x1x16xf32>,
        %swap3A_1509 = vector.shape_cast %swap3A_1508 : vector<1x1x16xf32> to vector<16xf32>
        %swap3A_1510 = vector.shape_cast %get3A_1288 : vector<16xf32> to vector<1x1x16xf32>
        tpu.vector_store %arg13[%swap3A_1505, %swap3A_1506, %swap3A_1507], %swap3A_1510 {strides = array<i32>} : memref<8x20x128xf32, #tpu.memory_space<vmem>>, vector<1x1x16xf32>,
        %sub3A_1511 = arith.subf %get3A_1503, %get3A_1288 : vector<16xf32>
        %swap3A_1512 = arith.constant 9 : i32
        %swap3A_1513 = arith.index_cast %scan3A_356 : i32 to index
        %swap3A_1514 = arith.index_cast %swap3A_1512 : i32 to index
        %swap3A_1515 = arith.constant 96 : index
        %swap3A_1516 = tpu.vector_load %arg13[%swap3A_1513, %swap3A_1514, %swap3A_1515] {strides = array<i32>} : memref<8x20x128xf32, #tpu.memory_space<vmem>>, vector<1x1x16xf32>,
        %swap3A_1517 = vector.shape_cast %swap3A_1516 : vector<1x1x16xf32> to vector<16xf32>
        %swap3A_1518 = vector.shape_cast %sub3A_1511 : vector<16xf32> to vector<1x1x16xf32>
        tpu.vector_store %arg13[%swap3A_1513, %swap3A_1514, %swap3A_1515], %swap3A_1518 {strides = array<i32>} : memref<8x20x128xf32, #tpu.memory_space<vmem>>, vector<1x1x16xf32>,
        %mul3A_1519 = arith.constant 20 : i32
        %mul3A_1520 = arith.muli %scan3A_356, %mul3A_1519 : i32
        %add3A_1521 = arith.constant 10 : i32
        %add3A_1522 = arith.addi %mul3A_1520, %add3A_1521 : i32
        %get3A_1523 = arith.index_cast %add3A_1522 : i32 to index
        %get3A_1524 = arith.constant 32 : index
        %get3A_1525 = tpu.vector_load %arg9[%get3A_1523, %get3A_1524] {strides = array<i32>} : memref<160x128xf32, #tpu.memory_space<vmem>>, vector<1x16xf32>,
        %get3A_1526 = vector.shape_cast %get3A_1525 : vector<1x16xf32> to vector<16xf32>
        %swap3A_1527 = arith.constant 10 : i32
        %swap3A_1528 = arith.index_cast %scan3A_356 : i32 to index
        %swap3A_1529 = arith.index_cast %swap3A_1527 : i32 to index
        %swap3A_1530 = arith.constant 32 : index
        %swap3A_1531 = tpu.vector_load %arg13[%swap3A_1528, %swap3A_1529, %swap3A_1530] {strides = array<i32>} : memref<8x20x128xf32, #tpu.memory_space<vmem>>, vector<1x1x16xf32>,
        %swap3A_1532 = vector.shape_cast %swap3A_1531 : vector<1x1x16xf32> to vector<16xf32>
        %swap3A_1533 = vector.shape_cast %get3A_1288 : vector<16xf32> to vector<1x1x16xf32>
        tpu.vector_store %arg13[%swap3A_1528, %swap3A_1529, %swap3A_1530], %swap3A_1533 {strides = array<i32>} : memref<8x20x128xf32, #tpu.memory_space<vmem>>, vector<1x1x16xf32>,
        %sub3A_1534 = arith.subf %get3A_1526, %get3A_1288 : vector<16xf32>
        %swap3A_1535 = arith.constant 10 : i32
        %swap3A_1536 = arith.index_cast %scan3A_356 : i32 to index
        %swap3A_1537 = arith.index_cast %swap3A_1535 : i32 to index
        %swap3A_1538 = arith.constant 96 : index
        %swap3A_1539 = tpu.vector_load %arg13[%swap3A_1536, %swap3A_1537, %swap3A_1538] {strides = array<i32>} : memref<8x20x128xf32, #tpu.memory_space<vmem>>, vector<1x1x16xf32>,
        %swap3A_1540 = vector.shape_cast %swap3A_1539 : vector<1x1x16xf32> to vector<16xf32>
        %swap3A_1541 = vector.shape_cast %sub3A_1534 : vector<16xf32> to vector<1x1x16xf32>
        tpu.vector_store %arg13[%swap3A_1536, %swap3A_1537, %swap3A_1538], %swap3A_1541 {strides = array<i32>} : memref<8x20x128xf32, #tpu.memory_space<vmem>>, vector<1x1x16xf32>,
        %mul3A_1542 = arith.constant 20 : i32
        %mul3A_1543 = arith.muli %scan3A_356, %mul3A_1542 : i32
        %add3A_1544 = arith.constant 11 : i32
        %add3A_1545 = arith.addi %mul3A_1543, %add3A_1544 : i32
        %get3A_1546 = arith.index_cast %add3A_1545 : i32 to index
        %get3A_1547 = arith.constant 32 : index
        %get3A_1548 = tpu.vector_load %arg9[%get3A_1546, %get3A_1547] {strides = array<i32>} : memref<160x128xf32, #tpu.memory_space<vmem>>, vector<1x16xf32>,
        %get3A_1549 = vector.shape_cast %get3A_1548 : vector<1x16xf32> to vector<16xf32>
        %swap3A_1550 = arith.constant 11 : i32
        %swap3A_1551 = arith.index_cast %scan3A_356 : i32 to index
        %swap3A_1552 = arith.index_cast %swap3A_1550 : i32 to index
        %swap3A_1553 = arith.constant 32 : index
        %swap3A_1554 = tpu.vector_load %arg13[%swap3A_1551, %swap3A_1552, %swap3A_1553] {strides = array<i32>} : memref<8x20x128xf32, #tpu.memory_space<vmem>>, vector<1x1x16xf32>,
        %swap3A_1555 = vector.shape_cast %swap3A_1554 : vector<1x1x16xf32> to vector<16xf32>
        %swap3A_1556 = vector.shape_cast %get3A_1288 : vector<16xf32> to vector<1x1x16xf32>
        tpu.vector_store %arg13[%swap3A_1551, %swap3A_1552, %swap3A_1553], %swap3A_1556 {strides = array<i32>} : memref<8x20x128xf32, #tpu.memory_space<vmem>>, vector<1x1x16xf32>,
        %sub3A_1557 = arith.subf %get3A_1549, %get3A_1288 : vector<16xf32>
        %swap3A_1558 = arith.constant 11 : i32
        %swap3A_1559 = arith.index_cast %scan3A_356 : i32 to index
        %swap3A_1560 = arith.index_cast %swap3A_1558 : i32 to index
        %swap3A_1561 = arith.constant 96 : index
        %swap3A_1562 = tpu.vector_load %arg13[%swap3A_1559, %swap3A_1560, %swap3A_1561] {strides = array<i32>} : memref<8x20x128xf32, #tpu.memory_space<vmem>>, vector<1x1x16xf32>,
        %swap3A_1563 = vector.shape_cast %swap3A_1562 : vector<1x1x16xf32> to vector<16xf32>
        %swap3A_1564 = vector.shape_cast %sub3A_1557 : vector<16xf32> to vector<1x1x16xf32>
        tpu.vector_store %arg13[%swap3A_1559, %swap3A_1560, %swap3A_1561], %swap3A_1564 {strides = array<i32>} : memref<8x20x128xf32, #tpu.memory_space<vmem>>, vector<1x1x16xf32>,
        %mul3A_1565 = arith.constant 20 : i32
        %mul3A_1566 = arith.muli %scan3A_356, %mul3A_1565 : i32
        %add3A_1567 = arith.constant 12 : i32
        %add3A_1568 = arith.addi %mul3A_1566, %add3A_1567 : i32
        %get3A_1569 = arith.index_cast %add3A_1568 : i32 to index
        %get3A_1570 = arith.constant 32 : index
        %get3A_1571 = tpu.vector_load %arg9[%get3A_1569, %get3A_1570] {strides = array<i32>} : memref<160x128xf32, #tpu.memory_space<vmem>>, vector<1x16xf32>,
        %get3A_1572 = vector.shape_cast %get3A_1571 : vector<1x16xf32> to vector<16xf32>
        %swap3A_1573 = arith.constant 12 : i32
        %swap3A_1574 = arith.index_cast %scan3A_356 : i32 to index
        %swap3A_1575 = arith.index_cast %swap3A_1573 : i32 to index
        %swap3A_1576 = arith.constant 32 : index
        %swap3A_1577 = tpu.vector_load %arg13[%swap3A_1574, %swap3A_1575, %swap3A_1576] {strides = array<i32>} : memref<8x20x128xf32, #tpu.memory_space<vmem>>, vector<1x1x16xf32>,
        %swap3A_1578 = vector.shape_cast %swap3A_1577 : vector<1x1x16xf32> to vector<16xf32>
        %swap3A_1579 = vector.shape_cast %get3A_1288 : vector<16xf32> to vector<1x1x16xf32>
        tpu.vector_store %arg13[%swap3A_1574, %swap3A_1575, %swap3A_1576], %swap3A_1579 {strides = array<i32>} : memref<8x20x128xf32, #tpu.memory_space<vmem>>, vector<1x1x16xf32>,
        %sub3A_1580 = arith.subf %get3A_1572, %get3A_1288 : vector<16xf32>
        %swap3A_1581 = arith.constant 12 : i32
        %swap3A_1582 = arith.index_cast %scan3A_356 : i32 to index
        %swap3A_1583 = arith.index_cast %swap3A_1581 : i32 to index
        %swap3A_1584 = arith.constant 96 : index
        %swap3A_1585 = tpu.vector_load %arg13[%swap3A_1582, %swap3A_1583, %swap3A_1584] {strides = array<i32>} : memref<8x20x128xf32, #tpu.memory_space<vmem>>, vector<1x1x16xf32>,
        %swap3A_1586 = vector.shape_cast %swap3A_1585 : vector<1x1x16xf32> to vector<16xf32>
        %swap3A_1587 = vector.shape_cast %sub3A_1580 : vector<16xf32> to vector<1x1x16xf32>
        tpu.vector_store %arg13[%swap3A_1582, %swap3A_1583, %swap3A_1584], %swap3A_1587 {strides = array<i32>} : memref<8x20x128xf32, #tpu.memory_space<vmem>>, vector<1x1x16xf32>,
        %mul3A_1588 = arith.constant 20 : i32
        %mul3A_1589 = arith.muli %scan3A_356, %mul3A_1588 : i32
        %add3A_1590 = arith.constant 13 : i32
        %add3A_1591 = arith.addi %mul3A_1589, %add3A_1590 : i32
        %get3A_1592 = arith.index_cast %add3A_1591 : i32 to index
        %get3A_1593 = arith.constant 32 : index
        %get3A_1594 = tpu.vector_load %arg9[%get3A_1592, %get3A_1593] {strides = array<i32>} : memref<160x128xf32, #tpu.memory_space<vmem>>, vector<1x16xf32>,
        %get3A_1595 = vector.shape_cast %get3A_1594 : vector<1x16xf32> to vector<16xf32>
        %swap3A_1596 = arith.constant 13 : i32
        %swap3A_1597 = arith.index_cast %scan3A_356 : i32 to index
        %swap3A_1598 = arith.index_cast %swap3A_1596 : i32 to index
        %swap3A_1599 = arith.constant 32 : index
        %swap3A_1600 = tpu.vector_load %arg13[%swap3A_1597, %swap3A_1598, %swap3A_1599] {strides = array<i32>} : memref<8x20x128xf32, #tpu.memory_space<vmem>>, vector<1x1x16xf32>,
        %swap3A_1601 = vector.shape_cast %swap3A_1600 : vector<1x1x16xf32> to vector<16xf32>
        %swap3A_1602 = vector.shape_cast %get3A_1288 : vector<16xf32> to vector<1x1x16xf32>
        tpu.vector_store %arg13[%swap3A_1597, %swap3A_1598, %swap3A_1599], %swap3A_1602 {strides = array<i32>} : memref<8x20x128xf32, #tpu.memory_space<vmem>>, vector<1x1x16xf32>,
        %sub3A_1603 = arith.subf %get3A_1595, %get3A_1288 : vector<16xf32>
        %swap3A_1604 = arith.constant 13 : i32
        %swap3A_1605 = arith.index_cast %scan3A_356 : i32 to index
        %swap3A_1606 = arith.index_cast %swap3A_1604 : i32 to index
        %swap3A_1607 = arith.constant 96 : index
        %swap3A_1608 = tpu.vector_load %arg13[%swap3A_1605, %swap3A_1606, %swap3A_1607] {strides = array<i32>} : memref<8x20x128xf32, #tpu.memory_space<vmem>>, vector<1x1x16xf32>,
        %swap3A_1609 = vector.shape_cast %swap3A_1608 : vector<1x1x16xf32> to vector<16xf32>
        %swap3A_1610 = vector.shape_cast %sub3A_1603 : vector<16xf32> to vector<1x1x16xf32>
        tpu.vector_store %arg13[%swap3A_1605, %swap3A_1606, %swap3A_1607], %swap3A_1610 {strides = array<i32>} : memref<8x20x128xf32, #tpu.memory_space<vmem>>, vector<1x1x16xf32>,
        %mul3A_1611 = arith.constant 20 : i32
        %mul3A_1612 = arith.muli %scan3A_356, %mul3A_1611 : i32
        %add3A_1613 = arith.constant 14 : i32
        %add3A_1614 = arith.addi %mul3A_1612, %add3A_1613 : i32
        %get3A_1615 = arith.index_cast %add3A_1614 : i32 to index
        %get3A_1616 = arith.constant 32 : index
        %get3A_1617 = tpu.vector_load %arg9[%get3A_1615, %get3A_1616] {strides = array<i32>} : memref<160x128xf32, #tpu.memory_space<vmem>>, vector<1x16xf32>,
        %get3A_1618 = vector.shape_cast %get3A_1617 : vector<1x16xf32> to vector<16xf32>
        %swap3A_1619 = arith.constant 14 : i32
        %swap3A_1620 = arith.index_cast %scan3A_356 : i32 to index
        %swap3A_1621 = arith.index_cast %swap3A_1619 : i32 to index
        %swap3A_1622 = arith.constant 32 : index
        %swap3A_1623 = tpu.vector_load %arg13[%swap3A_1620, %swap3A_1621, %swap3A_1622] {strides = array<i32>} : memref<8x20x128xf32, #tpu.memory_space<vmem>>, vector<1x1x16xf32>,
        %swap3A_1624 = vector.shape_cast %swap3A_1623 : vector<1x1x16xf32> to vector<16xf32>
        %swap3A_1625 = vector.shape_cast %get3A_1288 : vector<16xf32> to vector<1x1x16xf32>
        tpu.vector_store %arg13[%swap3A_1620, %swap3A_1621, %swap3A_1622], %swap3A_1625 {strides = array<i32>} : memref<8x20x128xf32, #tpu.memory_space<vmem>>, vector<1x1x16xf32>,
        %sub3A_1626 = arith.subf %get3A_1618, %get3A_1288 : vector<16xf32>
        %swap3A_1627 = arith.constant 14 : i32
        %swap3A_1628 = arith.index_cast %scan3A_356 : i32 to index
        %swap3A_1629 = arith.index_cast %swap3A_1627 : i32 to index
        %swap3A_1630 = arith.constant 96 : index
        %swap3A_1631 = tpu.vector_load %arg13[%swap3A_1628, %swap3A_1629, %swap3A_1630] {strides = array<i32>} : memref<8x20x128xf32, #tpu.memory_space<vmem>>, vector<1x1x16xf32>,
        %swap3A_1632 = vector.shape_cast %swap3A_1631 : vector<1x1x16xf32> to vector<16xf32>
        %swap3A_1633 = vector.shape_cast %sub3A_1626 : vector<16xf32> to vector<1x1x16xf32>
        tpu.vector_store %arg13[%swap3A_1628, %swap3A_1629, %swap3A_1630], %swap3A_1633 {strides = array<i32>} : memref<8x20x128xf32, #tpu.memory_space<vmem>>, vector<1x1x16xf32>,
        %mul3A_1634 = arith.constant 20 : i32
        %mul3A_1635 = arith.muli %scan3A_356, %mul3A_1634 : i32
        %add3A_1636 = arith.constant 15 : i32
        %add3A_1637 = arith.addi %mul3A_1635, %add3A_1636 : i32
        %get3A_1638 = arith.index_cast %add3A_1637 : i32 to index
        %get3A_1639 = arith.constant 32 : index
        %get3A_1640 = tpu.vector_load %arg9[%get3A_1638, %get3A_1639] {strides = array<i32>} : memref<160x128xf32, #tpu.memory_space<vmem>>, vector<1x16xf32>,
        %get3A_1641 = vector.shape_cast %get3A_1640 : vector<1x16xf32> to vector<16xf32>
        %swap3A_1642 = arith.constant 15 : i32
        %swap3A_1643 = arith.index_cast %scan3A_356 : i32 to index
        %swap3A_1644 = arith.index_cast %swap3A_1642 : i32 to index
        %swap3A_1645 = arith.constant 32 : index
        %swap3A_1646 = tpu.vector_load %arg13[%swap3A_1643, %swap3A_1644, %swap3A_1645] {strides = array<i32>} : memref<8x20x128xf32, #tpu.memory_space<vmem>>, vector<1x1x16xf32>,
        %swap3A_1647 = vector.shape_cast %swap3A_1646 : vector<1x1x16xf32> to vector<16xf32>
        %swap3A_1648 = vector.shape_cast %get3A_1288 : vector<16xf32> to vector<1x1x16xf32>
        tpu.vector_store %arg13[%swap3A_1643, %swap3A_1644, %swap3A_1645], %swap3A_1648 {strides = array<i32>} : memref<8x20x128xf32, #tpu.memory_space<vmem>>, vector<1x1x16xf32>,
        %sub3A_1649 = arith.subf %get3A_1641, %get3A_1288 : vector<16xf32>
        %swap3A_1650 = arith.constant 15 : i32
        %swap3A_1651 = arith.index_cast %scan3A_356 : i32 to index
        %swap3A_1652 = arith.index_cast %swap3A_1650 : i32 to index
        %swap3A_1653 = arith.constant 96 : index
        %swap3A_1654 = tpu.vector_load %arg13[%swap3A_1651, %swap3A_1652, %swap3A_1653] {strides = array<i32>} : memref<8x20x128xf32, #tpu.memory_space<vmem>>, vector<1x1x16xf32>,
        %swap3A_1655 = vector.shape_cast %swap3A_1654 : vector<1x1x16xf32> to vector<16xf32>
        %swap3A_1656 = vector.shape_cast %sub3A_1649 : vector<16xf32> to vector<1x1x16xf32>
        tpu.vector_store %arg13[%swap3A_1651, %swap3A_1652, %swap3A_1653], %swap3A_1656 {strides = array<i32>} : memref<8x20x128xf32, #tpu.memory_space<vmem>>, vector<1x1x16xf32>,
        %mul3A_1657 = arith.constant 20 : i32
        %mul3A_1658 = arith.muli %scan3A_356, %mul3A_1657 : i32
        %add3A_1659 = arith.constant 16 : i32
        %add3A_1660 = arith.addi %mul3A_1658, %add3A_1659 : i32
        %get3A_1661 = arith.index_cast %add3A_1660 : i32 to index
        %get3A_1662 = arith.constant 32 : index
        %get3A_1663 = tpu.vector_load %arg9[%get3A_1661, %get3A_1662] {strides = array<i32>} : memref<160x128xf32, #tpu.memory_space<vmem>>, vector<1x16xf32>,
        %get3A_1664 = vector.shape_cast %get3A_1663 : vector<1x16xf32> to vector<16xf32>
        %swap3A_1665 = arith.constant 16 : i32
        %swap3A_1666 = arith.index_cast %scan3A_356 : i32 to index
        %swap3A_1667 = arith.index_cast %swap3A_1665 : i32 to index
        %swap3A_1668 = arith.constant 32 : index
        %swap3A_1669 = tpu.vector_load %arg13[%swap3A_1666, %swap3A_1667, %swap3A_1668] {strides = array<i32>} : memref<8x20x128xf32, #tpu.memory_space<vmem>>, vector<1x1x16xf32>,
        %swap3A_1670 = vector.shape_cast %swap3A_1669 : vector<1x1x16xf32> to vector<16xf32>
        %swap3A_1671 = vector.shape_cast %get3A_1288 : vector<16xf32> to vector<1x1x16xf32>
        tpu.vector_store %arg13[%swap3A_1666, %swap3A_1667, %swap3A_1668], %swap3A_1671 {strides = array<i32>} : memref<8x20x128xf32, #tpu.memory_space<vmem>>, vector<1x1x16xf32>,
        %sub3A_1672 = arith.subf %get3A_1664, %get3A_1288 : vector<16xf32>
        %swap3A_1673 = arith.constant 16 : i32
        %swap3A_1674 = arith.index_cast %scan3A_356 : i32 to index
        %swap3A_1675 = arith.index_cast %swap3A_1673 : i32 to index
        %swap3A_1676 = arith.constant 96 : index
        %swap3A_1677 = tpu.vector_load %arg13[%swap3A_1674, %swap3A_1675, %swap3A_1676] {strides = array<i32>} : memref<8x20x128xf32, #tpu.memory_space<vmem>>, vector<1x1x16xf32>,
        %swap3A_1678 = vector.shape_cast %swap3A_1677 : vector<1x1x16xf32> to vector<16xf32>
        %swap3A_1679 = vector.shape_cast %sub3A_1672 : vector<16xf32> to vector<1x1x16xf32>
        tpu.vector_store %arg13[%swap3A_1674, %swap3A_1675, %swap3A_1676], %swap3A_1679 {strides = array<i32>} : memref<8x20x128xf32, #tpu.memory_space<vmem>>, vector<1x1x16xf32>,
        %mul3A_1680 = arith.constant 20 : i32
        %mul3A_1681 = arith.muli %scan3A_356, %mul3A_1680 : i32
        %add3A_1682 = arith.constant 17 : i32
        %add3A_1683 = arith.addi %mul3A_1681, %add3A_1682 : i32
        %get3A_1684 = arith.index_cast %add3A_1683 : i32 to index
        %get3A_1685 = arith.constant 32 : index
        %get3A_1686 = tpu.vector_load %arg9[%get3A_1684, %get3A_1685] {strides = array<i32>} : memref<160x128xf32, #tpu.memory_space<vmem>>, vector<1x16xf32>,
        %get3A_1687 = vector.shape_cast %get3A_1686 : vector<1x16xf32> to vector<16xf32>
        %swap3A_1688 = arith.constant 17 : i32
        %swap3A_1689 = arith.index_cast %scan3A_356 : i32 to index
        %swap3A_1690 = arith.index_cast %swap3A_1688 : i32 to index
        %swap3A_1691 = arith.constant 32 : index
        %swap3A_1692 = tpu.vector_load %arg13[%swap3A_1689, %swap3A_1690, %swap3A_1691] {strides = array<i32>} : memref<8x20x128xf32, #tpu.memory_space<vmem>>, vector<1x1x16xf32>,
        %swap3A_1693 = vector.shape_cast %swap3A_1692 : vector<1x1x16xf32> to vector<16xf32>
        %swap3A_1694 = vector.shape_cast %get3A_1288 : vector<16xf32> to vector<1x1x16xf32>
        tpu.vector_store %arg13[%swap3A_1689, %swap3A_1690, %swap3A_1691], %swap3A_1694 {strides = array<i32>} : memref<8x20x128xf32, #tpu.memory_space<vmem>>, vector<1x1x16xf32>,
        %sub3A_1695 = arith.subf %get3A_1687, %get3A_1288 : vector<16xf32>
        %swap3A_1696 = arith.constant 17 : i32
        %swap3A_1697 = arith.index_cast %scan3A_356 : i32 to index
        %swap3A_1698 = arith.index_cast %swap3A_1696 : i32 to index
        %swap3A_1699 = arith.constant 96 : index
        %swap3A_1700 = tpu.vector_load %arg13[%swap3A_1697, %swap3A_1698, %swap3A_1699] {strides = array<i32>} : memref<8x20x128xf32, #tpu.memory_space<vmem>>, vector<1x1x16xf32>,
        %swap3A_1701 = vector.shape_cast %swap3A_1700 : vector<1x1x16xf32> to vector<16xf32>
        %swap3A_1702 = vector.shape_cast %sub3A_1695 : vector<16xf32> to vector<1x1x16xf32>
        tpu.vector_store %arg13[%swap3A_1697, %swap3A_1698, %swap3A_1699], %swap3A_1702 {strides = array<i32>} : memref<8x20x128xf32, #tpu.memory_space<vmem>>, vector<1x1x16xf32>,
        %mul3A_1703 = arith.constant 20 : i32
        %mul3A_1704 = arith.muli %scan3A_356, %mul3A_1703 : i32
        %add3A_1705 = arith.constant 18 : i32
        %add3A_1706 = arith.addi %mul3A_1704, %add3A_1705 : i32
        %get3A_1707 = arith.index_cast %add3A_1706 : i32 to index
        %get3A_1708 = arith.constant 32 : index
        %get3A_1709 = tpu.vector_load %arg9[%get3A_1707, %get3A_1708] {strides = array<i32>} : memref<160x128xf32, #tpu.memory_space<vmem>>, vector<1x16xf32>,
        %get3A_1710 = vector.shape_cast %get3A_1709 : vector<1x16xf32> to vector<16xf32>
        %swap3A_1711 = arith.constant 18 : i32
        %swap3A_1712 = arith.index_cast %scan3A_356 : i32 to index
        %swap3A_1713 = arith.index_cast %swap3A_1711 : i32 to index
        %swap3A_1714 = arith.constant 32 : index
        %swap3A_1715 = tpu.vector_load %arg13[%swap3A_1712, %swap3A_1713, %swap3A_1714] {strides = array<i32>} : memref<8x20x128xf32, #tpu.memory_space<vmem>>, vector<1x1x16xf32>,
        %swap3A_1716 = vector.shape_cast %swap3A_1715 : vector<1x1x16xf32> to vector<16xf32>
        %swap3A_1717 = vector.shape_cast %get3A_1288 : vector<16xf32> to vector<1x1x16xf32>
        tpu.vector_store %arg13[%swap3A_1712, %swap3A_1713, %swap3A_1714], %swap3A_1717 {strides = array<i32>} : memref<8x20x128xf32, #tpu.memory_space<vmem>>, vector<1x1x16xf32>,
        %sub3A_1718 = arith.subf %get3A_1710, %get3A_1288 : vector<16xf32>
        %swap3A_1719 = arith.constant 18 : i32
        %swap3A_1720 = arith.index_cast %scan3A_356 : i32 to index
        %swap3A_1721 = arith.index_cast %swap3A_1719 : i32 to index
        %swap3A_1722 = arith.constant 96 : index
        %swap3A_1723 = tpu.vector_load %arg13[%swap3A_1720, %swap3A_1721, %swap3A_1722] {strides = array<i32>} : memref<8x20x128xf32, #tpu.memory_space<vmem>>, vector<1x1x16xf32>,
        %swap3A_1724 = vector.shape_cast %swap3A_1723 : vector<1x1x16xf32> to vector<16xf32>
        %swap3A_1725 = vector.shape_cast %sub3A_1718 : vector<16xf32> to vector<1x1x16xf32>
        tpu.vector_store %arg13[%swap3A_1720, %swap3A_1721, %swap3A_1722], %swap3A_1725 {strides = array<i32>} : memref<8x20x128xf32, #tpu.memory_space<vmem>>, vector<1x1x16xf32>,
        %mul3A_1726 = arith.constant 20 : i32
        %mul3A_1727 = arith.muli %scan3A_356, %mul3A_1726 : i32
        %add3A_1728 = arith.constant 19 : i32
        %add3A_1729 = arith.addi %mul3A_1727, %add3A_1728 : i32
        %get3A_1730 = arith.index_cast %add3A_1729 : i32 to index
        %get3A_1731 = arith.constant 32 : index
        %get3A_1732 = tpu.vector_load %arg9[%get3A_1730, %get3A_1731] {strides = array<i32>} : memref<160x128xf32, #tpu.memory_space<vmem>>, vector<1x16xf32>,
        %get3A_1733 = vector.shape_cast %get3A_1732 : vector<1x16xf32> to vector<16xf32>
        %swap3A_1734 = arith.constant 19 : i32
        %swap3A_1735 = arith.index_cast %scan3A_356 : i32 to index
        %swap3A_1736 = arith.index_cast %swap3A_1734 : i32 to index
        %swap3A_1737 = arith.constant 32 : index
        %swap3A_1738 = tpu.vector_load %arg13[%swap3A_1735, %swap3A_1736, %swap3A_1737] {strides = array<i32>} : memref<8x20x128xf32, #tpu.memory_space<vmem>>, vector<1x1x16xf32>,
        %swap3A_1739 = vector.shape_cast %swap3A_1738 : vector<1x1x16xf32> to vector<16xf32>
        %swap3A_1740 = vector.shape_cast %get3A_1288 : vector<16xf32> to vector<1x1x16xf32>
        tpu.vector_store %arg13[%swap3A_1735, %swap3A_1736, %swap3A_1737], %swap3A_1740 {strides = array<i32>} : memref<8x20x128xf32, #tpu.memory_space<vmem>>, vector<1x1x16xf32>,
        %sub3A_1741 = arith.subf %get3A_1733, %get3A_1288 : vector<16xf32>
        %swap3A_1742 = arith.constant 19 : i32
        %swap3A_1743 = arith.index_cast %scan3A_356 : i32 to index
        %swap3A_1744 = arith.index_cast %swap3A_1742 : i32 to index
        %swap3A_1745 = arith.constant 96 : index
        %swap3A_1746 = tpu.vector_load %arg13[%swap3A_1743, %swap3A_1744, %swap3A_1745] {strides = array<i32>} : memref<8x20x128xf32, #tpu.memory_space<vmem>>, vector<1x1x16xf32>,
        %swap3A_1747 = vector.shape_cast %swap3A_1746 : vector<1x1x16xf32> to vector<16xf32>
        %swap3A_1748 = vector.shape_cast %sub3A_1741 : vector<16xf32> to vector<1x1x16xf32>
        tpu.vector_store %arg13[%swap3A_1743, %swap3A_1744, %swap3A_1745], %swap3A_1748 {strides = array<i32>} : memref<8x20x128xf32, #tpu.memory_space<vmem>>, vector<1x1x16xf32>,
        %get3A_1749 = arith.index_cast %scan3A_356 : i32 to index
        %get3A_1750 = arith.constant 48 : index
        %get3A_1751 = tpu.vector_load %arg11[%get3A_1749, %get3A_1750] {strides = array<i32>} : memref<8x128xf32, #tpu.memory_space<vmem>>, vector<1x16xf32>,
        %get3A_1752 = vector.shape_cast %get3A_1751 : vector<1x16xf32> to vector<16xf32>
        %mul3A_1753 = arith.constant 20 : i32
        %mul3A_1754 = arith.muli %scan3A_356, %mul3A_1753 : i32
        %add3A_1755 = arith.constant 0 : i32
        %add3A_1756 = arith.addi %mul3A_1754, %add3A_1755 : i32
        %get3A_1757 = arith.index_cast %add3A_1756 : i32 to index
        %get3A_1758 = arith.constant 48 : index
        %get3A_1759 = tpu.vector_load %arg9[%get3A_1757, %get3A_1758] {strides = array<i32>} : memref<160x128xf32, #tpu.memory_space<vmem>>, vector<1x16xf32>,
        %get3A_1760 = vector.shape_cast %get3A_1759 : vector<1x16xf32> to vector<16xf32>
        %swap3A_1761 = arith.constant 0 : i32
        %swap3A_1762 = arith.index_cast %scan3A_356 : i32 to index
        %swap3A_1763 = arith.index_cast %swap3A_1761 : i32 to index
        %swap3A_1764 = arith.constant 48 : index
        %swap3A_1765 = tpu.vector_load %arg13[%swap3A_1762, %swap3A_1763, %swap3A_1764] {strides = array<i32>} : memref<8x20x128xf32, #tpu.memory_space<vmem>>, vector<1x1x16xf32>,
        %swap3A_1766 = vector.shape_cast %swap3A_1765 : vector<1x1x16xf32> to vector<16xf32>
        %swap3A_1767 = vector.shape_cast %get3A_1752 : vector<16xf32> to vector<1x1x16xf32>
        tpu.vector_store %arg13[%swap3A_1762, %swap3A_1763, %swap3A_1764], %swap3A_1767 {strides = array<i32>} : memref<8x20x128xf32, #tpu.memory_space<vmem>>, vector<1x1x16xf32>,
        %sub3A_1768 = arith.subf %get3A_1760, %get3A_1752 : vector<16xf32>
        %swap3A_1769 = arith.constant 0 : i32
        %swap3A_1770 = arith.index_cast %scan3A_356 : i32 to index
        %swap3A_1771 = arith.index_cast %swap3A_1769 : i32 to index
        %swap3A_1772 = arith.constant 112 : index
        %swap3A_1773 = tpu.vector_load %arg13[%swap3A_1770, %swap3A_1771, %swap3A_1772] {strides = array<i32>} : memref<8x20x128xf32, #tpu.memory_space<vmem>>, vector<1x1x16xf32>,
        %swap3A_1774 = vector.shape_cast %swap3A_1773 : vector<1x1x16xf32> to vector<16xf32>
        %swap3A_1775 = vector.shape_cast %sub3A_1768 : vector<16xf32> to vector<1x1x16xf32>
        tpu.vector_store %arg13[%swap3A_1770, %swap3A_1771, %swap3A_1772], %swap3A_1775 {strides = array<i32>} : memref<8x20x128xf32, #tpu.memory_space<vmem>>, vector<1x1x16xf32>,
        %mul3A_1776 = arith.constant 20 : i32
        %mul3A_1777 = arith.muli %scan3A_356, %mul3A_1776 : i32
        %add3A_1778 = arith.constant 1 : i32
        %add3A_1779 = arith.addi %mul3A_1777, %add3A_1778 : i32
        %get3A_1780 = arith.index_cast %add3A_1779 : i32 to index
        %get3A_1781 = arith.constant 48 : index
        %get3A_1782 = tpu.vector_load %arg9[%get3A_1780, %get3A_1781] {strides = array<i32>} : memref<160x128xf32, #tpu.memory_space<vmem>>, vector<1x16xf32>,
        %get3A_1783 = vector.shape_cast %get3A_1782 : vector<1x16xf32> to vector<16xf32>
        %swap3A_1784 = arith.constant 1 : i32
        %swap3A_1785 = arith.index_cast %scan3A_356 : i32 to index
        %swap3A_1786 = arith.index_cast %swap3A_1784 : i32 to index
        %swap3A_1787 = arith.constant 48 : index
        %swap3A_1788 = tpu.vector_load %arg13[%swap3A_1785, %swap3A_1786, %swap3A_1787] {strides = array<i32>} : memref<8x20x128xf32, #tpu.memory_space<vmem>>, vector<1x1x16xf32>,
        %swap3A_1789 = vector.shape_cast %swap3A_1788 : vector<1x1x16xf32> to vector<16xf32>
        %swap3A_1790 = vector.shape_cast %get3A_1752 : vector<16xf32> to vector<1x1x16xf32>
        tpu.vector_store %arg13[%swap3A_1785, %swap3A_1786, %swap3A_1787], %swap3A_1790 {strides = array<i32>} : memref<8x20x128xf32, #tpu.memory_space<vmem>>, vector<1x1x16xf32>,
        %sub3A_1791 = arith.subf %get3A_1783, %get3A_1752 : vector<16xf32>
        %swap3A_1792 = arith.constant 1 : i32
        %swap3A_1793 = arith.index_cast %scan3A_356 : i32 to index
        %swap3A_1794 = arith.index_cast %swap3A_1792 : i32 to index
        %swap3A_1795 = arith.constant 112 : index
        %swap3A_1796 = tpu.vector_load %arg13[%swap3A_1793, %swap3A_1794, %swap3A_1795] {strides = array<i32>} : memref<8x20x128xf32, #tpu.memory_space<vmem>>, vector<1x1x16xf32>,
        %swap3A_1797 = vector.shape_cast %swap3A_1796 : vector<1x1x16xf32> to vector<16xf32>
        %swap3A_1798 = vector.shape_cast %sub3A_1791 : vector<16xf32> to vector<1x1x16xf32>
        tpu.vector_store %arg13[%swap3A_1793, %swap3A_1794, %swap3A_1795], %swap3A_1798 {strides = array<i32>} : memref<8x20x128xf32, #tpu.memory_space<vmem>>, vector<1x1x16xf32>,
        %mul3A_1799 = arith.constant 20 : i32
        %mul3A_1800 = arith.muli %scan3A_356, %mul3A_1799 : i32
        %add3A_1801 = arith.constant 2 : i32
        %add3A_1802 = arith.addi %mul3A_1800, %add3A_1801 : i32
        %get3A_1803 = arith.index_cast %add3A_1802 : i32 to index
        %get3A_1804 = arith.constant 48 : index
        %get3A_1805 = tpu.vector_load %arg9[%get3A_1803, %get3A_1804] {strides = array<i32>} : memref<160x128xf32, #tpu.memory_space<vmem>>, vector<1x16xf32>,
        %get3A_1806 = vector.shape_cast %get3A_1805 : vector<1x16xf32> to vector<16xf32>
        %swap3A_1807 = arith.constant 2 : i32
        %swap3A_1808 = arith.index_cast %scan3A_356 : i32 to index
        %swap3A_1809 = arith.index_cast %swap3A_1807 : i32 to index
        %swap3A_1810 = arith.constant 48 : index
        %swap3A_1811 = tpu.vector_load %arg13[%swap3A_1808, %swap3A_1809, %swap3A_1810] {strides = array<i32>} : memref<8x20x128xf32, #tpu.memory_space<vmem>>, vector<1x1x16xf32>,
        %swap3A_1812 = vector.shape_cast %swap3A_1811 : vector<1x1x16xf32> to vector<16xf32>
        %swap3A_1813 = vector.shape_cast %get3A_1752 : vector<16xf32> to vector<1x1x16xf32>
        tpu.vector_store %arg13[%swap3A_1808, %swap3A_1809, %swap3A_1810], %swap3A_1813 {strides = array<i32>} : memref<8x20x128xf32, #tpu.memory_space<vmem>>, vector<1x1x16xf32>,
        %sub3A_1814 = arith.subf %get3A_1806, %get3A_1752 : vector<16xf32>
        %swap3A_1815 = arith.constant 2 : i32
        %swap3A_1816 = arith.index_cast %scan3A_356 : i32 to index
        %swap3A_1817 = arith.index_cast %swap3A_1815 : i32 to index
        %swap3A_1818 = arith.constant 112 : index
        %swap3A_1819 = tpu.vector_load %arg13[%swap3A_1816, %swap3A_1817, %swap3A_1818] {strides = array<i32>} : memref<8x20x128xf32, #tpu.memory_space<vmem>>, vector<1x1x16xf32>,
        %swap3A_1820 = vector.shape_cast %swap3A_1819 : vector<1x1x16xf32> to vector<16xf32>
        %swap3A_1821 = vector.shape_cast %sub3A_1814 : vector<16xf32> to vector<1x1x16xf32>
        tpu.vector_store %arg13[%swap3A_1816, %swap3A_1817, %swap3A_1818], %swap3A_1821 {strides = array<i32>} : memref<8x20x128xf32, #tpu.memory_space<vmem>>, vector<1x1x16xf32>,
        %mul3A_1822 = arith.constant 20 : i32
        %mul3A_1823 = arith.muli %scan3A_356, %mul3A_1822 : i32
        %add3A_1824 = arith.constant 3 : i32
        %add3A_1825 = arith.addi %mul3A_1823, %add3A_1824 : i32
        %get3A_1826 = arith.index_cast %add3A_1825 : i32 to index
        %get3A_1827 = arith.constant 48 : index
        %get3A_1828 = tpu.vector_load %arg9[%get3A_1826, %get3A_1827] {strides = array<i32>} : memref<160x128xf32, #tpu.memory_space<vmem>>, vector<1x16xf32>,
        %get3A_1829 = vector.shape_cast %get3A_1828 : vector<1x16xf32> to vector<16xf32>
        %swap3A_1830 = arith.constant 3 : i32
        %swap3A_1831 = arith.index_cast %scan3A_356 : i32 to index
        %swap3A_1832 = arith.index_cast %swap3A_1830 : i32 to index
        %swap3A_1833 = arith.constant 48 : index
        %swap3A_1834 = tpu.vector_load %arg13[%swap3A_1831, %swap3A_1832, %swap3A_1833] {strides = array<i32>} : memref<8x20x128xf32, #tpu.memory_space<vmem>>, vector<1x1x16xf32>,
        %swap3A_1835 = vector.shape_cast %swap3A_1834 : vector<1x1x16xf32> to vector<16xf32>
        %swap3A_1836 = vector.shape_cast %get3A_1752 : vector<16xf32> to vector<1x1x16xf32>
        tpu.vector_store %arg13[%swap3A_1831, %swap3A_1832, %swap3A_1833], %swap3A_1836 {strides = array<i32>} : memref<8x20x128xf32, #tpu.memory_space<vmem>>, vector<1x1x16xf32>,
        %sub3A_1837 = arith.subf %get3A_1829, %get3A_1752 : vector<16xf32>
        %swap3A_1838 = arith.constant 3 : i32
        %swap3A_1839 = arith.index_cast %scan3A_356 : i32 to index
        %swap3A_1840 = arith.index_cast %swap3A_1838 : i32 to index
        %swap3A_1841 = arith.constant 112 : index
        %swap3A_1842 = tpu.vector_load %arg13[%swap3A_1839, %swap3A_1840, %swap3A_1841] {strides = array<i32>} : memref<8x20x128xf32, #tpu.memory_space<vmem>>, vector<1x1x16xf32>,
        %swap3A_1843 = vector.shape_cast %swap3A_1842 : vector<1x1x16xf32> to vector<16xf32>
        %swap3A_1844 = vector.shape_cast %sub3A_1837 : vector<16xf32> to vector<1x1x16xf32>
        tpu.vector_store %arg13[%swap3A_1839, %swap3A_1840, %swap3A_1841], %swap3A_1844 {strides = array<i32>} : memref<8x20x128xf32, #tpu.memory_space<vmem>>, vector<1x1x16xf32>,
        %mul3A_1845 = arith.constant 20 : i32
        %mul3A_1846 = arith.muli %scan3A_356, %mul3A_1845 : i32
        %add3A_1847 = arith.constant 4 : i32
        %add3A_1848 = arith.addi %mul3A_1846, %add3A_1847 : i32
        %get3A_1849 = arith.index_cast %add3A_1848 : i32 to index
        %get3A_1850 = arith.constant 48 : index
        %get3A_1851 = tpu.vector_load %arg9[%get3A_1849, %get3A_1850] {strides = array<i32>} : memref<160x128xf32, #tpu.memory_space<vmem>>, vector<1x16xf32>,
        %get3A_1852 = vector.shape_cast %get3A_1851 : vector<1x16xf32> to vector<16xf32>
        %swap3A_1853 = arith.constant 4 : i32
        %swap3A_1854 = arith.index_cast %scan3A_356 : i32 to index
        %swap3A_1855 = arith.index_cast %swap3A_1853 : i32 to index
        %swap3A_1856 = arith.constant 48 : index
        %swap3A_1857 = tpu.vector_load %arg13[%swap3A_1854, %swap3A_1855, %swap3A_1856] {strides = array<i32>} : memref<8x20x128xf32, #tpu.memory_space<vmem>>, vector<1x1x16xf32>,
        %swap3A_1858 = vector.shape_cast %swap3A_1857 : vector<1x1x16xf32> to vector<16xf32>
        %swap3A_1859 = vector.shape_cast %get3A_1752 : vector<16xf32> to vector<1x1x16xf32>
        tpu.vector_store %arg13[%swap3A_1854, %swap3A_1855, %swap3A_1856], %swap3A_1859 {strides = array<i32>} : memref<8x20x128xf32, #tpu.memory_space<vmem>>, vector<1x1x16xf32>,
        %sub3A_1860 = arith.subf %get3A_1852, %get3A_1752 : vector<16xf32>
        %swap3A_1861 = arith.constant 4 : i32
        %swap3A_1862 = arith.index_cast %scan3A_356 : i32 to index
        %swap3A_1863 = arith.index_cast %swap3A_1861 : i32 to index
        %swap3A_1864 = arith.constant 112 : index
        %swap3A_1865 = tpu.vector_load %arg13[%swap3A_1862, %swap3A_1863, %swap3A_1864] {strides = array<i32>} : memref<8x20x128xf32, #tpu.memory_space<vmem>>, vector<1x1x16xf32>,
        %swap3A_1866 = vector.shape_cast %swap3A_1865 : vector<1x1x16xf32> to vector<16xf32>
        %swap3A_1867 = vector.shape_cast %sub3A_1860 : vector<16xf32> to vector<1x1x16xf32>
        tpu.vector_store %arg13[%swap3A_1862, %swap3A_1863, %swap3A_1864], %swap3A_1867 {strides = array<i32>} : memref<8x20x128xf32, #tpu.memory_space<vmem>>, vector<1x1x16xf32>,
        %mul3A_1868 = arith.constant 20 : i32
        %mul3A_1869 = arith.muli %scan3A_356, %mul3A_1868 : i32
        %add3A_1870 = arith.constant 5 : i32
        %add3A_1871 = arith.addi %mul3A_1869, %add3A_1870 : i32
        %get3A_1872 = arith.index_cast %add3A_1871 : i32 to index
        %get3A_1873 = arith.constant 48 : index
        %get3A_1874 = tpu.vector_load %arg9[%get3A_1872, %get3A_1873] {strides = array<i32>} : memref<160x128xf32, #tpu.memory_space<vmem>>, vector<1x16xf32>,
        %get3A_1875 = vector.shape_cast %get3A_1874 : vector<1x16xf32> to vector<16xf32>
        %swap3A_1876 = arith.constant 5 : i32
        %swap3A_1877 = arith.index_cast %scan3A_356 : i32 to index
        %swap3A_1878 = arith.index_cast %swap3A_1876 : i32 to index
        %swap3A_1879 = arith.constant 48 : index
        %swap3A_1880 = tpu.vector_load %arg13[%swap3A_1877, %swap3A_1878, %swap3A_1879] {strides = array<i32>} : memref<8x20x128xf32, #tpu.memory_space<vmem>>, vector<1x1x16xf32>,
        %swap3A_1881 = vector.shape_cast %swap3A_1880 : vector<1x1x16xf32> to vector<16xf32>
        %swap3A_1882 = vector.shape_cast %get3A_1752 : vector<16xf32> to vector<1x1x16xf32>
        tpu.vector_store %arg13[%swap3A_1877, %swap3A_1878, %swap3A_1879], %swap3A_1882 {strides = array<i32>} : memref<8x20x128xf32, #tpu.memory_space<vmem>>, vector<1x1x16xf32>,
        %sub3A_1883 = arith.subf %get3A_1875, %get3A_1752 : vector<16xf32>
        %swap3A_1884 = arith.constant 5 : i32
        %swap3A_1885 = arith.index_cast %scan3A_356 : i32 to index
        %swap3A_1886 = arith.index_cast %swap3A_1884 : i32 to index
        %swap3A_1887 = arith.constant 112 : index
        %swap3A_1888 = tpu.vector_load %arg13[%swap3A_1885, %swap3A_1886, %swap3A_1887] {strides = array<i32>} : memref<8x20x128xf32, #tpu.memory_space<vmem>>, vector<1x1x16xf32>,
        %swap3A_1889 = vector.shape_cast %swap3A_1888 : vector<1x1x16xf32> to vector<16xf32>
        %swap3A_1890 = vector.shape_cast %sub3A_1883 : vector<16xf32> to vector<1x1x16xf32>
        tpu.vector_store %arg13[%swap3A_1885, %swap3A_1886, %swap3A_1887], %swap3A_1890 {strides = array<i32>} : memref<8x20x128xf32, #tpu.memory_space<vmem>>, vector<1x1x16xf32>,
        %mul3A_1891 = arith.constant 20 : i32
        %mul3A_1892 = arith.muli %scan3A_356, %mul3A_1891 : i32
        %add3A_1893 = arith.constant 6 : i32
        %add3A_1894 = arith.addi %mul3A_1892, %add3A_1893 : i32
        %get3A_1895 = arith.index_cast %add3A_1894 : i32 to index
        %get3A_1896 = arith.constant 48 : index
        %get3A_1897 = tpu.vector_load %arg9[%get3A_1895, %get3A_1896] {strides = array<i32>} : memref<160x128xf32, #tpu.memory_space<vmem>>, vector<1x16xf32>,
        %get3A_1898 = vector.shape_cast %get3A_1897 : vector<1x16xf32> to vector<16xf32>
        %swap3A_1899 = arith.constant 6 : i32
        %swap3A_1900 = arith.index_cast %scan3A_356 : i32 to index
        %swap3A_1901 = arith.index_cast %swap3A_1899 : i32 to index
        %swap3A_1902 = arith.constant 48 : index
        %swap3A_1903 = tpu.vector_load %arg13[%swap3A_1900, %swap3A_1901, %swap3A_1902] {strides = array<i32>} : memref<8x20x128xf32, #tpu.memory_space<vmem>>, vector<1x1x16xf32>,
        %swap3A_1904 = vector.shape_cast %swap3A_1903 : vector<1x1x16xf32> to vector<16xf32>
        %swap3A_1905 = vector.shape_cast %get3A_1752 : vector<16xf32> to vector<1x1x16xf32>
        tpu.vector_store %arg13[%swap3A_1900, %swap3A_1901, %swap3A_1902], %swap3A_1905 {strides = array<i32>} : memref<8x20x128xf32, #tpu.memory_space<vmem>>, vector<1x1x16xf32>,
        %sub3A_1906 = arith.subf %get3A_1898, %get3A_1752 : vector<16xf32>
        %swap3A_1907 = arith.constant 6 : i32
        %swap3A_1908 = arith.index_cast %scan3A_356 : i32 to index
        %swap3A_1909 = arith.index_cast %swap3A_1907 : i32 to index
        %swap3A_1910 = arith.constant 112 : index
        %swap3A_1911 = tpu.vector_load %arg13[%swap3A_1908, %swap3A_1909, %swap3A_1910] {strides = array<i32>} : memref<8x20x128xf32, #tpu.memory_space<vmem>>, vector<1x1x16xf32>,
        %swap3A_1912 = vector.shape_cast %swap3A_1911 : vector<1x1x16xf32> to vector<16xf32>
        %swap3A_1913 = vector.shape_cast %sub3A_1906 : vector<16xf32> to vector<1x1x16xf32>
        tpu.vector_store %arg13[%swap3A_1908, %swap3A_1909, %swap3A_1910], %swap3A_1913 {strides = array<i32>} : memref<8x20x128xf32, #tpu.memory_space<vmem>>, vector<1x1x16xf32>,
        %mul3A_1914 = arith.constant 20 : i32
        %mul3A_1915 = arith.muli %scan3A_356, %mul3A_1914 : i32
        %add3A_1916 = arith.constant 7 : i32
        %add3A_1917 = arith.addi %mul3A_1915, %add3A_1916 : i32
        %get3A_1918 = arith.index_cast %add3A_1917 : i32 to index
        %get3A_1919 = arith.constant 48 : index
        %get3A_1920 = tpu.vector_load %arg9[%get3A_1918, %get3A_1919] {strides = array<i32>} : memref<160x128xf32, #tpu.memory_space<vmem>>, vector<1x16xf32>,
        %get3A_1921 = vector.shape_cast %get3A_1920 : vector<1x16xf32> to vector<16xf32>
        %swap3A_1922 = arith.constant 7 : i32
        %swap3A_1923 = arith.index_cast %scan3A_356 : i32 to index
        %swap3A_1924 = arith.index_cast %swap3A_1922 : i32 to index
        %swap3A_1925 = arith.constant 48 : index
        %swap3A_1926 = tpu.vector_load %arg13[%swap3A_1923, %swap3A_1924, %swap3A_1925] {strides = array<i32>} : memref<8x20x128xf32, #tpu.memory_space<vmem>>, vector<1x1x16xf32>,
        %swap3A_1927 = vector.shape_cast %swap3A_1926 : vector<1x1x16xf32> to vector<16xf32>
        %swap3A_1928 = vector.shape_cast %get3A_1752 : vector<16xf32> to vector<1x1x16xf32>
        tpu.vector_store %arg13[%swap3A_1923, %swap3A_1924, %swap3A_1925], %swap3A_1928 {strides = array<i32>} : memref<8x20x128xf32, #tpu.memory_space<vmem>>, vector<1x1x16xf32>,
        %sub3A_1929 = arith.subf %get3A_1921, %get3A_1752 : vector<16xf32>
        %swap3A_1930 = arith.constant 7 : i32
        %swap3A_1931 = arith.index_cast %scan3A_356 : i32 to index
        %swap3A_1932 = arith.index_cast %swap3A_1930 : i32 to index
        %swap3A_1933 = arith.constant 112 : index
        %swap3A_1934 = tpu.vector_load %arg13[%swap3A_1931, %swap3A_1932, %swap3A_1933] {strides = array<i32>} : memref<8x20x128xf32, #tpu.memory_space<vmem>>, vector<1x1x16xf32>,
        %swap3A_1935 = vector.shape_cast %swap3A_1934 : vector<1x1x16xf32> to vector<16xf32>
        %swap3A_1936 = vector.shape_cast %sub3A_1929 : vector<16xf32> to vector<1x1x16xf32>
        tpu.vector_store %arg13[%swap3A_1931, %swap3A_1932, %swap3A_1933], %swap3A_1936 {strides = array<i32>} : memref<8x20x128xf32, #tpu.memory_space<vmem>>, vector<1x1x16xf32>,
        %mul3A_1937 = arith.constant 20 : i32
        %mul3A_1938 = arith.muli %scan3A_356, %mul3A_1937 : i32
        %add3A_1939 = arith.constant 8 : i32
        %add3A_1940 = arith.addi %mul3A_1938, %add3A_1939 : i32
        %get3A_1941 = arith.index_cast %add3A_1940 : i32 to index
        %get3A_1942 = arith.constant 48 : index
        %get3A_1943 = tpu.vector_load %arg9[%get3A_1941, %get3A_1942] {strides = array<i32>} : memref<160x128xf32, #tpu.memory_space<vmem>>, vector<1x16xf32>,
        %get3A_1944 = vector.shape_cast %get3A_1943 : vector<1x16xf32> to vector<16xf32>
        %swap3A_1945 = arith.constant 8 : i32
        %swap3A_1946 = arith.index_cast %scan3A_356 : i32 to index
        %swap3A_1947 = arith.index_cast %swap3A_1945 : i32 to index
        %swap3A_1948 = arith.constant 48 : index
        %swap3A_1949 = tpu.vector_load %arg13[%swap3A_1946, %swap3A_1947, %swap3A_1948] {strides = array<i32>} : memref<8x20x128xf32, #tpu.memory_space<vmem>>, vector<1x1x16xf32>,
        %swap3A_1950 = vector.shape_cast %swap3A_1949 : vector<1x1x16xf32> to vector<16xf32>
        %swap3A_1951 = vector.shape_cast %get3A_1752 : vector<16xf32> to vector<1x1x16xf32>
        tpu.vector_store %arg13[%swap3A_1946, %swap3A_1947, %swap3A_1948], %swap3A_1951 {strides = array<i32>} : memref<8x20x128xf32, #tpu.memory_space<vmem>>, vector<1x1x16xf32>,
        %sub3A_1952 = arith.subf %get3A_1944, %get3A_1752 : vector<16xf32>
        %swap3A_1953 = arith.constant 8 : i32
        %swap3A_1954 = arith.index_cast %scan3A_356 : i32 to index
        %swap3A_1955 = arith.index_cast %swap3A_1953 : i32 to index
        %swap3A_1956 = arith.constant 112 : index
        %swap3A_1957 = tpu.vector_load %arg13[%swap3A_1954, %swap3A_1955, %swap3A_1956] {strides = array<i32>} : memref<8x20x128xf32, #tpu.memory_space<vmem>>, vector<1x1x16xf32>,
        %swap3A_1958 = vector.shape_cast %swap3A_1957 : vector<1x1x16xf32> to vector<16xf32>
        %swap3A_1959 = vector.shape_cast %sub3A_1952 : vector<16xf32> to vector<1x1x16xf32>
        tpu.vector_store %arg13[%swap3A_1954, %swap3A_1955, %swap3A_1956], %swap3A_1959 {strides = array<i32>} : memref<8x20x128xf32, #tpu.memory_space<vmem>>, vector<1x1x16xf32>,
        %mul3A_1960 = arith.constant 20 : i32
        %mul3A_1961 = arith.muli %scan3A_356, %mul3A_1960 : i32
        %add3A_1962 = arith.constant 9 : i32
        %add3A_1963 = arith.addi %mul3A_1961, %add3A_1962 : i32
        %get3A_1964 = arith.index_cast %add3A_1963 : i32 to index
        %get3A_1965 = arith.constant 48 : index
        %get3A_1966 = tpu.vector_load %arg9[%get3A_1964, %get3A_1965] {strides = array<i32>} : memref<160x128xf32, #tpu.memory_space<vmem>>, vector<1x16xf32>,
        %get3A_1967 = vector.shape_cast %get3A_1966 : vector<1x16xf32> to vector<16xf32>
        %swap3A_1968 = arith.constant 9 : i32
        %swap3A_1969 = arith.index_cast %scan3A_356 : i32 to index
        %swap3A_1970 = arith.index_cast %swap3A_1968 : i32 to index
        %swap3A_1971 = arith.constant 48 : index
        %swap3A_1972 = tpu.vector_load %arg13[%swap3A_1969, %swap3A_1970, %swap3A_1971] {strides = array<i32>} : memref<8x20x128xf32, #tpu.memory_space<vmem>>, vector<1x1x16xf32>,
        %swap3A_1973 = vector.shape_cast %swap3A_1972 : vector<1x1x16xf32> to vector<16xf32>
        %swap3A_1974 = vector.shape_cast %get3A_1752 : vector<16xf32> to vector<1x1x16xf32>
        tpu.vector_store %arg13[%swap3A_1969, %swap3A_1970, %swap3A_1971], %swap3A_1974 {strides = array<i32>} : memref<8x20x128xf32, #tpu.memory_space<vmem>>, vector<1x1x16xf32>,
        %sub3A_1975 = arith.subf %get3A_1967, %get3A_1752 : vector<16xf32>
        %swap3A_1976 = arith.constant 9 : i32
        %swap3A_1977 = arith.index_cast %scan3A_356 : i32 to index
        %swap3A_1978 = arith.index_cast %swap3A_1976 : i32 to index
        %swap3A_1979 = arith.constant 112 : index
        %swap3A_1980 = tpu.vector_load %arg13[%swap3A_1977, %swap3A_1978, %swap3A_1979] {strides = array<i32>} : memref<8x20x128xf32, #tpu.memory_space<vmem>>, vector<1x1x16xf32>,
        %swap3A_1981 = vector.shape_cast %swap3A_1980 : vector<1x1x16xf32> to vector<16xf32>
        %swap3A_1982 = vector.shape_cast %sub3A_1975 : vector<16xf32> to vector<1x1x16xf32>
        tpu.vector_store %arg13[%swap3A_1977, %swap3A_1978, %swap3A_1979], %swap3A_1982 {strides = array<i32>} : memref<8x20x128xf32, #tpu.memory_space<vmem>>, vector<1x1x16xf32>,
        %mul3A_1983 = arith.constant 20 : i32
        %mul3A_1984 = arith.muli %scan3A_356, %mul3A_1983 : i32
        %add3A_1985 = arith.constant 10 : i32
        %add3A_1986 = arith.addi %mul3A_1984, %add3A_1985 : i32
        %get3A_1987 = arith.index_cast %add3A_1986 : i32 to index
        %get3A_1988 = arith.constant 48 : index
        %get3A_1989 = tpu.vector_load %arg9[%get3A_1987, %get3A_1988] {strides = array<i32>} : memref<160x128xf32, #tpu.memory_space<vmem>>, vector<1x16xf32>,
        %get3A_1990 = vector.shape_cast %get3A_1989 : vector<1x16xf32> to vector<16xf32>
        %swap3A_1991 = arith.constant 10 : i32
        %swap3A_1992 = arith.index_cast %scan3A_356 : i32 to index
        %swap3A_1993 = arith.index_cast %swap3A_1991 : i32 to index
        %swap3A_1994 = arith.constant 48 : index
        %swap3A_1995 = tpu.vector_load %arg13[%swap3A_1992, %swap3A_1993, %swap3A_1994] {strides = array<i32>} : memref<8x20x128xf32, #tpu.memory_space<vmem>>, vector<1x1x16xf32>,
        %swap3A_1996 = vector.shape_cast %swap3A_1995 : vector<1x1x16xf32> to vector<16xf32>
        %swap3A_1997 = vector.shape_cast %get3A_1752 : vector<16xf32> to vector<1x1x16xf32>
        tpu.vector_store %arg13[%swap3A_1992, %swap3A_1993, %swap3A_1994], %swap3A_1997 {strides = array<i32>} : memref<8x20x128xf32, #tpu.memory_space<vmem>>, vector<1x1x16xf32>,
        %sub3A_1998 = arith.subf %get3A_1990, %get3A_1752 : vector<16xf32>
        %swap3A_1999 = arith.constant 10 : i32
        %swap3A_2000 = arith.index_cast %scan3A_356 : i32 to index
        %swap3A_2001 = arith.index_cast %swap3A_1999 : i32 to index
        %swap3A_2002 = arith.constant 112 : index
        %swap3A_2003 = tpu.vector_load %arg13[%swap3A_2000, %swap3A_2001, %swap3A_2002] {strides = array<i32>} : memref<8x20x128xf32, #tpu.memory_space<vmem>>, vector<1x1x16xf32>,
        %swap3A_2004 = vector.shape_cast %swap3A_2003 : vector<1x1x16xf32> to vector<16xf32>
        %swap3A_2005 = vector.shape_cast %sub3A_1998 : vector<16xf32> to vector<1x1x16xf32>
        tpu.vector_store %arg13[%swap3A_2000, %swap3A_2001, %swap3A_2002], %swap3A_2005 {strides = array<i32>} : memref<8x20x128xf32, #tpu.memory_space<vmem>>, vector<1x1x16xf32>,
        %mul3A_2006 = arith.constant 20 : i32
        %mul3A_2007 = arith.muli %scan3A_356, %mul3A_2006 : i32
        %add3A_2008 = arith.constant 11 : i32
        %add3A_2009 = arith.addi %mul3A_2007, %add3A_2008 : i32
        %get3A_2010 = arith.index_cast %add3A_2009 : i32 to index
        %get3A_2011 = arith.constant 48 : index
        %get3A_2012 = tpu.vector_load %arg9[%get3A_2010, %get3A_2011] {strides = array<i32>} : memref<160x128xf32, #tpu.memory_space<vmem>>, vector<1x16xf32>,
        %get3A_2013 = vector.shape_cast %get3A_2012 : vector<1x16xf32> to vector<16xf32>
        %swap3A_2014 = arith.constant 11 : i32
        %swap3A_2015 = arith.index_cast %scan3A_356 : i32 to index
        %swap3A_2016 = arith.index_cast %swap3A_2014 : i32 to index
        %swap3A_2017 = arith.constant 48 : index
        %swap3A_2018 = tpu.vector_load %arg13[%swap3A_2015, %swap3A_2016, %swap3A_2017] {strides = array<i32>} : memref<8x20x128xf32, #tpu.memory_space<vmem>>, vector<1x1x16xf32>,
        %swap3A_2019 = vector.shape_cast %swap3A_2018 : vector<1x1x16xf32> to vector<16xf32>
        %swap3A_2020 = vector.shape_cast %get3A_1752 : vector<16xf32> to vector<1x1x16xf32>
        tpu.vector_store %arg13[%swap3A_2015, %swap3A_2016, %swap3A_2017], %swap3A_2020 {strides = array<i32>} : memref<8x20x128xf32, #tpu.memory_space<vmem>>, vector<1x1x16xf32>,
        %sub3A_2021 = arith.subf %get3A_2013, %get3A_1752 : vector<16xf32>
        %swap3A_2022 = arith.constant 11 : i32
        %swap3A_2023 = arith.index_cast %scan3A_356 : i32 to index
        %swap3A_2024 = arith.index_cast %swap3A_2022 : i32 to index
        %swap3A_2025 = arith.constant 112 : index
        %swap3A_2026 = tpu.vector_load %arg13[%swap3A_2023, %swap3A_2024, %swap3A_2025] {strides = array<i32>} : memref<8x20x128xf32, #tpu.memory_space<vmem>>, vector<1x1x16xf32>,
        %swap3A_2027 = vector.shape_cast %swap3A_2026 : vector<1x1x16xf32> to vector<16xf32>
        %swap3A_2028 = vector.shape_cast %sub3A_2021 : vector<16xf32> to vector<1x1x16xf32>
        tpu.vector_store %arg13[%swap3A_2023, %swap3A_2024, %swap3A_2025], %swap3A_2028 {strides = array<i32>} : memref<8x20x128xf32, #tpu.memory_space<vmem>>, vector<1x1x16xf32>,
        %mul3A_2029 = arith.constant 20 : i32
        %mul3A_2030 = arith.muli %scan3A_356, %mul3A_2029 : i32
        %add3A_2031 = arith.constant 12 : i32
        %add3A_2032 = arith.addi %mul3A_2030, %add3A_2031 : i32
        %get3A_2033 = arith.index_cast %add3A_2032 : i32 to index
        %get3A_2034 = arith.constant 48 : index
        %get3A_2035 = tpu.vector_load %arg9[%get3A_2033, %get3A_2034] {strides = array<i32>} : memref<160x128xf32, #tpu.memory_space<vmem>>, vector<1x16xf32>,
        %get3A_2036 = vector.shape_cast %get3A_2035 : vector<1x16xf32> to vector<16xf32>
        %swap3A_2037 = arith.constant 12 : i32
        %swap3A_2038 = arith.index_cast %scan3A_356 : i32 to index
        %swap3A_2039 = arith.index_cast %swap3A_2037 : i32 to index
        %swap3A_2040 = arith.constant 48 : index
        %swap3A_2041 = tpu.vector_load %arg13[%swap3A_2038, %swap3A_2039, %swap3A_2040] {strides = array<i32>} : memref<8x20x128xf32, #tpu.memory_space<vmem>>, vector<1x1x16xf32>,
        %swap3A_2042 = vector.shape_cast %swap3A_2041 : vector<1x1x16xf32> to vector<16xf32>
        %swap3A_2043 = vector.shape_cast %get3A_1752 : vector<16xf32> to vector<1x1x16xf32>
        tpu.vector_store %arg13[%swap3A_2038, %swap3A_2039, %swap3A_2040], %swap3A_2043 {strides = array<i32>} : memref<8x20x128xf32, #tpu.memory_space<vmem>>, vector<1x1x16xf32>,
        %sub3A_2044 = arith.subf %get3A_2036, %get3A_1752 : vector<16xf32>
        %swap3A_2045 = arith.constant 12 : i32
        %swap3A_2046 = arith.index_cast %scan3A_356 : i32 to index
        %swap3A_2047 = arith.index_cast %swap3A_2045 : i32 to index
        %swap3A_2048 = arith.constant 112 : index
        %swap3A_2049 = tpu.vector_load %arg13[%swap3A_2046, %swap3A_2047, %swap3A_2048] {strides = array<i32>} : memref<8x20x128xf32, #tpu.memory_space<vmem>>, vector<1x1x16xf32>,
        %swap3A_2050 = vector.shape_cast %swap3A_2049 : vector<1x1x16xf32> to vector<16xf32>
        %swap3A_2051 = vector.shape_cast %sub3A_2044 : vector<16xf32> to vector<1x1x16xf32>
        tpu.vector_store %arg13[%swap3A_2046, %swap3A_2047, %swap3A_2048], %swap3A_2051 {strides = array<i32>} : memref<8x20x128xf32, #tpu.memory_space<vmem>>, vector<1x1x16xf32>,
        %mul3A_2052 = arith.constant 20 : i32
        %mul3A_2053 = arith.muli %scan3A_356, %mul3A_2052 : i32
        %add3A_2054 = arith.constant 13 : i32
        %add3A_2055 = arith.addi %mul3A_2053, %add3A_2054 : i32
        %get3A_2056 = arith.index_cast %add3A_2055 : i32 to index
        %get3A_2057 = arith.constant 48 : index
        %get3A_2058 = tpu.vector_load %arg9[%get3A_2056, %get3A_2057] {strides = array<i32>} : memref<160x128xf32, #tpu.memory_space<vmem>>, vector<1x16xf32>,
        %get3A_2059 = vector.shape_cast %get3A_2058 : vector<1x16xf32> to vector<16xf32>
        %swap3A_2060 = arith.constant 13 : i32
        %swap3A_2061 = arith.index_cast %scan3A_356 : i32 to index
        %swap3A_2062 = arith.index_cast %swap3A_2060 : i32 to index
        %swap3A_2063 = arith.constant 48 : index
        %swap3A_2064 = tpu.vector_load %arg13[%swap3A_2061, %swap3A_2062, %swap3A_2063] {strides = array<i32>} : memref<8x20x128xf32, #tpu.memory_space<vmem>>, vector<1x1x16xf32>,
        %swap3A_2065 = vector.shape_cast %swap3A_2064 : vector<1x1x16xf32> to vector<16xf32>
        %swap3A_2066 = vector.shape_cast %get3A_1752 : vector<16xf32> to vector<1x1x16xf32>
        tpu.vector_store %arg13[%swap3A_2061, %swap3A_2062, %swap3A_2063], %swap3A_2066 {strides = array<i32>} : memref<8x20x128xf32, #tpu.memory_space<vmem>>, vector<1x1x16xf32>,
        %sub3A_2067 = arith.subf %get3A_2059, %get3A_1752 : vector<16xf32>
        %swap3A_2068 = arith.constant 13 : i32
        %swap3A_2069 = arith.index_cast %scan3A_356 : i32 to index
        %swap3A_2070 = arith.index_cast %swap3A_2068 : i32 to index
        %swap3A_2071 = arith.constant 112 : index
        %swap3A_2072 = tpu.vector_load %arg13[%swap3A_2069, %swap3A_2070, %swap3A_2071] {strides = array<i32>} : memref<8x20x128xf32, #tpu.memory_space<vmem>>, vector<1x1x16xf32>,
        %swap3A_2073 = vector.shape_cast %swap3A_2072 : vector<1x1x16xf32> to vector<16xf32>
        %swap3A_2074 = vector.shape_cast %sub3A_2067 : vector<16xf32> to vector<1x1x16xf32>
        tpu.vector_store %arg13[%swap3A_2069, %swap3A_2070, %swap3A_2071], %swap3A_2074 {strides = array<i32>} : memref<8x20x128xf32, #tpu.memory_space<vmem>>, vector<1x1x16xf32>,
        %mul3A_2075 = arith.constant 20 : i32
        %mul3A_2076 = arith.muli %scan3A_356, %mul3A_2075 : i32
        %add3A_2077 = arith.constant 14 : i32
        %add3A_2078 = arith.addi %mul3A_2076, %add3A_2077 : i32
        %get3A_2079 = arith.index_cast %add3A_2078 : i32 to index
        %get3A_2080 = arith.constant 48 : index
        %get3A_2081 = tpu.vector_load %arg9[%get3A_2079, %get3A_2080] {strides = array<i32>} : memref<160x128xf32, #tpu.memory_space<vmem>>, vector<1x16xf32>,
        %get3A_2082 = vector.shape_cast %get3A_2081 : vector<1x16xf32> to vector<16xf32>
        %swap3A_2083 = arith.constant 14 : i32
        %swap3A_2084 = arith.index_cast %scan3A_356 : i32 to index
        %swap3A_2085 = arith.index_cast %swap3A_2083 : i32 to index
        %swap3A_2086 = arith.constant 48 : index
        %swap3A_2087 = tpu.vector_load %arg13[%swap3A_2084, %swap3A_2085, %swap3A_2086] {strides = array<i32>} : memref<8x20x128xf32, #tpu.memory_space<vmem>>, vector<1x1x16xf32>,
        %swap3A_2088 = vector.shape_cast %swap3A_2087 : vector<1x1x16xf32> to vector<16xf32>
        %swap3A_2089 = vector.shape_cast %get3A_1752 : vector<16xf32> to vector<1x1x16xf32>
        tpu.vector_store %arg13[%swap3A_2084, %swap3A_2085, %swap3A_2086], %swap3A_2089 {strides = array<i32>} : memref<8x20x128xf32, #tpu.memory_space<vmem>>, vector<1x1x16xf32>,
        %sub3A_2090 = arith.subf %get3A_2082, %get3A_1752 : vector<16xf32>
        %swap3A_2091 = arith.constant 14 : i32
        %swap3A_2092 = arith.index_cast %scan3A_356 : i32 to index
        %swap3A_2093 = arith.index_cast %swap3A_2091 : i32 to index
        %swap3A_2094 = arith.constant 112 : index
        %swap3A_2095 = tpu.vector_load %arg13[%swap3A_2092, %swap3A_2093, %swap3A_2094] {strides = array<i32>} : memref<8x20x128xf32, #tpu.memory_space<vmem>>, vector<1x1x16xf32>,
        %swap3A_2096 = vector.shape_cast %swap3A_2095 : vector<1x1x16xf32> to vector<16xf32>
        %swap3A_2097 = vector.shape_cast %sub3A_2090 : vector<16xf32> to vector<1x1x16xf32>
        tpu.vector_store %arg13[%swap3A_2092, %swap3A_2093, %swap3A_2094], %swap3A_2097 {strides = array<i32>} : memref<8x20x128xf32, #tpu.memory_space<vmem>>, vector<1x1x16xf32>,
        %mul3A_2098 = arith.constant 20 : i32
        %mul3A_2099 = arith.muli %scan3A_356, %mul3A_2098 : i32
        %add3A_2100 = arith.constant 15 : i32
        %add3A_2101 = arith.addi %mul3A_2099, %add3A_2100 : i32
        %get3A_2102 = arith.index_cast %add3A_2101 : i32 to index
        %get3A_2103 = arith.constant 48 : index
        %get3A_2104 = tpu.vector_load %arg9[%get3A_2102, %get3A_2103] {strides = array<i32>} : memref<160x128xf32, #tpu.memory_space<vmem>>, vector<1x16xf32>,
        %get3A_2105 = vector.shape_cast %get3A_2104 : vector<1x16xf32> to vector<16xf32>
        %swap3A_2106 = arith.constant 15 : i32
        %swap3A_2107 = arith.index_cast %scan3A_356 : i32 to index
        %swap3A_2108 = arith.index_cast %swap3A_2106 : i32 to index
        %swap3A_2109 = arith.constant 48 : index
        %swap3A_2110 = tpu.vector_load %arg13[%swap3A_2107, %swap3A_2108, %swap3A_2109] {strides = array<i32>} : memref<8x20x128xf32, #tpu.memory_space<vmem>>, vector<1x1x16xf32>,
        %swap3A_2111 = vector.shape_cast %swap3A_2110 : vector<1x1x16xf32> to vector<16xf32>
        %swap3A_2112 = vector.shape_cast %get3A_1752 : vector<16xf32> to vector<1x1x16xf32>
        tpu.vector_store %arg13[%swap3A_2107, %swap3A_2108, %swap3A_2109], %swap3A_2112 {strides = array<i32>} : memref<8x20x128xf32, #tpu.memory_space<vmem>>, vector<1x1x16xf32>,
        %sub3A_2113 = arith.subf %get3A_2105, %get3A_1752 : vector<16xf32>
        %swap3A_2114 = arith.constant 15 : i32
        %swap3A_2115 = arith.index_cast %scan3A_356 : i32 to index
        %swap3A_2116 = arith.index_cast %swap3A_2114 : i32 to index
        %swap3A_2117 = arith.constant 112 : index
        %swap3A_2118 = tpu.vector_load %arg13[%swap3A_2115, %swap3A_2116, %swap3A_2117] {strides = array<i32>} : memref<8x20x128xf32, #tpu.memory_space<vmem>>, vector<1x1x16xf32>,
        %swap3A_2119 = vector.shape_cast %swap3A_2118 : vector<1x1x16xf32> to vector<16xf32>
        %swap3A_2120 = vector.shape_cast %sub3A_2113 : vector<16xf32> to vector<1x1x16xf32>
        tpu.vector_store %arg13[%swap3A_2115, %swap3A_2116, %swap3A_2117], %swap3A_2120 {strides = array<i32>} : memref<8x20x128xf32, #tpu.memory_space<vmem>>, vector<1x1x16xf32>,
        %mul3A_2121 = arith.constant 20 : i32
        %mul3A_2122 = arith.muli %scan3A_356, %mul3A_2121 : i32
        %add3A_2123 = arith.constant 16 : i32
        %add3A_2124 = arith.addi %mul3A_2122, %add3A_2123 : i32
        %get3A_2125 = arith.index_cast %add3A_2124 : i32 to index
        %get3A_2126 = arith.constant 48 : index
        %get3A_2127 = tpu.vector_load %arg9[%get3A_2125, %get3A_2126] {strides = array<i32>} : memref<160x128xf32, #tpu.memory_space<vmem>>, vector<1x16xf32>,
        %get3A_2128 = vector.shape_cast %get3A_2127 : vector<1x16xf32> to vector<16xf32>
        %swap3A_2129 = arith.constant 16 : i32
        %swap3A_2130 = arith.index_cast %scan3A_356 : i32 to index
        %swap3A_2131 = arith.index_cast %swap3A_2129 : i32 to index
        %swap3A_2132 = arith.constant 48 : index
        %swap3A_2133 = tpu.vector_load %arg13[%swap3A_2130, %swap3A_2131, %swap3A_2132] {strides = array<i32>} : memref<8x20x128xf32, #tpu.memory_space<vmem>>, vector<1x1x16xf32>,
        %swap3A_2134 = vector.shape_cast %swap3A_2133 : vector<1x1x16xf32> to vector<16xf32>
        %swap3A_2135 = vector.shape_cast %get3A_1752 : vector<16xf32> to vector<1x1x16xf32>
        tpu.vector_store %arg13[%swap3A_2130, %swap3A_2131, %swap3A_2132], %swap3A_2135 {strides = array<i32>} : memref<8x20x128xf32, #tpu.memory_space<vmem>>, vector<1x1x16xf32>,
        %sub3A_2136 = arith.subf %get3A_2128, %get3A_1752 : vector<16xf32>
        %swap3A_2137 = arith.constant 16 : i32
        %swap3A_2138 = arith.index_cast %scan3A_356 : i32 to index
        %swap3A_2139 = arith.index_cast %swap3A_2137 : i32 to index
        %swap3A_2140 = arith.constant 112 : index
        %swap3A_2141 = tpu.vector_load %arg13[%swap3A_2138, %swap3A_2139, %swap3A_2140] {strides = array<i32>} : memref<8x20x128xf32, #tpu.memory_space<vmem>>, vector<1x1x16xf32>,
        %swap3A_2142 = vector.shape_cast %swap3A_2141 : vector<1x1x16xf32> to vector<16xf32>
        %swap3A_2143 = vector.shape_cast %sub3A_2136 : vector<16xf32> to vector<1x1x16xf32>
        tpu.vector_store %arg13[%swap3A_2138, %swap3A_2139, %swap3A_2140], %swap3A_2143 {strides = array<i32>} : memref<8x20x128xf32, #tpu.memory_space<vmem>>, vector<1x1x16xf32>,
        %mul3A_2144 = arith.constant 20 : i32
        %mul3A_2145 = arith.muli %scan3A_356, %mul3A_2144 : i32
        %add3A_2146 = arith.constant 17 : i32
        %add3A_2147 = arith.addi %mul3A_2145, %add3A_2146 : i32
        %get3A_2148 = arith.index_cast %add3A_2147 : i32 to index
        %get3A_2149 = arith.constant 48 : index
        %get3A_2150 = tpu.vector_load %arg9[%get3A_2148, %get3A_2149] {strides = array<i32>} : memref<160x128xf32, #tpu.memory_space<vmem>>, vector<1x16xf32>,
        %get3A_2151 = vector.shape_cast %get3A_2150 : vector<1x16xf32> to vector<16xf32>
        %swap3A_2152 = arith.constant 17 : i32
        %swap3A_2153 = arith.index_cast %scan3A_356 : i32 to index
        %swap3A_2154 = arith.index_cast %swap3A_2152 : i32 to index
        %swap3A_2155 = arith.constant 48 : index
        %swap3A_2156 = tpu.vector_load %arg13[%swap3A_2153, %swap3A_2154, %swap3A_2155] {strides = array<i32>} : memref<8x20x128xf32, #tpu.memory_space<vmem>>, vector<1x1x16xf32>,
        %swap3A_2157 = vector.shape_cast %swap3A_2156 : vector<1x1x16xf32> to vector<16xf32>
        %swap3A_2158 = vector.shape_cast %get3A_1752 : vector<16xf32> to vector<1x1x16xf32>
        tpu.vector_store %arg13[%swap3A_2153, %swap3A_2154, %swap3A_2155], %swap3A_2158 {strides = array<i32>} : memref<8x20x128xf32, #tpu.memory_space<vmem>>, vector<1x1x16xf32>,
        %sub3A_2159 = arith.subf %get3A_2151, %get3A_1752 : vector<16xf32>
        %swap3A_2160 = arith.constant 17 : i32
        %swap3A_2161 = arith.index_cast %scan3A_356 : i32 to index
        %swap3A_2162 = arith.index_cast %swap3A_2160 : i32 to index
        %swap3A_2163 = arith.constant 112 : index
        %swap3A_2164 = tpu.vector_load %arg13[%swap3A_2161, %swap3A_2162, %swap3A_2163] {strides = array<i32>} : memref<8x20x128xf32, #tpu.memory_space<vmem>>, vector<1x1x16xf32>,
        %swap3A_2165 = vector.shape_cast %swap3A_2164 : vector<1x1x16xf32> to vector<16xf32>
        %swap3A_2166 = vector.shape_cast %sub3A_2159 : vector<16xf32> to vector<1x1x16xf32>
        tpu.vector_store %arg13[%swap3A_2161, %swap3A_2162, %swap3A_2163], %swap3A_2166 {strides = array<i32>} : memref<8x20x128xf32, #tpu.memory_space<vmem>>, vector<1x1x16xf32>,
        %mul3A_2167 = arith.constant 20 : i32
        %mul3A_2168 = arith.muli %scan3A_356, %mul3A_2167 : i32
        %add3A_2169 = arith.constant 18 : i32
        %add3A_2170 = arith.addi %mul3A_2168, %add3A_2169 : i32
        %get3A_2171 = arith.index_cast %add3A_2170 : i32 to index
        %get3A_2172 = arith.constant 48 : index
        %get3A_2173 = tpu.vector_load %arg9[%get3A_2171, %get3A_2172] {strides = array<i32>} : memref<160x128xf32, #tpu.memory_space<vmem>>, vector<1x16xf32>,
        %get3A_2174 = vector.shape_cast %get3A_2173 : vector<1x16xf32> to vector<16xf32>
        %swap3A_2175 = arith.constant 18 : i32
        %swap3A_2176 = arith.index_cast %scan3A_356 : i32 to index
        %swap3A_2177 = arith.index_cast %swap3A_2175 : i32 to index
        %swap3A_2178 = arith.constant 48 : index
        %swap3A_2179 = tpu.vector_load %arg13[%swap3A_2176, %swap3A_2177, %swap3A_2178] {strides = array<i32>} : memref<8x20x128xf32, #tpu.memory_space<vmem>>, vector<1x1x16xf32>,
        %swap3A_2180 = vector.shape_cast %swap3A_2179 : vector<1x1x16xf32> to vector<16xf32>
        %swap3A_2181 = vector.shape_cast %get3A_1752 : vector<16xf32> to vector<1x1x16xf32>
        tpu.vector_store %arg13[%swap3A_2176, %swap3A_2177, %swap3A_2178], %swap3A_2181 {strides = array<i32>} : memref<8x20x128xf32, #tpu.memory_space<vmem>>, vector<1x1x16xf32>,
        %sub3A_2182 = arith.subf %get3A_2174, %get3A_1752 : vector<16xf32>
        %swap3A_2183 = arith.constant 18 : i32
        %swap3A_2184 = arith.index_cast %scan3A_356 : i32 to index
        %swap3A_2185 = arith.index_cast %swap3A_2183 : i32 to index
        %swap3A_2186 = arith.constant 112 : index
        %swap3A_2187 = tpu.vector_load %arg13[%swap3A_2184, %swap3A_2185, %swap3A_2186] {strides = array<i32>} : memref<8x20x128xf32, #tpu.memory_space<vmem>>, vector<1x1x16xf32>,
        %swap3A_2188 = vector.shape_cast %swap3A_2187 : vector<1x1x16xf32> to vector<16xf32>
        %swap3A_2189 = vector.shape_cast %sub3A_2182 : vector<16xf32> to vector<1x1x16xf32>
        tpu.vector_store %arg13[%swap3A_2184, %swap3A_2185, %swap3A_2186], %swap3A_2189 {strides = array<i32>} : memref<8x20x128xf32, #tpu.memory_space<vmem>>, vector<1x1x16xf32>,
        %mul3A_2190 = arith.constant 20 : i32
        %mul3A_2191 = arith.muli %scan3A_356, %mul3A_2190 : i32
        %add3A_2192 = arith.constant 19 : i32
        %add3A_2193 = arith.addi %mul3A_2191, %add3A_2192 : i32
        %get3A_2194 = arith.index_cast %add3A_2193 : i32 to index
        %get3A_2195 = arith.constant 48 : index
        %get3A_2196 = tpu.vector_load %arg9[%get3A_2194, %get3A_2195] {strides = array<i32>} : memref<160x128xf32, #tpu.memory_space<vmem>>, vector<1x16xf32>,
        %get3A_2197 = vector.shape_cast %get3A_2196 : vector<1x16xf32> to vector<16xf32>
        %swap3A_2198 = arith.constant 19 : i32
        %swap3A_2199 = arith.index_cast %scan3A_356 : i32 to index
        %swap3A_2200 = arith.index_cast %swap3A_2198 : i32 to index
        %swap3A_2201 = arith.constant 48 : index
        %swap3A_2202 = tpu.vector_load %arg13[%swap3A_2199, %swap3A_2200, %swap3A_2201] {strides = array<i32>} : memref<8x20x128xf32, #tpu.memory_space<vmem>>, vector<1x1x16xf32>,
        %swap3A_2203 = vector.shape_cast %swap3A_2202 : vector<1x1x16xf32> to vector<16xf32>
        %swap3A_2204 = vector.shape_cast %get3A_1752 : vector<16xf32> to vector<1x1x16xf32>
        tpu.vector_store %arg13[%swap3A_2199, %swap3A_2200, %swap3A_2201], %swap3A_2204 {strides = array<i32>} : memref<8x20x128xf32, #tpu.memory_space<vmem>>, vector<1x1x16xf32>,
        %sub3A_2205 = arith.subf %get3A_2197, %get3A_1752 : vector<16xf32>
        %swap3A_2206 = arith.constant 19 : i32
        %swap3A_2207 = arith.index_cast %scan3A_356 : i32 to index
        %swap3A_2208 = arith.index_cast %swap3A_2206 : i32 to index
        %swap3A_2209 = arith.constant 112 : index
        %swap3A_2210 = tpu.vector_load %arg13[%swap3A_2207, %swap3A_2208, %swap3A_2209] {strides = array<i32>} : memref<8x20x128xf32, #tpu.memory_space<vmem>>, vector<1x1x16xf32>,
        %swap3A_2211 = vector.shape_cast %swap3A_2210 : vector<1x1x16xf32> to vector<16xf32>
        %swap3A_2212 = vector.shape_cast %sub3A_2205 : vector<16xf32> to vector<1x1x16xf32>
        tpu.vector_store %arg13[%swap3A_2207, %swap3A_2208, %swap3A_2209], %swap3A_2212 {strides = array<i32>} : memref<8x20x128xf32, #tpu.memory_space<vmem>>, vector<1x1x16xf32>,
      }
      %scan3A_302 = arith.constant 8 : i32
      %jit3A_303 = arith.constant 8 : i32
      %div3A_304 = arith.divsi %add3A, %jit3A_303 : i32
      %sign3A_305 = arith.constant 0 : i32
      %sign3A_306 = arith.cmpi sgt, %add3A, %sign3A_305 : i32
      %sign3A_307 = arith.extui %sign3A_306 : i1 to i32
      %sign3A_308 = arith.constant 0 : i32
      %sign3A_309 = arith.cmpi slt, %add3A, %sign3A_308 : i32
      %sign3A_310 = arith.extui %sign3A_309 : i1 to i32
      %sign3A_311 = arith.subi %sign3A_307, %sign3A_310 : i32
      %sign3A_312 = arith.constant 0 : i32
      %sign3A_313 = arith.cmpi sgt, %jit3A_303, %sign3A_312 : i32
      %sign3A_314 = arith.extui %sign3A_313 : i1 to i32
      %sign3A_315 = arith.constant 0 : i32
      %sign3A_316 = arith.cmpi slt, %jit3A_303, %sign3A_315 : i32
      %sign3A_317 = arith.extui %sign3A_316 : i1 to i32
      %sign3A_318 = arith.subi %sign3A_314, %sign3A_317 : i32
      %ne3A_319 = arith.cmpi ne, %sign3A_311, %sign3A_318 : i32
      %rem3A_320 = arith.remsi %add3A, %jit3A_303 : i32
      %ne3A_321 = arith.constant 0 : i32
      %ne3A_322 = arith.cmpi ne, %rem3A_320, %ne3A_321 : i32
      %and3A_323 = arith.andi %ne3A_319, %ne3A_322 : i1
      %sub3A_324 = arith.constant 1 : i32
      %sub3A_325 = arith.subi %div3A_304, %sub3A_324 : i32
      %select_n3A_326 = arith.select %and3A_323, %sub3A_325, %div3A_304 : i32
      %jit3A_327 = arith.constant 8 : i32
      %eq3A_328 = arith.constant 0 : i32
      %eq3A_329 = arith.cmpi eq, %jit3A_327, %eq3A_328 : i32
      %jit3A_330 = arith.constant 1 : i32
      %select_n3A_331 = arith.select %eq3A_329, %jit3A_330, %jit3A_327 : i32
      %rem3A_332 = arith.remsi %add3A, %select_n3A_331 : i32
      %ne3A_333 = arith.constant 0 : i32
      %ne3A_334 = arith.cmpi ne, %rem3A_332, %ne3A_333 : i32
      %lt3A_335 = arith.constant 0 : i32
      %lt3A_336 = arith.cmpi slt, %rem3A_332, %lt3A_335 : i32
      %lt3A_337 = arith.constant 0 : i32
      %lt3A_338 = arith.cmpi slt, %select_n3A_331, %lt3A_337 : i32
      %ne3A_339 = arith.xori %lt3A_336, %lt3A_338 : i1
      %and3A_340 = arith.andi %ne3A_339, %ne3A_334 : i1
      %add3A_341 = arith.addi %rem3A_332, %select_n3A_331 : i32
      %select_n3A_342 = arith.select %and3A_340, %add3A_341, %rem3A_332 : i32
      %mul3A_343 = arith.constant 256 : i32
      %mul3A_344 = arith.muli %select_n3A_342, %mul3A_343 : i32
      %mul3A_345 = arith.constant 8 : i32
      %mul3A_346 = arith.muli %add3A_272, %mul3A_345 : i32
      %add3A_347 = arith.addi %mul3A_344, %mul3A_346 : i32
      %dma_start3A_348 = arith.constant 0 : i32
      %dma_start3A_349 = arith.constant 0 : i32
      %dma_start3A_350 = tpu.memref_slice %arg4[%select_n3A_326, %add3A_347, %dma_start3A_348, %dma_start3A_349] : memref<4x2048x20x128xf32, #tpu.memory_space<hbm>> -> memref<1x8x20x128xf32, #tpu.memory_space<hbm>>
      %dma_start3A_351 = tpu.memref_squeeze %dma_start3A_350 : memref<1x8x20x128xf32, #tpu.memory_space<hbm>> -> memref<8x20x128xf32, #tpu.memory_space<hbm>>
      %dma_start3A_352 = arith.constant 0 : i32
      %dma_start3A_353 = arith.constant 0 : i32
      %dma_start3A_354 = tpu.memref_slice %arg4[%select_n3A_326, %add3A_347, %dma_start3A_352, %dma_start3A_353] : memref<4x2048x20x128xf32, #tpu.memory_space<hbm>> -> memref<1x8x20x128xf32, #tpu.memory_space<hbm>>
      %dma_start3A_355 = tpu.memref_squeeze %dma_start3A_354 : memref<1x8x20x128xf32, #tpu.memory_space<hbm>> -> memref<8x20x128xf32, #tpu.memory_space<hbm>>
      tpu.enqueue_dma source(%arg13 : memref<8x20x128xf32, #tpu.memory_space<vmem>>) target(%dma_start3A_355 : memref<8x20x128xf32, #tpu.memory_space<hbm>>) target_semaphore(%arg17 : memref<!tpu.dma_semaphore, #tpu.memory_space<semaphore_mem>>)
    }
    %scan3A_172 = arith.constant 16 : i32
    %dma_wait3A = arith.constant 0 : i32
    %dma_wait3A_173 = arith.constant 0 : i32
    %dma_wait3A_174 = arith.constant 0 : i32
    %dma_wait3A_175 = arith.constant 0 : i32
    %dma_wait3A_176 = tpu.memref_slice %arg4[%dma_wait3A, %dma_wait3A_173, %dma_wait3A_174, %dma_wait3A_175] : memref<4x2048x20x128xf32, #tpu.memory_space<hbm>> -> memref<1x8x20x128xf32, #tpu.memory_space<hbm>>
    %dma_wait3A_177 = tpu.memref_squeeze %dma_wait3A_176 : memref<1x8x20x128xf32, #tpu.memory_space<hbm>> -> memref<8x20x128xf32, #tpu.memory_space<hbm>>
    %dma_wait3A_178 = arith.constant 0 : i32
    %dma_wait3A_179 = arith.constant 0 : i32
    %dma_wait3A_180 = arith.constant 0 : i32
    %dma_wait3A_181 = tpu.memref_slice %arg4[%dma_wait3A, %dma_wait3A_178, %dma_wait3A_179, %dma_wait3A_180] : memref<4x2048x20x128xf32, #tpu.memory_space<hbm>> -> memref<1x8x20x128xf32, #tpu.memory_space<hbm>>
    %dma_wait3A_182 = tpu.memref_squeeze %dma_wait3A_181 : memref<1x8x20x128xf32, #tpu.memory_space<hbm>> -> memref<8x20x128xf32, #tpu.memory_space<hbm>>
    tpu.wait_dma2 semaphore(%arg16 : memref<!tpu.dma_semaphore, #tpu.memory_space<semaphore_mem>>) src(%arg12 : memref<8x20x128xf32, #tpu.memory_space<vmem>>) dst(%dma_wait3A_182 : memref<8x20x128xf32, #tpu.memory_space<hbm>>)
    %dma_wait3A_183 = arith.constant 0 : i32
    %dma_wait3A_184 = arith.constant 0 : i32
    %dma_wait3A_185 = arith.constant 0 : i32
    %dma_wait3A_186 = arith.constant 0 : i32
    %dma_wait3A_187 = tpu.memref_slice %arg4[%dma_wait3A_183, %dma_wait3A_184, %dma_wait3A_185, %dma_wait3A_186] : memref<4x2048x20x128xf32, #tpu.memory_space<hbm>> -> memref<1x8x20x128xf32, #tpu.memory_space<hbm>>
    %dma_wait3A_188 = tpu.memref_squeeze %dma_wait3A_187 : memref<1x8x20x128xf32, #tpu.memory_space<hbm>> -> memref<8x20x128xf32, #tpu.memory_space<hbm>>
    %dma_wait3A_189 = arith.constant 0 : i32
    %dma_wait3A_190 = arith.constant 0 : i32
    %dma_wait3A_191 = arith.constant 0 : i32
    %dma_wait3A_192 = tpu.memref_slice %arg4[%dma_wait3A_183, %dma_wait3A_189, %dma_wait3A_190, %dma_wait3A_191] : memref<4x2048x20x128xf32, #tpu.memory_space<hbm>> -> memref<1x8x20x128xf32, #tpu.memory_space<hbm>>
    %dma_wait3A_193 = tpu.memref_squeeze %dma_wait3A_192 : memref<1x8x20x128xf32, #tpu.memory_space<hbm>> -> memref<8x20x128xf32, #tpu.memory_space<hbm>>
    tpu.wait_dma2 semaphore(%arg17 : memref<!tpu.dma_semaphore, #tpu.memory_space<semaphore_mem>>) src(%arg13 : memref<8x20x128xf32, #tpu.memory_space<vmem>>) dst(%dma_wait3A_193 : memref<8x20x128xf32, #tpu.memory_space<hbm>>)
    return
  }
}

module attributes {stable_mosaic.version = 14 : i64} {
  func.func @_topk_body(%arg0: i32, %arg1: memref<256x64xf32, #tpu.memory_space<vmem>>, %arg2: memref<64x32xf32, #tpu.memory_space<vmem>>, %arg3: memref<1x32xf32, #tpu.memory_space<vmem>>, %arg4: memref<32x64xf32, #tpu.memory_space<vmem>>, %arg5: memref<1x64xf32, #tpu.memory_space<vmem>>, %arg6: memref<64x512xf32, #tpu.memory_space<vmem>>, %arg7: memref<1x512xf32, #tpu.memory_space<vmem>>, %arg8: memref<512x2048xf32, #tpu.memory_space<vmem>>, %arg9: memref<1x2048xf32, #tpu.memory_space<vmem>>, %arg10: memref<256x32xi32, #tpu.memory_space<vmem>>, %arg11: memref<256x128xf32, #tpu.memory_space<vmem>>) attributes {dimension_semantics = [#tpu.dimension_semantics<arbitrary>], iteration_bounds = array<i64: 32>, scalar_prefetch = 0 : i64, scratch_operands = 0 : i64, tpu.core_type = #tpu.core_type<tc>, window_params = [{transform_indices = @transform_0, window_bounds = array<i64: 256, 64>}, {pipeline_mode = #tpu.pipeline_mode<synchronous>, transform_indices = @transform_1, window_bounds = array<i64: 64, 32>}, {pipeline_mode = #tpu.pipeline_mode<synchronous>, transform_indices = @transform_2, window_bounds = array<i64: 1, 32>}, {pipeline_mode = #tpu.pipeline_mode<synchronous>, transform_indices = @transform_3, window_bounds = array<i64: 32, 64>}, {pipeline_mode = #tpu.pipeline_mode<synchronous>, transform_indices = @transform_4, window_bounds = array<i64: 1, 64>}, {pipeline_mode = #tpu.pipeline_mode<synchronous>, transform_indices = @transform_5, window_bounds = array<i64: 64, 512>}, {pipeline_mode = #tpu.pipeline_mode<synchronous>, transform_indices = @transform_6, window_bounds = array<i64: 1, 512>}, {pipeline_mode = #tpu.pipeline_mode<synchronous>, transform_indices = @transform_7, window_bounds = array<i64: 512, 2048>}, {pipeline_mode = #tpu.pipeline_mode<synchronous>, transform_indices = @transform_8, window_bounds = array<i64: 1, 2048>}, {transform_indices = @transform_9, window_bounds = array<i64: 256, 32>}, {transform_indices = @transform_10, window_bounds = array<i64: 256, 128>}]} {
    %get3A = arith.constant 0 : index
    %get3A_0 = arith.constant 0 : index
    %get3A_1 = vector.load %arg1[%get3A, %get3A_0] : memref<256x64xf32, #tpu.memory_space<vmem>>, vector<256x64xf32>
    %get3A_2 = arith.constant 0 : index
    %get3A_3 = arith.constant 0 : index
    %get3A_4 = vector.load %arg2[%get3A_2, %get3A_3] : memref<64x32xf32, #tpu.memory_space<vmem>>, vector<64x32xf32>
    %dot_general3A = arith.constant dense<0.000000e+00> : vector<256x32xf32>
    %dot_general3A_5 = tpu.matmul %get3A_1, %get3A_4, %dot_general3A {dimension_numbers = #tpu.dot_dimension_numbers<[1], [0], [0], [1], [0, 0, 1, 1], [], []>, transpose_lhs_hint = false} : vector<256x64xf32>, vector<64x32xf32>, vector<256x32xf32> -> vector<256x32xf32>
    %get3A_6 = arith.constant 0 : index
    %get3A_7 = arith.constant 0 : index
    %get3A_8 = vector.load %arg3[%get3A_6, %get3A_7] : memref<1x32xf32, #tpu.memory_space<vmem>>, vector<1x32xf32>
    %add3A = vector.broadcast %get3A_8 : vector<1x32xf32> to vector<256x32xf32>
    %add3A_9 = arith.addf %dot_general3A_5, %add3A : vector<256x32xf32>
    %max3A = arith.constant 0.000000e+00 : f32
    %max3A_10 = vector.broadcast %max3A : f32 to vector<256x32xf32>
    %max3A_11 = arith.maximumf %add3A_9, %max3A_10 : vector<256x32xf32>
    %mul3A = arith.constant 0.999500393 : f32
    %mul3A_12 = vector.broadcast %mul3A : f32 to vector<256x32xf32>
    %mul3A_13 = arith.mulf %max3A_11, %mul3A_12 : vector<256x32xf32>
    %get3A_14 = arith.constant 0 : index
    %get3A_15 = arith.constant 0 : index
    %get3A_16 = vector.load %arg4[%get3A_14, %get3A_15] : memref<32x64xf32, #tpu.memory_space<vmem>>, vector<32x64xf32>
    %dot_general3A_17 = arith.constant dense<0.000000e+00> : vector<256x64xf32>
    %dot_general3A_18 = tpu.matmul %mul3A_13, %get3A_16, %dot_general3A_17 {dimension_numbers = #tpu.dot_dimension_numbers<[1], [0], [0], [1], [0, 0, 1, 1], [], []>, transpose_lhs_hint = false} : vector<256x32xf32>, vector<32x64xf32>, vector<256x64xf32> -> vector<256x64xf32>
    %get3A_19 = arith.constant 0 : index
    %get3A_20 = arith.constant 0 : index
    %get3A_21 = vector.load %arg5[%get3A_19, %get3A_20] : memref<1x64xf32, #tpu.memory_space<vmem>>, vector<1x64xf32>
    %add3A_22 = vector.broadcast %get3A_21 : vector<1x64xf32> to vector<256x64xf32>
    %add3A_23 = arith.addf %dot_general3A_18, %add3A_22 : vector<256x64xf32>
    %max3A_24 = arith.constant 0.000000e+00 : f32
    %max3A_25 = vector.broadcast %max3A_24 : f32 to vector<256x64xf32>
    %max3A_26 = arith.maximumf %add3A_23, %max3A_25 : vector<256x64xf32>
    %mul3A_27 = arith.constant 0.999500393 : f32
    %mul3A_28 = vector.broadcast %mul3A_27 : f32 to vector<256x64xf32>
    %mul3A_29 = arith.mulf %max3A_26, %mul3A_28 : vector<256x64xf32>
    %get3A_30 = arith.constant 0 : index
    %get3A_31 = arith.constant 0 : index
    %get3A_32 = vector.load %arg6[%get3A_30, %get3A_31] : memref<64x512xf32, #tpu.memory_space<vmem>>, vector<64x512xf32>
    %dot_general3A_33 = arith.constant dense<0.000000e+00> : vector<256x512xf32>
    %dot_general3A_34 = tpu.matmul %mul3A_29, %get3A_32, %dot_general3A_33 {dimension_numbers = #tpu.dot_dimension_numbers<[1], [0], [0], [1], [0, 0, 1, 1], [], []>, transpose_lhs_hint = false} : vector<256x64xf32>, vector<64x512xf32>, vector<256x512xf32> -> vector<256x512xf32>
    %get3A_35 = arith.constant 0 : index
    %get3A_36 = arith.constant 0 : index
    %get3A_37 = vector.load %arg7[%get3A_35, %get3A_36] : memref<1x512xf32, #tpu.memory_space<vmem>>, vector<1x512xf32>
    %add3A_38 = vector.broadcast %get3A_37 : vector<1x512xf32> to vector<256x512xf32>
    %add3A_39 = arith.addf %dot_general3A_34, %add3A_38 : vector<256x512xf32>
    %max3A_40 = arith.constant 0.000000e+00 : f32
    %max3A_41 = vector.broadcast %max3A_40 : f32 to vector<256x512xf32>
    %max3A_42 = arith.maximumf %add3A_39, %max3A_41 : vector<256x512xf32>
    %mul3A_43 = arith.constant 0.999500393 : f32
    %mul3A_44 = vector.broadcast %mul3A_43 : f32 to vector<256x512xf32>
    %mul3A_45 = arith.mulf %max3A_42, %mul3A_44 : vector<256x512xf32>
    %get3A_46 = arith.constant 0 : index
    %get3A_47 = arith.constant 0 : index
    %get3A_48 = vector.load %arg8[%get3A_46, %get3A_47] : memref<512x2048xf32, #tpu.memory_space<vmem>>, vector<512x2048xf32>
    %dot_general3A_49 = arith.constant dense<0.000000e+00> : vector<256x2048xf32>
    %dot_general3A_50 = tpu.matmul %mul3A_45, %get3A_48, %dot_general3A_49 {dimension_numbers = #tpu.dot_dimension_numbers<[1], [0], [0], [1], [0, 0, 1, 1], [], []>, transpose_lhs_hint = false} : vector<256x512xf32>, vector<512x2048xf32>, vector<256x2048xf32> -> vector<256x2048xf32>
    %get3A_51 = arith.constant 0 : index
    %get3A_52 = arith.constant 0 : index
    %get3A_53 = vector.load %arg9[%get3A_51, %get3A_52] : memref<1x2048xf32, #tpu.memory_space<vmem>>, vector<1x2048xf32>
    %add3A_54 = vector.broadcast %get3A_53 : vector<1x2048xf32> to vector<256x2048xf32>
    %add3A_55 = arith.addf %dot_general3A_50, %add3A_54 : vector<256x2048xf32>
    %broadcast_in_dim3A = arith.constant 0.000000e+00 : f32
    %broadcast_in_dim3A_56 = vector.broadcast %broadcast_in_dim3A : f32 to vector<256x64xf32>
    %concatenate3A = tpu.concatenate %get3A_1, %broadcast_in_dim3A_56 in 1 : vector<256x64xf32>, vector<256x64xf32> -> vector<256x128xf32>
    %swap3A = arith.constant 0 : index
    %swap3A_57 = arith.constant 0 : index
    %swap3A_58 = vector.load %arg11[%swap3A, %swap3A_57] : memref<256x128xf32, #tpu.memory_space<vmem>>, vector<256x128xf32>
    tpu.vector_store %arg11[%swap3A, %swap3A_57], %concatenate3A {strides = array<i32>} : memref<256x128xf32, #tpu.memory_space<vmem>>, vector<256x128xf32>,
    %iota3A = tpu.iota {dimensions = array<i32: 1>} : vector<256x2048xi32>
    %convert_element_type3A = arith.sitofp %iota3A : vector<256x2048xi32> to vector<256x2048xf32>
    %iota3A_59 = tpu.iota {dimensions = array<i32: 1>} : vector<256x32xi32>
    %convert_element_type3A_60 = arith.sitofp %iota3A_59 : vector<256x32xi32> to vector<256x32xf32>
    %mul3A_61 = arith.constant 256 : i32
    %mul3A_62 = arith.muli %arg0, %mul3A_61 : i32
    %jit3A = arith.constant 2048 : i32
    %div3A = arith.divsi %mul3A_62, %jit3A : i32
    %sign3A = arith.constant 0 : i32
    %sign3A_63 = arith.cmpi sgt, %mul3A_62, %sign3A : i32
    %sign3A_64 = arith.extui %sign3A_63 : i1 to i32
    %sign3A_65 = arith.constant 0 : i32
    %sign3A_66 = arith.cmpi slt, %mul3A_62, %sign3A_65 : i32
    %sign3A_67 = arith.extui %sign3A_66 : i1 to i32
    %sign3A_68 = arith.subi %sign3A_64, %sign3A_67 : i32
    %sign3A_69 = arith.constant 0 : i32
    %sign3A_70 = arith.cmpi sgt, %jit3A, %sign3A_69 : i32
    %sign3A_71 = arith.extui %sign3A_70 : i1 to i32
    %sign3A_72 = arith.constant 0 : i32
    %sign3A_73 = arith.cmpi slt, %jit3A, %sign3A_72 : i32
    %sign3A_74 = arith.extui %sign3A_73 : i1 to i32
    %sign3A_75 = arith.subi %sign3A_71, %sign3A_74 : i32
    %ne3A = arith.cmpi ne, %sign3A_68, %sign3A_75 : i32
    %rem3A = arith.remsi %mul3A_62, %jit3A : i32
    %ne3A_76 = arith.constant 0 : i32
    %ne3A_77 = arith.cmpi ne, %rem3A, %ne3A_76 : i32
    %and3A = arith.andi %ne3A, %ne3A_77 : i1
    %sub3A = arith.constant 1 : i32
    %sub3A_78 = arith.subi %div3A, %sub3A : i32
    %select_n3A = arith.select %and3A, %sub3A_78, %div3A : i32
    %mul3A_79 = arith.constant 2048 : i32
    %mul3A_80 = arith.muli %select_n3A, %mul3A_79 : i32
    %broadcast_in_dim3A_81 = arith.constant 0.000000e+00 : f32
    %broadcast_in_dim3A_82 = vector.broadcast %broadcast_in_dim3A_81 : f32 to vector<256x32xf32>
    %reduce_min3A = arith.constant dense<0x7F800000> : vector<256xf32>
    %reduce_min3A_83 = vector.multi_reduction <minimumf>, %add3A_55, %reduce_min3A [1] : vector<256x2048xf32> to vector<256xf32>
    %broadcast_in_dim3A_84 = vector.shape_cast %reduce_min3A_83 : vector<256xf32> to vector<256x1xf32>
    %eq3A = vector.broadcast %broadcast_in_dim3A_84 : vector<256x1xf32> to vector<256x2048xf32>
    %eq3A_85 = arith.cmpf oeq, %add3A_55, %eq3A : vector<256x2048xf32>
    %jit3A_86 = arith.constant 2.048000e+03 : f32
    %broadcast_in_dim3A_87 = vector.broadcast %jit3A_86 : f32 to vector<256x2048xf32>
    %select_n3A_88 = arith.select %eq3A_85, %convert_element_type3A, %broadcast_in_dim3A_87 : vector<256x2048xi1>, vector<256x2048xf32>
    %reduce_min3A_89 = arith.constant dense<0x7F800000> : vector<256xf32>
    %reduce_min3A_90 = vector.multi_reduction <minimumf>, %select_n3A_88, %reduce_min3A_89 [1] : vector<256x2048xf32> to vector<256xf32>
    %broadcast_in_dim3A_91 = vector.shape_cast %reduce_min3A_90 : vector<256xf32> to vector<256x1xf32>
    %eq3A_92 = vector.broadcast %broadcast_in_dim3A_91 : vector<256x1xf32> to vector<256x2048xf32>
    %eq3A_93 = arith.cmpf oeq, %convert_element_type3A, %eq3A_92 : vector<256x2048xf32>
    %jit3A_94 = arith.constant 0x7F800000 : f32
    %broadcast_in_dim3A_95 = vector.broadcast %jit3A_94 : f32 to vector<256x2048xf32>
    %select_n3A_96 = arith.select %eq3A_93, %broadcast_in_dim3A_95, %add3A_55 : vector<256x2048xi1>, vector<256x2048xf32>
    %eq3A_97 = arith.constant 0.000000e+00 : f32
    %eq3A_98 = vector.broadcast %eq3A_97 : f32 to vector<256x32xf32>
    %eq3A_99 = arith.cmpf oeq, %convert_element_type3A_60, %eq3A_98 : vector<256x32xf32>
    %broadcast_in_dim3A_100 = vector.shape_cast %broadcast_in_dim3A_91 : vector<256x1xf32> to vector<256x1xf32>
    %broadcast_in_dim3A_101 = vector.broadcast %broadcast_in_dim3A_100 : vector<256x1xf32> to vector<256x32xf32>
    %select_n3A_102 = arith.select %eq3A_99, %broadcast_in_dim3A_101, %broadcast_in_dim3A_82 : vector<256x32xi1>, vector<256x32xf32>
    %reduce_min3A_103 = arith.constant dense<0x7F800000> : vector<256xf32>
    %reduce_min3A_104 = vector.multi_reduction <minimumf>, %select_n3A_96, %reduce_min3A_103 [1] : vector<256x2048xf32> to vector<256xf32>
    %broadcast_in_dim3A_105 = vector.shape_cast %reduce_min3A_104 : vector<256xf32> to vector<256x1xf32>
    %eq3A_106 = vector.broadcast %broadcast_in_dim3A_105 : vector<256x1xf32> to vector<256x2048xf32>
    %eq3A_107 = arith.cmpf oeq, %select_n3A_96, %eq3A_106 : vector<256x2048xf32>
    %jit3A_108 = arith.constant 2.048000e+03 : f32
    %broadcast_in_dim3A_109 = vector.broadcast %jit3A_108 : f32 to vector<256x2048xf32>
    %select_n3A_110 = arith.select %eq3A_107, %convert_element_type3A, %broadcast_in_dim3A_109 : vector<256x2048xi1>, vector<256x2048xf32>
    %reduce_min3A_111 = arith.constant dense<0x7F800000> : vector<256xf32>
    %reduce_min3A_112 = vector.multi_reduction <minimumf>, %select_n3A_110, %reduce_min3A_111 [1] : vector<256x2048xf32> to vector<256xf32>
    %broadcast_in_dim3A_113 = vector.shape_cast %reduce_min3A_112 : vector<256xf32> to vector<256x1xf32>
    %eq3A_114 = vector.broadcast %broadcast_in_dim3A_113 : vector<256x1xf32> to vector<256x2048xf32>
    %eq3A_115 = arith.cmpf oeq, %convert_element_type3A, %eq3A_114 : vector<256x2048xf32>
    %jit3A_116 = arith.constant 0x7F800000 : f32
    %broadcast_in_dim3A_117 = vector.broadcast %jit3A_116 : f32 to vector<256x2048xf32>
    %select_n3A_118 = arith.select %eq3A_115, %broadcast_in_dim3A_117, %select_n3A_96 : vector<256x2048xi1>, vector<256x2048xf32>
    %eq3A_119 = arith.constant 1.000000e+00 : f32
    %eq3A_120 = vector.broadcast %eq3A_119 : f32 to vector<256x32xf32>
    %eq3A_121 = arith.cmpf oeq, %convert_element_type3A_60, %eq3A_120 : vector<256x32xf32>
    %broadcast_in_dim3A_122 = vector.shape_cast %broadcast_in_dim3A_113 : vector<256x1xf32> to vector<256x1xf32>
    %broadcast_in_dim3A_123 = vector.broadcast %broadcast_in_dim3A_122 : vector<256x1xf32> to vector<256x32xf32>
    %select_n3A_124 = arith.select %eq3A_121, %broadcast_in_dim3A_123, %select_n3A_102 : vector<256x32xi1>, vector<256x32xf32>
    %reduce_min3A_125 = arith.constant dense<0x7F800000> : vector<256xf32>
    %reduce_min3A_126 = vector.multi_reduction <minimumf>, %select_n3A_118, %reduce_min3A_125 [1] : vector<256x2048xf32> to vector<256xf32>
    %broadcast_in_dim3A_127 = vector.shape_cast %reduce_min3A_126 : vector<256xf32> to vector<256x1xf32>
    %eq3A_128 = vector.broadcast %broadcast_in_dim3A_127 : vector<256x1xf32> to vector<256x2048xf32>
    %eq3A_129 = arith.cmpf oeq, %select_n3A_118, %eq3A_128 : vector<256x2048xf32>
    %jit3A_130 = arith.constant 2.048000e+03 : f32
    %broadcast_in_dim3A_131 = vector.broadcast %jit3A_130 : f32 to vector<256x2048xf32>
    %select_n3A_132 = arith.select %eq3A_129, %convert_element_type3A, %broadcast_in_dim3A_131 : vector<256x2048xi1>, vector<256x2048xf32>
    %reduce_min3A_133 = arith.constant dense<0x7F800000> : vector<256xf32>
    %reduce_min3A_134 = vector.multi_reduction <minimumf>, %select_n3A_132, %reduce_min3A_133 [1] : vector<256x2048xf32> to vector<256xf32>
    %broadcast_in_dim3A_135 = vector.shape_cast %reduce_min3A_134 : vector<256xf32> to vector<256x1xf32>
    %eq3A_136 = vector.broadcast %broadcast_in_dim3A_135 : vector<256x1xf32> to vector<256x2048xf32>
    %eq3A_137 = arith.cmpf oeq, %convert_element_type3A, %eq3A_136 : vector<256x2048xf32>
    %jit3A_138 = arith.constant 0x7F800000 : f32
    %broadcast_in_dim3A_139 = vector.broadcast %jit3A_138 : f32 to vector<256x2048xf32>
    %select_n3A_140 = arith.select %eq3A_137, %broadcast_in_dim3A_139, %select_n3A_118 : vector<256x2048xi1>, vector<256x2048xf32>
    %eq3A_141 = arith.constant 2.000000e+00 : f32
    %eq3A_142 = vector.broadcast %eq3A_141 : f32 to vector<256x32xf32>
    %eq3A_143 = arith.cmpf oeq, %convert_element_type3A_60, %eq3A_142 : vector<256x32xf32>
    %broadcast_in_dim3A_144 = vector.shape_cast %broadcast_in_dim3A_135 : vector<256x1xf32> to vector<256x1xf32>
    %broadcast_in_dim3A_145 = vector.broadcast %broadcast_in_dim3A_144 : vector<256x1xf32> to vector<256x32xf32>
    %select_n3A_146 = arith.select %eq3A_143, %broadcast_in_dim3A_145, %select_n3A_124 : vector<256x32xi1>, vector<256x32xf32>
    %reduce_min3A_147 = arith.constant dense<0x7F800000> : vector<256xf32>
    %reduce_min3A_148 = vector.multi_reduction <minimumf>, %select_n3A_140, %reduce_min3A_147 [1] : vector<256x2048xf32> to vector<256xf32>
    %broadcast_in_dim3A_149 = vector.shape_cast %reduce_min3A_148 : vector<256xf32> to vector<256x1xf32>
    %eq3A_150 = vector.broadcast %broadcast_in_dim3A_149 : vector<256x1xf32> to vector<256x2048xf32>
    %eq3A_151 = arith.cmpf oeq, %select_n3A_140, %eq3A_150 : vector<256x2048xf32>
    %jit3A_152 = arith.constant 2.048000e+03 : f32
    %broadcast_in_dim3A_153 = vector.broadcast %jit3A_152 : f32 to vector<256x2048xf32>
    %select_n3A_154 = arith.select %eq3A_151, %convert_element_type3A, %broadcast_in_dim3A_153 : vector<256x2048xi1>, vector<256x2048xf32>
    %reduce_min3A_155 = arith.constant dense<0x7F800000> : vector<256xf32>
    %reduce_min3A_156 = vector.multi_reduction <minimumf>, %select_n3A_154, %reduce_min3A_155 [1] : vector<256x2048xf32> to vector<256xf32>
    %broadcast_in_dim3A_157 = vector.shape_cast %reduce_min3A_156 : vector<256xf32> to vector<256x1xf32>
    %eq3A_158 = vector.broadcast %broadcast_in_dim3A_157 : vector<256x1xf32> to vector<256x2048xf32>
    %eq3A_159 = arith.cmpf oeq, %convert_element_type3A, %eq3A_158 : vector<256x2048xf32>
    %jit3A_160 = arith.constant 0x7F800000 : f32
    %broadcast_in_dim3A_161 = vector.broadcast %jit3A_160 : f32 to vector<256x2048xf32>
    %select_n3A_162 = arith.select %eq3A_159, %broadcast_in_dim3A_161, %select_n3A_140 : vector<256x2048xi1>, vector<256x2048xf32>
    %eq3A_163 = arith.constant 3.000000e+00 : f32
    %eq3A_164 = vector.broadcast %eq3A_163 : f32 to vector<256x32xf32>
    %eq3A_165 = arith.cmpf oeq, %convert_element_type3A_60, %eq3A_164 : vector<256x32xf32>
    %broadcast_in_dim3A_166 = vector.shape_cast %broadcast_in_dim3A_157 : vector<256x1xf32> to vector<256x1xf32>
    %broadcast_in_dim3A_167 = vector.broadcast %broadcast_in_dim3A_166 : vector<256x1xf32> to vector<256x32xf32>
    %select_n3A_168 = arith.select %eq3A_165, %broadcast_in_dim3A_167, %select_n3A_146 : vector<256x32xi1>, vector<256x32xf32>
    %reduce_min3A_169 = arith.constant dense<0x7F800000> : vector<256xf32>
    %reduce_min3A_170 = vector.multi_reduction <minimumf>, %select_n3A_162, %reduce_min3A_169 [1] : vector<256x2048xf32> to vector<256xf32>
    %broadcast_in_dim3A_171 = vector.shape_cast %reduce_min3A_170 : vector<256xf32> to vector<256x1xf32>
    %eq3A_172 = vector.broadcast %broadcast_in_dim3A_171 : vector<256x1xf32> to vector<256x2048xf32>
    %eq3A_173 = arith.cmpf oeq, %select_n3A_162, %eq3A_172 : vector<256x2048xf32>
    %jit3A_174 = arith.constant 2.048000e+03 : f32
    %broadcast_in_dim3A_175 = vector.broadcast %jit3A_174 : f32 to vector<256x2048xf32>
    %select_n3A_176 = arith.select %eq3A_173, %convert_element_type3A, %broadcast_in_dim3A_175 : vector<256x2048xi1>, vector<256x2048xf32>
    %reduce_min3A_177 = arith.constant dense<0x7F800000> : vector<256xf32>
    %reduce_min3A_178 = vector.multi_reduction <minimumf>, %select_n3A_176, %reduce_min3A_177 [1] : vector<256x2048xf32> to vector<256xf32>
    %broadcast_in_dim3A_179 = vector.shape_cast %reduce_min3A_178 : vector<256xf32> to vector<256x1xf32>
    %eq3A_180 = vector.broadcast %broadcast_in_dim3A_179 : vector<256x1xf32> to vector<256x2048xf32>
    %eq3A_181 = arith.cmpf oeq, %convert_element_type3A, %eq3A_180 : vector<256x2048xf32>
    %jit3A_182 = arith.constant 0x7F800000 : f32
    %broadcast_in_dim3A_183 = vector.broadcast %jit3A_182 : f32 to vector<256x2048xf32>
    %select_n3A_184 = arith.select %eq3A_181, %broadcast_in_dim3A_183, %select_n3A_162 : vector<256x2048xi1>, vector<256x2048xf32>
    %eq3A_185 = arith.constant 4.000000e+00 : f32
    %eq3A_186 = vector.broadcast %eq3A_185 : f32 to vector<256x32xf32>
    %eq3A_187 = arith.cmpf oeq, %convert_element_type3A_60, %eq3A_186 : vector<256x32xf32>
    %broadcast_in_dim3A_188 = vector.shape_cast %broadcast_in_dim3A_179 : vector<256x1xf32> to vector<256x1xf32>
    %broadcast_in_dim3A_189 = vector.broadcast %broadcast_in_dim3A_188 : vector<256x1xf32> to vector<256x32xf32>
    %select_n3A_190 = arith.select %eq3A_187, %broadcast_in_dim3A_189, %select_n3A_168 : vector<256x32xi1>, vector<256x32xf32>
    %reduce_min3A_191 = arith.constant dense<0x7F800000> : vector<256xf32>
    %reduce_min3A_192 = vector.multi_reduction <minimumf>, %select_n3A_184, %reduce_min3A_191 [1] : vector<256x2048xf32> to vector<256xf32>
    %broadcast_in_dim3A_193 = vector.shape_cast %reduce_min3A_192 : vector<256xf32> to vector<256x1xf32>
    %eq3A_194 = vector.broadcast %broadcast_in_dim3A_193 : vector<256x1xf32> to vector<256x2048xf32>
    %eq3A_195 = arith.cmpf oeq, %select_n3A_184, %eq3A_194 : vector<256x2048xf32>
    %jit3A_196 = arith.constant 2.048000e+03 : f32
    %broadcast_in_dim3A_197 = vector.broadcast %jit3A_196 : f32 to vector<256x2048xf32>
    %select_n3A_198 = arith.select %eq3A_195, %convert_element_type3A, %broadcast_in_dim3A_197 : vector<256x2048xi1>, vector<256x2048xf32>
    %reduce_min3A_199 = arith.constant dense<0x7F800000> : vector<256xf32>
    %reduce_min3A_200 = vector.multi_reduction <minimumf>, %select_n3A_198, %reduce_min3A_199 [1] : vector<256x2048xf32> to vector<256xf32>
    %broadcast_in_dim3A_201 = vector.shape_cast %reduce_min3A_200 : vector<256xf32> to vector<256x1xf32>
    %eq3A_202 = vector.broadcast %broadcast_in_dim3A_201 : vector<256x1xf32> to vector<256x2048xf32>
    %eq3A_203 = arith.cmpf oeq, %convert_element_type3A, %eq3A_202 : vector<256x2048xf32>
    %jit3A_204 = arith.constant 0x7F800000 : f32
    %broadcast_in_dim3A_205 = vector.broadcast %jit3A_204 : f32 to vector<256x2048xf32>
    %select_n3A_206 = arith.select %eq3A_203, %broadcast_in_dim3A_205, %select_n3A_184 : vector<256x2048xi1>, vector<256x2048xf32>
    %eq3A_207 = arith.constant 5.000000e+00 : f32
    %eq3A_208 = vector.broadcast %eq3A_207 : f32 to vector<256x32xf32>
    %eq3A_209 = arith.cmpf oeq, %convert_element_type3A_60, %eq3A_208 : vector<256x32xf32>
    %broadcast_in_dim3A_210 = vector.shape_cast %broadcast_in_dim3A_201 : vector<256x1xf32> to vector<256x1xf32>
    %broadcast_in_dim3A_211 = vector.broadcast %broadcast_in_dim3A_210 : vector<256x1xf32> to vector<256x32xf32>
    %select_n3A_212 = arith.select %eq3A_209, %broadcast_in_dim3A_211, %select_n3A_190 : vector<256x32xi1>, vector<256x32xf32>
    %reduce_min3A_213 = arith.constant dense<0x7F800000> : vector<256xf32>
    %reduce_min3A_214 = vector.multi_reduction <minimumf>, %select_n3A_206, %reduce_min3A_213 [1] : vector<256x2048xf32> to vector<256xf32>
    %broadcast_in_dim3A_215 = vector.shape_cast %reduce_min3A_214 : vector<256xf32> to vector<256x1xf32>
    %eq3A_216 = vector.broadcast %broadcast_in_dim3A_215 : vector<256x1xf32> to vector<256x2048xf32>
    %eq3A_217 = arith.cmpf oeq, %select_n3A_206, %eq3A_216 : vector<256x2048xf32>
    %jit3A_218 = arith.constant 2.048000e+03 : f32
    %broadcast_in_dim3A_219 = vector.broadcast %jit3A_218 : f32 to vector<256x2048xf32>
    %select_n3A_220 = arith.select %eq3A_217, %convert_element_type3A, %broadcast_in_dim3A_219 : vector<256x2048xi1>, vector<256x2048xf32>
    %reduce_min3A_221 = arith.constant dense<0x7F800000> : vector<256xf32>
    %reduce_min3A_222 = vector.multi_reduction <minimumf>, %select_n3A_220, %reduce_min3A_221 [1] : vector<256x2048xf32> to vector<256xf32>
    %broadcast_in_dim3A_223 = vector.shape_cast %reduce_min3A_222 : vector<256xf32> to vector<256x1xf32>
    %eq3A_224 = vector.broadcast %broadcast_in_dim3A_223 : vector<256x1xf32> to vector<256x2048xf32>
    %eq3A_225 = arith.cmpf oeq, %convert_element_type3A, %eq3A_224 : vector<256x2048xf32>
    %jit3A_226 = arith.constant 0x7F800000 : f32
    %broadcast_in_dim3A_227 = vector.broadcast %jit3A_226 : f32 to vector<256x2048xf32>
    %select_n3A_228 = arith.select %eq3A_225, %broadcast_in_dim3A_227, %select_n3A_206 : vector<256x2048xi1>, vector<256x2048xf32>
    %eq3A_229 = arith.constant 6.000000e+00 : f32
    %eq3A_230 = vector.broadcast %eq3A_229 : f32 to vector<256x32xf32>
    %eq3A_231 = arith.cmpf oeq, %convert_element_type3A_60, %eq3A_230 : vector<256x32xf32>
    %broadcast_in_dim3A_232 = vector.shape_cast %broadcast_in_dim3A_223 : vector<256x1xf32> to vector<256x1xf32>
    %broadcast_in_dim3A_233 = vector.broadcast %broadcast_in_dim3A_232 : vector<256x1xf32> to vector<256x32xf32>
    %select_n3A_234 = arith.select %eq3A_231, %broadcast_in_dim3A_233, %select_n3A_212 : vector<256x32xi1>, vector<256x32xf32>
    %reduce_min3A_235 = arith.constant dense<0x7F800000> : vector<256xf32>
    %reduce_min3A_236 = vector.multi_reduction <minimumf>, %select_n3A_228, %reduce_min3A_235 [1] : vector<256x2048xf32> to vector<256xf32>
    %broadcast_in_dim3A_237 = vector.shape_cast %reduce_min3A_236 : vector<256xf32> to vector<256x1xf32>
    %eq3A_238 = vector.broadcast %broadcast_in_dim3A_237 : vector<256x1xf32> to vector<256x2048xf32>
    %eq3A_239 = arith.cmpf oeq, %select_n3A_228, %eq3A_238 : vector<256x2048xf32>
    %jit3A_240 = arith.constant 2.048000e+03 : f32
    %broadcast_in_dim3A_241 = vector.broadcast %jit3A_240 : f32 to vector<256x2048xf32>
    %select_n3A_242 = arith.select %eq3A_239, %convert_element_type3A, %broadcast_in_dim3A_241 : vector<256x2048xi1>, vector<256x2048xf32>
    %reduce_min3A_243 = arith.constant dense<0x7F800000> : vector<256xf32>
    %reduce_min3A_244 = vector.multi_reduction <minimumf>, %select_n3A_242, %reduce_min3A_243 [1] : vector<256x2048xf32> to vector<256xf32>
    %broadcast_in_dim3A_245 = vector.shape_cast %reduce_min3A_244 : vector<256xf32> to vector<256x1xf32>
    %eq3A_246 = vector.broadcast %broadcast_in_dim3A_245 : vector<256x1xf32> to vector<256x2048xf32>
    %eq3A_247 = arith.cmpf oeq, %convert_element_type3A, %eq3A_246 : vector<256x2048xf32>
    %jit3A_248 = arith.constant 0x7F800000 : f32
    %broadcast_in_dim3A_249 = vector.broadcast %jit3A_248 : f32 to vector<256x2048xf32>
    %select_n3A_250 = arith.select %eq3A_247, %broadcast_in_dim3A_249, %select_n3A_228 : vector<256x2048xi1>, vector<256x2048xf32>
    %eq3A_251 = arith.constant 7.000000e+00 : f32
    %eq3A_252 = vector.broadcast %eq3A_251 : f32 to vector<256x32xf32>
    %eq3A_253 = arith.cmpf oeq, %convert_element_type3A_60, %eq3A_252 : vector<256x32xf32>
    %broadcast_in_dim3A_254 = vector.shape_cast %broadcast_in_dim3A_245 : vector<256x1xf32> to vector<256x1xf32>
    %broadcast_in_dim3A_255 = vector.broadcast %broadcast_in_dim3A_254 : vector<256x1xf32> to vector<256x32xf32>
    %select_n3A_256 = arith.select %eq3A_253, %broadcast_in_dim3A_255, %select_n3A_234 : vector<256x32xi1>, vector<256x32xf32>
    %reduce_min3A_257 = arith.constant dense<0x7F800000> : vector<256xf32>
    %reduce_min3A_258 = vector.multi_reduction <minimumf>, %select_n3A_250, %reduce_min3A_257 [1] : vector<256x2048xf32> to vector<256xf32>
    %broadcast_in_dim3A_259 = vector.shape_cast %reduce_min3A_258 : vector<256xf32> to vector<256x1xf32>
    %eq3A_260 = vector.broadcast %broadcast_in_dim3A_259 : vector<256x1xf32> to vector<256x2048xf32>
    %eq3A_261 = arith.cmpf oeq, %select_n3A_250, %eq3A_260 : vector<256x2048xf32>
    %jit3A_262 = arith.constant 2.048000e+03 : f32
    %broadcast_in_dim3A_263 = vector.broadcast %jit3A_262 : f32 to vector<256x2048xf32>
    %select_n3A_264 = arith.select %eq3A_261, %convert_element_type3A, %broadcast_in_dim3A_263 : vector<256x2048xi1>, vector<256x2048xf32>
    %reduce_min3A_265 = arith.constant dense<0x7F800000> : vector<256xf32>
    %reduce_min3A_266 = vector.multi_reduction <minimumf>, %select_n3A_264, %reduce_min3A_265 [1] : vector<256x2048xf32> to vector<256xf32>
    %broadcast_in_dim3A_267 = vector.shape_cast %reduce_min3A_266 : vector<256xf32> to vector<256x1xf32>
    %eq3A_268 = vector.broadcast %broadcast_in_dim3A_267 : vector<256x1xf32> to vector<256x2048xf32>
    %eq3A_269 = arith.cmpf oeq, %convert_element_type3A, %eq3A_268 : vector<256x2048xf32>
    %jit3A_270 = arith.constant 0x7F800000 : f32
    %broadcast_in_dim3A_271 = vector.broadcast %jit3A_270 : f32 to vector<256x2048xf32>
    %select_n3A_272 = arith.select %eq3A_269, %broadcast_in_dim3A_271, %select_n3A_250 : vector<256x2048xi1>, vector<256x2048xf32>
    %eq3A_273 = arith.constant 8.000000e+00 : f32
    %eq3A_274 = vector.broadcast %eq3A_273 : f32 to vector<256x32xf32>
    %eq3A_275 = arith.cmpf oeq, %convert_element_type3A_60, %eq3A_274 : vector<256x32xf32>
    %broadcast_in_dim3A_276 = vector.shape_cast %broadcast_in_dim3A_267 : vector<256x1xf32> to vector<256x1xf32>
    %broadcast_in_dim3A_277 = vector.broadcast %broadcast_in_dim3A_276 : vector<256x1xf32> to vector<256x32xf32>
    %select_n3A_278 = arith.select %eq3A_275, %broadcast_in_dim3A_277, %select_n3A_256 : vector<256x32xi1>, vector<256x32xf32>
    %reduce_min3A_279 = arith.constant dense<0x7F800000> : vector<256xf32>
    %reduce_min3A_280 = vector.multi_reduction <minimumf>, %select_n3A_272, %reduce_min3A_279 [1] : vector<256x2048xf32> to vector<256xf32>
    %broadcast_in_dim3A_281 = vector.shape_cast %reduce_min3A_280 : vector<256xf32> to vector<256x1xf32>
    %eq3A_282 = vector.broadcast %broadcast_in_dim3A_281 : vector<256x1xf32> to vector<256x2048xf32>
    %eq3A_283 = arith.cmpf oeq, %select_n3A_272, %eq3A_282 : vector<256x2048xf32>
    %jit3A_284 = arith.constant 2.048000e+03 : f32
    %broadcast_in_dim3A_285 = vector.broadcast %jit3A_284 : f32 to vector<256x2048xf32>
    %select_n3A_286 = arith.select %eq3A_283, %convert_element_type3A, %broadcast_in_dim3A_285 : vector<256x2048xi1>, vector<256x2048xf32>
    %reduce_min3A_287 = arith.constant dense<0x7F800000> : vector<256xf32>
    %reduce_min3A_288 = vector.multi_reduction <minimumf>, %select_n3A_286, %reduce_min3A_287 [1] : vector<256x2048xf32> to vector<256xf32>
    %broadcast_in_dim3A_289 = vector.shape_cast %reduce_min3A_288 : vector<256xf32> to vector<256x1xf32>
    %eq3A_290 = vector.broadcast %broadcast_in_dim3A_289 : vector<256x1xf32> to vector<256x2048xf32>
    %eq3A_291 = arith.cmpf oeq, %convert_element_type3A, %eq3A_290 : vector<256x2048xf32>
    %jit3A_292 = arith.constant 0x7F800000 : f32
    %broadcast_in_dim3A_293 = vector.broadcast %jit3A_292 : f32 to vector<256x2048xf32>
    %select_n3A_294 = arith.select %eq3A_291, %broadcast_in_dim3A_293, %select_n3A_272 : vector<256x2048xi1>, vector<256x2048xf32>
    %eq3A_295 = arith.constant 9.000000e+00 : f32
    %eq3A_296 = vector.broadcast %eq3A_295 : f32 to vector<256x32xf32>
    %eq3A_297 = arith.cmpf oeq, %convert_element_type3A_60, %eq3A_296 : vector<256x32xf32>
    %broadcast_in_dim3A_298 = vector.shape_cast %broadcast_in_dim3A_289 : vector<256x1xf32> to vector<256x1xf32>
    %broadcast_in_dim3A_299 = vector.broadcast %broadcast_in_dim3A_298 : vector<256x1xf32> to vector<256x32xf32>
    %select_n3A_300 = arith.select %eq3A_297, %broadcast_in_dim3A_299, %select_n3A_278 : vector<256x32xi1>, vector<256x32xf32>
    %reduce_min3A_301 = arith.constant dense<0x7F800000> : vector<256xf32>
    %reduce_min3A_302 = vector.multi_reduction <minimumf>, %select_n3A_294, %reduce_min3A_301 [1] : vector<256x2048xf32> to vector<256xf32>
    %broadcast_in_dim3A_303 = vector.shape_cast %reduce_min3A_302 : vector<256xf32> to vector<256x1xf32>
    %eq3A_304 = vector.broadcast %broadcast_in_dim3A_303 : vector<256x1xf32> to vector<256x2048xf32>
    %eq3A_305 = arith.cmpf oeq, %select_n3A_294, %eq3A_304 : vector<256x2048xf32>
    %jit3A_306 = arith.constant 2.048000e+03 : f32
    %broadcast_in_dim3A_307 = vector.broadcast %jit3A_306 : f32 to vector<256x2048xf32>
    %select_n3A_308 = arith.select %eq3A_305, %convert_element_type3A, %broadcast_in_dim3A_307 : vector<256x2048xi1>, vector<256x2048xf32>
    %reduce_min3A_309 = arith.constant dense<0x7F800000> : vector<256xf32>
    %reduce_min3A_310 = vector.multi_reduction <minimumf>, %select_n3A_308, %reduce_min3A_309 [1] : vector<256x2048xf32> to vector<256xf32>
    %broadcast_in_dim3A_311 = vector.shape_cast %reduce_min3A_310 : vector<256xf32> to vector<256x1xf32>
    %eq3A_312 = vector.broadcast %broadcast_in_dim3A_311 : vector<256x1xf32> to vector<256x2048xf32>
    %eq3A_313 = arith.cmpf oeq, %convert_element_type3A, %eq3A_312 : vector<256x2048xf32>
    %jit3A_314 = arith.constant 0x7F800000 : f32
    %broadcast_in_dim3A_315 = vector.broadcast %jit3A_314 : f32 to vector<256x2048xf32>
    %select_n3A_316 = arith.select %eq3A_313, %broadcast_in_dim3A_315, %select_n3A_294 : vector<256x2048xi1>, vector<256x2048xf32>
    %eq3A_317 = arith.constant 1.000000e+01 : f32
    %eq3A_318 = vector.broadcast %eq3A_317 : f32 to vector<256x32xf32>
    %eq3A_319 = arith.cmpf oeq, %convert_element_type3A_60, %eq3A_318 : vector<256x32xf32>
    %broadcast_in_dim3A_320 = vector.shape_cast %broadcast_in_dim3A_311 : vector<256x1xf32> to vector<256x1xf32>
    %broadcast_in_dim3A_321 = vector.broadcast %broadcast_in_dim3A_320 : vector<256x1xf32> to vector<256x32xf32>
    %select_n3A_322 = arith.select %eq3A_319, %broadcast_in_dim3A_321, %select_n3A_300 : vector<256x32xi1>, vector<256x32xf32>
    %reduce_min3A_323 = arith.constant dense<0x7F800000> : vector<256xf32>
    %reduce_min3A_324 = vector.multi_reduction <minimumf>, %select_n3A_316, %reduce_min3A_323 [1] : vector<256x2048xf32> to vector<256xf32>
    %broadcast_in_dim3A_325 = vector.shape_cast %reduce_min3A_324 : vector<256xf32> to vector<256x1xf32>
    %eq3A_326 = vector.broadcast %broadcast_in_dim3A_325 : vector<256x1xf32> to vector<256x2048xf32>
    %eq3A_327 = arith.cmpf oeq, %select_n3A_316, %eq3A_326 : vector<256x2048xf32>
    %jit3A_328 = arith.constant 2.048000e+03 : f32
    %broadcast_in_dim3A_329 = vector.broadcast %jit3A_328 : f32 to vector<256x2048xf32>
    %select_n3A_330 = arith.select %eq3A_327, %convert_element_type3A, %broadcast_in_dim3A_329 : vector<256x2048xi1>, vector<256x2048xf32>
    %reduce_min3A_331 = arith.constant dense<0x7F800000> : vector<256xf32>
    %reduce_min3A_332 = vector.multi_reduction <minimumf>, %select_n3A_330, %reduce_min3A_331 [1] : vector<256x2048xf32> to vector<256xf32>
    %broadcast_in_dim3A_333 = vector.shape_cast %reduce_min3A_332 : vector<256xf32> to vector<256x1xf32>
    %eq3A_334 = vector.broadcast %broadcast_in_dim3A_333 : vector<256x1xf32> to vector<256x2048xf32>
    %eq3A_335 = arith.cmpf oeq, %convert_element_type3A, %eq3A_334 : vector<256x2048xf32>
    %jit3A_336 = arith.constant 0x7F800000 : f32
    %broadcast_in_dim3A_337 = vector.broadcast %jit3A_336 : f32 to vector<256x2048xf32>
    %select_n3A_338 = arith.select %eq3A_335, %broadcast_in_dim3A_337, %select_n3A_316 : vector<256x2048xi1>, vector<256x2048xf32>
    %eq3A_339 = arith.constant 1.100000e+01 : f32
    %eq3A_340 = vector.broadcast %eq3A_339 : f32 to vector<256x32xf32>
    %eq3A_341 = arith.cmpf oeq, %convert_element_type3A_60, %eq3A_340 : vector<256x32xf32>
    %broadcast_in_dim3A_342 = vector.shape_cast %broadcast_in_dim3A_333 : vector<256x1xf32> to vector<256x1xf32>
    %broadcast_in_dim3A_343 = vector.broadcast %broadcast_in_dim3A_342 : vector<256x1xf32> to vector<256x32xf32>
    %select_n3A_344 = arith.select %eq3A_341, %broadcast_in_dim3A_343, %select_n3A_322 : vector<256x32xi1>, vector<256x32xf32>
    %reduce_min3A_345 = arith.constant dense<0x7F800000> : vector<256xf32>
    %reduce_min3A_346 = vector.multi_reduction <minimumf>, %select_n3A_338, %reduce_min3A_345 [1] : vector<256x2048xf32> to vector<256xf32>
    %broadcast_in_dim3A_347 = vector.shape_cast %reduce_min3A_346 : vector<256xf32> to vector<256x1xf32>
    %eq3A_348 = vector.broadcast %broadcast_in_dim3A_347 : vector<256x1xf32> to vector<256x2048xf32>
    %eq3A_349 = arith.cmpf oeq, %select_n3A_338, %eq3A_348 : vector<256x2048xf32>
    %jit3A_350 = arith.constant 2.048000e+03 : f32
    %broadcast_in_dim3A_351 = vector.broadcast %jit3A_350 : f32 to vector<256x2048xf32>
    %select_n3A_352 = arith.select %eq3A_349, %convert_element_type3A, %broadcast_in_dim3A_351 : vector<256x2048xi1>, vector<256x2048xf32>
    %reduce_min3A_353 = arith.constant dense<0x7F800000> : vector<256xf32>
    %reduce_min3A_354 = vector.multi_reduction <minimumf>, %select_n3A_352, %reduce_min3A_353 [1] : vector<256x2048xf32> to vector<256xf32>
    %broadcast_in_dim3A_355 = vector.shape_cast %reduce_min3A_354 : vector<256xf32> to vector<256x1xf32>
    %eq3A_356 = vector.broadcast %broadcast_in_dim3A_355 : vector<256x1xf32> to vector<256x2048xf32>
    %eq3A_357 = arith.cmpf oeq, %convert_element_type3A, %eq3A_356 : vector<256x2048xf32>
    %jit3A_358 = arith.constant 0x7F800000 : f32
    %broadcast_in_dim3A_359 = vector.broadcast %jit3A_358 : f32 to vector<256x2048xf32>
    %select_n3A_360 = arith.select %eq3A_357, %broadcast_in_dim3A_359, %select_n3A_338 : vector<256x2048xi1>, vector<256x2048xf32>
    %eq3A_361 = arith.constant 1.200000e+01 : f32
    %eq3A_362 = vector.broadcast %eq3A_361 : f32 to vector<256x32xf32>
    %eq3A_363 = arith.cmpf oeq, %convert_element_type3A_60, %eq3A_362 : vector<256x32xf32>
    %broadcast_in_dim3A_364 = vector.shape_cast %broadcast_in_dim3A_355 : vector<256x1xf32> to vector<256x1xf32>
    %broadcast_in_dim3A_365 = vector.broadcast %broadcast_in_dim3A_364 : vector<256x1xf32> to vector<256x32xf32>
    %select_n3A_366 = arith.select %eq3A_363, %broadcast_in_dim3A_365, %select_n3A_344 : vector<256x32xi1>, vector<256x32xf32>
    %reduce_min3A_367 = arith.constant dense<0x7F800000> : vector<256xf32>
    %reduce_min3A_368 = vector.multi_reduction <minimumf>, %select_n3A_360, %reduce_min3A_367 [1] : vector<256x2048xf32> to vector<256xf32>
    %broadcast_in_dim3A_369 = vector.shape_cast %reduce_min3A_368 : vector<256xf32> to vector<256x1xf32>
    %eq3A_370 = vector.broadcast %broadcast_in_dim3A_369 : vector<256x1xf32> to vector<256x2048xf32>
    %eq3A_371 = arith.cmpf oeq, %select_n3A_360, %eq3A_370 : vector<256x2048xf32>
    %jit3A_372 = arith.constant 2.048000e+03 : f32
    %broadcast_in_dim3A_373 = vector.broadcast %jit3A_372 : f32 to vector<256x2048xf32>
    %select_n3A_374 = arith.select %eq3A_371, %convert_element_type3A, %broadcast_in_dim3A_373 : vector<256x2048xi1>, vector<256x2048xf32>
    %reduce_min3A_375 = arith.constant dense<0x7F800000> : vector<256xf32>
    %reduce_min3A_376 = vector.multi_reduction <minimumf>, %select_n3A_374, %reduce_min3A_375 [1] : vector<256x2048xf32> to vector<256xf32>
    %broadcast_in_dim3A_377 = vector.shape_cast %reduce_min3A_376 : vector<256xf32> to vector<256x1xf32>
    %eq3A_378 = vector.broadcast %broadcast_in_dim3A_377 : vector<256x1xf32> to vector<256x2048xf32>
    %eq3A_379 = arith.cmpf oeq, %convert_element_type3A, %eq3A_378 : vector<256x2048xf32>
    %jit3A_380 = arith.constant 0x7F800000 : f32
    %broadcast_in_dim3A_381 = vector.broadcast %jit3A_380 : f32 to vector<256x2048xf32>
    %select_n3A_382 = arith.select %eq3A_379, %broadcast_in_dim3A_381, %select_n3A_360 : vector<256x2048xi1>, vector<256x2048xf32>
    %eq3A_383 = arith.constant 1.300000e+01 : f32
    %eq3A_384 = vector.broadcast %eq3A_383 : f32 to vector<256x32xf32>
    %eq3A_385 = arith.cmpf oeq, %convert_element_type3A_60, %eq3A_384 : vector<256x32xf32>
    %broadcast_in_dim3A_386 = vector.shape_cast %broadcast_in_dim3A_377 : vector<256x1xf32> to vector<256x1xf32>
    %broadcast_in_dim3A_387 = vector.broadcast %broadcast_in_dim3A_386 : vector<256x1xf32> to vector<256x32xf32>
    %select_n3A_388 = arith.select %eq3A_385, %broadcast_in_dim3A_387, %select_n3A_366 : vector<256x32xi1>, vector<256x32xf32>
    %reduce_min3A_389 = arith.constant dense<0x7F800000> : vector<256xf32>
    %reduce_min3A_390 = vector.multi_reduction <minimumf>, %select_n3A_382, %reduce_min3A_389 [1] : vector<256x2048xf32> to vector<256xf32>
    %broadcast_in_dim3A_391 = vector.shape_cast %reduce_min3A_390 : vector<256xf32> to vector<256x1xf32>
    %eq3A_392 = vector.broadcast %broadcast_in_dim3A_391 : vector<256x1xf32> to vector<256x2048xf32>
    %eq3A_393 = arith.cmpf oeq, %select_n3A_382, %eq3A_392 : vector<256x2048xf32>
    %jit3A_394 = arith.constant 2.048000e+03 : f32
    %broadcast_in_dim3A_395 = vector.broadcast %jit3A_394 : f32 to vector<256x2048xf32>
    %select_n3A_396 = arith.select %eq3A_393, %convert_element_type3A, %broadcast_in_dim3A_395 : vector<256x2048xi1>, vector<256x2048xf32>
    %reduce_min3A_397 = arith.constant dense<0x7F800000> : vector<256xf32>
    %reduce_min3A_398 = vector.multi_reduction <minimumf>, %select_n3A_396, %reduce_min3A_397 [1] : vector<256x2048xf32> to vector<256xf32>
    %broadcast_in_dim3A_399 = vector.shape_cast %reduce_min3A_398 : vector<256xf32> to vector<256x1xf32>
    %eq3A_400 = vector.broadcast %broadcast_in_dim3A_399 : vector<256x1xf32> to vector<256x2048xf32>
    %eq3A_401 = arith.cmpf oeq, %convert_element_type3A, %eq3A_400 : vector<256x2048xf32>
    %jit3A_402 = arith.constant 0x7F800000 : f32
    %broadcast_in_dim3A_403 = vector.broadcast %jit3A_402 : f32 to vector<256x2048xf32>
    %select_n3A_404 = arith.select %eq3A_401, %broadcast_in_dim3A_403, %select_n3A_382 : vector<256x2048xi1>, vector<256x2048xf32>
    %eq3A_405 = arith.constant 1.400000e+01 : f32
    %eq3A_406 = vector.broadcast %eq3A_405 : f32 to vector<256x32xf32>
    %eq3A_407 = arith.cmpf oeq, %convert_element_type3A_60, %eq3A_406 : vector<256x32xf32>
    %broadcast_in_dim3A_408 = vector.shape_cast %broadcast_in_dim3A_399 : vector<256x1xf32> to vector<256x1xf32>
    %broadcast_in_dim3A_409 = vector.broadcast %broadcast_in_dim3A_408 : vector<256x1xf32> to vector<256x32xf32>
    %select_n3A_410 = arith.select %eq3A_407, %broadcast_in_dim3A_409, %select_n3A_388 : vector<256x32xi1>, vector<256x32xf32>
    %reduce_min3A_411 = arith.constant dense<0x7F800000> : vector<256xf32>
    %reduce_min3A_412 = vector.multi_reduction <minimumf>, %select_n3A_404, %reduce_min3A_411 [1] : vector<256x2048xf32> to vector<256xf32>
    %broadcast_in_dim3A_413 = vector.shape_cast %reduce_min3A_412 : vector<256xf32> to vector<256x1xf32>
    %eq3A_414 = vector.broadcast %broadcast_in_dim3A_413 : vector<256x1xf32> to vector<256x2048xf32>
    %eq3A_415 = arith.cmpf oeq, %select_n3A_404, %eq3A_414 : vector<256x2048xf32>
    %jit3A_416 = arith.constant 2.048000e+03 : f32
    %broadcast_in_dim3A_417 = vector.broadcast %jit3A_416 : f32 to vector<256x2048xf32>
    %select_n3A_418 = arith.select %eq3A_415, %convert_element_type3A, %broadcast_in_dim3A_417 : vector<256x2048xi1>, vector<256x2048xf32>
    %reduce_min3A_419 = arith.constant dense<0x7F800000> : vector<256xf32>
    %reduce_min3A_420 = vector.multi_reduction <minimumf>, %select_n3A_418, %reduce_min3A_419 [1] : vector<256x2048xf32> to vector<256xf32>
    %broadcast_in_dim3A_421 = vector.shape_cast %reduce_min3A_420 : vector<256xf32> to vector<256x1xf32>
    %eq3A_422 = vector.broadcast %broadcast_in_dim3A_421 : vector<256x1xf32> to vector<256x2048xf32>
    %eq3A_423 = arith.cmpf oeq, %convert_element_type3A, %eq3A_422 : vector<256x2048xf32>
    %jit3A_424 = arith.constant 0x7F800000 : f32
    %broadcast_in_dim3A_425 = vector.broadcast %jit3A_424 : f32 to vector<256x2048xf32>
    %select_n3A_426 = arith.select %eq3A_423, %broadcast_in_dim3A_425, %select_n3A_404 : vector<256x2048xi1>, vector<256x2048xf32>
    %eq3A_427 = arith.constant 1.500000e+01 : f32
    %eq3A_428 = vector.broadcast %eq3A_427 : f32 to vector<256x32xf32>
    %eq3A_429 = arith.cmpf oeq, %convert_element_type3A_60, %eq3A_428 : vector<256x32xf32>
    %broadcast_in_dim3A_430 = vector.shape_cast %broadcast_in_dim3A_421 : vector<256x1xf32> to vector<256x1xf32>
    %broadcast_in_dim3A_431 = vector.broadcast %broadcast_in_dim3A_430 : vector<256x1xf32> to vector<256x32xf32>
    %select_n3A_432 = arith.select %eq3A_429, %broadcast_in_dim3A_431, %select_n3A_410 : vector<256x32xi1>, vector<256x32xf32>
    %reduce_min3A_433 = arith.constant dense<0x7F800000> : vector<256xf32>
    %reduce_min3A_434 = vector.multi_reduction <minimumf>, %select_n3A_426, %reduce_min3A_433 [1] : vector<256x2048xf32> to vector<256xf32>
    %broadcast_in_dim3A_435 = vector.shape_cast %reduce_min3A_434 : vector<256xf32> to vector<256x1xf32>
    %eq3A_436 = vector.broadcast %broadcast_in_dim3A_435 : vector<256x1xf32> to vector<256x2048xf32>
    %eq3A_437 = arith.cmpf oeq, %select_n3A_426, %eq3A_436 : vector<256x2048xf32>
    %jit3A_438 = arith.constant 2.048000e+03 : f32
    %broadcast_in_dim3A_439 = vector.broadcast %jit3A_438 : f32 to vector<256x2048xf32>
    %select_n3A_440 = arith.select %eq3A_437, %convert_element_type3A, %broadcast_in_dim3A_439 : vector<256x2048xi1>, vector<256x2048xf32>
    %reduce_min3A_441 = arith.constant dense<0x7F800000> : vector<256xf32>
    %reduce_min3A_442 = vector.multi_reduction <minimumf>, %select_n3A_440, %reduce_min3A_441 [1] : vector<256x2048xf32> to vector<256xf32>
    %broadcast_in_dim3A_443 = vector.shape_cast %reduce_min3A_442 : vector<256xf32> to vector<256x1xf32>
    %eq3A_444 = vector.broadcast %broadcast_in_dim3A_443 : vector<256x1xf32> to vector<256x2048xf32>
    %eq3A_445 = arith.cmpf oeq, %convert_element_type3A, %eq3A_444 : vector<256x2048xf32>
    %jit3A_446 = arith.constant 0x7F800000 : f32
    %broadcast_in_dim3A_447 = vector.broadcast %jit3A_446 : f32 to vector<256x2048xf32>
    %select_n3A_448 = arith.select %eq3A_445, %broadcast_in_dim3A_447, %select_n3A_426 : vector<256x2048xi1>, vector<256x2048xf32>
    %eq3A_449 = arith.constant 1.600000e+01 : f32
    %eq3A_450 = vector.broadcast %eq3A_449 : f32 to vector<256x32xf32>
    %eq3A_451 = arith.cmpf oeq, %convert_element_type3A_60, %eq3A_450 : vector<256x32xf32>
    %broadcast_in_dim3A_452 = vector.shape_cast %broadcast_in_dim3A_443 : vector<256x1xf32> to vector<256x1xf32>
    %broadcast_in_dim3A_453 = vector.broadcast %broadcast_in_dim3A_452 : vector<256x1xf32> to vector<256x32xf32>
    %select_n3A_454 = arith.select %eq3A_451, %broadcast_in_dim3A_453, %select_n3A_432 : vector<256x32xi1>, vector<256x32xf32>
    %reduce_min3A_455 = arith.constant dense<0x7F800000> : vector<256xf32>
    %reduce_min3A_456 = vector.multi_reduction <minimumf>, %select_n3A_448, %reduce_min3A_455 [1] : vector<256x2048xf32> to vector<256xf32>
    %broadcast_in_dim3A_457 = vector.shape_cast %reduce_min3A_456 : vector<256xf32> to vector<256x1xf32>
    %eq3A_458 = vector.broadcast %broadcast_in_dim3A_457 : vector<256x1xf32> to vector<256x2048xf32>
    %eq3A_459 = arith.cmpf oeq, %select_n3A_448, %eq3A_458 : vector<256x2048xf32>
    %jit3A_460 = arith.constant 2.048000e+03 : f32
    %broadcast_in_dim3A_461 = vector.broadcast %jit3A_460 : f32 to vector<256x2048xf32>
    %select_n3A_462 = arith.select %eq3A_459, %convert_element_type3A, %broadcast_in_dim3A_461 : vector<256x2048xi1>, vector<256x2048xf32>
    %reduce_min3A_463 = arith.constant dense<0x7F800000> : vector<256xf32>
    %reduce_min3A_464 = vector.multi_reduction <minimumf>, %select_n3A_462, %reduce_min3A_463 [1] : vector<256x2048xf32> to vector<256xf32>
    %broadcast_in_dim3A_465 = vector.shape_cast %reduce_min3A_464 : vector<256xf32> to vector<256x1xf32>
    %eq3A_466 = vector.broadcast %broadcast_in_dim3A_465 : vector<256x1xf32> to vector<256x2048xf32>
    %eq3A_467 = arith.cmpf oeq, %convert_element_type3A, %eq3A_466 : vector<256x2048xf32>
    %jit3A_468 = arith.constant 0x7F800000 : f32
    %broadcast_in_dim3A_469 = vector.broadcast %jit3A_468 : f32 to vector<256x2048xf32>
    %select_n3A_470 = arith.select %eq3A_467, %broadcast_in_dim3A_469, %select_n3A_448 : vector<256x2048xi1>, vector<256x2048xf32>
    %eq3A_471 = arith.constant 1.700000e+01 : f32
    %eq3A_472 = vector.broadcast %eq3A_471 : f32 to vector<256x32xf32>
    %eq3A_473 = arith.cmpf oeq, %convert_element_type3A_60, %eq3A_472 : vector<256x32xf32>
    %broadcast_in_dim3A_474 = vector.shape_cast %broadcast_in_dim3A_465 : vector<256x1xf32> to vector<256x1xf32>
    %broadcast_in_dim3A_475 = vector.broadcast %broadcast_in_dim3A_474 : vector<256x1xf32> to vector<256x32xf32>
    %select_n3A_476 = arith.select %eq3A_473, %broadcast_in_dim3A_475, %select_n3A_454 : vector<256x32xi1>, vector<256x32xf32>
    %reduce_min3A_477 = arith.constant dense<0x7F800000> : vector<256xf32>
    %reduce_min3A_478 = vector.multi_reduction <minimumf>, %select_n3A_470, %reduce_min3A_477 [1] : vector<256x2048xf32> to vector<256xf32>
    %broadcast_in_dim3A_479 = vector.shape_cast %reduce_min3A_478 : vector<256xf32> to vector<256x1xf32>
    %eq3A_480 = vector.broadcast %broadcast_in_dim3A_479 : vector<256x1xf32> to vector<256x2048xf32>
    %eq3A_481 = arith.cmpf oeq, %select_n3A_470, %eq3A_480 : vector<256x2048xf32>
    %jit3A_482 = arith.constant 2.048000e+03 : f32
    %broadcast_in_dim3A_483 = vector.broadcast %jit3A_482 : f32 to vector<256x2048xf32>
    %select_n3A_484 = arith.select %eq3A_481, %convert_element_type3A, %broadcast_in_dim3A_483 : vector<256x2048xi1>, vector<256x2048xf32>
    %reduce_min3A_485 = arith.constant dense<0x7F800000> : vector<256xf32>
    %reduce_min3A_486 = vector.multi_reduction <minimumf>, %select_n3A_484, %reduce_min3A_485 [1] : vector<256x2048xf32> to vector<256xf32>
    %broadcast_in_dim3A_487 = vector.shape_cast %reduce_min3A_486 : vector<256xf32> to vector<256x1xf32>
    %eq3A_488 = vector.broadcast %broadcast_in_dim3A_487 : vector<256x1xf32> to vector<256x2048xf32>
    %eq3A_489 = arith.cmpf oeq, %convert_element_type3A, %eq3A_488 : vector<256x2048xf32>
    %jit3A_490 = arith.constant 0x7F800000 : f32
    %broadcast_in_dim3A_491 = vector.broadcast %jit3A_490 : f32 to vector<256x2048xf32>
    %select_n3A_492 = arith.select %eq3A_489, %broadcast_in_dim3A_491, %select_n3A_470 : vector<256x2048xi1>, vector<256x2048xf32>
    %eq3A_493 = arith.constant 1.800000e+01 : f32
    %eq3A_494 = vector.broadcast %eq3A_493 : f32 to vector<256x32xf32>
    %eq3A_495 = arith.cmpf oeq, %convert_element_type3A_60, %eq3A_494 : vector<256x32xf32>
    %broadcast_in_dim3A_496 = vector.shape_cast %broadcast_in_dim3A_487 : vector<256x1xf32> to vector<256x1xf32>
    %broadcast_in_dim3A_497 = vector.broadcast %broadcast_in_dim3A_496 : vector<256x1xf32> to vector<256x32xf32>
    %select_n3A_498 = arith.select %eq3A_495, %broadcast_in_dim3A_497, %select_n3A_476 : vector<256x32xi1>, vector<256x32xf32>
    %reduce_min3A_499 = arith.constant dense<0x7F800000> : vector<256xf32>
    %reduce_min3A_500 = vector.multi_reduction <minimumf>, %select_n3A_492, %reduce_min3A_499 [1] : vector<256x2048xf32> to vector<256xf32>
    %broadcast_in_dim3A_501 = vector.shape_cast %reduce_min3A_500 : vector<256xf32> to vector<256x1xf32>
    %eq3A_502 = vector.broadcast %broadcast_in_dim3A_501 : vector<256x1xf32> to vector<256x2048xf32>
    %eq3A_503 = arith.cmpf oeq, %select_n3A_492, %eq3A_502 : vector<256x2048xf32>
    %jit3A_504 = arith.constant 2.048000e+03 : f32
    %broadcast_in_dim3A_505 = vector.broadcast %jit3A_504 : f32 to vector<256x2048xf32>
    %select_n3A_506 = arith.select %eq3A_503, %convert_element_type3A, %broadcast_in_dim3A_505 : vector<256x2048xi1>, vector<256x2048xf32>
    %reduce_min3A_507 = arith.constant dense<0x7F800000> : vector<256xf32>
    %reduce_min3A_508 = vector.multi_reduction <minimumf>, %select_n3A_506, %reduce_min3A_507 [1] : vector<256x2048xf32> to vector<256xf32>
    %broadcast_in_dim3A_509 = vector.shape_cast %reduce_min3A_508 : vector<256xf32> to vector<256x1xf32>
    %eq3A_510 = arith.constant 1.900000e+01 : f32
    %eq3A_511 = vector.broadcast %eq3A_510 : f32 to vector<256x32xf32>
    %eq3A_512 = arith.cmpf oeq, %convert_element_type3A_60, %eq3A_511 : vector<256x32xf32>
    %broadcast_in_dim3A_513 = vector.shape_cast %broadcast_in_dim3A_509 : vector<256x1xf32> to vector<256x1xf32>
    %broadcast_in_dim3A_514 = vector.broadcast %broadcast_in_dim3A_513 : vector<256x1xf32> to vector<256x32xf32>
    %select_n3A_515 = arith.select %eq3A_512, %broadcast_in_dim3A_514, %select_n3A_498 : vector<256x32xi1>, vector<256x32xf32>
    %convert_element_type3A_516 = arith.fptosi %select_n3A_515 : vector<256x32xf32> to vector<256x32xi32>
    %add3A_517 = vector.broadcast %mul3A_80 : i32 to vector<256x32xi32>
    %add3A_518 = arith.addi %convert_element_type3A_516, %add3A_517 : vector<256x32xi32>
    %swap3A_519 = arith.constant 0 : index
    %swap3A_520 = arith.constant 0 : index
    %swap3A_521 = vector.load %arg10[%swap3A_519, %swap3A_520] : memref<256x32xi32, #tpu.memory_space<vmem>>, vector<256x32xi32>
    tpu.vector_store %arg10[%swap3A_519, %swap3A_520], %add3A_518 {strides = array<i32>} : memref<256x32xi32, #tpu.memory_space<vmem>>, vector<256x32xi32>,
    return
  }
  func.func @transform_0(%arg0: i32) -> (i32, i32) {
    %c0_i32 = arith.constant 0 : i32
    %c0_i32_0 = arith.constant 0 : i32
    return %arg0, %c0_i32 : i32, i32
  }
  func.func @transform_1(%arg0: i32) -> (i32, i32) {
    %c0_i32 = arith.constant 0 : i32
    %c0_i32_0 = arith.constant 0 : i32
    %c0_i32_1 = arith.constant 0 : i32
    return %c0_i32, %c0_i32_0 : i32, i32
  }
  func.func @transform_2(%arg0: i32) -> (i32, i32) {
    %c0_i32 = arith.constant 0 : i32
    %c0_i32_0 = arith.constant 0 : i32
    %c0_i32_1 = arith.constant 0 : i32
    return %c0_i32, %c0_i32_0 : i32, i32
  }
  func.func @transform_3(%arg0: i32) -> (i32, i32) {
    %c0_i32 = arith.constant 0 : i32
    %c0_i32_0 = arith.constant 0 : i32
    %c0_i32_1 = arith.constant 0 : i32
    return %c0_i32, %c0_i32_0 : i32, i32
  }
  func.func @transform_4(%arg0: i32) -> (i32, i32) {
    %c0_i32 = arith.constant 0 : i32
    %c0_i32_0 = arith.constant 0 : i32
    %c0_i32_1 = arith.constant 0 : i32
    return %c0_i32, %c0_i32_0 : i32, i32
  }
  func.func @transform_5(%arg0: i32) -> (i32, i32) {
    %c0_i32 = arith.constant 0 : i32
    %c0_i32_0 = arith.constant 0 : i32
    %c0_i32_1 = arith.constant 0 : i32
    return %c0_i32, %c0_i32_0 : i32, i32
  }
  func.func @transform_6(%arg0: i32) -> (i32, i32) {
    %c0_i32 = arith.constant 0 : i32
    %c0_i32_0 = arith.constant 0 : i32
    %c0_i32_1 = arith.constant 0 : i32
    return %c0_i32, %c0_i32_0 : i32, i32
  }
  func.func @transform_7(%arg0: i32) -> (i32, i32) {
    %c0_i32 = arith.constant 0 : i32
    %c0_i32_0 = arith.constant 0 : i32
    %c0_i32_1 = arith.constant 0 : i32
    return %c0_i32, %c0_i32_0 : i32, i32
  }
  func.func @transform_8(%arg0: i32) -> (i32, i32) {
    %c0_i32 = arith.constant 0 : i32
    %c0_i32_0 = arith.constant 0 : i32
    %c0_i32_1 = arith.constant 0 : i32
    return %c0_i32, %c0_i32_0 : i32, i32
  }
  func.func @transform_9(%arg0: i32) -> (i32, i32) {
    %c0_i32 = arith.constant 0 : i32
    %c0_i32_0 = arith.constant 0 : i32
    return %arg0, %c0_i32 : i32, i32
  }
  func.func @transform_10(%arg0: i32) -> (i32, i32) {
    %c0_i32 = arith.constant 0 : i32
    %c0_i32_0 = arith.constant 0 : i32
    return %arg0, %c0_i32 : i32, i32
  }
}

</mosaic_0001>

<sc_bundles>
// kernel: kernel.4.cloned.1.call-start
scs
__scs_entry_jumppad:
0x0: {  	(pc) =	sbr.rel $0x88, $3  }
0x1: {  	(tag) =	ssettag $0x0;
	lr =	simm.s32 $0x1  }
0x2: {  	[smem:$0x3F98] =	sst lr;
	_ =	strace $0xD0000000  }
0x3: {  	_ = 	snop  }
0x4: {  	_ = 	snop  }
0x5: {  	_ = 	snop  }
0x6: {  	_ = 	snop  }
0x7: {  	_ = 	snop  }
__scs_overlays_trampoline_lowered:
0x8: {  	[smem:$0x3FA7] =	sst s0  }
0x9: {  	[smem:$0x3FA8] =	sst s1  }
0xa: {  	[smem:$0x3FA9] =	sst s2  }
0xb: {  	[smem:$0x3FAA] =	sst s3  }
0xc: {  	[smem:$0x3FAB] =	sst s4  }
0xd: {  	[smem:$0x3FAC] =	sst s5  }
0xe: {  	[smem:$0x3FAD] =	sst s6  }
0xf: {  	[smem:$0x3FAE] =	sst s7  }
0x10: {  	[smem:$0x3FAF] =	sst s8  }
0x11: {  	[smem:$0x3FB0] =	sst s9;
	s0 =	simm.s32 @!p0 $0x0  }
0x12: {  	s1 =	sld [smem:$0x3F96];
	s0 =	simm.s32 @p0 $0x1  }
0x13: {  	[smem:$0x3FB1] =	sst s0;
	s0 =	simm.s32 @!p1 $0x0  }
0x14: {  	s2 =	sld [smem:$0x3F95];
	s0 =	simm.s32 @p1 $0x1  }
0x15: {  	[smem:$0x3FB2] =	sst s0;
	s0 =	simm.s32 @!p2 $0x0  }
0x16: {  	s3 =	sld [smem:$0x3FDB];
	s0 =	simm.s32 @p2 $0x1  }
0x17: {  	s4 =	simm.s32 $0x1BF5;
	[smem:$0x3FB4] =	sst s0  }
0x18: {  	s0 =	sld [smem:$0x3F97];
	_ =	swait.ge [sflag:s4], $0x0  }
0x19: {  	s7 =	sld [smem:$0x3F98]  }
0x1a: {  	s8 =	sadd.s32 $0xFFFFE003, lr  }
0x1b: {  	s9 =	sadd.s32 $0xFFFFFEF7, lr;
	s5 =	simm.s32 $0xFFFFFFFF;
	p2 =	slt.u32 s8, $0xFFFFF086  }
0x1c: {  	p1 =	slt.u32 s9, $0xF7A;
	s5 =	simm.s32 @!p2 $0x0  }
0x1d: {  	s5 =	simm.s32 @p1 $0x1;
	p0 =	seq.s32 s7, s2  }
0x1e: {  	s7 =	smul.u32 @!p0 $0xF7A, s2;
	p2 =	seq.s32 @!p0 s5, $0x0  }
0x1f: {  	s9 =	smul.u32 $0xF7A, s1;
	s8 =	simm.s32 @!p0 $0x1BF5;
	p2 =	por !p2, p0  }
0x20: {  	[sflag:s8] =	ssyncset.s32 @!p0 $0xFFFFF086;
	s6 =	sadd.s32 @!p0 s3, s7;
	s7 =	simm.s32 @!p0 $0x108  }
0x21: {  	s3 =	sadd.s32 s3, s9;
	s6 =	sadd.s32 @!p0 $0x88, s6;
	s7 =	simm.s32 @p2 $0x1082  }
0x22: {  	[simem:s7], [sflag:s8] =	dma.local @!p0 [hbm:s6], $0xF7A  }
0x23: {  	s9 =	sor.u32 $0xD0000000, s2;
	s6 =	simm.s32 $0x108;
	_ =	swait.ge @!p0 [sflag:s8], $0x0  }
0x24: {  	s3 =	sadd.s32 $0x88, s3;
	s6 =	simm.s32 @!p1 $0x1082;
	[sflag:s4] =	ssyncset.s32 $0xFFFFF086  }
0x25: {  	[simem:s6], [sflag:s4] =	dma.local [hbm:s3], $0xF7A  }
0x26: {  	[smem:$0x3F98] =	sst s1;
	(tag) =	ssettag s2;
	_ =	strace s9  }
0x27: {  	s1 =	sld [smem:$0x3FA8]  }
0x28: {  	s2 =	sld [smem:$0x3FA9]  }
0x29: {  	s4 =	sld [smem:$0x3FAB]  }
0x2a: {  	p0 =	seq.s32 s5, $0x0;
	s5 =	sld [smem:$0x3FAC]  }
0x2b: {  	s6 =	sld [smem:$0x3FAD]  }
0x2c: {  	s7 =	sld [smem:$0x3FAE]  }
0x2d: {  	s3 =	simm.s32 $0x108;
	s8 =	sld [smem:$0x3FAF]  }
0x2e: {  	s3 =	simm.s32 @!p0 $0x1082;
	s9 =	sld [smem:$0x3FB0]  }
0x2f: {  	lr =	sadd.s32 s0, s3;
	s0 =	sld [smem:$0x3FA7]  }
0x30: {  	s3 =	sld [smem:$0x3FAA]  }
0x31: {  	[smem:$0x3FB3] =	sst s10  }
0x32: {  	s10 =	sld [smem:$0x3FB1];
	_ =	sdelay $0x3  }
0x33: {  	p0 =	seq.s32 s10, $0x1;
	s10 =	sld [smem:$0x3FB3];
	_ =	sdelay $0x3  }
0x34: {  	[smem:$0x3FB3] =	sst s10  }
0x35: {  	s10 =	sld [smem:$0x3FB2];
	_ =	sdelay $0x3  }
0x36: {  	p1 =	seq.s32 s10, $0x1;
	s10 =	sld [smem:$0x3FB3];
	_ =	sdelay $0x3  }
0x37: {  	[smem:$0x3FB3] =	sst s10  }
0x38: {  	s10 =	sld [smem:$0x3FB4]  }
0x39: {  	_ = 	snop;
	(pc) =	sbr.ind lr, $3  }
0x3a: {  	_ = 	snop  }
0x3b: {  	_ = 	snop  }
0x3c: {  	p2 =	seq.s32 s10, $0x1;
	s10 =	sld [smem:$0x3FB3]  }
0x3d: {  	_ =	shalt  }
0x3e: {  	_ =	shalt  }
0x3f: {  	_ =	shalt  }
0x40: {  	_ =	shalt  }
0x41: {  	_ =	shalt  }
0x42: {  	_ =	shalt  }
0x43: {  	_ =	shalt  }
0x44: {  	_ =	shalt  }
0x45: {  	_ =	shalt  }
0x46: {  	_ =	shalt  }
0x47: {  	_ =	shalt  }
0x48: {  	_ =	shalt  }
0x49: {  	_ =	shalt  }
0x4a: {  	_ =	shalt  }
0x4b: {  	_ =	shalt  }
0x4c: {  	_ =	shalt  }
0x4d: {  	_ =	shalt  }
0x4e: {  	_ =	shalt  }
0x4f: {  	_ =	shalt  }
0x50: {  	_ =	shalt  }
0x51: {  	_ =	shalt  }
0x52: {  	_ =	shalt  }
0x53: {  	_ =	shalt  }
0x54: {  	_ =	shalt  }
0x55: {  	_ =	shalt  }
0x56: {  	_ =	shalt  }
0x57: {  	_ =	shalt  }
0x58: {  	_ =	shalt  }
0x59: {  	_ =	shalt  }
0x5a: {  	_ =	shalt  }
0x5b: {  	_ =	shalt  }
0x5c: {  	_ =	shalt  }
0x5d: {  	_ =	shalt  }
0x5e: {  	_ =	shalt  }
0x5f: {  	_ =	shalt  }
0x60: {  	_ =	shalt  }
0x61: {  	_ =	shalt  }
0x62: {  	_ =	shalt  }
0x63: {  	_ =	shalt  }
0x64: {  	_ =	shalt  }
0x65: {  	_ =	shalt  }
0x66: {  	_ =	shalt  }
0x67: {  	_ =	shalt  }
0x68: {  	_ =	shalt  }
0x69: {  	_ =	shalt  }
0x6a: {  	_ =	shalt  }
0x6b: {  	_ =	shalt  }
0x6c: {  	_ =	shalt  }
0x6d: {  	_ =	shalt  }
0x6e: {  	_ =	shalt  }
0x6f: {  	_ =	shalt  }
0x70: {  	_ =	shalt  }
0x71: {  	_ =	shalt  }
0x72: {  	_ =	shalt  }
0x73: {  	_ =	shalt  }
0x74: {  	_ =	shalt  }
0x75: {  	_ =	shalt  }
0x76: {  	_ =	shalt  }
0x77: {  	_ =	shalt  }
0x78: {  	_ =	shalt  }
0x79: {  	_ =	shalt  }
0x7a: {  	_ =	shalt  }
0x7b: {  	_ =	shalt  }
0x7c: {  	_ =	shalt  }
0x7d: {  	_ =	shalt  }
0x7e: {  	_ =	shalt  }
0x7f: {  	_ =	shalt  }
0x80: {  	_ =	shalt  }
0x81: {  	_ =	shalt  }
0x82: {  	_ =	shalt  }
0x83: {  	_ =	shalt  }
0x84: {  	_ =	shalt  }
0x85: {  	_ =	shalt  }
0x86: {  	_ =	shalt  }
0x87: {  	_ =	shalt  }
.Lfunc_end0:
.L_simem_size_0:
called_computation_lowered:
.L_overlay_start_0:
0x88: {  	s2 =	sld [smem:$0x3FD9]  }
0x89: {  	s3 =	sld [smem:$0x3FFE];
	_ =	sdelay $0x1  }
0x8a: {  	s1 =	srdreg.scid  }
0x8b: {  	s0 =	sand.u32 $0x1, s1  }
0x8c: {  	s17 =	sshll.u32 s0, $0xA;
	s2 =	sadd.s32 s3, s2  }
0x8d: {  	s2 =	sadd.s32 s2, s17  }
0x8e: {  	[smem:$0x3FBF] =	sst s2  }
0x8f: {  	_ = 	snop  }
0x90: {  	s2 =	sld [smem:$0x3FD0];
	(tm) =	ssettm $0x1  }
0x91: {  	s18 =	sld [smem:$0x3FFB];
	_ =	sdelay $0x3  }
0x92: {  	_ =	strace s18  }
0x93: {  	s3 =	sld [smem:$0x3FFC];
	_ =	sdelay $0x3  }
0x94: {  	_ =	strace s3  }
0x95: {  	s3 =	sld [smem:$0x3FFD];
	_ =	sdelay $0x3  }
0x96: {  	_ =	strace s3  }
0x97: {  	_ =	strace $0x8FFFFFFF  }
0x98: {  	s19 =	sld [smem:$0x3FDB];
	_ =	sdelay $0x1  }
0x99: {  	s4 =	simm.s32 $_scs_section_size  }
0x9a: {  	s5 =	simm.s32 $_size__tile_overlayer_lowered;
	s6 =	simm.s32 $_tile_overlayer_lowered  }
0x9b: {  	s22 =	simm.s32 $0x1BFF;
	s21 =	sshll.u32 s6, $0x1;
	s3 =	sadd.s32 s4, s19  }
0x9c: {  	s7 =	simm.s32 $0x0;
	s20 =	sshll.u32 s5, $0x1;
	s5 =	sadd.s32 s21, s3  }
0x9d: {  	[timem:s7], [sflag:s22] =	dma.local [hbm:s5], s20  }
0x9e: {  	_ =	swait.ge [sflag:s22], s20  }
0x9f: {  	s4 =	ssub.s32 $0x0, s20;
	[sflag:s22] =	ssyncset.done $0x0  }
0xa0: {  	[sflag:s22] =	ssyncadd.s32 s4;
	_ =	sdelay $0x1  }
0xa1: {  	s23 =	simm.s32 $0x1B8B  }
0xa2: {  	_ =	swait.ge [sflag:s23], $0x1  }
0xa3: {  	[sflag:s23] =	ssyncset.done $0x0  }
0xa4: {  	s25 =	simm.s32 $0x1B8E;
	s24 =	sld [smem:$0x3FFE];
	[sflag:s23] =	ssyncadd.s32 $0xFFFFFFFF  }
0xa5: {  	s26 =	simm.s32 $execute0_lowered;
	[smem:$0x3FD2] =	sst s25  }
0xa6: {  	s5 =	sshll.u32 s26, $0x1;
	_ =	strace $0x80000046;
	[dreg:$0x1] =	wrdreg $0xFFFFFFFF  }
0xa7: {  	s28 =	simm.s32 $_size_execute0_lowered;
	s3 =	sadd.s32 s3, s5;
	[dreg:$0x0] =	wrdreg $0x0  }
0xa8: {  	s5 =	sshll.u32 s28, $0x1;
	[dreg:$0x2] =	wrdreg s3  }
0xa9: {  	[dreg:$0x3] =	wrdreg s5  }
0xaa: {  	[dreg:$0x4] =	wrdreg $0xC0  }
0xab: {  	_ =	task [dreg:s7], $0x5FFFF  }
0xac: {  	[dreg:$0x1] =	wrdreg $0xFFFFFFFF  }
0xad: {  	[dreg:$0x0] =	wrdreg $0x60  }
0xae: {  	[dreg:$0x2] =	wrdreg s2  }
0xaf: {  	[dreg:$0x3] =	wrdreg s24  }
0xb0: {  	[dreg:$0x4] =	wrdreg $0x9  }
0xb1: {  	_ =	task.clear_ibuf [dreg:s7], $0x5FFFF;
	_ =	strace $0x90000046  }
0xb2: {  	s29 =	simm.s32 $0x9;
	_ =	strace $0x80000048  }
0xb3: {  	_ =	swait.ge [sflag:s29], $0x1  }
0xb4: {  	[sflag:s29] =	ssyncadd.s32 $0xFFFFFFFF  }
0xb5: {  	_ =	strace $0x90000048  }
0xb6: {  	_ =	sfence  }
0xb7: {  	s30 =	sld [smem:$0x0];
	_ =	sdelay $0x2  }
0xb8: {  	s31 =	sshll.u32 s1, $0xD;
	s1 =	sshrl.u32 s1, $0x2  }
0xb9: {  	s3 =	sand.u32 $0x4000, s31;
	s1 =	sadd.s32 s1, s30  }
0xba: {  	s0 =	sor.u32 s3, s0;
	s1 =	sshll.u32 s1, $0x11  }
0xbb: {  	s0 =	sor.u32 s1, s0  }
0xbc: {  	s0 =	sadd.s32 $0x8F2B, s0  }
0xbd: {  	[sflag:s0] =	ssyncadd.remote.s32 $0x1  }
0xbe: {  	_ =	sfence.sel $0xFFFF  }
0xbf: {  	[dreg:$0x0] =	wrdreg $0xFFFFFFFF;
	(pc) =	sbr.abs _section_cstart, $3  }
0xc0: {  	[dreg:$0x1] =	wrdreg $0xFFFFFFFF  }
0xc1: {  	_ =	task.clear_ibuf [dreg:s7], $0x2FFFF;
	_ =	strace $0x9FFFFFFF  }
0xc2: {  	(tm) =	ssettm $0x7FFFFFFF  }
0xc3: {  	_ =	shalt  }
tec
execute0_lowered:
.L_overlay_start_1:
0x0: {  	(tag) =	ssettag $0x1  }
0x1: {  	s2 =	rddreg [dreg:$0x0];
	s0 =	srdreg.scid  }
0x2: {  	s9 =	stileid.u32;
	s1 =	rddreg [dreg:$0x1];
	s3 =	simm.s32 $0x0  }
0x3: {  	s11 =	simm.s32 $0x50;
	s22 =	simm.s32 $0x1;
	s24 =	simm.s32 $0x13600  }
0x4: {  	s28 =	simm.s32 $0x15A00;
	s29 =	simm.s32 $0x16600;
	s30 =	simm.s32 $0x17200  }
0x5: {  	s31 =	simm.s32 $0x17E00;
	s12 =	simm.s32 $0x19600;
	s13 =	simm.s32 $0x1A200  }
0x6: {  	s14 =	simm.s32 $0x1AE00;
	s15 =	simm.s32 $0x1BA00;
	s16 =	simm.s32 $0x1C600  }
0x7: {  	s18 =	simm.s32 $0x0;
	s0 =	sand.u32 $0x1, s0;
	s4 =	sshll.u32 s9, $0x1  }
0x8: {  	[smem:$0x7FF] =	sst s3;
	s26 =	sshrl.u32 s9, $0x2;
	s9 =	simm.s32 $0x1DE00  }
0x9: {  	s5 =	sor.u32 s0, s4;
	s0 =	ssub.s32 $0x2, s0;
	_ =	strace $0x80000047  }
0xa: {  	s4 =	sadd.s32 $0x21800, s1;
	s6 =	sshll.u32 s5, $0xC;
	s8 =	sshrl.u32 s0, $0x1  }
0xb: {  	s5 =	sshll.u32 s5, $0x8;
	s7 =	sadd.s32 s6, s1;
	s0 =	ssub.s32 s0, s8  }
0xc: {  	s6 =	sadd.s32 s2, s6;
	s8 =	smul.u32 $0x600000, s26;
	s26 =	simm.s32 $0x14E00  }
0xd: {  	s1 =	simm.s32 $0x2;
	s25 =	sadd.s32 $0x1800, s7;
	s7 =	sand.u32 $0x700, s5  }
0xe: {  	s0 =	smax.u32 s0, $0x1;
	s5 =	simm.s32 $0x1D200;
	[dreg:$0x3] =	wrdreg s25  }
0xf: {  	[dreg:$0x4] =	wrdreg s0;
	s25 =	simm.s32 $0x14200;
	s0 =	simm.s32 $0x18A00  }
.LBB2_1:
0x10: {  	[dreg:$0x5] =	wrdreg s18  }
0x11: {  	s10 =	rddreg [dreg:$0x3];
	s18 =	simm.s32 $0x5  }
0x12: {  	[tilespmem:s3], [sflag:$0x5] =	stream.linear.gather [hbm4b:s10+s3], $0x8000, $0x38;
	[tilespmem:$0x1EA00] =	vst v63  }
0x13: {  	_ =	swait.ge [sflag:s18], $0x8000  }
0x14: {  	[sflag:s18] =	ssyncset.done $0x0  }
0x15: {  	[sflag:s18] =	ssyncadd.s32 $0xFFFF8000  }
0x16: {  	v0 =	vld [tilespmem:$0x0]  }
0x17: {  	v1 =	vld [tilespmem:$0x10]  }
0x18: {  	v3 =	vld [tilespmem:$0x90]  }
0x19: {  	v53 =	vld [tilespmem:$0x110]  }
0x1a: {  	v55 =	vld [tilespmem:$0x190]  }
0x1b: {  	v57 =	vld [tilespmem:$0x210];
	[tilespmem:$0x8000] =	vst v0  }
0x1c: {  	v59 =	vld [tilespmem:$0x290];
	[tilespmem:$0x8010] =	vst v1  }
0x1d: {  	v61 =	vld [tilespmem:$0x310];
	[tilespmem:$0x8024] =	vst v3  }
0x1e: {  	v63 =	vld [tilespmem:$0x390];
	[tilespmem:$0x8038] =	vst v53  }
0x1f: {  	v2 =	vld [tilespmem:$0x80];
	[tilespmem:$0x804C] =	vst v55  }
0x20: {  	v4 =	vld [tilespmem:$0x100];
	[tilespmem:$0x8060] =	vst v57  }
0x21: {  	v54 =	vld [tilespmem:$0x180];
	[tilespmem:$0x8074] =	vst v59  }
0x22: {  	v56 =	vld [tilespmem:$0x200];
	[tilespmem:$0x8088] =	vst v61  }
0x23: {  	v58 =	vld [tilespmem:$0x280];
	[tilespmem:$0x809C] =	vst v63  }
0x24: {  	v60 =	vld [tilespmem:$0x300];
	[tilespmem:$0x8014] =	vst v2  }
0x25: {  	v62 =	vld [tilespmem:$0x380];
	[tilespmem:$0x8028] =	vst v4  }
0x26: {  	[tilespmem:$0x803C] =	vst v54  }
0x27: {  	[tilespmem:$0x8050] =	vst v56  }
0x28: {  	[tilespmem:$0x8064] =	vst v58  }
0x29: {  	[tilespmem:$0x8078] =	vst v60  }
0x2a: {  	s19 =	simm.s32 $0x8000;
	s17 =	simm.s32 $0x8200;
	[tilespmem:$0x808C] =	vst v62  }
0x2b: {  	[tilespmem:s17], [sflag:$0x1] =	stream.indirect.gather [hbm4b:s2+s11], $0x80, s19, s11, $0xb8;
	[tilespmem:$0x1EA00] =	vst v63  }
0x2c: {  	s20 =	simm.s32 $0x8050;
	s21 =	simm.s32 $0xAA00  }
0x2d: {  	[tilespmem:s21], [sflag:$0x1] =	stream.indirect.gather [hbm4b:s2+s11], $0x80, s20, s11, $0xb8;
	[tilespmem:$0x1EA00] =	vst v63  }
0x2e: {  	s23 =	simm.s32 $0x12200;
	s10 =	simm.s32 $0x0  }
0x2f: {  	[tilespmem:s23], [sflag:$0x1] =	stream.linear.gather [hbm4b:s6+s3], $0x400, $0x38;
	[tilespmem:$0x1EA00] =	vst v63  }
.LBB2_2:
0x30: {  	s17 =	sshllo.u32 s10, $0x1  }
0x31: {  	s18 =	sshll.u32 s17, $0xA  }
0x32: {  	s18 =	sand.u32 $0x3FFFFC00, s18  }
0x33: {  	v0 =	vld [tilespmem:s18+$0x0];
	_ =	sdelay $0x4  }
0x34: {  	[tilespmem:$0x8100] =	vst v0  }
0x35: {  	v0 =	vld [tilespmem:s18+$0x10];
	_ =	sdelay $0x4  }
0x36: {  	[tilespmem:$0x8110] =	vst v0  }
0x37: {  	v0 =	vld [tilespmem:s18+$0x80];
	_ =	sdelay $0x4  }
0x38: {  	[tilespmem:$0x8114] =	vst v0  }
0x39: {  	v0 =	vld [tilespmem:s18+$0x90];
	_ =	sdelay $0x4  }
0x3a: {  	[tilespmem:$0x8124] =	vst v0  }
0x3b: {  	v0 =	vld [tilespmem:s18+$0x100];
	_ =	sdelay $0x4  }
0x3c: {  	[tilespmem:$0x8128] =	vst v0  }
0x3d: {  	v0 =	vld [tilespmem:s18+$0x110];
	_ =	sdelay $0x4  }
0x3e: {  	[tilespmem:$0x8138] =	vst v0  }
0x3f: {  	v0 =	vld [tilespmem:s18+$0x180];
	_ =	sdelay $0x4  }
0x40: {  	[tilespmem:$0x813C] =	vst v0  }
0x41: {  	v0 =	vld [tilespmem:s18+$0x190];
	_ =	sdelay $0x4  }
0x42: {  	[tilespmem:$0x814C] =	vst v0  }
0x43: {  	v0 =	vld [tilespmem:s18+$0x200];
	_ =	sdelay $0x4  }
0x44: {  	[tilespmem:$0x8150] =	vst v0  }
0x45: {  	v0 =	vld [tilespmem:s18+$0x210];
	_ =	sdelay $0x4  }
0x46: {  	[tilespmem:$0x8160] =	vst v0  }
0x47: {  	v0 =	vld [tilespmem:s18+$0x280];
	_ =	sdelay $0x4  }
0x48: {  	[tilespmem:$0x8164] =	vst v0  }
0x49: {  	v0 =	vld [tilespmem:s18+$0x290];
	_ =	sdelay $0x4  }
0x4a: {  	[tilespmem:$0x8174] =	vst v0  }
0x4b: {  	v0 =	vld [tilespmem:s18+$0x300];
	_ =	sdelay $0x4  }
0x4c: {  	[tilespmem:$0x8178] =	vst v0  }
0x4d: {  	v0 =	vld [tilespmem:s18+$0x310];
	_ =	sdelay $0x4  }
0x4e: {  	[tilespmem:$0x8188] =	vst v0  }
0x4f: {  	v0 =	vld [tilespmem:s18+$0x380];
	_ =	sdelay $0x4  }
0x50: {  	[tilespmem:$0x818C] =	vst v0  }
0x51: {  	v0 =	vld [tilespmem:s18+$0x390];
	_ =	sdelay $0x4  }
0x52: {  	s23 =	simm.s32 $0x8100;
	s19 =	simm.s32 $0xD200;
	[tilespmem:$0x819C] =	vst v0  }
0x53: {  	[tilespmem:s19], [sflag:$0x2] =	stream.indirect.gather [hbm4b:s2+s11], $0x80, s23, s11, $0xb8;
	[tilespmem:$0x1EA00] =	vst v63  }
0x54: {  	s20 =	simm.s32 $0xFA00;
	s21 =	sshll.u32 s17, $0x7;
	s19 =	simm.s32 $0x8150  }
0x55: {  	[tilespmem:s20], [sflag:$0x2] =	stream.indirect.gather [hbm4b:s2+s11], $0x80, s19, s11, $0xb8;
	[tilespmem:$0x1EA00] =	vst v63  }
0x56: {  	s18 =	sadd.s32 s21, s6;
	s23 =	simm.s32 $0x12600  }
0x57: {  	[tilespmem:s23], [sflag:$0x2] =	stream.linear.gather [hbm4b:s18+s3], $0x400, $0x38;
	[tilespmem:$0x1EA00] =	vst v63  }
0x58: {  	_ =	swait.ge [sflag:s22], $0x5000  }
0x59: {  	[sflag:s22] =	ssyncset.done $0x0  }
0x5a: {  	[sflag:s22] =	ssyncadd.s32 $0xFFFFB000  }
0x5b: {  	_ =	swait.ge [sflag:s22], $0x400  }
0x5c: {  	p0 =	seq.s32 s10, $0x0;
	[sflag:s22] =	ssyncset.done $0x0  }
0x5d: {  	s19 =	simm.s32 @!p0 $0x3;
	[sflag:s22] =	ssyncadd.s32 $0xFFFFFC00  }
0x5e: {  	_ =	swait.ge @!p0 [sflag:s19], $0x5000  }
0x5f: {  	[sflag:s19] =	ssyncset.done @!p0 $0x0  }
0x60: {  	s18 =	sshll.u32 s10, $0x1;
	[sflag:s19] =	ssyncadd.s32 @!p0 $0xFFFFB000;
	s19 =	simm.s32 $0x0  }
.LBB2_3:
0x61: {  	s20 =	sshll.u32 s19, $0x7;
	s21 =	smul.u32 $0x2800, s19  }
0x62: {  	s23 =	sand.u32 $0x3FFFFF80, s20  }
0x63: {  	v0 =	vld [tilespmem:s23+$0x12200];
	s21 =	sshra.s32 s21, $0x2  }
0x64: {  	v1 =	vld [tilespmem:s21+$0x8200];
	_ =	sdelay $0x2  }
0x65: {  	s20 =	smul.u32 $0x3000, s19;
	_ =	sdelay $0x1  }
0x66: {  	s20 =	sshra.s32 s20, $0x2;
	v1 =	vsub.f32 v1, v0  }
0x67: {  	[tilespmem:s20+$0x12A00] =	vst v0  }
0x68: {  	[tilespmem:s20+$0x12A40] =	vst v1  }
0x69: {  	v1 =	vld [tilespmem:s21+$0x8280];
	_ =	sdelay $0x4  }
0x6a: {  	v1 =	vsub.f32 v1, v0  }
0x6b: {  	[tilespmem:s20+$0x12A80] =	vst v0  }
0x6c: {  	[tilespmem:s20+$0x12AC0] =	vst v1  }
0x6d: {  	v1 =	vld [tilespmem:s21+$0x8300];
	_ =	sdelay $0x4  }
0x6e: {  	v1 =	vsub.f32 v1, v0  }
0x6f: {  	[tilespmem:s20+$0x12B00] =	vst v0  }
0x70: {  	[tilespmem:s20+$0x12B40] =	vst v1  }
0x71: {  	v1 =	vld [tilespmem:s21+$0x8380];
	_ =	sdelay $0x4  }
0x72: {  	v1 =	vsub.f32 v1, v0  }
0x73: {  	[tilespmem:s20+$0x12B80] =	vst v0  }
0x74: {  	[tilespmem:s20+$0x12BC0] =	vst v1  }
0x75: {  	v1 =	vld [tilespmem:s21+$0x8400];
	_ =	sdelay $0x4  }
0x76: {  	v1 =	vsub.f32 v1, v0  }
0x77: {  	[tilespmem:s20+$0x12C00] =	vst v0  }
0x78: {  	[tilespmem:s20+$0x12C40] =	vst v1  }
0x79: {  	v1 =	vld [tilespmem:s21+$0x8480];
	_ =	sdelay $0x4  }
0x7a: {  	v1 =	vsub.f32 v1, v0  }
0x7b: {  	[tilespmem:s20+$0x12C80] =	vst v0  }
0x7c: {  	[tilespmem:s20+$0x12CC0] =	vst v1  }
0x7d: {  	v1 =	vld [tilespmem:s21+$0x8500];
	_ =	sdelay $0x4  }
0x7e: {  	v1 =	vsub.f32 v1, v0  }
0x7f: {  	[tilespmem:s20+$0x12D00] =	vst v0  }
0x80: {  	[tilespmem:s20+$0x12D40] =	vst v1  }
0x81: {  	v1 =	vld [tilespmem:s21+$0x8580];
	_ =	sdelay $0x4  }
0x82: {  	v1 =	vsub.f32 v1, v0  }
0x83: {  	[tilespmem:s20+$0x12D80] =	vst v0  }
0x84: {  	[tilespmem:s20+$0x12DC0] =	vst v1  }
0x85: {  	v1 =	vld [tilespmem:s21+$0x8600];
	_ =	sdelay $0x4  }
0x86: {  	v1 =	vsub.f32 v1, v0  }
0x87: {  	[tilespmem:s20+$0x12E00] =	vst v0  }
0x88: {  	[tilespmem:s20+$0x12E40] =	vst v1  }
0x89: {  	v1 =	vld [tilespmem:s21+$0x8680];
	_ =	sdelay $0x4  }
0x8a: {  	v1 =	vsub.f32 v1, v0  }
0x8b: {  	[tilespmem:s20+$0x12E80] =	vst v0  }
0x8c: {  	[tilespmem:s20+$0x12EC0] =	vst v1  }
0x8d: {  	v1 =	vld [tilespmem:s21+$0x8700];
	_ =	sdelay $0x4  }
0x8e: {  	v1 =	vsub.f32 v1, v0  }
0x8f: {  	[tilespmem:s20+$0x12F00] =	vst v0  }
0x90: {  	[tilespmem:s20+$0x12F40] =	vst v1  }
0x91: {  	v1 =	vld [tilespmem:s21+$0x8780];
	_ =	sdelay $0x4  }
0x92: {  	v1 =	vsub.f32 v1, v0  }
0x93: {  	[tilespmem:s20+$0x12F80] =	vst v0  }
0x94: {  	[tilespmem:s20+$0x12FC0] =	vst v1  }
0x95: {  	v1 =	vld [tilespmem:s21+$0x8800];
	_ =	sdelay $0x4  }
0x96: {  	v1 =	vsub.f32 v1, v0  }
0x97: {  	[tilespmem:s20+$0x13000] =	vst v0  }
0x98: {  	[tilespmem:s20+$0x13040] =	vst v1  }
0x99: {  	v1 =	vld [tilespmem:s21+$0x8880];
	_ =	sdelay $0x4  }
0x9a: {  	v1 =	vsub.f32 v1, v0  }
0x9b: {  	[tilespmem:s20+$0x13080] =	vst v0  }
0x9c: {  	[tilespmem:s20+$0x130C0] =	vst v1  }
0x9d: {  	v1 =	vld [tilespmem:s21+$0x8900];
	_ =	sdelay $0x4  }
0x9e: {  	v1 =	vsub.f32 v1, v0  }
0x9f: {  	[tilespmem:s20+$0x13100] =	vst v0  }
0xa0: {  	[tilespmem:s20+$0x13140] =	vst v1  }
0xa1: {  	v1 =	vld [tilespmem:s21+$0x8980];
	_ =	sdelay $0x4  }
0xa2: {  	v1 =	vsub.f32 v1, v0  }
0xa3: {  	[tilespmem:s20+$0x13180] =	vst v0  }
0xa4: {  	[tilespmem:s20+$0x131C0] =	vst v1  }
0xa5: {  	v1 =	vld [tilespmem:s21+$0x8A00];
	_ =	sdelay $0x4  }
0xa6: {  	v1 =	vsub.f32 v1, v0  }
0xa7: {  	[tilespmem:s20+$0x13200] =	vst v0  }
0xa8: {  	[tilespmem:s20+$0x13240] =	vst v1  }
0xa9: {  	v1 =	vld [tilespmem:s21+$0x8A80];
	_ =	sdelay $0x4  }
0xaa: {  	v1 =	vsub.f32 v1, v0  }
0xab: {  	[tilespmem:s20+$0x13280] =	vst v0  }
0xac: {  	[tilespmem:s20+$0x132C0] =	vst v1  }
0xad: {  	v1 =	vld [tilespmem:s21+$0x8B00];
	_ =	sdelay $0x4  }
0xae: {  	v1 =	vsub.f32 v1, v0  }
0xaf: {  	[tilespmem:s20+$0x13300] =	vst v0  }
0xb0: {  	[tilespmem:s20+$0x13340] =	vst v1  }
0xb1: {  	v1 =	vld [tilespmem:s21+$0x8B80];
	_ =	sdelay $0x4  }
0xb2: {  	v1 =	vsub.f32 v1, v0  }
0xb3: {  	[tilespmem:s20+$0x13380] =	vst v0  }
0xb4: {  	[tilespmem:s20+$0x133C0] =	vst v1  }
0xb5: {  	v0 =	vld [tilespmem:s23+$0x12210]  }
0xb6: {  	v1 =	vld [tilespmem:s21+$0x8210];
	_ =	sdelay $0x4  }
0xb7: {  	v1 =	vsub.f32 v1, v0  }
0xb8: {  	[tilespmem:s20+$0x12A10] =	vst v0  }
0xb9: {  	[tilespmem:s20+$0x12A50] =	vst v1  }
0xba: {  	v1 =	vld [tilespmem:s21+$0x8290];
	_ =	sdelay $0x4  }
0xbb: {  	v1 =	vsub.f32 v1, v0  }
0xbc: {  	[tilespmem:s20+$0x12A90] =	vst v0  }
0xbd: {  	[tilespmem:s20+$0x12AD0] =	vst v1  }
0xbe: {  	v1 =	vld [tilespmem:s21+$0x8310];
	_ =	sdelay $0x4  }
0xbf: {  	v1 =	vsub.f32 v1, v0  }
0xc0: {  	[tilespmem:s20+$0x12B10] =	vst v0  }
0xc1: {  	[tilespmem:s20+$0x12B50] =	vst v1  }
0xc2: {  	v1 =	vld [tilespmem:s21+$0x8390];
	_ =	sdelay $0x4  }
0xc3: {  	v1 =	vsub.f32 v1, v0  }
0xc4: {  	[tilespmem:s20+$0x12B90] =	vst v0  }
0xc5: {  	[tilespmem:s20+$0x12BD0] =	vst v1  }
0xc6: {  	v1 =	vld [tilespmem:s21+$0x8410];
	_ =	sdelay $0x4  }
0xc7: {  	v1 =	vsub.f32 v1, v0  }
0xc8: {  	[tilespmem:s20+$0x12C10] =	vst v0  }
0xc9: {  	[tilespmem:s20+$0x12C50] =	vst v1  }
0xca: {  	v1 =	vld [tilespmem:s21+$0x8490];
	_ =	sdelay $0x4  }
0xcb: {  	v1 =	vsub.f32 v1, v0  }
0xcc: {  	[tilespmem:s20+$0x12C90] =	vst v0  }
0xcd: {  	[tilespmem:s20+$0x12CD0] =	vst v1  }
0xce: {  	v1 =	vld [tilespmem:s21+$0x8510];
	_ =	sdelay $0x4  }
0xcf: {  	v1 =	vsub.f32 v1, v0  }
0xd0: {  	[tilespmem:s20+$0x12D10] =	vst v0  }
0xd1: {  	[tilespmem:s20+$0x12D50] =	vst v1  }
0xd2: {  	v1 =	vld [tilespmem:s21+$0x8590];
	_ =	sdelay $0x4  }
0xd3: {  	v1 =	vsub.f32 v1, v0  }
0xd4: {  	[tilespmem:s20+$0x12D90] =	vst v0  }
0xd5: {  	[tilespmem:s20+$0x12DD0] =	vst v1  }
0xd6: {  	v1 =	vld [tilespmem:s21+$0x8610];
	_ =	sdelay $0x4  }
0xd7: {  	v1 =	vsub.f32 v1, v0  }
0xd8: {  	[tilespmem:s20+$0x12E10] =	vst v0  }
0xd9: {  	[tilespmem:s20+$0x12E50] =	vst v1  }
0xda: {  	v1 =	vld [tilespmem:s21+$0x8690];
	_ =	sdelay $0x4  }
0xdb: {  	v1 =	vsub.f32 v1, v0  }
0xdc: {  	[tilespmem:s20+$0x12E90] =	vst v0  }
0xdd: {  	[tilespmem:s20+$0x12ED0] =	vst v1  }
0xde: {  	v1 =	vld [tilespmem:s21+$0x8710];
	_ =	sdelay $0x4  }
0xdf: {  	v1 =	vsub.f32 v1, v0  }
0xe0: {  	[tilespmem:s20+$0x12F10] =	vst v0  }
0xe1: {  	[tilespmem:s20+$0x12F50] =	vst v1  }
0xe2: {  	v1 =	vld [tilespmem:s21+$0x8790];
	_ =	sdelay $0x4  }
0xe3: {  	v1 =	vsub.f32 v1, v0  }
0xe4: {  	[tilespmem:s20+$0x12F90] =	vst v0  }
0xe5: {  	[tilespmem:s20+$0x12FD0] =	vst v1  }
0xe6: {  	v1 =	vld [tilespmem:s21+$0x8810];
	_ =	sdelay $0x4  }
0xe7: {  	v1 =	vsub.f32 v1, v0  }
0xe8: {  	[tilespmem:s20+$0x13010] =	vst v0  }
0xe9: {  	[tilespmem:s20+$0x13050] =	vst v1  }
0xea: {  	v1 =	vld [tilespmem:s21+$0x8890];
	_ =	sdelay $0x4  }
0xeb: {  	v1 =	vsub.f32 v1, v0  }
0xec: {  	[tilespmem:s20+$0x13090] =	vst v0  }
0xed: {  	[tilespmem:s20+$0x130D0] =	vst v1  }
0xee: {  	v1 =	vld [tilespmem:s21+$0x8910];
	_ =	sdelay $0x4  }
0xef: {  	v1 =	vsub.f32 v1, v0  }
0xf0: {  	[tilespmem:s20+$0x13110] =	vst v0  }
0xf1: {  	[tilespmem:s20+$0x13150] =	vst v1  }
0xf2: {  	v1 =	vld [tilespmem:s21+$0x8990];
	_ =	sdelay $0x4  }
0xf3: {  	v1 =	vsub.f32 v1, v0  }
0xf4: {  	[tilespmem:s20+$0x13190] =	vst v0  }
0xf5: {  	[tilespmem:s20+$0x131D0] =	vst v1  }
0xf6: {  	v1 =	vld [tilespmem:s21+$0x8A10];
	_ =	sdelay $0x4  }
0xf7: {  	v1 =	vsub.f32 v1, v0  }
0xf8: {  	[tilespmem:s20+$0x13210] =	vst v0  }
0xf9: {  	[tilespmem:s20+$0x13250] =	vst v1  }
0xfa: {  	v1 =	vld [tilespmem:s21+$0x8A90];
	_ =	sdelay $0x4  }
0xfb: {  	v1 =	vsub.f32 v1, v0  }
0xfc: {  	[tilespmem:s20+$0x13290] =	vst v0  }
0xfd: {  	[tilespmem:s20+$0x132D0] =	vst v1  }
0xfe: {  	v1 =	vld [tilespmem:s21+$0x8B10];
	_ =	sdelay $0x4  }
0xff: {  	v1 =	vsub.f32 v1, v0  }
0x100: {  	[tilespmem:s20+$0x13310] =	vst v0  }
0x101: {  	[tilespmem:s20+$0x13350] =	vst v1  }
0x102: {  	v1 =	vld [tilespmem:s21+$0x8B90];
	_ =	sdelay $0x4  }
0x103: {  	v1 =	vsub.f32 v1, v0  }
0x104: {  	[tilespmem:s20+$0x13390] =	vst v0  }
0x105: {  	[tilespmem:s20+$0x133D0] =	vst v1  }
0x106: {  	v0 =	vld [tilespmem:s23+$0x12220]  }
0x107: {  	v1 =	vld [tilespmem:s21+$0x8220];
	_ =	sdelay $0x4  }
0x108: {  	v1 =	vsub.f32 v1, v0  }
0x109: {  	[tilespmem:s20+$0x12A20] =	vst v0  }
0x10a: {  	[tilespmem:s20+$0x12A60] =	vst v1  }
0x10b: {  	v1 =	vld [tilespmem:s21+$0x82A0];
	_ =	sdelay $0x4  }
0x10c: {  	v1 =	vsub.f32 v1, v0  }
0x10d: {  	[tilespmem:s20+$0x12AA0] =	vst v0  }
0x10e: {  	[tilespmem:s20+$0x12AE0] =	vst v1  }
0x10f: {  	v1 =	vld [tilespmem:s21+$0x8320];
	_ =	sdelay $0x4  }
0x110: {  	v1 =	vsub.f32 v1, v0  }
0x111: {  	[tilespmem:s20+$0x12B20] =	vst v0  }
0x112: {  	[tilespmem:s20+$0x12B60] =	vst v1  }
0x113: {  	v1 =	vld [tilespmem:s21+$0x83A0];
	_ =	sdelay $0x4  }
0x114: {  	v1 =	vsub.f32 v1, v0  }
0x115: {  	[tilespmem:s20+$0x12BA0] =	vst v0  }
0x116: {  	[tilespmem:s20+$0x12BE0] =	vst v1  }
0x117: {  	v1 =	vld [tilespmem:s21+$0x8420];
	_ =	sdelay $0x4  }
0x118: {  	v1 =	vsub.f32 v1, v0  }
0x119: {  	[tilespmem:s20+$0x12C20] =	vst v0  }
0x11a: {  	[tilespmem:s20+$0x12C60] =	vst v1  }
0x11b: {  	v1 =	vld [tilespmem:s21+$0x84A0];
	_ =	sdelay $0x4  }
0x11c: {  	v1 =	vsub.f32 v1, v0  }
0x11d: {  	[tilespmem:s20+$0x12CA0] =	vst v0  }
0x11e: {  	[tilespmem:s20+$0x12CE0] =	vst v1  }
0x11f: {  	v1 =	vld [tilespmem:s21+$0x8520];
	_ =	sdelay $0x4  }
0x120: {  	v1 =	vsub.f32 v1, v0  }
0x121: {  	[tilespmem:s20+$0x12D20] =	vst v0  }
0x122: {  	[tilespmem:s20+$0x12D60] =	vst v1  }
0x123: {  	v1 =	vld [tilespmem:s21+$0x85A0];
	_ =	sdelay $0x4  }
0x124: {  	v1 =	vsub.f32 v1, v0  }
0x125: {  	[tilespmem:s20+$0x12DA0] =	vst v0  }
0x126: {  	[tilespmem:s20+$0x12DE0] =	vst v1  }
0x127: {  	v1 =	vld [tilespmem:s21+$0x8620];
	_ =	sdelay $0x4  }
0x128: {  	v1 =	vsub.f32 v1, v0  }
0x129: {  	[tilespmem:s20+$0x12E20] =	vst v0  }
0x12a: {  	[tilespmem:s20+$0x12E60] =	vst v1  }
0x12b: {  	v1 =	vld [tilespmem:s21+$0x86A0];
	_ =	sdelay $0x4  }
0x12c: {  	v1 =	vsub.f32 v1, v0  }
0x12d: {  	[tilespmem:s20+$0x12EA0] =	vst v0  }
0x12e: {  	[tilespmem:s20+$0x12EE0] =	vst v1  }
0x12f: {  	v1 =	vld [tilespmem:s21+$0x8720];
	_ =	sdelay $0x4  }
0x130: {  	v1 =	vsub.f32 v1, v0  }
0x131: {  	[tilespmem:s20+$0x12F20] =	vst v0  }
0x132: {  	[tilespmem:s20+$0x12F60] =	vst v1  }
0x133: {  	v1 =	vld [tilespmem:s21+$0x87A0];
	_ =	sdelay $0x4  }
0x134: {  	v1 =	vsub.f32 v1, v0  }
0x135: {  	[tilespmem:s20+$0x12FA0] =	vst v0  }
0x136: {  	[tilespmem:s20+$0x12FE0] =	vst v1  }
0x137: {  	v1 =	vld [tilespmem:s21+$0x8820];
	_ =	sdelay $0x4  }
0x138: {  	v1 =	vsub.f32 v1, v0  }
0x139: {  	[tilespmem:s20+$0x13020] =	vst v0  }
0x13a: {  	[tilespmem:s20+$0x13060] =	vst v1  }
0x13b: {  	v1 =	vld [tilespmem:s21+$0x88A0];
	_ =	sdelay $0x4  }
0x13c: {  	v1 =	vsub.f32 v1, v0  }
0x13d: {  	[tilespmem:s20+$0x130A0] =	vst v0  }
0x13e: {  	[tilespmem:s20+$0x130E0] =	vst v1  }
0x13f: {  	v1 =	vld [tilespmem:s21+$0x8920];
	_ =	sdelay $0x4  }
0x140: {  	v1 =	vsub.f32 v1, v0  }
0x141: {  	[tilespmem:s20+$0x13120] =	vst v0  }
0x142: {  	[tilespmem:s20+$0x13160] =	vst v1  }
0x143: {  	v1 =	vld [tilespmem:s21+$0x89A0];
	_ =	sdelay $0x4  }
0x144: {  	v1 =	vsub.f32 v1, v0  }
0x145: {  	[tilespmem:s20+$0x131A0] =	vst v0  }
0x146: {  	[tilespmem:s20+$0x131E0] =	vst v1  }
0x147: {  	v1 =	vld [tilespmem:s21+$0x8A20];
	_ =	sdelay $0x4  }
0x148: {  	v1 =	vsub.f32 v1, v0  }
0x149: {  	[tilespmem:s20+$0x13220] =	vst v0  }
0x14a: {  	[tilespmem:s20+$0x13260] =	vst v1  }
0x14b: {  	v1 =	vld [tilespmem:s21+$0x8AA0];
	_ =	sdelay $0x4  }
0x14c: {  	v1 =	vsub.f32 v1, v0  }
0x14d: {  	[tilespmem:s20+$0x132A0] =	vst v0  }
0x14e: {  	[tilespmem:s20+$0x132E0] =	vst v1  }
0x14f: {  	v1 =	vld [tilespmem:s21+$0x8B20];
	_ =	sdelay $0x4  }
0x150: {  	v1 =	vsub.f32 v1, v0  }
0x151: {  	[tilespmem:s20+$0x13320] =	vst v0  }
0x152: {  	[tilespmem:s20+$0x13360] =	vst v1  }
0x153: {  	v1 =	vld [tilespmem:s21+$0x8BA0];
	_ =	sdelay $0x4  }
0x154: {  	v1 =	vsub.f32 v1, v0  }
0x155: {  	[tilespmem:s20+$0x133A0] =	vst v0  }
0x156: {  	[tilespmem:s20+$0x133E0] =	vst v1  }
0x157: {  	v0 =	vld [tilespmem:s23+$0x12230]  }
0x158: {  	v1 =	vld [tilespmem:s21+$0x8230];
	_ =	sdelay $0x4  }
0x159: {  	v1 =	vsub.f32 v1, v0  }
0x15a: {  	[tilespmem:s20+$0x12A30] =	vst v0  }
0x15b: {  	[tilespmem:s20+$0x12A70] =	vst v1  }
0x15c: {  	v1 =	vld [tilespmem:s21+$0x82B0];
	_ =	sdelay $0x4  }
0x15d: {  	v1 =	vsub.f32 v1, v0  }
0x15e: {  	[tilespmem:s20+$0x12AB0] =	vst v0  }
0x15f: {  	[tilespmem:s20+$0x12AF0] =	vst v1  }
0x160: {  	v1 =	vld [tilespmem:s21+$0x8330];
	_ =	sdelay $0x4  }
0x161: {  	v1 =	vsub.f32 v1, v0  }
0x162: {  	[tilespmem:s20+$0x12B30] =	vst v0  }
0x163: {  	[tilespmem:s20+$0x12B70] =	vst v1  }
0x164: {  	v1 =	vld [tilespmem:s21+$0x83B0];
	_ =	sdelay $0x4  }
0x165: {  	v1 =	vsub.f32 v1, v0  }
0x166: {  	[tilespmem:s20+$0x12BB0] =	vst v0  }
0x167: {  	[tilespmem:s20+$0x12BF0] =	vst v1  }
0x168: {  	v1 =	vld [tilespmem:s21+$0x8430];
	_ =	sdelay $0x4  }
0x169: {  	v1 =	vsub.f32 v1, v0  }
0x16a: {  	[tilespmem:s20+$0x12C30] =	vst v0  }
0x16b: {  	[tilespmem:s20+$0x12C70] =	vst v1  }
0x16c: {  	v1 =	vld [tilespmem:s21+$0x84B0];
	_ =	sdelay $0x4  }
0x16d: {  	v1 =	vsub.f32 v1, v0  }
0x16e: {  	[tilespmem:s20+$0x12CB0] =	vst v0  }
0x16f: {  	[tilespmem:s20+$0x12CF0] =	vst v1  }
0x170: {  	v1 =	vld [tilespmem:s21+$0x8530];
	_ =	sdelay $0x4  }
0x171: {  	v1 =	vsub.f32 v1, v0  }
0x172: {  	[tilespmem:s20+$0x12D30] =	vst v0  }
0x173: {  	[tilespmem:s20+$0x12D70] =	vst v1  }
0x174: {  	v1 =	vld [tilespmem:s21+$0x85B0];
	_ =	sdelay $0x4  }
0x175: {  	v1 =	vsub.f32 v1, v0  }
0x176: {  	[tilespmem:s20+$0x12DB0] =	vst v0  }
0x177: {  	[tilespmem:s20+$0x12DF0] =	vst v1  }
0x178: {  	v1 =	vld [tilespmem:s21+$0x8630];
	_ =	sdelay $0x4  }
0x179: {  	v1 =	vsub.f32 v1, v0  }
0x17a: {  	[tilespmem:s20+$0x12E30] =	vst v0  }
0x17b: {  	[tilespmem:s20+$0x12E70] =	vst v1  }
0x17c: {  	v1 =	vld [tilespmem:s21+$0x86B0];
	_ =	sdelay $0x4  }
0x17d: {  	v1 =	vsub.f32 v1, v0  }
0x17e: {  	[tilespmem:s20+$0x12EB0] =	vst v0  }
0x17f: {  	[tilespmem:s20+$0x12EF0] =	vst v1  }
0x180: {  	v1 =	vld [tilespmem:s21+$0x8730];
	_ =	sdelay $0x4  }
0x181: {  	v1 =	vsub.f32 v1, v0  }
0x182: {  	[tilespmem:s20+$0x12F30] =	vst v0  }
0x183: {  	[tilespmem:s20+$0x12F70] =	vst v1  }
0x184: {  	v1 =	vld [tilespmem:s21+$0x87B0];
	_ =	sdelay $0x4  }
0x185: {  	v1 =	vsub.f32 v1, v0  }
0x186: {  	[tilespmem:s20+$0x12FB0] =	vst v0  }
0x187: {  	[tilespmem:s20+$0x12FF0] =	vst v1  }
0x188: {  	v1 =	vld [tilespmem:s21+$0x8830];
	_ =	sdelay $0x4  }
0x189: {  	v1 =	vsub.f32 v1, v0  }
0x18a: {  	[tilespmem:s20+$0x13030] =	vst v0  }
0x18b: {  	[tilespmem:s20+$0x13070] =	vst v1  }
0x18c: {  	v1 =	vld [tilespmem:s21+$0x88B0];
	_ =	sdelay $0x4  }
0x18d: {  	v1 =	vsub.f32 v1, v0  }
0x18e: {  	[tilespmem:s20+$0x130B0] =	vst v0  }
0x18f: {  	[tilespmem:s20+$0x130F0] =	vst v1  }
0x190: {  	v1 =	vld [tilespmem:s21+$0x8930];
	_ =	sdelay $0x4  }
0x191: {  	v1 =	vsub.f32 v1, v0  }
0x192: {  	[tilespmem:s20+$0x13130] =	vst v0  }
0x193: {  	[tilespmem:s20+$0x13170] =	vst v1  }
0x194: {  	v1 =	vld [tilespmem:s21+$0x89B0];
	_ =	sdelay $0x4  }
0x195: {  	v1 =	vsub.f32 v1, v0  }
0x196: {  	[tilespmem:s20+$0x131B0] =	vst v0  }
0x197: {  	[tilespmem:s20+$0x131F0] =	vst v1  }
0x198: {  	v1 =	vld [tilespmem:s21+$0x8A30];
	_ =	sdelay $0x4  }
0x199: {  	v1 =	vsub.f32 v1, v0  }
0x19a: {  	[tilespmem:s20+$0x13230] =	vst v0  }
0x19b: {  	[tilespmem:s20+$0x13270] =	vst v1  }
0x19c: {  	v1 =	vld [tilespmem:s21+$0x8AB0];
	_ =	sdelay $0x4  }
0x19d: {  	v1 =	vsub.f32 v1, v0  }
0x19e: {  	[tilespmem:s20+$0x132B0] =	vst v0  }
0x19f: {  	[tilespmem:s20+$0x132F0] =	vst v1  }
0x1a0: {  	v1 =	vld [tilespmem:s21+$0x8B30];
	_ =	sdelay $0x4  }
0x1a1: {  	v1 =	vsub.f32 v1, v0  }
0x1a2: {  	[tilespmem:s20+$0x13330] =	vst v0  }
0x1a3: {  	[tilespmem:s20+$0x13370] =	vst v1  }
0x1a4: {  	v1 =	vld [tilespmem:s21+$0x8BB0];
	_ =	sdelay $0x1  }
0x1a5: {  	p1 =	sne.s32 s19, $0x7  }
.Ltmp0:
0x1a6: {  	_ = 	snop;
	(pc) =	sbr.rel @p1 .LBB2_3-.Ltmp0, $4  }
0x1a7: {  	_ = 	snop  }
0x1a8: {  	v1 =	vsub.f32 v1, v0  }
0x1a9: {  	[tilespmem:s20+$0x133B0] =	vst v0  }
0x1aa: {  	s19 =	sadd.s32 $0x1, s19;
	[tilespmem:s20+$0x133F0] =	vst v1  }
0x1ab: {  	s19 =	sshll.u32 s10, $0x4  }
0x1ac: {  	s19 =	sadd.s32 s7, s19  }
0x1ad: {  	s19 =	smul.u32 $0xC00, s19;
	_ =	sdelay $0x1  }
0x1ae: {  	s19 =	sadd.s32 s8, s19  }
0x1af: {  	s19 =	sshrl.u32 s19, $0x3  }
0x1b0: {  	s20 =	simm.s32 $0x12A00;
	s19 =	sadd.s32 s4, s19  }
0x1b1: {  	[hbm4b:s19+s3] =	stream.linear.scatter [tilespmem:s20], [sflag:$0x3], $0xA00, $0x38;
	[tilespmem:$0x1EA00] =	vst v63  }
0x1b2: {  	s21 =	sadd.s32 $0x180, s19  }
0x1b3: {  	[hbm4b:s21+s3] =	stream.linear.scatter [tilespmem:s24], [sflag:$0x3], $0xA00, $0x38;
	[tilespmem:$0x1EA00] =	vst v63  }
0x1b4: {  	s23 =	sadd.s32 $0x300, s19  }
0x1b5: {  	[hbm4b:s23+s3] =	stream.linear.scatter [tilespmem:s25], [sflag:$0x3], $0xA00, $0x38;
	[tilespmem:$0x1EA00] =	vst v63  }
0x1b6: {  	s21 =	sadd.s32 $0x480, s19  }
0x1b7: {  	[hbm4b:s21+s3] =	stream.linear.scatter [tilespmem:s26], [sflag:$0x3], $0xA00, $0x38;
	[tilespmem:$0x1EA00] =	vst v63  }
0x1b8: {  	s23 =	sadd.s32 $0x600, s19  }
0x1b9: {  	[hbm4b:s23+s3] =	stream.linear.scatter [tilespmem:s28], [sflag:$0x3], $0xA00, $0x38;
	[tilespmem:$0x1EA00] =	vst v63  }
0x1ba: {  	s21 =	sadd.s32 $0x780, s19  }
0x1bb: {  	[hbm4b:s21+s3] =	stream.linear.scatter [tilespmem:s29], [sflag:$0x3], $0xA00, $0x38;
	[tilespmem:$0x1EA00] =	vst v63  }
0x1bc: {  	p1 =	seq.s32 s10, $0xF;
	s23 =	sadd.s32 $0x900, s19  }
0x1bd: {  	[hbm4b:s23+s3] =	stream.linear.scatter [tilespmem:s30], [sflag:$0x3], $0xA00, $0x38;
	[tilespmem:$0x1EA00] =	vst v63  }
0x1be: {  	s18 =	sadd.s32 @!p1 $0x2, s18;
	s19 =	sadd.s32 $0xA80, s19  }
0x1bf: {  	[hbm4b:s19+s3] =	stream.linear.scatter [tilespmem:s31], [sflag:$0x3], $0xA00, $0x38;
	[tilespmem:$0x1EA00] =	vst v63  }
0x1c0: {  	s19 =	sshll.u32 @!p1 s18, $0xA  }
0x1c1: {  	s19 =	sand.u32 @!p1 $0x3FFFFC00, s19  }
0x1c2: {  	v0 =	vld @!p1 [tilespmem:s19+$0x0];
	_ =	sdelay $0x4  }
0x1c3: {  	[tilespmem:$0x8000] =	vst @!p1 v0  }
0x1c4: {  	v0 =	vld @!p1 [tilespmem:s19+$0x10];
	_ =	sdelay $0x4  }
0x1c5: {  	[tilespmem:$0x8010] =	vst @!p1 v0  }
0x1c6: {  	v0 =	vld @!p1 [tilespmem:s19+$0x80];
	_ =	sdelay $0x4  }
0x1c7: {  	[tilespmem:$0x8014] =	vst @!p1 v0  }
0x1c8: {  	v0 =	vld @!p1 [tilespmem:s19+$0x90];
	_ =	sdelay $0x4  }
0x1c9: {  	[tilespmem:$0x8024] =	vst @!p1 v0  }
0x1ca: {  	v0 =	vld @!p1 [tilespmem:s19+$0x100];
	_ =	sdelay $0x4  }
0x1cb: {  	[tilespmem:$0x8028] =	vst @!p1 v0  }
0x1cc: {  	v0 =	vld @!p1 [tilespmem:s19+$0x110];
	_ =	sdelay $0x4  }
0x1cd: {  	[tilespmem:$0x8038] =	vst @!p1 v0  }
0x1ce: {  	v0 =	vld @!p1 [tilespmem:s19+$0x180];
	_ =	sdelay $0x4  }
0x1cf: {  	[tilespmem:$0x803C] =	vst @!p1 v0  }
0x1d0: {  	v0 =	vld @!p1 [tilespmem:s19+$0x190];
	_ =	sdelay $0x4  }
0x1d1: {  	[tilespmem:$0x804C] =	vst @!p1 v0  }
0x1d2: {  	v0 =	vld @!p1 [tilespmem:s19+$0x200];
	_ =	sdelay $0x4  }
0x1d3: {  	[tilespmem:$0x8050] =	vst @!p1 v0  }
0x1d4: {  	v0 =	vld @!p1 [tilespmem:s19+$0x210];
	_ =	sdelay $0x4  }
0x1d5: {  	[tilespmem:$0x8060] =	vst @!p1 v0  }
0x1d6: {  	v0 =	vld @!p1 [tilespmem:s19+$0x280];
	_ =	sdelay $0x4  }
0x1d7: {  	[tilespmem:$0x8064] =	vst @!p1 v0  }
0x1d8: {  	v0 =	vld @!p1 [tilespmem:s19+$0x290];
	_ =	sdelay $0x4  }
0x1d9: {  	[tilespmem:$0x8074] =	vst @!p1 v0  }
0x1da: {  	v0 =	vld @!p1 [tilespmem:s19+$0x300];
	_ =	sdelay $0x4  }
0x1db: {  	[tilespmem:$0x8078] =	vst @!p1 v0  }
0x1dc: {  	v0 =	vld @!p1 [tilespmem:s19+$0x310];
	_ =	sdelay $0x4  }
0x1dd: {  	[tilespmem:$0x8088] =	vst @!p1 v0  }
0x1de: {  	v0 =	vld @!p1 [tilespmem:s19+$0x380];
	_ =	sdelay $0x4  }
0x1df: {  	[tilespmem:$0x808C] =	vst @!p1 v0  }
0x1e0: {  	v0 =	vld @!p1 [tilespmem:s19+$0x390];
	_ =	sdelay $0x4  }
0x1e1: {  	s20 =	simm.s32 @!p1 $0x8000;
	s21 =	simm.s32 @!p1 $0x8200;
	s19 =	simm.s32 @!p1 $0x50;
	[tilespmem:$0x809C] =	vst @!p1 v0  }
0x1e2: {  	[tilespmem:s21], [sflag:$0x1] =	stream.indirect.gather @!p1 [hbm4b:s2+s19], $0x80, s20, s19, $0xb8;
	[tilespmem:$0x1EA00] =	vst v63  }
0x1e3: {  	s18 =	sshll.u32 @!p1 s18, $0x7;
	s20 =	simm.s32 @!p1 $0x8050;
	s21 =	simm.s32 @!p1 $0xAA00  }
0x1e4: {  	[tilespmem:s21], [sflag:$0x1] =	stream.indirect.gather @!p1 [hbm4b:s2+s19], $0x80, s20, s19, $0xb8;
	[tilespmem:$0x1EA00] =	vst v63  }
0x1e5: {  	s18 =	sadd.s32 @!p1 s18, s6;
	s19 =	simm.s32 @!p1 $0x0;
	s20 =	simm.s32 @!p1 $0x12200  }
0x1e6: {  	[tilespmem:s20], [sflag:$0x1] =	stream.linear.gather @!p1 [hbm4b:s18+s19], $0x400, $0x38;
	[tilespmem:$0x1EA00] =	vst v63  }
0x1e7: {  	_ =	swait.ge [sflag:s1], $0x5000  }
0x1e8: {  	[sflag:s1] =	ssyncset.done $0x0  }
0x1e9: {  	[sflag:s1] =	ssyncadd.s32 $0xFFFFB000  }
0x1ea: {  	_ =	swait.ge [sflag:s1], $0x400  }
0x1eb: {  	[sflag:s1] =	ssyncset.done $0x0  }
0x1ec: {  	s18 =	simm.s32 @!p0 $0x4;
	[sflag:s1] =	ssyncadd.s32 $0xFFFFFC00  }
0x1ed: {  	_ =	swait.ge @!p0 [sflag:s18], $0x5000  }
0x1ee: {  	[sflag:s18] =	ssyncset.done @!p0 $0x0  }
0x1ef: {  	[sflag:s18] =	ssyncadd.s32 @!p0 $0xFFFFB000;
	s18 =	simm.s32 $0x0  }
.LBB2_5:
0x1f0: {  	s19 =	sshll.u32 s18, $0x7;
	s20 =	smul.u32 $0x2800, s18  }
0x1f1: {  	s21 =	sand.u32 $0x3FFFFF80, s19  }
0x1f2: {  	v0 =	vld [tilespmem:s21+$0x12600];
	s20 =	sshra.s32 s20, $0x2  }
0x1f3: {  	v1 =	vld [tilespmem:s20+$0xD200];
	_ =	sdelay $0x2  }
0x1f4: {  	s23 =	smul.u32 $0x3000, s18;
	_ =	sdelay $0x1  }
0x1f5: {  	s19 =	sshra.s32 s23, $0x2;
	v1 =	vsub.f32 v1, v0  }
0x1f6: {  	[tilespmem:s19+$0x18A00] =	vst v0  }
0x1f7: {  	[tilespmem:s19+$0x18A40] =	vst v1  }
0x1f8: {  	v1 =	vld [tilespmem:s20+$0xD280];
	_ =	sdelay $0x4  }
0x1f9: {  	v1 =	vsub.f32 v1, v0  }
0x1fa: {  	[tilespmem:s19+$0x18A80] =	vst v0  }
0x1fb: {  	[tilespmem:s19+$0x18AC0] =	vst v1  }
0x1fc: {  	v1 =	vld [tilespmem:s20+$0xD300];
	_ =	sdelay $0x4  }
0x1fd: {  	v1 =	vsub.f32 v1, v0  }
0x1fe: {  	[tilespmem:s19+$0x18B00] =	vst v0  }
0x1ff: {  	[tilespmem:s19+$0x18B40] =	vst v1  }
0x200: {  	v1 =	vld [tilespmem:s20+$0xD380];
	_ =	sdelay $0x4  }
0x201: {  	v1 =	vsub.f32 v1, v0  }
0x202: {  	[tilespmem:s19+$0x18B80] =	vst v0  }
0x203: {  	[tilespmem:s19+$0x18BC0] =	vst v1  }
0x204: {  	v1 =	vld [tilespmem:s20+$0xD400];
	_ =	sdelay $0x4  }
0x205: {  	v1 =	vsub.f32 v1, v0  }
0x206: {  	[tilespmem:s19+$0x18C00] =	vst v0  }
0x207: {  	[tilespmem:s19+$0x18C40] =	vst v1  }
0x208: {  	v1 =	vld [tilespmem:s20+$0xD480];
	_ =	sdelay $0x4  }
0x209: {  	v1 =	vsub.f32 v1, v0  }
0x20a: {  	[tilespmem:s19+$0x18C80] =	vst v0  }
0x20b: {  	[tilespmem:s19+$0x18CC0] =	vst v1  }
0x20c: {  	v1 =	vld [tilespmem:s20+$0xD500];
	_ =	sdelay $0x4  }
0x20d: {  	v1 =	vsub.f32 v1, v0  }
0x20e: {  	[tilespmem:s19+$0x18D00] =	vst v0  }
0x20f: {  	[tilespmem:s19+$0x18D40] =	vst v1  }
0x210: {  	v1 =	vld [tilespmem:s20+$0xD580];
	_ =	sdelay $0x4  }
0x211: {  	v1 =	vsub.f32 v1, v0  }
0x212: {  	[tilespmem:s19+$0x18D80] =	vst v0  }
0x213: {  	[tilespmem:s19+$0x18DC0] =	vst v1  }
0x214: {  	v1 =	vld [tilespmem:s20+$0xD600];
	_ =	sdelay $0x4  }
0x215: {  	v1 =	vsub.f32 v1, v0  }
0x216: {  	[tilespmem:s19+$0x18E00] =	vst v0  }
0x217: {  	[tilespmem:s19+$0x18E40] =	vst v1  }
0x218: {  	v1 =	vld [tilespmem:s20+$0xD680];
	_ =	sdelay $0x4  }
0x219: {  	v1 =	vsub.f32 v1, v0  }
0x21a: {  	[tilespmem:s19+$0x18E80] =	vst v0  }
0x21b: {  	[tilespmem:s19+$0x18EC0] =	vst v1  }
0x21c: {  	v1 =	vld [tilespmem:s20+$0xD700];
	_ =	sdelay $0x4  }
0x21d: {  	v1 =	vsub.f32 v1, v0  }
0x21e: {  	[tilespmem:s19+$0x18F00] =	vst v0  }
0x21f: {  	[tilespmem:s19+$0x18F40] =	vst v1  }
0x220: {  	v1 =	vld [tilespmem:s20+$0xD780];
	_ =	sdelay $0x4  }
0x221: {  	v1 =	vsub.f32 v1, v0  }
0x222: {  	[tilespmem:s19+$0x18F80] =	vst v0  }
0x223: {  	[tilespmem:s19+$0x18FC0] =	vst v1  }
0x224: {  	v1 =	vld [tilespmem:s20+$0xD800];
	_ =	sdelay $0x4  }
0x225: {  	v1 =	vsub.f32 v1, v0  }
0x226: {  	[tilespmem:s19+$0x19000] =	vst v0  }
0x227: {  	[tilespmem:s19+$0x19040] =	vst v1  }
0x228: {  	v1 =	vld [tilespmem:s20+$0xD880];
	_ =	sdelay $0x4  }
0x229: {  	v1 =	vsub.f32 v1, v0  }
0x22a: {  	[tilespmem:s19+$0x19080] =	vst v0  }
0x22b: {  	[tilespmem:s19+$0x190C0] =	vst v1  }
0x22c: {  	v1 =	vld [tilespmem:s20+$0xD900];
	_ =	sdelay $0x4  }
0x22d: {  	v1 =	vsub.f32 v1, v0  }
0x22e: {  	[tilespmem:s19+$0x19100] =	vst v0  }
0x22f: {  	[tilespmem:s19+$0x19140] =	vst v1  }
0x230: {  	v1 =	vld [tilespmem:s20+$0xD980];
	_ =	sdelay $0x4  }
0x231: {  	v1 =	vsub.f32 v1, v0  }
0x232: {  	[tilespmem:s19+$0x19180] =	vst v0  }
0x233: {  	[tilespmem:s19+$0x191C0] =	vst v1  }
0x234: {  	v1 =	vld [tilespmem:s20+$0xDA00];
	_ =	sdelay $0x4  }
0x235: {  	v1 =	vsub.f32 v1, v0  }
0x236: {  	[tilespmem:s19+$0x19200] =	vst v0  }
0x237: {  	[tilespmem:s19+$0x19240] =	vst v1  }
0x238: {  	v1 =	vld [tilespmem:s20+$0xDA80];
	_ =	sdelay $0x4  }
0x239: {  	v1 =	vsub.f32 v1, v0  }
0x23a: {  	[tilespmem:s19+$0x19280] =	vst v0  }
0x23b: {  	[tilespmem:s19+$0x192C0] =	vst v1  }
0x23c: {  	v1 =	vld [tilespmem:s20+$0xDB00];
	_ =	sdelay $0x4  }
0x23d: {  	v1 =	vsub.f32 v1, v0  }
0x23e: {  	[tilespmem:s19+$0x19300] =	vst v0  }
0x23f: {  	[tilespmem:s19+$0x19340] =	vst v1  }
0x240: {  	v1 =	vld [tilespmem:s20+$0xDB80];
	_ =	sdelay $0x4  }
0x241: {  	v1 =	vsub.f32 v1, v0  }
0x242: {  	[tilespmem:s19+$0x19380] =	vst v0  }
0x243: {  	[tilespmem:s19+$0x193C0] =	vst v1  }
0x244: {  	v0 =	vld [tilespmem:s21+$0x12610]  }
0x245: {  	v1 =	vld [tilespmem:s20+$0xD210];
	_ =	sdelay $0x4  }
0x246: {  	v1 =	vsub.f32 v1, v0  }
0x247: {  	[tilespmem:s19+$0x18A10] =	vst v0  }
0x248: {  	[tilespmem:s19+$0x18A50] =	vst v1  }
0x249: {  	v1 =	vld [tilespmem:s20+$0xD290];
	_ =	sdelay $0x4  }
0x24a: {  	v1 =	vsub.f32 v1, v0  }
0x24b: {  	[tilespmem:s19+$0x18A90] =	vst v0  }
0x24c: {  	[tilespmem:s19+$0x18AD0] =	vst v1  }
0x24d: {  	v1 =	vld [tilespmem:s20+$0xD310];
	_ =	sdelay $0x4  }
0x24e: {  	v1 =	vsub.f32 v1, v0  }
0x24f: {  	[tilespmem:s19+$0x18B10] =	vst v0  }
0x250: {  	[tilespmem:s19+$0x18B50] =	vst v1  }
0x251: {  	v1 =	vld [tilespmem:s20+$0xD390];
	_ =	sdelay $0x4  }
0x252: {  	v1 =	vsub.f32 v1, v0  }
0x253: {  	[tilespmem:s19+$0x18B90] =	vst v0  }
0x254: {  	[tilespmem:s19+$0x18BD0] =	vst v1  }
0x255: {  	v1 =	vld [tilespmem:s20+$0xD410];
	_ =	sdelay $0x4  }
0x256: {  	v1 =	vsub.f32 v1, v0  }
0x257: {  	[tilespmem:s19+$0x18C10] =	vst v0  }
0x258: {  	[tilespmem:s19+$0x18C50] =	vst v1  }
0x259: {  	v1 =	vld [tilespmem:s20+$0xD490];
	_ =	sdelay $0x4  }
0x25a: {  	v1 =	vsub.f32 v1, v0  }
0x25b: {  	[tilespmem:s19+$0x18C90] =	vst v0  }
0x25c: {  	[tilespmem:s19+$0x18CD0] =	vst v1  }
0x25d: {  	v1 =	vld [tilespmem:s20+$0xD510];
	_ =	sdelay $0x4  }
0x25e: {  	v1 =	vsub.f32 v1, v0  }
0x25f: {  	[tilespmem:s19+$0x18D10] =	vst v0  }
0x260: {  	[tilespmem:s19+$0x18D50] =	vst v1  }
0x261: {  	v1 =	vld [tilespmem:s20+$0xD590];
	_ =	sdelay $0x4  }
0x262: {  	v1 =	vsub.f32 v1, v0  }
0x263: {  	[tilespmem:s19+$0x18D90] =	vst v0  }
0x264: {  	[tilespmem:s19+$0x18DD0] =	vst v1  }
0x265: {  	v1 =	vld [tilespmem:s20+$0xD610];
	_ =	sdelay $0x4  }
0x266: {  	v1 =	vsub.f32 v1, v0  }
0x267: {  	[tilespmem:s19+$0x18E10] =	vst v0  }
0x268: {  	[tilespmem:s19+$0x18E50] =	vst v1  }
0x269: {  	v1 =	vld [tilespmem:s20+$0xD690];
	_ =	sdelay $0x4  }
0x26a: {  	v1 =	vsub.f32 v1, v0  }
0x26b: {  	[tilespmem:s19+$0x18E90] =	vst v0  }
0x26c: {  	[tilespmem:s19+$0x18ED0] =	vst v1  }
0x26d: {  	v1 =	vld [tilespmem:s20+$0xD710];
	_ =	sdelay $0x4  }
0x26e: {  	v1 =	vsub.f32 v1, v0  }
0x26f: {  	[tilespmem:s19+$0x18F10] =	vst v0  }
0x270: {  	[tilespmem:s19+$0x18F50] =	vst v1  }
0x271: {  	v1 =	vld [tilespmem:s20+$0xD790];
	_ =	sdelay $0x4  }
0x272: {  	v1 =	vsub.f32 v1, v0  }
0x273: {  	[tilespmem:s19+$0x18F90] =	vst v0  }
0x274: {  	[tilespmem:s19+$0x18FD0] =	vst v1  }
0x275: {  	v1 =	vld [tilespmem:s20+$0xD810];
	_ =	sdelay $0x4  }
0x276: {  	v1 =	vsub.f32 v1, v0  }
0x277: {  	[tilespmem:s19+$0x19010] =	vst v0  }
0x278: {  	[tilespmem:s19+$0x19050] =	vst v1  }
0x279: {  	v1 =	vld [tilespmem:s20+$0xD890];
	_ =	sdelay $0x4  }
0x27a: {  	v1 =	vsub.f32 v1, v0  }
0x27b: {  	[tilespmem:s19+$0x19090] =	vst v0  }
0x27c: {  	[tilespmem:s19+$0x190D0] =	vst v1  }
0x27d: {  	v1 =	vld [tilespmem:s20+$0xD910];
	_ =	sdelay $0x4  }
0x27e: {  	v1 =	vsub.f32 v1, v0  }
0x27f: {  	[tilespmem:s19+$0x19110] =	vst v0  }
0x280: {  	[tilespmem:s19+$0x19150] =	vst v1  }
0x281: {  	v1 =	vld [tilespmem:s20+$0xD990];
	_ =	sdelay $0x4  }
0x282: {  	v1 =	vsub.f32 v1, v0  }
0x283: {  	[tilespmem:s19+$0x19190] =	vst v0  }
0x284: {  	[tilespmem:s19+$0x191D0] =	vst v1  }
0x285: {  	v1 =	vld [tilespmem:s20+$0xDA10];
	_ =	sdelay $0x4  }
0x286: {  	v1 =	vsub.f32 v1, v0  }
0x287: {  	[tilespmem:s19+$0x19210] =	vst v0  }
0x288: {  	[tilespmem:s19+$0x19250] =	vst v1  }
0x289: {  	v1 =	vld [tilespmem:s20+$0xDA90];
	_ =	sdelay $0x4  }
0x28a: {  	v1 =	vsub.f32 v1, v0  }
0x28b: {  	[tilespmem:s19+$0x19290] =	vst v0  }
0x28c: {  	[tilespmem:s19+$0x192D0] =	vst v1  }
0x28d: {  	v1 =	vld [tilespmem:s20+$0xDB10];
	_ =	sdelay $0x4  }
0x28e: {  	v1 =	vsub.f32 v1, v0  }
0x28f: {  	[tilespmem:s19+$0x19310] =	vst v0  }
0x290: {  	[tilespmem:s19+$0x19350] =	vst v1  }
0x291: {  	v1 =	vld [tilespmem:s20+$0xDB90];
	_ =	sdelay $0x4  }
0x292: {  	v1 =	vsub.f32 v1, v0  }
0x293: {  	[tilespmem:s19+$0x19390] =	vst v0  }
0x294: {  	[tilespmem:s19+$0x193D0] =	vst v1  }
0x295: {  	v0 =	vld [tilespmem:s21+$0x12620]  }
0x296: {  	v1 =	vld [tilespmem:s20+$0xD220];
	_ =	sdelay $0x4  }
0x297: {  	v1 =	vsub.f32 v1, v0  }
0x298: {  	[tilespmem:s19+$0x18A20] =	vst v0  }
0x299: {  	[tilespmem:s19+$0x18A60] =	vst v1  }
0x29a: {  	v1 =	vld [tilespmem:s20+$0xD2A0];
	_ =	sdelay $0x4  }
0x29b: {  	v1 =	vsub.f32 v1, v0  }
0x29c: {  	[tilespmem:s19+$0x18AA0] =	vst v0  }
0x29d: {  	[tilespmem:s19+$0x18AE0] =	vst v1  }
0x29e: {  	v1 =	vld [tilespmem:s20+$0xD320];
	_ =	sdelay $0x4  }
0x29f: {  	v1 =	vsub.f32 v1, v0  }
0x2a0: {  	[tilespmem:s19+$0x18B20] =	vst v0  }
0x2a1: {  	[tilespmem:s19+$0x18B60] =	vst v1  }
0x2a2: {  	v1 =	vld [tilespmem:s20+$0xD3A0];
	_ =	sdelay $0x4  }
0x2a3: {  	v1 =	vsub.f32 v1, v0  }
0x2a4: {  	[tilespmem:s19+$0x18BA0] =	vst v0  }
0x2a5: {  	[tilespmem:s19+$0x18BE0] =	vst v1  }
0x2a6: {  	v1 =	vld [tilespmem:s20+$0xD420];
	_ =	sdelay $0x4  }
0x2a7: {  	v1 =	vsub.f32 v1, v0  }
0x2a8: {  	[tilespmem:s19+$0x18C20] =	vst v0  }
0x2a9: {  	[tilespmem:s19+$0x18C60] =	vst v1  }
0x2aa: {  	v1 =	vld [tilespmem:s20+$0xD4A0];
	_ =	sdelay $0x4  }
0x2ab: {  	v1 =	vsub.f32 v1, v0  }
0x2ac: {  	[tilespmem:s19+$0x18CA0] =	vst v0  }
0x2ad: {  	[tilespmem:s19+$0x18CE0] =	vst v1  }
0x2ae: {  	v1 =	vld [tilespmem:s20+$0xD520];
	_ =	sdelay $0x4  }
0x2af: {  	v1 =	vsub.f32 v1, v0  }
0x2b0: {  	[tilespmem:s19+$0x18D20] =	vst v0  }
0x2b1: {  	[tilespmem:s19+$0x18D60] =	vst v1  }
0x2b2: {  	v1 =	vld [tilespmem:s20+$0xD5A0];
	_ =	sdelay $0x4  }
0x2b3: {  	v1 =	vsub.f32 v1, v0  }
0x2b4: {  	[tilespmem:s19+$0x18DA0] =	vst v0  }
0x2b5: {  	[tilespmem:s19+$0x18DE0] =	vst v1  }
0x2b6: {  	v1 =	vld [tilespmem:s20+$0xD620];
	_ =	sdelay $0x4  }
0x2b7: {  	v1 =	vsub.f32 v1, v0  }
0x2b8: {  	[tilespmem:s19+$0x18E20] =	vst v0  }
0x2b9: {  	[tilespmem:s19+$0x18E60] =	vst v1  }
0x2ba: {  	v1 =	vld [tilespmem:s20+$0xD6A0];
	_ =	sdelay $0x4  }
0x2bb: {  	v1 =	vsub.f32 v1, v0  }
0x2bc: {  	[tilespmem:s19+$0x18EA0] =	vst v0  }
0x2bd: {  	[tilespmem:s19+$0x18EE0] =	vst v1  }
0x2be: {  	v1 =	vld [tilespmem:s20+$0xD720];
	_ =	sdelay $0x4  }
0x2bf: {  	v1 =	vsub.f32 v1, v0  }
0x2c0: {  	[tilespmem:s19+$0x18F20] =	vst v0  }
0x2c1: {  	[tilespmem:s19+$0x18F60] =	vst v1  }
0x2c2: {  	v1 =	vld [tilespmem:s20+$0xD7A0];
	_ =	sdelay $0x4  }
0x2c3: {  	v1 =	vsub.f32 v1, v0  }
0x2c4: {  	[tilespmem:s19+$0x18FA0] =	vst v0  }
0x2c5: {  	[tilespmem:s19+$0x18FE0] =	vst v1  }
0x2c6: {  	v1 =	vld [tilespmem:s20+$0xD820];
	_ =	sdelay $0x4  }
0x2c7: {  	v1 =	vsub.f32 v1, v0  }
0x2c8: {  	[tilespmem:s19+$0x19020] =	vst v0  }
0x2c9: {  	[tilespmem:s19+$0x19060] =	vst v1  }
0x2ca: {  	v1 =	vld [tilespmem:s20+$0xD8A0];
	_ =	sdelay $0x4  }
0x2cb: {  	v1 =	vsub.f32 v1, v0  }
0x2cc: {  	[tilespmem:s19+$0x190A0] =	vst v0  }
0x2cd: {  	[tilespmem:s19+$0x190E0] =	vst v1  }
0x2ce: {  	v1 =	vld [tilespmem:s20+$0xD920];
	_ =	sdelay $0x4  }
0x2cf: {  	v1 =	vsub.f32 v1, v0  }
0x2d0: {  	[tilespmem:s19+$0x19120] =	vst v0  }
0x2d1: {  	[tilespmem:s19+$0x19160] =	vst v1  }
0x2d2: {  	v1 =	vld [tilespmem:s20+$0xD9A0];
	_ =	sdelay $0x4  }
0x2d3: {  	v1 =	vsub.f32 v1, v0  }
0x2d4: {  	[tilespmem:s19+$0x191A0] =	vst v0  }
0x2d5: {  	[tilespmem:s19+$0x191E0] =	vst v1  }
0x2d6: {  	v1 =	vld [tilespmem:s20+$0xDA20];
	_ =	sdelay $0x4  }
0x2d7: {  	v1 =	vsub.f32 v1, v0  }
0x2d8: {  	[tilespmem:s19+$0x19220] =	vst v0  }
0x2d9: {  	[tilespmem:s19+$0x19260] =	vst v1  }
0x2da: {  	v1 =	vld [tilespmem:s20+$0xDAA0];
	_ =	sdelay $0x4  }
0x2db: {  	v1 =	vsub.f32 v1, v0  }
0x2dc: {  	[tilespmem:s19+$0x192A0] =	vst v0  }
0x2dd: {  	[tilespmem:s19+$0x192E0] =	vst v1  }
0x2de: {  	v1 =	vld [tilespmem:s20+$0xDB20];
	_ =	sdelay $0x4  }
0x2df: {  	v1 =	vsub.f32 v1, v0  }
0x2e0: {  	[tilespmem:s19+$0x19320] =	vst v0  }
0x2e1: {  	[tilespmem:s19+$0x19360] =	vst v1  }
0x2e2: {  	v1 =	vld [tilespmem:s20+$0xDBA0];
	_ =	sdelay $0x4  }
0x2e3: {  	v1 =	vsub.f32 v1, v0  }
0x2e4: {  	[tilespmem:s19+$0x193A0] =	vst v0  }
0x2e5: {  	[tilespmem:s19+$0x193E0] =	vst v1  }
0x2e6: {  	v0 =	vld [tilespmem:s21+$0x12630]  }
0x2e7: {  	v1 =	vld [tilespmem:s20+$0xD230];
	_ =	sdelay $0x4  }
0x2e8: {  	v1 =	vsub.f32 v1, v0  }
0x2e9: {  	[tilespmem:s19+$0x18A30] =	vst v0  }
0x2ea: {  	[tilespmem:s19+$0x18A70] =	vst v1  }
0x2eb: {  	v1 =	vld [tilespmem:s20+$0xD2B0];
	_ =	sdelay $0x4  }
0x2ec: {  	v1 =	vsub.f32 v1, v0  }
0x2ed: {  	[tilespmem:s19+$0x18AB0] =	vst v0  }
0x2ee: {  	[tilespmem:s19+$0x18AF0] =	vst v1  }
0x2ef: {  	v1 =	vld [tilespmem:s20+$0xD330];
	_ =	sdelay $0x4  }
0x2f0: {  	v1 =	vsub.f32 v1, v0  }
0x2f1: {  	[tilespmem:s19+$0x18B30] =	vst v0  }
0x2f2: {  	[tilespmem:s19+$0x18B70] =	vst v1  }
0x2f3: {  	v1 =	vld [tilespmem:s20+$0xD3B0];
	_ =	sdelay $0x4  }
0x2f4: {  	v1 =	vsub.f32 v1, v0  }
0x2f5: {  	[tilespmem:s19+$0x18BB0] =	vst v0  }
0x2f6: {  	[tilespmem:s19+$0x18BF0] =	vst v1  }
0x2f7: {  	v1 =	vld [tilespmem:s20+$0xD430];
	_ =	sdelay $0x4  }
0x2f8: {  	v1 =	vsub.f32 v1, v0  }
0x2f9: {  	[tilespmem:s19+$0x18C30] =	vst v0  }
0x2fa: {  	[tilespmem:s19+$0x18C70] =	vst v1  }
0x2fb: {  	v1 =	vld [tilespmem:s20+$0xD4B0];
	_ =	sdelay $0x4  }
0x2fc: {  	v1 =	vsub.f32 v1, v0  }
0x2fd: {  	[tilespmem:s19+$0x18CB0] =	vst v0  }
0x2fe: {  	[tilespmem:s19+$0x18CF0] =	vst v1  }
0x2ff: {  	v1 =	vld [tilespmem:s20+$0xD530];
	_ =	sdelay $0x4  }
0x300: {  	v1 =	vsub.f32 v1, v0  }
0x301: {  	[tilespmem:s19+$0x18D30] =	vst v0  }
0x302: {  	[tilespmem:s19+$0x18D70] =	vst v1  }
0x303: {  	v1 =	vld [tilespmem:s20+$0xD5B0];
	_ =	sdelay $0x4  }
0x304: {  	v1 =	vsub.f32 v1, v0  }
0x305: {  	[tilespmem:s19+$0x18DB0] =	vst v0  }
0x306: {  	[tilespmem:s19+$0x18DF0] =	vst v1  }
0x307: {  	v1 =	vld [tilespmem:s20+$0xD630];
	_ =	sdelay $0x4  }
0x308: {  	v1 =	vsub.f32 v1, v0  }
0x309: {  	[tilespmem:s19+$0x18E30] =	vst v0  }
0x30a: {  	[tilespmem:s19+$0x18E70] =	vst v1  }
0x30b: {  	v1 =	vld [tilespmem:s20+$0xD6B0];
	_ =	sdelay $0x4  }
0x30c: {  	v1 =	vsub.f32 v1, v0  }
0x30d: {  	[tilespmem:s19+$0x18EB0] =	vst v0  }
0x30e: {  	[tilespmem:s19+$0x18EF0] =	vst v1  }
0x30f: {  	v1 =	vld [tilespmem:s20+$0xD730];
	_ =	sdelay $0x4  }
0x310: {  	v1 =	vsub.f32 v1, v0  }
0x311: {  	[tilespmem:s19+$0x18F30] =	vst v0  }
0x312: {  	[tilespmem:s19+$0x18F70] =	vst v1  }
0x313: {  	v1 =	vld [tilespmem:s20+$0xD7B0];
	_ =	sdelay $0x4  }
0x314: {  	v1 =	vsub.f32 v1, v0  }
0x315: {  	[tilespmem:s19+$0x18FB0] =	vst v0  }
0x316: {  	[tilespmem:s19+$0x18FF0] =	vst v1  }
0x317: {  	v1 =	vld [tilespmem:s20+$0xD830];
	_ =	sdelay $0x4  }
0x318: {  	v1 =	vsub.f32 v1, v0  }
0x319: {  	[tilespmem:s19+$0x19030] =	vst v0  }
0x31a: {  	[tilespmem:s19+$0x19070] =	vst v1  }
0x31b: {  	v1 =	vld [tilespmem:s20+$0xD8B0];
	_ =	sdelay $0x4  }
0x31c: {  	v1 =	vsub.f32 v1, v0  }
0x31d: {  	[tilespmem:s19+$0x190B0] =	vst v0  }
0x31e: {  	[tilespmem:s19+$0x190F0] =	vst v1  }
0x31f: {  	v1 =	vld [tilespmem:s20+$0xD930];
	_ =	sdelay $0x4  }
0x320: {  	v1 =	vsub.f32 v1, v0  }
0x321: {  	[tilespmem:s19+$0x19130] =	vst v0  }
0x322: {  	[tilespmem:s19+$0x19170] =	vst v1  }
0x323: {  	v1 =	vld [tilespmem:s20+$0xD9B0];
	_ =	sdelay $0x4  }
0x324: {  	v1 =	vsub.f32 v1, v0  }
0x325: {  	[tilespmem:s19+$0x191B0] =	vst v0  }
0x326: {  	[tilespmem:s19+$0x191F0] =	vst v1  }
0x327: {  	v1 =	vld [tilespmem:s20+$0xDA30];
	_ =	sdelay $0x4  }
0x328: {  	v1 =	vsub.f32 v1, v0  }
0x329: {  	[tilespmem:s19+$0x19230] =	vst v0  }
0x32a: {  	[tilespmem:s19+$0x19270] =	vst v1  }
0x32b: {  	v1 =	vld [tilespmem:s20+$0xDAB0];
	_ =	sdelay $0x4  }
0x32c: {  	v1 =	vsub.f32 v1, v0  }
0x32d: {  	[tilespmem:s19+$0x192B0] =	vst v0  }
0x32e: {  	[tilespmem:s19+$0x192F0] =	vst v1  }
0x32f: {  	v1 =	vld [tilespmem:s20+$0xDB30];
	_ =	sdelay $0x4  }
0x330: {  	v1 =	vsub.f32 v1, v0  }
0x331: {  	[tilespmem:s19+$0x19330] =	vst v0  }
0x332: {  	[tilespmem:s19+$0x19370] =	vst v1  }
0x333: {  	v1 =	vld [tilespmem:s20+$0xDBB0];
	_ =	sdelay $0x1  }
0x334: {  	p0 =	sne.s32 s18, $0x7  }
.Ltmp1:
0x335: {  	_ = 	snop;
	(pc) =	sbr.rel @p0 .LBB2_5-.Ltmp1, $4  }
0x336: {  	_ = 	snop  }
0x337: {  	v1 =	vsub.f32 v1, v0  }
0x338: {  	[tilespmem:s19+$0x193B0] =	vst v0  }
0x339: {  	s18 =	sadd.s32 $0x1, s18;
	[tilespmem:s19+$0x193F0] =	vst v1  }
0x33a: {  	s17 =	sshll.u32 s17, $0x3  }
0x33b: {  	s17 =	sadd.s32 s7, s17  }
0x33c: {  	s17 =	smul.u32 $0xC00, s17;
	_ =	sdelay $0x1  }
0x33d: {  	s17 =	sadd.s32 s8, s17  }
0x33e: {  	s17 =	sshrl.u32 s17, $0x3  }
0x33f: {  	s17 =	sadd.s32 s4, s17  }
0x340: {  	[hbm4b:s17+s3] =	stream.linear.scatter [tilespmem:s0], [sflag:$0x4], $0xA00, $0x38;
	[tilespmem:$0x1EA00] =	vst v63  }
0x341: {  	s18 =	sadd.s32 $0x180, s17  }
0x342: {  	[hbm4b:s18+s3] =	stream.linear.scatter [tilespmem:s12], [sflag:$0x4], $0xA00, $0x38;
	[tilespmem:$0x1EA00] =	vst v63  }
0x343: {  	s23 =	sadd.s32 $0x300, s17  }
0x344: {  	[hbm4b:s23+s3] =	stream.linear.scatter [tilespmem:s13], [sflag:$0x4], $0xA00, $0x38;
	[tilespmem:$0x1EA00] =	vst v63  }
0x345: {  	s19 =	sadd.s32 $0x480, s17  }
0x346: {  	[hbm4b:s19+s3] =	stream.linear.scatter [tilespmem:s14], [sflag:$0x4], $0xA00, $0x38;
	[tilespmem:$0x1EA00] =	vst v63  }
0x347: {  	s10 =	sadd.s32 $0x1, s10;
	s20 =	sadd.s32 $0x600, s17  }
0x348: {  	[hbm4b:s20+s3] =	stream.linear.scatter [tilespmem:s15], [sflag:$0x4], $0xA00, $0x38;
	[tilespmem:$0x1EA00] =	vst v63  }
0x349: {  	p0 =	sne.s32 s10, $0x10;
	s21 =	sadd.s32 $0x780, s17  }
0x34a: {  	[hbm4b:s21+s3] =	stream.linear.scatter [tilespmem:s16], [sflag:$0x4], $0xA00, $0x38;
	[tilespmem:$0x1EA00] =	vst v63  }
.Ltmp2:
0x34b: {  	_ = 	snop;
	(pc) =	sbr.rel @p0 .LBB2_2-.Ltmp2, $4  }
0x34c: {  	s23 =	sadd.s32 $0x900, s17  }
0x34d: {  	[hbm4b:s23+s3] =	stream.linear.scatter [tilespmem:s5], [sflag:$0x4], $0xA00, $0x38;
	[tilespmem:$0x1EA00] =	vst v63  }
0x34e: {  	s17 =	sadd.s32 $0xA80, s17  }
0x34f: {  	[hbm4b:s17+s3] =	stream.linear.scatter [tilespmem:s9], [sflag:$0x4], $0xA00, $0x38;
	[tilespmem:$0x1EA00] =	vst v63  }
0x350: {  	s10 =	simm.s32 $0x3  }
0x351: {  	_ =	swait.ge [sflag:s10], $0x5000  }
0x352: {  	[sflag:s10] =	ssyncset.done $0x0  }
0x353: {  	s17 =	simm.s32 $0x4;
	[sflag:s10] =	ssyncadd.s32 $0xFFFFB000  }
0x354: {  	_ =	swait.ge [sflag:s17], $0x5000  }
0x355: {  	s18 =	rddreg [dreg:$0x5]  }
0x356: {  	s23 =	rddreg [dreg:$0x4];
	s18 =	sadd.s32 $0x1, s18  }
0x357: {  	p0 =	sne.s32 s18, s23  }
.Ltmp3:
0x358: {  	_ = 	snop;
	(pc) =	sbr.rel @p0 .LBB2_1-.Ltmp3, $3  }
0x359: {  	_ =	sdelay $0x1  }
0x35a: {  	[sflag:s17] =	ssyncset.done $0x0  }
0x35b: {  	[sflag:s17] =	ssyncadd.s32 $0xFFFFB000  }
0x35c: {  	_ =	sfence.sel $0x180000  }
0x35d: {  	[bflag:$0x0] =	sbarrier.arrive $0xFFFF  }
0x35e: {  	_ =	strace $0x90000047  }
0x35f: {  	s0 =	stileid.u32;
	[bflag:$0x2] =	sbarrier.arrive $0xFFFF  }
0x360: {  	p0 =	sne.s32 s0, $0x0;
	s0 =	rddreg [dreg:$0x2]  }
0x361: {  	s0 =	sadd.s32 @!p0 $0x100000, s0  }
0x362: {  	[sflag:s0] =	ssyncadd.tile.s32 @!p0 $0x1;
	_ =	shalt  }
.Lfunc_end2:
_tile_overlayer_lowered:
.L_overlay_start_2:
0x363: {  	(tag) =	ssettag $0x2  }
0x364: {  	s0 =	rddreg [dreg:$0x0];
	s2 =	stileid.u32  }
0x365: {  	s1 =	rddreg [dreg:$0x1];
	p0 =	sne.s32 s2, $0x0  }
0x366: {  	s3 =	rddreg [dreg:$0x2];
	[bflag:$0x3] =	sbarrier.arrive $0xFFFF;
	s2 =	simm.s32 @!p0 $0x1C05  }
0x367: {  	[timem:s3], [sflag:s2] =	dma.local @!p0 [hbm:s0], s1  }
0x368: {  	s0 =	simm.s32 @!p0 $0x5  }
0x369: {  	_ =	swait.ge @!p0 [sflag:s0], s1  }
0x36a: {  	s1 =	ssub.s32 @!p0 $0x0, s1;
	[sflag:s0] =	ssyncset.done @!p0 $0x0  }
0x36b: {  	[sflag:s0] =	ssyncadd.s32 @!p0 s1  }
0x36c: {  	[bflag:$0x3] =	sbarrier.arrive $0xFFFF  }
0x36d: {  	_ =	shalt  }

</sc_bundles>
